<compile_context>
chip_gen: v7x
topology: tpu7x:2x2x1
jax: 0.10.2.dev20260603
libtpu: 0.0.44.dev20260713+nightly
codegen_flags: <defaults>
</compile_context>

<pallas_src>
import functools

import jax
import jax.numpy as jnp
import numpy as np
from jax import lax
from jax.experimental import pallas as pl
from jax.experimental.pallas import tpu as pltpu
from jax.experimental.pallas import tpu_sc as plsc

_VOCAB = 100000
_D = 64
_LEN = 200
_BATCH = 1024

_NW = 32
_CBLK = 8
_TPW = _LEN // (_NW // _CBLK)


def _positional_encoding():
    pos = np.arange(_LEN, dtype=np.float32)[:, None]
    even_i = np.arange(0, _D, 2, dtype=np.float32)
    denom = np.power(10000.0, even_i / _D)
    stacked = np.stack([np.sin(pos / denom), np.cos(pos / denom)], axis=2)
    return jnp.asarray(stacked.reshape(_LEN, _D))


def _sc_body(tt_hbm, table_hbm, pe_hbm, out_hbm, idx_v, rows, out_v, pe_v, gsem, osem):
    wid = lax.axis_index("s") * 2 + lax.axis_index("c")
    c = wid % _CBLK
    t0 = (wid // _CBLK) * _TPW
    pltpu.sync_copy(tt_hbm.at[pl.ds(t0, _TPW)], idx_v)
    pltpu.sync_copy(pe_hbm.at[pl.ds(t0, _TPW)], pe_v)

    lanes = lax.iota(jnp.int32, 16)
    permj = [(lanes + s) & 15 for s in range(16)]
    dq = [q * 16 + lanes for q in range(4)]

    def issue(n, p):
        return pltpu.async_copy(
            table_hbm.at[idx_v.at[n, pl.ds(c * 128, 128)]], rows.at[p], gsem.at[p]
        )

    issue(0, 0)

    def grp_body(g, carry):
        for p in range(2):
            n = g * 2 + p
            nn = n + 1

            @pl.when(nn < _TPW)
            def _():
                issue(nn, 1 - p)

            pltpu.make_async_copy(
                table_hbm.at[idx_v.at[n, pl.ds(c * 128, 128)]], rows.at[p], gsem.at[p]
            ).wait()

            @pl.when(n >= 2)
            def _():
                for r in range(8):
                    pltpu.make_async_copy(
                        out_hbm.at[0, r, 0, 0], out_v.at[p, pl.ds(r * 8, 8)], osem.at[p]
                    ).wait()

            peq = [pe_v[n, pl.ds(q * 16, 16)] for q in range(4)]

            def j0_body(jt, cy):
                j0 = jt * 16
                for s in range(16):
                    j_idx = j0 + permj[s]
                    for q in range(4):
                        v = plsc.load_gather(rows.at[p], [j_idx, dq[q]]) + peq[q]
                        plsc.store_scatter(out_v.at[p], [dq[q], j_idx], v)
                return cy

            lax.fori_loop(0, 8, j0_body, 0)

            t = t0 + n
            for r in range(8):
                pltpu.async_copy(
                    out_v.at[p, pl.ds(r * 8, 8)], out_hbm.at[t, r, c], osem.at[p]
                )
        return carry

    lax.fori_loop(0, _TPW // 2, grp_body, 0)

    for p in range(2):
        for r in range(8):
            pltpu.make_async_copy(
                out_hbm.at[0, r, 0, 0], out_v.at[p, pl.ds(r * 8, 8)], osem.at[p]
            ).wait()


@jax.jit
def kernel(tokens, table):
    pe = _positional_encoding()
    tt = tokens.T

    mesh = plsc.VectorSubcoreMesh(core_axis_name="c", subcore_axis_name="s")
    out5 = pl.kernel(
        _sc_body,
        out_type=jax.ShapeDtypeStruct((_LEN, 8, _CBLK, 8, 128), jnp.float32),
        mesh=mesh,
        scratch_types=[
            pltpu.VMEM((_TPW, 1024), jnp.int32),
            pltpu.VMEM((2, 128, _D), jnp.float32),
            pltpu.VMEM((2, 64, 128), jnp.float32),
            pltpu.VMEM((_TPW, _D), jnp.float32),
            pltpu.SemaphoreType.DMA((2,)),
            pltpu.SemaphoreType.DMA((2,)),
        ],
        compiler_params=pltpu.CompilerParams(
            use_tc_tiling_on_sc=False, needs_layout_passes=False
        ),
    )(tt, table, pe)
    return out5.transpose(2, 4, 0, 1, 3).reshape(_BATCH, _LEN, _D)

# --- scband reference (transcript-rebuilt; emitter-appended) ---
"""Pipeline reference for scband-sequence-embedding-18330920419883 (READ-ONLY COPY).

The authoritative reference and input builder live on the scoring server;
editing this copy changes nothing except your own understanding.
"""

import jax, jax.numpy as jnp
import numpy as np

VOCAB = 100000
D_MODEL = 64
MAX_LEN = 200
BATCH = 1024


def positional_encoding(max_len, d_model):
    # Standard sinusoidal positional encoding (as in the referenced PositionalEncoding)
    pos = jnp.arange(max_len, dtype=jnp.float32)[:, None]
    even_i = jnp.arange(0, d_model, 2, dtype=jnp.float32)
    denom = jnp.power(10000.0, even_i / d_model)
    even_pe = jnp.sin(pos / denom)
    odd_pe = jnp.cos(pos / denom)
    stacked = jnp.stack([even_pe, odd_pe], axis=2)
    return stacked.reshape(max_len, d_model)


def setup_inputs(seed: int = 0) -> dict:
    key = jax.random.key(seed)
    k1, k2 = jax.random.split(key)
    # The original module tokenizes raw strings via language_to_index; we model the
    # post-tokenization state: integer token indices in [0, vocab).
    tokens = jax.random.randint(k1, (BATCH, MAX_LEN), 0, VOCAB, dtype=jnp.int32)
    # Learned embedding table (nn.Embedding(vocab_size, d_model))
    table = jax.random.normal(k2, (VOCAB, D_MODEL), dtype=jnp.float32)
    return {"tokens": tokens, "table": table}


def reference(tokens, table):
    # x = self.embedding(x)
    x = jnp.take(table, tokens, axis=0)
    # pos = self.position_encoder()
    pe = positional_encoding(MAX_LEN, D_MODEL)
    # self.dropout(x + pos) -- dropout is identity at inference (p=0.1 train-only)
    out = x + pe[None, :, :]
    return out

if __name__ == "__main__":
    import jax
    _d = setup_inputs()
    print(jax.jit(kernel)(*tuple(_d.values())))

</pallas_src>

<mosaic_0001>
#map = affine_map<(d0, d1) -> (0, 0)>
#map1 = affine_map<(d0, d1) -> (0, 0, 0, 0, 0)>
module attributes {stable_mosaic.version = 14 : i64} {
  func.func @_sc_body(%arg0: i32, %arg1: i32, %arg2: memref<200x1024xi32, #tpu.memory_space<hbm>>, %arg3: memref<100000x64xf32, #tpu.memory_space<hbm>>, %arg4: memref<200x64xf32, #tpu.memory_space<hbm>>, %arg5: memref<200x8x8x8x128xf32, #tpu.memory_space<hbm>>, %arg6: memref<50x1024xi32, #tpu.memory_space<vmem>>, %arg7: memref<2x128x64xf32, #tpu.memory_space<vmem>>, %arg8: memref<2x64x128xf32, #tpu.memory_space<vmem>>, %arg9: memref<50x64xf32, #tpu.memory_space<vmem>>, %arg10: memref<2x!tpu.dma_semaphore, #tpu.memory_space<semaphore_mem>>, %arg11: memref<2x!tpu.dma_semaphore, #tpu.memory_space<semaphore_mem>>) attributes {dimension_semantics = [#tpu.dimension_semantics<core_parallel>, #tpu.dimension_semantics<subcore_parallel>], iteration_bounds = array<i64: 2, 16>, scalar_prefetch = 0 : i64, scratch_operands = 6 : i64, tpu.core_type = #tpu.core_type<sc_vector_subcore>, window_params = [{transform_indices = #map}, {transform_indices = #map}, {transform_indices = #map}, {transform_indices = #map1}]} {
    %mul3A = arith.constant 2 : i32
    %mul3A_0 = arith.muli %arg1, %mul3A : i32
    %add3A = arith.addi %mul3A_0, %arg0 : i32
    %jit3A = arith.constant 8 : i32
    %eq3A = arith.constant 0 : i32
    %eq3A_1 = arith.cmpi eq, %jit3A, %eq3A : i32
    %jit3A_2 = arith.constant 1 : i32
    %select_n3A = arith.select %eq3A_1, %jit3A_2, %jit3A : i32
    %rem3A = arith.remsi %add3A, %select_n3A : i32
    %ne3A = arith.constant 0 : i32
    %ne3A_3 = arith.cmpi ne, %rem3A, %ne3A : i32
    %lt3A = arith.constant 0 : i32
    %lt3A_4 = arith.cmpi slt, %rem3A, %lt3A : i32
    %lt3A_5 = arith.constant 0 : i32
    %lt3A_6 = arith.cmpi slt, %select_n3A, %lt3A_5 : i32
    %ne3A_7 = arith.xori %lt3A_4, %lt3A_6 : i1
    %and3A = arith.andi %ne3A_7, %ne3A_3 : i1
    %add3A_8 = arith.addi %rem3A, %select_n3A : i32
    %select_n3A_9 = arith.select %and3A, %add3A_8, %rem3A : i32
    %jit3A_10 = arith.constant 8 : i32
    %div3A = arith.divsi %add3A, %jit3A_10 : i32
    %sign3A = arith.constant 0 : i32
    %sign3A_11 = arith.cmpi sgt, %add3A, %sign3A : i32
    %sign3A_12 = arith.extui %sign3A_11 : i1 to i32
    %sign3A_13 = arith.constant 0 : i32
    %sign3A_14 = arith.cmpi slt, %add3A, %sign3A_13 : i32
    %sign3A_15 = arith.extui %sign3A_14 : i1 to i32
    %sign3A_16 = arith.subi %sign3A_12, %sign3A_15 : i32
    %sign3A_17 = arith.constant 0 : i32
    %sign3A_18 = arith.cmpi sgt, %jit3A_10, %sign3A_17 : i32
    %sign3A_19 = arith.extui %sign3A_18 : i1 to i32
    %sign3A_20 = arith.constant 0 : i32
    %sign3A_21 = arith.cmpi slt, %jit3A_10, %sign3A_20 : i32
    %sign3A_22 = arith.extui %sign3A_21 : i1 to i32
    %sign3A_23 = arith.subi %sign3A_19, %sign3A_22 : i32
    %ne3A_24 = arith.cmpi ne, %sign3A_16, %sign3A_23 : i32
    %rem3A_25 = arith.remsi %add3A, %jit3A_10 : i32
    %ne3A_26 = arith.constant 0 : i32
    %ne3A_27 = arith.cmpi ne, %rem3A_25, %ne3A_26 : i32
    %and3A_28 = arith.andi %ne3A_24, %ne3A_27 : i1
    %sub3A = arith.constant 1 : i32
    %sub3A_29 = arith.subi %div3A, %sub3A : i32
    %select_n3A_30 = arith.select %and3A_28, %sub3A_29, %div3A : i32
    %mul3A_31 = arith.constant 50 : i32
    %mul3A_32 = arith.muli %select_n3A_30, %mul3A_31 : i32
    "tpu.region"() ({
      %run_scoped3A = tpu.sem_alloc : memref<!tpu.dma_semaphore, #tpu.memory_space<semaphore_mem>>
      %dma_start3A_512 = arith.constant 0 : i32
      %dma_start3A_513 = tpu.memref_slice %arg2[%mul3A_32, %dma_start3A_512] : memref<200x1024xi32, #tpu.memory_space<hbm>> -> memref<50x1024xi32, #tpu.memory_space<hbm>>
      %dma_start3A_514 = arith.constant 0 : i32
      %dma_start3A_515 = tpu.memref_slice %arg2[%mul3A_32, %dma_start3A_514] : memref<200x1024xi32, #tpu.memory_space<hbm>> -> memref<50x1024xi32, #tpu.memory_space<hbm>>
      tpu.enqueue_dma source(%dma_start3A_515 : memref<50x1024xi32, #tpu.memory_space<hbm>>) target(%arg6 : memref<50x1024xi32, #tpu.memory_space<vmem>>) target_semaphore(%run_scoped3A : memref<!tpu.dma_semaphore, #tpu.memory_space<semaphore_mem>>)
      %dma_wait3A_516 = arith.constant 0 : i32
      %dma_wait3A_517 = tpu.memref_slice %arg2[%mul3A_32, %dma_wait3A_516] : memref<200x1024xi32, #tpu.memory_space<hbm>> -> memref<50x1024xi32, #tpu.memory_space<hbm>>
      %dma_wait3A_518 = arith.constant 0 : i32
      %dma_wait3A_519 = tpu.memref_slice %arg2[%mul3A_32, %dma_wait3A_518] : memref<200x1024xi32, #tpu.memory_space<hbm>> -> memref<50x1024xi32, #tpu.memory_space<hbm>>
      tpu.wait_dma2 semaphore(%run_scoped3A : memref<!tpu.dma_semaphore, #tpu.memory_space<semaphore_mem>>) src(%dma_wait3A_519 : memref<50x1024xi32, #tpu.memory_space<hbm>>) dst(%arg6 : memref<50x1024xi32, #tpu.memory_space<vmem>>)
      tpu.yield
    }) : () -> ()
    "tpu.region"() ({
      %run_scoped3A = tpu.sem_alloc : memref<!tpu.dma_semaphore, #tpu.memory_space<semaphore_mem>>
      %dma_start3A_512 = arith.constant 0 : i32
      %dma_start3A_513 = tpu.memref_slice %arg4[%mul3A_32, %dma_start3A_512] : memref<200x64xf32, #tpu.memory_space<hbm>> -> memref<50x64xf32, #tpu.memory_space<hbm>>
      %dma_start3A_514 = arith.constant 0 : i32
      %dma_start3A_515 = tpu.memref_slice %arg4[%mul3A_32, %dma_start3A_514] : memref<200x64xf32, #tpu.memory_space<hbm>> -> memref<50x64xf32, #tpu.memory_space<hbm>>
      tpu.enqueue_dma source(%dma_start3A_515 : memref<50x64xf32, #tpu.memory_space<hbm>>) target(%arg9 : memref<50x64xf32, #tpu.memory_space<vmem>>) target_semaphore(%run_scoped3A : memref<!tpu.dma_semaphore, #tpu.memory_space<semaphore_mem>>)
      %dma_wait3A_516 = arith.constant 0 : i32
      %dma_wait3A_517 = tpu.memref_slice %arg4[%mul3A_32, %dma_wait3A_516] : memref<200x64xf32, #tpu.memory_space<hbm>> -> memref<50x64xf32, #tpu.memory_space<hbm>>
      %dma_wait3A_518 = arith.constant 0 : i32
      %dma_wait3A_519 = tpu.memref_slice %arg4[%mul3A_32, %dma_wait3A_518] : memref<200x64xf32, #tpu.memory_space<hbm>> -> memref<50x64xf32, #tpu.memory_space<hbm>>
      tpu.wait_dma2 semaphore(%run_scoped3A : memref<!tpu.dma_semaphore, #tpu.memory_space<semaphore_mem>>) src(%dma_wait3A_519 : memref<50x64xf32, #tpu.memory_space<hbm>>) dst(%arg9 : memref<50x64xf32, #tpu.memory_space<vmem>>)
      tpu.yield
    }) : () -> ()
    %iota3A = tpu.iota {dimensions = array<i32: 0>} : vector<16xi32>
    %add3A_33 = arith.constant 0 : i32
    %add3A_34 = vector.broadcast %add3A_33 : i32 to vector<16xi32>
    %add3A_35 = arith.addi %iota3A, %add3A_34 : vector<16xi32>
    %and3A_36 = arith.constant 15 : i32
    %and3A_37 = vector.broadcast %and3A_36 : i32 to vector<16xi32>
    %and3A_38 = arith.andi %add3A_35, %and3A_37 : vector<16xi32>
    %add3A_39 = arith.constant 1 : i32
    %add3A_40 = vector.broadcast %add3A_39 : i32 to vector<16xi32>
    %add3A_41 = arith.addi %iota3A, %add3A_40 : vector<16xi32>
    %and3A_42 = arith.constant 15 : i32
    %and3A_43 = vector.broadcast %and3A_42 : i32 to vector<16xi32>
    %and3A_44 = arith.andi %add3A_41, %and3A_43 : vector<16xi32>
    %add3A_45 = arith.constant 2 : i32
    %add3A_46 = vector.broadcast %add3A_45 : i32 to vector<16xi32>
    %add3A_47 = arith.addi %iota3A, %add3A_46 : vector<16xi32>
    %and3A_48 = arith.constant 15 : i32
    %and3A_49 = vector.broadcast %and3A_48 : i32 to vector<16xi32>
    %and3A_50 = arith.andi %add3A_47, %and3A_49 : vector<16xi32>
    %add3A_51 = arith.constant 3 : i32
    %add3A_52 = vector.broadcast %add3A_51 : i32 to vector<16xi32>
    %add3A_53 = arith.addi %iota3A, %add3A_52 : vector<16xi32>
    %and3A_54 = arith.constant 15 : i32
    %and3A_55 = vector.broadcast %and3A_54 : i32 to vector<16xi32>
    %and3A_56 = arith.andi %add3A_53, %and3A_55 : vector<16xi32>
    %add3A_57 = arith.constant 4 : i32
    %add3A_58 = vector.broadcast %add3A_57 : i32 to vector<16xi32>
    %add3A_59 = arith.addi %iota3A, %add3A_58 : vector<16xi32>
    %and3A_60 = arith.constant 15 : i32
    %and3A_61 = vector.broadcast %and3A_60 : i32 to vector<16xi32>
    %and3A_62 = arith.andi %add3A_59, %and3A_61 : vector<16xi32>
    %add3A_63 = arith.constant 5 : i32
    %add3A_64 = vector.broadcast %add3A_63 : i32 to vector<16xi32>
    %add3A_65 = arith.addi %iota3A, %add3A_64 : vector<16xi32>
    %and3A_66 = arith.constant 15 : i32
    %and3A_67 = vector.broadcast %and3A_66 : i32 to vector<16xi32>
    %and3A_68 = arith.andi %add3A_65, %and3A_67 : vector<16xi32>
    %add3A_69 = arith.constant 6 : i32
    %add3A_70 = vector.broadcast %add3A_69 : i32 to vector<16xi32>
    %add3A_71 = arith.addi %iota3A, %add3A_70 : vector<16xi32>
    %and3A_72 = arith.constant 15 : i32
    %and3A_73 = vector.broadcast %and3A_72 : i32 to vector<16xi32>
    %and3A_74 = arith.andi %add3A_71, %and3A_73 : vector<16xi32>
    %add3A_75 = arith.constant 7 : i32
    %add3A_76 = vector.broadcast %add3A_75 : i32 to vector<16xi32>
    %add3A_77 = arith.addi %iota3A, %add3A_76 : vector<16xi32>
    %and3A_78 = arith.constant 15 : i32
    %and3A_79 = vector.broadcast %and3A_78 : i32 to vector<16xi32>
    %and3A_80 = arith.andi %add3A_77, %and3A_79 : vector<16xi32>
    %add3A_81 = arith.constant 8 : i32
    %add3A_82 = vector.broadcast %add3A_81 : i32 to vector<16xi32>
    %add3A_83 = arith.addi %iota3A, %add3A_82 : vector<16xi32>
    %and3A_84 = arith.constant 15 : i32
    %and3A_85 = vector.broadcast %and3A_84 : i32 to vector<16xi32>
    %and3A_86 = arith.andi %add3A_83, %and3A_85 : vector<16xi32>
    %add3A_87 = arith.constant 9 : i32
    %add3A_88 = vector.broadcast %add3A_87 : i32 to vector<16xi32>
    %add3A_89 = arith.addi %iota3A, %add3A_88 : vector<16xi32>
    %and3A_90 = arith.constant 15 : i32
    %and3A_91 = vector.broadcast %and3A_90 : i32 to vector<16xi32>
    %and3A_92 = arith.andi %add3A_89, %and3A_91 : vector<16xi32>
    %add3A_93 = arith.constant 10 : i32
    %add3A_94 = vector.broadcast %add3A_93 : i32 to vector<16xi32>
    %add3A_95 = arith.addi %iota3A, %add3A_94 : vector<16xi32>
    %and3A_96 = arith.constant 15 : i32
    %and3A_97 = vector.broadcast %and3A_96 : i32 to vector<16xi32>
    %and3A_98 = arith.andi %add3A_95, %and3A_97 : vector<16xi32>
    %add3A_99 = arith.constant 11 : i32
    %add3A_100 = vector.broadcast %add3A_99 : i32 to vector<16xi32>
    %add3A_101 = arith.addi %iota3A, %add3A_100 : vector<16xi32>
    %and3A_102 = arith.constant 15 : i32
    %and3A_103 = vector.broadcast %and3A_102 : i32 to vector<16xi32>
    %and3A_104 = arith.andi %add3A_101, %and3A_103 : vector<16xi32>
    %add3A_105 = arith.constant 12 : i32
    %add3A_106 = vector.broadcast %add3A_105 : i32 to vector<16xi32>
    %add3A_107 = arith.addi %iota3A, %add3A_106 : vector<16xi32>
    %and3A_108 = arith.constant 15 : i32
    %and3A_109 = vector.broadcast %and3A_108 : i32 to vector<16xi32>
    %and3A_110 = arith.andi %add3A_107, %and3A_109 : vector<16xi32>
    %add3A_111 = arith.constant 13 : i32
    %add3A_112 = vector.broadcast %add3A_111 : i32 to vector<16xi32>
    %add3A_113 = arith.addi %iota3A, %add3A_112 : vector<16xi32>
    %and3A_114 = arith.constant 15 : i32
    %and3A_115 = vector.broadcast %and3A_114 : i32 to vector<16xi32>
    %and3A_116 = arith.andi %add3A_113, %and3A_115 : vector<16xi32>
    %add3A_117 = arith.constant 14 : i32
    %add3A_118 = vector.broadcast %add3A_117 : i32 to vector<16xi32>
    %add3A_119 = arith.addi %iota3A, %add3A_118 : vector<16xi32>
    %and3A_120 = arith.constant 15 : i32
    %and3A_121 = vector.broadcast %and3A_120 : i32 to vector<16xi32>
    %and3A_122 = arith.andi %add3A_119, %and3A_121 : vector<16xi32>
    %add3A_123 = arith.constant 15 : i32
    %add3A_124 = vector.broadcast %add3A_123 : i32 to vector<16xi32>
    %add3A_125 = arith.addi %iota3A, %add3A_124 : vector<16xi32>
    %and3A_126 = arith.constant 15 : i32
    %and3A_127 = vector.broadcast %and3A_126 : i32 to vector<16xi32>
    %and3A_128 = arith.andi %add3A_125, %and3A_127 : vector<16xi32>
    %add3A_129 = arith.constant 0 : i32
    %add3A_130 = vector.broadcast %add3A_129 : i32 to vector<16xi32>
    %add3A_131 = arith.addi %add3A_130, %iota3A : vector<16xi32>
    %add3A_132 = arith.constant 16 : i32
    %add3A_133 = vector.broadcast %add3A_132 : i32 to vector<16xi32>
    %add3A_134 = arith.addi %add3A_133, %iota3A : vector<16xi32>
    %add3A_135 = arith.constant 32 : i32
    %add3A_136 = vector.broadcast %add3A_135 : i32 to vector<16xi32>
    %add3A_137 = arith.addi %add3A_136, %iota3A : vector<16xi32>
    %add3A_138 = arith.constant 48 : i32
    %add3A_139 = vector.broadcast %add3A_138 : i32 to vector<16xi32>
    %add3A_140 = arith.addi %add3A_139, %iota3A : vector<16xi32>
    %mul3A_141 = arith.constant 128 : i32
    %mul3A_142 = arith.muli %select_n3A_9, %mul3A_141 : i32
    %dma_start3A = arith.constant 0 : i32
    %dma_start3A_143 = arith.constant 0 : i32
    %dma_start3A_144 = arith.constant 0 : i32
    %dma_start3A_145 = arith.constant 0 : i32
    %dma_start3A_146 = arith.constant 0 : i32
    %dma_start3A_147 = tpu.memref_slice %arg7[%dma_start3A_143, %dma_start3A_145, %dma_start3A_146] : memref<2x128x64xf32, #tpu.memory_space<vmem>> -> memref<1x128x64xf32, #tpu.memory_space<vmem>>
    %dma_start3A_148 = tpu.memref_squeeze %dma_start3A_147 : memref<1x128x64xf32, #tpu.memory_space<vmem>> -> memref<128x64xf32, #tpu.memory_space<vmem>>
    %dma_start3A_149 = tpu.memref_slice %arg6[%dma_start3A, %mul3A_142] : memref<50x1024xi32, #tpu.memory_space<vmem>> -> memref<1x128xi32, #tpu.memory_space<vmem>>
    %dma_start3A_150 = tpu.memref_squeeze %dma_start3A_149 : memref<1x128xi32, #tpu.memory_space<vmem>> -> memref<128xi32, #tpu.memory_space<vmem>>
    %dma_start3A_151 = arith.constant 0 : i32
    %dma_start3A_152 = arith.constant 0 : i32
    %dma_start3A_153 = tpu.memref_slice %arg3[%dma_start3A_151, %dma_start3A_152] : memref<100000x64xf32, #tpu.memory_space<hbm>> -> memref<100000x64xf32, #tpu.memory_space<hbm>>
    %dma_start3A_154 = tpu.memref_slice %arg10[%dma_start3A_144] : memref<2x!tpu.dma_semaphore, #tpu.memory_space<semaphore_mem>> -> memref<1x!tpu.dma_semaphore, #tpu.memory_space<semaphore_mem>>
    %dma_start3A_155 = tpu.memref_squeeze %dma_start3A_154 : memref<1x!tpu.dma_semaphore, #tpu.memory_space<semaphore_mem>> -> memref<!tpu.dma_semaphore, #tpu.memory_space<semaphore_mem>>
    tpu.enqueue_indirect_dma source(%dma_start3A_153 : memref<100000x64xf32, #tpu.memory_space<hbm>>) target(%dma_start3A_148 : memref<128x64xf32, #tpu.memory_space<vmem>>) offsets(%dma_start3A_150 : memref<128xi32, #tpu.memory_space<vmem>>) semaphore(%dma_start3A_155 : memref<!tpu.dma_semaphore, #tpu.memory_space<semaphore_mem>>)
    %scan3A = arith.constant 0 : i32
    %scan3A_156 = arith.constant 0 : i32
    %scan3A_157 = arith.constant 25 : i32
    %scan3A_158 = arith.addi %scan3A_156, %scan3A_157 : i32
    %scan3A_159 = arith.constant 1 : i32
    scf.for %scan3A_512 = %scan3A_156 to %scan3A_158 step %scan3A_159  : i32 {
      %mul3A_513 = arith.constant 2 : i32
      %mul3A_514 = arith.muli %scan3A_512, %mul3A_513 : i32
      %add3A_515 = arith.constant 0 : i32
      %add3A_516 = arith.addi %mul3A_514, %add3A_515 : i32
      %add3A_517 = arith.constant 1 : i32
      %add3A_518 = arith.addi %add3A_516, %add3A_517 : i32
      %lt3A_519 = arith.constant 50 : i32
      %lt3A_520 = arith.cmpi slt, %add3A_518, %lt3A_519 : i32
      %convert_element_type3A = arith.extui %lt3A_520 : i1 to i32
      %cond3A = arith.constant 0 : i32
      %cond3A_521 = arith.cmpi ne, %convert_element_type3A, %cond3A : i32
      scf.if %cond3A_521 {
        %mul3A_945 = arith.constant 128 : i32
        %mul3A_946 = arith.muli %select_n3A_9, %mul3A_945 : i32
        %dma_start3A_947 = arith.constant 1 : i32
        %dma_start3A_948 = arith.constant 1 : i32
        %dma_start3A_949 = arith.constant 0 : i32
        %dma_start3A_950 = arith.constant 0 : i32
        %dma_start3A_951 = tpu.memref_slice %arg7[%dma_start3A_947, %dma_start3A_949, %dma_start3A_950] : memref<2x128x64xf32, #tpu.memory_space<vmem>> -> memref<1x128x64xf32, #tpu.memory_space<vmem>>
        %dma_start3A_952 = tpu.memref_squeeze %dma_start3A_951 : memref<1x128x64xf32, #tpu.memory_space<vmem>> -> memref<128x64xf32, #tpu.memory_space<vmem>>
        %dma_start3A_953 = tpu.memref_slice %arg6[%add3A_518, %mul3A_946] : memref<50x1024xi32, #tpu.memory_space<vmem>> -> memref<1x128xi32, #tpu.memory_space<vmem>>
        %dma_start3A_954 = tpu.memref_squeeze %dma_start3A_953 : memref<1x128xi32, #tpu.memory_space<vmem>> -> memref<128xi32, #tpu.memory_space<vmem>>
        %dma_start3A_955 = arith.constant 0 : i32
        %dma_start3A_956 = arith.constant 0 : i32
        %dma_start3A_957 = tpu.memref_slice %arg3[%dma_start3A_955, %dma_start3A_956] : memref<100000x64xf32, #tpu.memory_space<hbm>> -> memref<100000x64xf32, #tpu.memory_space<hbm>>
        %dma_start3A_958 = tpu.memref_slice %arg10[%dma_start3A_948] : memref<2x!tpu.dma_semaphore, #tpu.memory_space<semaphore_mem>> -> memref<1x!tpu.dma_semaphore, #tpu.memory_space<semaphore_mem>>
        %dma_start3A_959 = tpu.memref_squeeze %dma_start3A_958 : memref<1x!tpu.dma_semaphore, #tpu.memory_space<semaphore_mem>> -> memref<!tpu.dma_semaphore, #tpu.memory_space<semaphore_mem>>
        tpu.enqueue_indirect_dma source(%dma_start3A_957 : memref<100000x64xf32, #tpu.memory_space<hbm>>) target(%dma_start3A_952 : memref<128x64xf32, #tpu.memory_space<vmem>>) offsets(%dma_start3A_954 : memref<128xi32, #tpu.memory_space<vmem>>) semaphore(%dma_start3A_959 : memref<!tpu.dma_semaphore, #tpu.memory_space<semaphore_mem>>)
      } else {
      }
      %mul3A_522 = arith.constant 128 : i32
      %mul3A_523 = arith.muli %select_n3A_9, %mul3A_522 : i32
      %dma_wait3A_524 = arith.constant 0 : i32
      %dma_wait3A_525 = arith.constant 0 : i32
      %dma_wait3A_526 = arith.constant 0 : i32
      %dma_wait3A_527 = arith.constant 0 : i32
      %dma_wait3A_528 = tpu.memref_slice %arg7[%dma_wait3A_524, %dma_wait3A_526, %dma_wait3A_527] : memref<2x128x64xf32, #tpu.memory_space<vmem>> -> memref<1x128x64xf32, #tpu.memory_space<vmem>>
      %dma_wait3A_529 = tpu.memref_squeeze %dma_wait3A_528 : memref<1x128x64xf32, #tpu.memory_space<vmem>> -> memref<128x64xf32, #tpu.memory_space<vmem>>
      %dma_wait3A_530 = tpu.memref_slice %arg6[%add3A_516, %mul3A_523] : memref<50x1024xi32, #tpu.memory_space<vmem>> -> memref<1x128xi32, #tpu.memory_space<vmem>>
      %dma_wait3A_531 = tpu.memref_squeeze %dma_wait3A_530 : memref<1x128xi32, #tpu.memory_space<vmem>> -> memref<128xi32, #tpu.memory_space<vmem>>
      %dma_wait3A_532 = arith.constant 0 : i32
      %dma_wait3A_533 = arith.constant 0 : i32
      %dma_wait3A_534 = tpu.memref_slice %arg3[%dma_wait3A_532, %dma_wait3A_533] : memref<100000x64xf32, #tpu.memory_space<hbm>> -> memref<100000x64xf32, #tpu.memory_space<hbm>>
      %dma_wait3A_535 = tpu.memref_slice %arg10[%dma_wait3A_525] : memref<2x!tpu.dma_semaphore, #tpu.memory_space<semaphore_mem>> -> memref<1x!tpu.dma_semaphore, #tpu.memory_space<semaphore_mem>>
      %dma_wait3A_536 = tpu.memref_squeeze %dma_wait3A_535 : memref<1x!tpu.dma_semaphore, #tpu.memory_space<semaphore_mem>> -> memref<!tpu.dma_semaphore, #tpu.memory_space<semaphore_mem>>
      tpu.wait_indirect_dma semaphore(%dma_wait3A_536 : memref<!tpu.dma_semaphore, #tpu.memory_space<semaphore_mem>>) src(%dma_wait3A_534 : memref<100000x64xf32, #tpu.memory_space<hbm>>) dst(%dma_wait3A_529 : memref<128x64xf32, #tpu.memory_space<vmem>>)
      %ge3A = arith.constant 2 : i32
      %ge3A_537 = arith.cmpi sge, %add3A_516, %ge3A : i32
      %convert_element_type3A_538 = arith.extui %ge3A_537 : i1 to i32
      %cond3A_539 = arith.constant 0 : i32
      %cond3A_540 = arith.cmpi ne, %convert_element_type3A_538, %cond3A_539 : i32
      scf.if %cond3A_540 {
        %dma_wait3A_945 = arith.constant 0 : i32
        %dma_wait3A_946 = arith.constant 0 : i32
        %dma_wait3A_947 = arith.constant 0 : i32
        %dma_wait3A_948 = arith.constant 0 : i32
        %dma_wait3A_949 = arith.constant 0 : i32
        %dma_wait3A_950 = arith.constant 0 : i32
        %dma_wait3A_951 = arith.constant 0 : i32
        %dma_wait3A_952 = arith.constant 0 : i32
        %dma_wait3A_953 = tpu.memref_slice %arg8[%dma_wait3A_949, %dma_wait3A_951, %dma_wait3A_952] : memref<2x64x128xf32, #tpu.memory_space<vmem>> -> memref<1x8x128xf32, #tpu.memory_space<vmem>>
        %dma_wait3A_954 = tpu.memref_squeeze %dma_wait3A_953 : memref<1x8x128xf32, #tpu.memory_space<vmem>> -> memref<8x128xf32, #tpu.memory_space<vmem>>
        %dma_wait3A_955 = arith.constant 0 : i32
        %dma_wait3A_956 = tpu.memref_slice %arg5[%dma_wait3A_945, %dma_wait3A_946, %dma_wait3A_947, %dma_wait3A_948, %dma_wait3A_955] : memref<200x8x8x8x128xf32, #tpu.memory_space<hbm>> -> memref<1x1x1x1x128xf32, #tpu.memory_space<hbm>>
        %dma_wait3A_957 = tpu.memref_squeeze %dma_wait3A_956 : memref<1x1x1x1x128xf32, #tpu.memory_space<hbm>> -> memref<128xf32, #tpu.memory_space<hbm>>
        %dma_wait3A_958 = tpu.memref_slice %arg11[%dma_wait3A_950] : memref<2x!tpu.dma_semaphore, #tpu.memory_space<semaphore_mem>> -> memref<1x!tpu.dma_semaphore, #tpu.memory_space<semaphore_mem>>
        %dma_wait3A_959 = tpu.memref_squeeze %dma_wait3A_958 : memref<1x!tpu.dma_semaphore, #tpu.memory_space<semaphore_mem>> -> memref<!tpu.dma_semaphore, #tpu.memory_space<semaphore_mem>>
        %dma_wait3A_960 = arith.constant 0 : i32
        %dma_wait3A_961 = arith.constant 0 : i32
        %dma_wait3A_962 = tpu.memref_slice %arg8[%dma_wait3A_949, %dma_wait3A_960, %dma_wait3A_961] : memref<2x64x128xf32, #tpu.memory_space<vmem>> -> memref<1x8x128xf32, #tpu.memory_space<vmem>>
        %dma_wait3A_963 = tpu.memref_squeeze %dma_wait3A_962 : memref<1x8x128xf32, #tpu.memory_space<vmem>> -> memref<8x128xf32, #tpu.memory_space<vmem>>
        %dma_wait3A_964 = arith.constant 0 : i32
        %dma_wait3A_965 = tpu.memref_slice %arg5[%dma_wait3A_945, %dma_wait3A_946, %dma_wait3A_947, %dma_wait3A_948, %dma_wait3A_964] : memref<200x8x8x8x128xf32, #tpu.memory_space<hbm>> -> memref<1x1x1x1x128xf32, #tpu.memory_space<hbm>>
        %dma_wait3A_966 = tpu.memref_squeeze %dma_wait3A_965 : memref<1x1x1x1x128xf32, #tpu.memory_space<hbm>> -> memref<128xf32, #tpu.memory_space<hbm>>
        tpu.wait_dma2 semaphore(%dma_wait3A_959 : memref<!tpu.dma_semaphore, #tpu.memory_space<semaphore_mem>>) src(%dma_wait3A_966 : memref<128xf32, #tpu.memory_space<hbm>>) dst(%dma_wait3A_963 : memref<8x128xf32, #tpu.memory_space<vmem>>)
        %dma_wait3A_967 = arith.constant 0 : i32
        %dma_wait3A_968 = arith.constant 1 : i32
        %dma_wait3A_969 = arith.constant 0 : i32
        %dma_wait3A_970 = arith.constant 0 : i32
        %dma_wait3A_971 = arith.constant 0 : i32
        %dma_wait3A_972 = arith.constant 0 : i32
        %dma_wait3A_973 = arith.constant 8 : i32
        %dma_wait3A_974 = arith.constant 0 : i32
        %dma_wait3A_975 = tpu.memref_slice %arg8[%dma_wait3A_971, %dma_wait3A_973, %dma_wait3A_974] : memref<2x64x128xf32, #tpu.memory_space<vmem>> -> memref<1x8x128xf32, #tpu.memory_space<vmem>>
        %dma_wait3A_976 = tpu.memref_squeeze %dma_wait3A_975 : memref<1x8x128xf32, #tpu.memory_space<vmem>> -> memref<8x128xf32, #tpu.memory_space<vmem>>
        %dma_wait3A_977 = arith.constant 0 : i32
        %dma_wait3A_978 = tpu.memref_slice %arg5[%dma_wait3A_967, %dma_wait3A_968, %dma_wait3A_969, %dma_wait3A_970, %dma_wait3A_977] : memref<200x8x8x8x128xf32, #tpu.memory_space<hbm>> -> memref<1x1x1x1x128xf32, #tpu.memory_space<hbm>>
        %dma_wait3A_979 = tpu.memref_squeeze %dma_wait3A_978 : memref<1x1x1x1x128xf32, #tpu.memory_space<hbm>> -> memref<128xf32, #tpu.memory_space<hbm>>
        %dma_wait3A_980 = tpu.memref_slice %arg11[%dma_wait3A_972] : memref<2x!tpu.dma_semaphore, #tpu.memory_space<semaphore_mem>> -> memref<1x!tpu.dma_semaphore, #tpu.memory_space<semaphore_mem>>
        %dma_wait3A_981 = tpu.memref_squeeze %dma_wait3A_980 : memref<1x!tpu.dma_semaphore, #tpu.memory_space<semaphore_mem>> -> memref<!tpu.dma_semaphore, #tpu.memory_space<semaphore_mem>>
        %dma_wait3A_982 = arith.constant 8 : i32
        %dma_wait3A_983 = arith.constant 0 : i32
        %dma_wait3A_984 = tpu.memref_slice %arg8[%dma_wait3A_971, %dma_wait3A_982, %dma_wait3A_983] : memref<2x64x128xf32, #tpu.memory_space<vmem>> -> memref<1x8x128xf32, #tpu.memory_space<vmem>>
        %dma_wait3A_985 = tpu.memref_squeeze %dma_wait3A_984 : memref<1x8x128xf32, #tpu.memory_space<vmem>> -> memref<8x128xf32, #tpu.memory_space<vmem>>
        %dma_wait3A_986 = arith.constant 0 : i32
        %dma_wait3A_987 = tpu.memref_slice %arg5[%dma_wait3A_967, %dma_wait3A_968, %dma_wait3A_969, %dma_wait3A_970, %dma_wait3A_986] : memref<200x8x8x8x128xf32, #tpu.memory_space<hbm>> -> memref<1x1x1x1x128xf32, #tpu.memory_space<hbm>>
        %dma_wait3A_988 = tpu.memref_squeeze %dma_wait3A_987 : memref<1x1x1x1x128xf32, #tpu.memory_space<hbm>> -> memref<128xf32, #tpu.memory_space<hbm>>
        tpu.wait_dma2 semaphore(%dma_wait3A_981 : memref<!tpu.dma_semaphore, #tpu.memory_space<semaphore_mem>>) src(%dma_wait3A_988 : memref<128xf32, #tpu.memory_space<hbm>>) dst(%dma_wait3A_985 : memref<8x128xf32, #tpu.memory_space<vmem>>)
        %dma_wait3A_989 = arith.constant 0 : i32
        %dma_wait3A_990 = arith.constant 2 : i32
        %dma_wait3A_991 = arith.constant 0 : i32
        %dma_wait3A_992 = arith.constant 0 : i32
        %dma_wait3A_993 = arith.constant 0 : i32
        %dma_wait3A_994 = arith.constant 0 : i32
        %dma_wait3A_995 = arith.constant 16 : i32
        %dma_wait3A_996 = arith.constant 0 : i32
        %dma_wait3A_997 = tpu.memref_slice %arg8[%dma_wait3A_993, %dma_wait3A_995, %dma_wait3A_996] : memref<2x64x128xf32, #tpu.memory_space<vmem>> -> memref<1x8x128xf32, #tpu.memory_space<vmem>>
        %dma_wait3A_998 = tpu.memref_squeeze %dma_wait3A_997 : memref<1x8x128xf32, #tpu.memory_space<vmem>> -> memref<8x128xf32, #tpu.memory_space<vmem>>
        %dma_wait3A_999 = arith.constant 0 : i32
        %dma_wait3A_1000 = tpu.memref_slice %arg5[%dma_wait3A_989, %dma_wait3A_990, %dma_wait3A_991, %dma_wait3A_992, %dma_wait3A_999] : memref<200x8x8x8x128xf32, #tpu.memory_space<hbm>> -> memref<1x1x1x1x128xf32, #tpu.memory_space<hbm>>
        %dma_wait3A_1001 = tpu.memref_squeeze %dma_wait3A_1000 : memref<1x1x1x1x128xf32, #tpu.memory_space<hbm>> -> memref<128xf32, #tpu.memory_space<hbm>>
        %dma_wait3A_1002 = tpu.memref_slice %arg11[%dma_wait3A_994] : memref<2x!tpu.dma_semaphore, #tpu.memory_space<semaphore_mem>> -> memref<1x!tpu.dma_semaphore, #tpu.memory_space<semaphore_mem>>
        %dma_wait3A_1003 = tpu.memref_squeeze %dma_wait3A_1002 : memref<1x!tpu.dma_semaphore, #tpu.memory_space<semaphore_mem>> -> memref<!tpu.dma_semaphore, #tpu.memory_space<semaphore_mem>>
        %dma_wait3A_1004 = arith.constant 16 : i32
        %dma_wait3A_1005 = arith.constant 0 : i32
        %dma_wait3A_1006 = tpu.memref_slice %arg8[%dma_wait3A_993, %dma_wait3A_1004, %dma_wait3A_1005] : memref<2x64x128xf32, #tpu.memory_space<vmem>> -> memref<1x8x128xf32, #tpu.memory_space<vmem>>
        %dma_wait3A_1007 = tpu.memref_squeeze %dma_wait3A_1006 : memref<1x8x128xf32, #tpu.memory_space<vmem>> -> memref<8x128xf32, #tpu.memory_space<vmem>>
        %dma_wait3A_1008 = arith.constant 0 : i32
        %dma_wait3A_1009 = tpu.memref_slice %arg5[%dma_wait3A_989, %dma_wait3A_990, %dma_wait3A_991, %dma_wait3A_992, %dma_wait3A_1008] : memref<200x8x8x8x128xf32, #tpu.memory_space<hbm>> -> memref<1x1x1x1x128xf32, #tpu.memory_space<hbm>>
        %dma_wait3A_1010 = tpu.memref_squeeze %dma_wait3A_1009 : memref<1x1x1x1x128xf32, #tpu.memory_space<hbm>> -> memref<128xf32, #tpu.memory_space<hbm>>
        tpu.wait_dma2 semaphore(%dma_wait3A_1003 : memref<!tpu.dma_semaphore, #tpu.memory_space<semaphore_mem>>) src(%dma_wait3A_1010 : memref<128xf32, #tpu.memory_space<hbm>>) dst(%dma_wait3A_1007 : memref<8x128xf32, #tpu.memory_space<vmem>>)
        %dma_wait3A_1011 = arith.constant 0 : i32
        %dma_wait3A_1012 = arith.constant 3 : i32
        %dma_wait3A_1013 = arith.constant 0 : i32
        %dma_wait3A_1014 = arith.constant 0 : i32
        %dma_wait3A_1015 = arith.constant 0 : i32
        %dma_wait3A_1016 = arith.constant 0 : i32
        %dma_wait3A_1017 = arith.constant 24 : i32
        %dma_wait3A_1018 = arith.constant 0 : i32
        %dma_wait3A_1019 = tpu.memref_slice %arg8[%dma_wait3A_1015, %dma_wait3A_1017, %dma_wait3A_1018] : memref<2x64x128xf32, #tpu.memory_space<vmem>> -> memref<1x8x128xf32, #tpu.memory_space<vmem>>
        %dma_wait3A_1020 = tpu.memref_squeeze %dma_wait3A_1019 : memref<1x8x128xf32, #tpu.memory_space<vmem>> -> memref<8x128xf32, #tpu.memory_space<vmem>>
        %dma_wait3A_1021 = arith.constant 0 : i32
        %dma_wait3A_1022 = tpu.memref_slice %arg5[%dma_wait3A_1011, %dma_wait3A_1012, %dma_wait3A_1013, %dma_wait3A_1014, %dma_wait3A_1021] : memref<200x8x8x8x128xf32, #tpu.memory_space<hbm>> -> memref<1x1x1x1x128xf32, #tpu.memory_space<hbm>>
        %dma_wait3A_1023 = tpu.memref_squeeze %dma_wait3A_1022 : memref<1x1x1x1x128xf32, #tpu.memory_space<hbm>> -> memref<128xf32, #tpu.memory_space<hbm>>
        %dma_wait3A_1024 = tpu.memref_slice %arg11[%dma_wait3A_1016] : memref<2x!tpu.dma_semaphore, #tpu.memory_space<semaphore_mem>> -> memref<1x!tpu.dma_semaphore, #tpu.memory_space<semaphore_mem>>
        %dma_wait3A_1025 = tpu.memref_squeeze %dma_wait3A_1024 : memref<1x!tpu.dma_semaphore, #tpu.memory_space<semaphore_mem>> -> memref<!tpu.dma_semaphore, #tpu.memory_space<semaphore_mem>>
        %dma_wait3A_1026 = arith.constant 24 : i32
        %dma_wait3A_1027 = arith.constant 0 : i32
        %dma_wait3A_1028 = tpu.memref_slice %arg8[%dma_wait3A_1015, %dma_wait3A_1026, %dma_wait3A_1027] : memref<2x64x128xf32, #tpu.memory_space<vmem>> -> memref<1x8x128xf32, #tpu.memory_space<vmem>>
        %dma_wait3A_1029 = tpu.memref_squeeze %dma_wait3A_1028 : memref<1x8x128xf32, #tpu.memory_space<vmem>> -> memref<8x128xf32, #tpu.memory_space<vmem>>
        %dma_wait3A_1030 = arith.constant 0 : i32
        %dma_wait3A_1031 = tpu.memref_slice %arg5[%dma_wait3A_1011, %dma_wait3A_1012, %dma_wait3A_1013, %dma_wait3A_1014, %dma_wait3A_1030] : memref<200x8x8x8x128xf32, #tpu.memory_space<hbm>> -> memref<1x1x1x1x128xf32, #tpu.memory_space<hbm>>
        %dma_wait3A_1032 = tpu.memref_squeeze %dma_wait3A_1031 : memref<1x1x1x1x128xf32, #tpu.memory_space<hbm>> -> memref<128xf32, #tpu.memory_space<hbm>>
        tpu.wait_dma2 semaphore(%dma_wait3A_1025 : memref<!tpu.dma_semaphore, #tpu.memory_space<semaphore_mem>>) src(%dma_wait3A_1032 : memref<128xf32, #tpu.memory_space<hbm>>) dst(%dma_wait3A_1029 : memref<8x128xf32, #tpu.memory_space<vmem>>)
        %dma_wait3A_1033 = arith.constant 0 : i32
        %dma_wait3A_1034 = arith.constant 4 : i32
        %dma_wait3A_1035 = arith.constant 0 : i32
        %dma_wait3A_1036 = arith.constant 0 : i32
        %dma_wait3A_1037 = arith.constant 0 : i32
        %dma_wait3A_1038 = arith.constant 0 : i32
        %dma_wait3A_1039 = arith.constant 32 : i32
        %dma_wait3A_1040 = arith.constant 0 : i32
        %dma_wait3A_1041 = tpu.memref_slice %arg8[%dma_wait3A_1037, %dma_wait3A_1039, %dma_wait3A_1040] : memref<2x64x128xf32, #tpu.memory_space<vmem>> -> memref<1x8x128xf32, #tpu.memory_space<vmem>>
        %dma_wait3A_1042 = tpu.memref_squeeze %dma_wait3A_1041 : memref<1x8x128xf32, #tpu.memory_space<vmem>> -> memref<8x128xf32, #tpu.memory_space<vmem>>
        %dma_wait3A_1043 = arith.constant 0 : i32
        %dma_wait3A_1044 = tpu.memref_slice %arg5[%dma_wait3A_1033, %dma_wait3A_1034, %dma_wait3A_1035, %dma_wait3A_1036, %dma_wait3A_1043] : memref<200x8x8x8x128xf32, #tpu.memory_space<hbm>> -> memref<1x1x1x1x128xf32, #tpu.memory_space<hbm>>
        %dma_wait3A_1045 = tpu.memref_squeeze %dma_wait3A_1044 : memref<1x1x1x1x128xf32, #tpu.memory_space<hbm>> -> memref<128xf32, #tpu.memory_space<hbm>>
        %dma_wait3A_1046 = tpu.memref_slice %arg11[%dma_wait3A_1038] : memref<2x!tpu.dma_semaphore, #tpu.memory_space<semaphore_mem>> -> memref<1x!tpu.dma_semaphore, #tpu.memory_space<semaphore_mem>>
        %dma_wait3A_1047 = tpu.memref_squeeze %dma_wait3A_1046 : memref<1x!tpu.dma_semaphore, #tpu.memory_space<semaphore_mem>> -> memref<!tpu.dma_semaphore, #tpu.memory_space<semaphore_mem>>
        %dma_wait3A_1048 = arith.constant 32 : i32
        %dma_wait3A_1049 = arith.constant 0 : i32
        %dma_wait3A_1050 = tpu.memref_slice %arg8[%dma_wait3A_1037, %dma_wait3A_1048, %dma_wait3A_1049] : memref<2x64x128xf32, #tpu.memory_space<vmem>> -> memref<1x8x128xf32, #tpu.memory_space<vmem>>
        %dma_wait3A_1051 = tpu.memref_squeeze %dma_wait3A_1050 : memref<1x8x128xf32, #tpu.memory_space<vmem>> -> memref<8x128xf32, #tpu.memory_space<vmem>>
        %dma_wait3A_1052 = arith.constant 0 : i32
        %dma_wait3A_1053 = tpu.memref_slice %arg5[%dma_wait3A_1033, %dma_wait3A_1034, %dma_wait3A_1035, %dma_wait3A_1036, %dma_wait3A_1052] : memref<200x8x8x8x128xf32, #tpu.memory_space<hbm>> -> memref<1x1x1x1x128xf32, #tpu.memory_space<hbm>>
        %dma_wait3A_1054 = tpu.memref_squeeze %dma_wait3A_1053 : memref<1x1x1x1x128xf32, #tpu.memory_space<hbm>> -> memref<128xf32, #tpu.memory_space<hbm>>
        tpu.wait_dma2 semaphore(%dma_wait3A_1047 : memref<!tpu.dma_semaphore, #tpu.memory_space<semaphore_mem>>) src(%dma_wait3A_1054 : memref<128xf32, #tpu.memory_space<hbm>>) dst(%dma_wait3A_1051 : memref<8x128xf32, #tpu.memory_space<vmem>>)
        %dma_wait3A_1055 = arith.constant 0 : i32
        %dma_wait3A_1056 = arith.constant 5 : i32
        %dma_wait3A_1057 = arith.constant 0 : i32
        %dma_wait3A_1058 = arith.constant 0 : i32
        %dma_wait3A_1059 = arith.constant 0 : i32
        %dma_wait3A_1060 = arith.constant 0 : i32
        %dma_wait3A_1061 = arith.constant 40 : i32
        %dma_wait3A_1062 = arith.constant 0 : i32
        %dma_wait3A_1063 = tpu.memref_slice %arg8[%dma_wait3A_1059, %dma_wait3A_1061, %dma_wait3A_1062] : memref<2x64x128xf32, #tpu.memory_space<vmem>> -> memref<1x8x128xf32, #tpu.memory_space<vmem>>
        %dma_wait3A_1064 = tpu.memref_squeeze %dma_wait3A_1063 : memref<1x8x128xf32, #tpu.memory_space<vmem>> -> memref<8x128xf32, #tpu.memory_space<vmem>>
        %dma_wait3A_1065 = arith.constant 0 : i32
        %dma_wait3A_1066 = tpu.memref_slice %arg5[%dma_wait3A_1055, %dma_wait3A_1056, %dma_wait3A_1057, %dma_wait3A_1058, %dma_wait3A_1065] : memref<200x8x8x8x128xf32, #tpu.memory_space<hbm>> -> memref<1x1x1x1x128xf32, #tpu.memory_space<hbm>>
        %dma_wait3A_1067 = tpu.memref_squeeze %dma_wait3A_1066 : memref<1x1x1x1x128xf32, #tpu.memory_space<hbm>> -> memref<128xf32, #tpu.memory_space<hbm>>
        %dma_wait3A_1068 = tpu.memref_slice %arg11[%dma_wait3A_1060] : memref<2x!tpu.dma_semaphore, #tpu.memory_space<semaphore_mem>> -> memref<1x!tpu.dma_semaphore, #tpu.memory_space<semaphore_mem>>
        %dma_wait3A_1069 = tpu.memref_squeeze %dma_wait3A_1068 : memref<1x!tpu.dma_semaphore, #tpu.memory_space<semaphore_mem>> -> memref<!tpu.dma_semaphore, #tpu.memory_space<semaphore_mem>>
        %dma_wait3A_1070 = arith.constant 40 : i32
        %dma_wait3A_1071 = arith.constant 0 : i32
        %dma_wait3A_1072 = tpu.memref_slice %arg8[%dma_wait3A_1059, %dma_wait3A_1070, %dma_wait3A_1071] : memref<2x64x128xf32, #tpu.memory_space<vmem>> -> memref<1x8x128xf32, #tpu.memory_space<vmem>>
        %dma_wait3A_1073 = tpu.memref_squeeze %dma_wait3A_1072 : memref<1x8x128xf32, #tpu.memory_space<vmem>> -> memref<8x128xf32, #tpu.memory_space<vmem>>
        %dma_wait3A_1074 = arith.constant 0 : i32
        %dma_wait3A_1075 = tpu.memref_slice %arg5[%dma_wait3A_1055, %dma_wait3A_1056, %dma_wait3A_1057, %dma_wait3A_1058, %dma_wait3A_1074] : memref<200x8x8x8x128xf32, #tpu.memory_space<hbm>> -> memref<1x1x1x1x128xf32, #tpu.memory_space<hbm>>
        %dma_wait3A_1076 = tpu.memref_squeeze %dma_wait3A_1075 : memref<1x1x1x1x128xf32, #tpu.memory_space<hbm>> -> memref<128xf32, #tpu.memory_space<hbm>>
        tpu.wait_dma2 semaphore(%dma_wait3A_1069 : memref<!tpu.dma_semaphore, #tpu.memory_space<semaphore_mem>>) src(%dma_wait3A_1076 : memref<128xf32, #tpu.memory_space<hbm>>) dst(%dma_wait3A_1073 : memref<8x128xf32, #tpu.memory_space<vmem>>)
        %dma_wait3A_1077 = arith.constant 0 : i32
        %dma_wait3A_1078 = arith.constant 6 : i32
        %dma_wait3A_1079 = arith.constant 0 : i32
        %dma_wait3A_1080 = arith.constant 0 : i32
        %dma_wait3A_1081 = arith.constant 0 : i32
        %dma_wait3A_1082 = arith.constant 0 : i32
        %dma_wait3A_1083 = arith.constant 48 : i32
        %dma_wait3A_1084 = arith.constant 0 : i32
        %dma_wait3A_1085 = tpu.memref_slice %arg8[%dma_wait3A_1081, %dma_wait3A_1083, %dma_wait3A_1084] : memref<2x64x128xf32, #tpu.memory_space<vmem>> -> memref<1x8x128xf32, #tpu.memory_space<vmem>>
        %dma_wait3A_1086 = tpu.memref_squeeze %dma_wait3A_1085 : memref<1x8x128xf32, #tpu.memory_space<vmem>> -> memref<8x128xf32, #tpu.memory_space<vmem>>
        %dma_wait3A_1087 = arith.constant 0 : i32
        %dma_wait3A_1088 = tpu.memref_slice %arg5[%dma_wait3A_1077, %dma_wait3A_1078, %dma_wait3A_1079, %dma_wait3A_1080, %dma_wait3A_1087] : memref<200x8x8x8x128xf32, #tpu.memory_space<hbm>> -> memref<1x1x1x1x128xf32, #tpu.memory_space<hbm>>
        %dma_wait3A_1089 = tpu.memref_squeeze %dma_wait3A_1088 : memref<1x1x1x1x128xf32, #tpu.memory_space<hbm>> -> memref<128xf32, #tpu.memory_space<hbm>>
        %dma_wait3A_1090 = tpu.memref_slice %arg11[%dma_wait3A_1082] : memref<2x!tpu.dma_semaphore, #tpu.memory_space<semaphore_mem>> -> memref<1x!tpu.dma_semaphore, #tpu.memory_space<semaphore_mem>>
        %dma_wait3A_1091 = tpu.memref_squeeze %dma_wait3A_1090 : memref<1x!tpu.dma_semaphore, #tpu.memory_space<semaphore_mem>> -> memref<!tpu.dma_semaphore, #tpu.memory_space<semaphore_mem>>
        %dma_wait3A_1092 = arith.constant 48 : i32
        %dma_wait3A_1093 = arith.constant 0 : i32
        %dma_wait3A_1094 = tpu.memref_slice %arg8[%dma_wait3A_1081, %dma_wait3A_1092, %dma_wait3A_1093] : memref<2x64x128xf32, #tpu.memory_space<vmem>> -> memref<1x8x128xf32, #tpu.memory_space<vmem>>
        %dma_wait3A_1095 = tpu.memref_squeeze %dma_wait3A_1094 : memref<1x8x128xf32, #tpu.memory_space<vmem>> -> memref<8x128xf32, #tpu.memory_space<vmem>>
        %dma_wait3A_1096 = arith.constant 0 : i32
        %dma_wait3A_1097 = tpu.memref_slice %arg5[%dma_wait3A_1077, %dma_wait3A_1078, %dma_wait3A_1079, %dma_wait3A_1080, %dma_wait3A_1096] : memref<200x8x8x8x128xf32, #tpu.memory_space<hbm>> -> memref<1x1x1x1x128xf32, #tpu.memory_space<hbm>>
        %dma_wait3A_1098 = tpu.memref_squeeze %dma_wait3A_1097 : memref<1x1x1x1x128xf32, #tpu.memory_space<hbm>> -> memref<128xf32, #tpu.memory_space<hbm>>
        tpu.wait_dma2 semaphore(%dma_wait3A_1091 : memref<!tpu.dma_semaphore, #tpu.memory_space<semaphore_mem>>) src(%dma_wait3A_1098 : memref<128xf32, #tpu.memory_space<hbm>>) dst(%dma_wait3A_1095 : memref<8x128xf32, #tpu.memory_space<vmem>>)
        %dma_wait3A_1099 = arith.constant 0 : i32
        %dma_wait3A_1100 = arith.constant 7 : i32
        %dma_wait3A_1101 = arith.constant 0 : i32
        %dma_wait3A_1102 = arith.constant 0 : i32
        %dma_wait3A_1103 = arith.constant 0 : i32
        %dma_wait3A_1104 = arith.constant 0 : i32
        %dma_wait3A_1105 = arith.constant 56 : i32
        %dma_wait3A_1106 = arith.constant 0 : i32
        %dma_wait3A_1107 = tpu.memref_slice %arg8[%dma_wait3A_1103, %dma_wait3A_1105, %dma_wait3A_1106] : memref<2x64x128xf32, #tpu.memory_space<vmem>> -> memref<1x8x128xf32, #tpu.memory_space<vmem>>
        %dma_wait3A_1108 = tpu.memref_squeeze %dma_wait3A_1107 : memref<1x8x128xf32, #tpu.memory_space<vmem>> -> memref<8x128xf32, #tpu.memory_space<vmem>>
        %dma_wait3A_1109 = arith.constant 0 : i32
        %dma_wait3A_1110 = tpu.memref_slice %arg5[%dma_wait3A_1099, %dma_wait3A_1100, %dma_wait3A_1101, %dma_wait3A_1102, %dma_wait3A_1109] : memref<200x8x8x8x128xf32, #tpu.memory_space<hbm>> -> memref<1x1x1x1x128xf32, #tpu.memory_space<hbm>>
        %dma_wait3A_1111 = tpu.memref_squeeze %dma_wait3A_1110 : memref<1x1x1x1x128xf32, #tpu.memory_space<hbm>> -> memref<128xf32, #tpu.memory_space<hbm>>
        %dma_wait3A_1112 = tpu.memref_slice %arg11[%dma_wait3A_1104] : memref<2x!tpu.dma_semaphore, #tpu.memory_space<semaphore_mem>> -> memref<1x!tpu.dma_semaphore, #tpu.memory_space<semaphore_mem>>
        %dma_wait3A_1113 = tpu.memref_squeeze %dma_wait3A_1112 : memref<1x!tpu.dma_semaphore, #tpu.memory_space<semaphore_mem>> -> memref<!tpu.dma_semaphore, #tpu.memory_space<semaphore_mem>>
        %dma_wait3A_1114 = arith.constant 56 : i32
        %dma_wait3A_1115 = arith.constant 0 : i32
        %dma_wait3A_1116 = tpu.memref_slice %arg8[%dma_wait3A_1103, %dma_wait3A_1114, %dma_wait3A_1115] : memref<2x64x128xf32, #tpu.memory_space<vmem>> -> memref<1x8x128xf32, #tpu.memory_space<vmem>>
        %dma_wait3A_1117 = tpu.memref_squeeze %dma_wait3A_1116 : memref<1x8x128xf32, #tpu.memory_space<vmem>> -> memref<8x128xf32, #tpu.memory_space<vmem>>
        %dma_wait3A_1118 = arith.constant 0 : i32
        %dma_wait3A_1119 = tpu.memref_slice %arg5[%dma_wait3A_1099, %dma_wait3A_1100, %dma_wait3A_1101, %dma_wait3A_1102, %dma_wait3A_1118] : memref<200x8x8x8x128xf32, #tpu.memory_space<hbm>> -> memref<1x1x1x1x128xf32, #tpu.memory_space<hbm>>
        %dma_wait3A_1120 = tpu.memref_squeeze %dma_wait3A_1119 : memref<1x1x1x1x128xf32, #tpu.memory_space<hbm>> -> memref<128xf32, #tpu.memory_space<hbm>>
        tpu.wait_dma2 semaphore(%dma_wait3A_1113 : memref<!tpu.dma_semaphore, #tpu.memory_space<semaphore_mem>>) src(%dma_wait3A_1120 : memref<128xf32, #tpu.memory_space<hbm>>) dst(%dma_wait3A_1117 : memref<8x128xf32, #tpu.memory_space<vmem>>)
      } else {
      }
      %get3A = arith.index_cast %add3A_516 : i32 to index
      %get3A_541 = arith.constant 0 : index
      %get3A_542 = tpu.vector_load %arg9[%get3A, %get3A_541] {strides = array<i32>} : memref<50x64xf32, #tpu.memory_space<vmem>>, vector<16xf32>,
      %get3A_543 = arith.index_cast %add3A_516 : i32 to index
      %get3A_544 = arith.constant 16 : index
      %get3A_545 = tpu.vector_load %arg9[%get3A_543, %get3A_544] {strides = array<i32>} : memref<50x64xf32, #tpu.memory_space<vmem>>, vector<16xf32>,
      %get3A_546 = arith.index_cast %add3A_516 : i32 to index
      %get3A_547 = arith.constant 32 : index
      %get3A_548 = tpu.vector_load %arg9[%get3A_546, %get3A_547] {strides = array<i32>} : memref<50x64xf32, #tpu.memory_space<vmem>>, vector<16xf32>,
      %get3A_549 = arith.index_cast %add3A_516 : i32 to index
      %get3A_550 = arith.constant 48 : index
      %get3A_551 = tpu.vector_load %arg9[%get3A_549, %get3A_550] {strides = array<i32>} : memref<50x64xf32, #tpu.memory_space<vmem>>, vector<16xf32>,
      %scan3A_552 = arith.constant 0 : i32
      %scan3A_553 = arith.constant 0 : i32
      %scan3A_554 = arith.constant 8 : i32
      %scan3A_555 = arith.addi %scan3A_553, %scan3A_554 : i32
      %scan3A_556 = arith.constant 1 : i32
      scf.for %scan3A_945 = %scan3A_553 to %scan3A_555 step %scan3A_556  : i32 {
        %mul3A_946 = arith.constant 16 : i32
        %mul3A_947 = arith.muli %scan3A_945, %mul3A_946 : i32
        %add3A_948 = vector.broadcast %mul3A_947 : i32 to vector<16xi32>
        %add3A_949 = arith.addi %add3A_948, %and3A_38 : vector<16xi32>
        %gather3A = arith.constant 0 : i32
        %gather3A_950 = arith.constant 0 : i32
        %gather3A_951 = arith.constant 0 : i32
        %gather3A_952 = tpu.memref_slice %arg7[%gather3A, %gather3A_950, %gather3A_951] : memref<2x128x64xf32, #tpu.memory_space<vmem>> -> memref<1x128x64xf32, #tpu.memory_space<vmem>>
        %gather3A_953 = tpu.memref_squeeze %gather3A_952 : memref<1x128x64xf32, #tpu.memory_space<vmem>> -> memref<128x64xf32, #tpu.memory_space<vmem>>
        %gather3A_954 = tpu.vector_load_idx %gather3A_953[%add3A_949, %add3A_131] : memref<128x64xf32, #tpu.memory_space<vmem>>[vector<16xi32>, vector<16xi32>], vector<16xf32>,
        %add3A_955 = arith.addf %gather3A_954, %get3A_542 : vector<16xf32>
        %scatter3A = arith.constant 0 : i32
        %scatter3A_956 = arith.constant 0 : i32
        %scatter3A_957 = arith.constant 0 : i32
        %scatter3A_958 = tpu.memref_slice %arg8[%scatter3A, %scatter3A_956, %scatter3A_957] : memref<2x64x128xf32, #tpu.memory_space<vmem>> -> memref<1x64x128xf32, #tpu.memory_space<vmem>>
        %scatter3A_959 = tpu.memref_squeeze %scatter3A_958 : memref<1x64x128xf32, #tpu.memory_space<vmem>> -> memref<64x128xf32, #tpu.memory_space<vmem>>
        tpu.vector_store_idx %scatter3A_959[%add3A_131, %add3A_949], %add3A_955 : memref<64x128xf32, #tpu.memory_space<vmem>>[vector<16xi32>, vector<16xi32>], vector<16xf32>,
        %gather3A_960 = arith.constant 0 : i32
        %gather3A_961 = arith.constant 0 : i32
        %gather3A_962 = arith.constant 0 : i32
        %gather3A_963 = tpu.memref_slice %arg7[%gather3A_960, %gather3A_961, %gather3A_962] : memref<2x128x64xf32, #tpu.memory_space<vmem>> -> memref<1x128x64xf32, #tpu.memory_space<vmem>>
        %gather3A_964 = tpu.memref_squeeze %gather3A_963 : memref<1x128x64xf32, #tpu.memory_space<vmem>> -> memref<128x64xf32, #tpu.memory_space<vmem>>
        %gather3A_965 = tpu.vector_load_idx %gather3A_964[%add3A_949, %add3A_134] : memref<128x64xf32, #tpu.memory_space<vmem>>[vector<16xi32>, vector<16xi32>], vector<16xf32>,
        %add3A_966 = arith.addf %gather3A_965, %get3A_545 : vector<16xf32>
        %scatter3A_967 = arith.constant 0 : i32
        %scatter3A_968 = arith.constant 0 : i32
        %scatter3A_969 = arith.constant 0 : i32
        %scatter3A_970 = tpu.memref_slice %arg8[%scatter3A_967, %scatter3A_968, %scatter3A_969] : memref<2x64x128xf32, #tpu.memory_space<vmem>> -> memref<1x64x128xf32, #tpu.memory_space<vmem>>
        %scatter3A_971 = tpu.memref_squeeze %scatter3A_970 : memref<1x64x128xf32, #tpu.memory_space<vmem>> -> memref<64x128xf32, #tpu.memory_space<vmem>>
        tpu.vector_store_idx %scatter3A_971[%add3A_134, %add3A_949], %add3A_966 : memref<64x128xf32, #tpu.memory_space<vmem>>[vector<16xi32>, vector<16xi32>], vector<16xf32>,
        %gather3A_972 = arith.constant 0 : i32
        %gather3A_973 = arith.constant 0 : i32
        %gather3A_974 = arith.constant 0 : i32
        %gather3A_975 = tpu.memref_slice %arg7[%gather3A_972, %gather3A_973, %gather3A_974] : memref<2x128x64xf32, #tpu.memory_space<vmem>> -> memref<1x128x64xf32, #tpu.memory_space<vmem>>
        %gather3A_976 = tpu.memref_squeeze %gather3A_975 : memref<1x128x64xf32, #tpu.memory_space<vmem>> -> memref<128x64xf32, #tpu.memory_space<vmem>>
        %gather3A_977 = tpu.vector_load_idx %gather3A_976[%add3A_949, %add3A_137] : memref<128x64xf32, #tpu.memory_space<vmem>>[vector<16xi32>, vector<16xi32>], vector<16xf32>,
        %add3A_978 = arith.addf %gather3A_977, %get3A_548 : vector<16xf32>
        %scatter3A_979 = arith.constant 0 : i32
        %scatter3A_980 = arith.constant 0 : i32
        %scatter3A_981 = arith.constant 0 : i32
        %scatter3A_982 = tpu.memref_slice %arg8[%scatter3A_979, %scatter3A_980, %scatter3A_981] : memref<2x64x128xf32, #tpu.memory_space<vmem>> -> memref<1x64x128xf32, #tpu.memory_space<vmem>>
        %scatter3A_983 = tpu.memref_squeeze %scatter3A_982 : memref<1x64x128xf32, #tpu.memory_space<vmem>> -> memref<64x128xf32, #tpu.memory_space<vmem>>
        tpu.vector_store_idx %scatter3A_983[%add3A_137, %add3A_949], %add3A_978 : memref<64x128xf32, #tpu.memory_space<vmem>>[vector<16xi32>, vector<16xi32>], vector<16xf32>,
        %gather3A_984 = arith.constant 0 : i32
        %gather3A_985 = arith.constant 0 : i32
        %gather3A_986 = arith.constant 0 : i32
        %gather3A_987 = tpu.memref_slice %arg7[%gather3A_984, %gather3A_985, %gather3A_986] : memref<2x128x64xf32, #tpu.memory_space<vmem>> -> memref<1x128x64xf32, #tpu.memory_space<vmem>>
        %gather3A_988 = tpu.memref_squeeze %gather3A_987 : memref<1x128x64xf32, #tpu.memory_space<vmem>> -> memref<128x64xf32, #tpu.memory_space<vmem>>
        %gather3A_989 = tpu.vector_load_idx %gather3A_988[%add3A_949, %add3A_140] : memref<128x64xf32, #tpu.memory_space<vmem>>[vector<16xi32>, vector<16xi32>], vector<16xf32>,
        %add3A_990 = arith.addf %gather3A_989, %get3A_551 : vector<16xf32>
        %scatter3A_991 = arith.constant 0 : i32
        %scatter3A_992 = arith.constant 0 : i32
        %scatter3A_993 = arith.constant 0 : i32
        %scatter3A_994 = tpu.memref_slice %arg8[%scatter3A_991, %scatter3A_992, %scatter3A_993] : memref<2x64x128xf32, #tpu.memory_space<vmem>> -> memref<1x64x128xf32, #tpu.memory_space<vmem>>
        %scatter3A_995 = tpu.memref_squeeze %scatter3A_994 : memref<1x64x128xf32, #tpu.memory_space<vmem>> -> memref<64x128xf32, #tpu.memory_space<vmem>>
        tpu.vector_store_idx %scatter3A_995[%add3A_140, %add3A_949], %add3A_990 : memref<64x128xf32, #tpu.memory_space<vmem>>[vector<16xi32>, vector<16xi32>], vector<16xf32>,
        %add3A_996 = vector.broadcast %mul3A_947 : i32 to vector<16xi32>
        %add3A_997 = arith.addi %add3A_996, %and3A_44 : vector<16xi32>
        %gather3A_998 = arith.constant 0 : i32
        %gather3A_999 = arith.constant 0 : i32
        %gather3A_1000 = arith.constant 0 : i32
        %gather3A_1001 = tpu.memref_slice %arg7[%gather3A_998, %gather3A_999, %gather3A_1000] : memref<2x128x64xf32, #tpu.memory_space<vmem>> -> memref<1x128x64xf32, #tpu.memory_space<vmem>>
        %gather3A_1002 = tpu.memref_squeeze %gather3A_1001 : memref<1x128x64xf32, #tpu.memory_space<vmem>> -> memref<128x64xf32, #tpu.memory_space<vmem>>
        %gather3A_1003 = tpu.vector_load_idx %gather3A_1002[%add3A_997, %add3A_131] : memref<128x64xf32, #tpu.memory_space<vmem>>[vector<16xi32>, vector<16xi32>], vector<16xf32>,
        %add3A_1004 = arith.addf %gather3A_1003, %get3A_542 : vector<16xf32>
        %scatter3A_1005 = arith.constant 0 : i32
        %scatter3A_1006 = arith.constant 0 : i32
        %scatter3A_1007 = arith.constant 0 : i32
        %scatter3A_1008 = tpu.memref_slice %arg8[%scatter3A_1005, %scatter3A_1006, %scatter3A_1007] : memref<2x64x128xf32, #tpu.memory_space<vmem>> -> memref<1x64x128xf32, #tpu.memory_space<vmem>>
        %scatter3A_1009 = tpu.memref_squeeze %scatter3A_1008 : memref<1x64x128xf32, #tpu.memory_space<vmem>> -> memref<64x128xf32, #tpu.memory_space<vmem>>
        tpu.vector_store_idx %scatter3A_1009[%add3A_131, %add3A_997], %add3A_1004 : memref<64x128xf32, #tpu.memory_space<vmem>>[vector<16xi32>, vector<16xi32>], vector<16xf32>,
        %gather3A_1010 = arith.constant 0 : i32
        %gather3A_1011 = arith.constant 0 : i32
        %gather3A_1012 = arith.constant 0 : i32
        %gather3A_1013 = tpu.memref_slice %arg7[%gather3A_1010, %gather3A_1011, %gather3A_1012] : memref<2x128x64xf32, #tpu.memory_space<vmem>> -> memref<1x128x64xf32, #tpu.memory_space<vmem>>
        %gather3A_1014 = tpu.memref_squeeze %gather3A_1013 : memref<1x128x64xf32, #tpu.memory_space<vmem>> -> memref<128x64xf32, #tpu.memory_space<vmem>>
        %gather3A_1015 = tpu.vector_load_idx %gather3A_1014[%add3A_997, %add3A_134] : memref<128x64xf32, #tpu.memory_space<vmem>>[vector<16xi32>, vector<16xi32>], vector<16xf32>,
        %add3A_1016 = arith.addf %gather3A_1015, %get3A_545 : vector<16xf32>
        %scatter3A_1017 = arith.constant 0 : i32
        %scatter3A_1018 = arith.constant 0 : i32
        %scatter3A_1019 = arith.constant 0 : i32
        %scatter3A_1020 = tpu.memref_slice %arg8[%scatter3A_1017, %scatter3A_1018, %scatter3A_1019] : memref<2x64x128xf32, #tpu.memory_space<vmem>> -> memref<1x64x128xf32, #tpu.memory_space<vmem>>
        %scatter3A_1021 = tpu.memref_squeeze %scatter3A_1020 : memref<1x64x128xf32, #tpu.memory_space<vmem>> -> memref<64x128xf32, #tpu.memory_space<vmem>>
        tpu.vector_store_idx %scatter3A_1021[%add3A_134, %add3A_997], %add3A_1016 : memref<64x128xf32, #tpu.memory_space<vmem>>[vector<16xi32>, vector<16xi32>], vector<16xf32>,
        %gather3A_1022 = arith.constant 0 : i32
        %gather3A_1023 = arith.constant 0 : i32
        %gather3A_1024 = arith.constant 0 : i32
        %gather3A_1025 = tpu.memref_slice %arg7[%gather3A_1022, %gather3A_1023, %gather3A_1024] : memref<2x128x64xf32, #tpu.memory_space<vmem>> -> memref<1x128x64xf32, #tpu.memory_space<vmem>>
        %gather3A_1026 = tpu.memref_squeeze %gather3A_1025 : memref<1x128x64xf32, #tpu.memory_space<vmem>> -> memref<128x64xf32, #tpu.memory_space<vmem>>
        %gather3A_1027 = tpu.vector_load_idx %gather3A_1026[%add3A_997, %add3A_137] : memref<128x64xf32, #tpu.memory_space<vmem>>[vector<16xi32>, vector<16xi32>], vector<16xf32>,
        %add3A_1028 = arith.addf %gather3A_1027, %get3A_548 : vector<16xf32>
        %scatter3A_1029 = arith.constant 0 : i32
        %scatter3A_1030 = arith.constant 0 : i32
        %scatter3A_1031 = arith.constant 0 : i32
        %scatter3A_1032 = tpu.memref_slice %arg8[%scatter3A_1029, %scatter3A_1030, %scatter3A_1031] : memref<2x64x128xf32, #tpu.memory_space<vmem>> -> memref<1x64x128xf32, #tpu.memory_space<vmem>>
        %scatter3A_1033 = tpu.memref_squeeze %scatter3A_1032 : memref<1x64x128xf32, #tpu.memory_space<vmem>> -> memref<64x128xf32, #tpu.memory_space<vmem>>
        tpu.vector_store_idx %scatter3A_1033[%add3A_137, %add3A_997], %add3A_1028 : memref<64x128xf32, #tpu.memory_space<vmem>>[vector<16xi32>, vector<16xi32>], vector<16xf32>,
        %gather3A_1034 = arith.constant 0 : i32
        %gather3A_1035 = arith.constant 0 : i32
        %gather3A_1036 = arith.constant 0 : i32
        %gather3A_1037 = tpu.memref_slice %arg7[%gather3A_1034, %gather3A_1035, %gather3A_1036] : memref<2x128x64xf32, #tpu.memory_space<vmem>> -> memref<1x128x64xf32, #tpu.memory_space<vmem>>
        %gather3A_1038 = tpu.memref_squeeze %gather3A_1037 : memref<1x128x64xf32, #tpu.memory_space<vmem>> -> memref<128x64xf32, #tpu.memory_space<vmem>>
        %gather3A_1039 = tpu.vector_load_idx %gather3A_1038[%add3A_997, %add3A_140] : memref<128x64xf32, #tpu.memory_space<vmem>>[vector<16xi32>, vector<16xi32>], vector<16xf32>,
        %add3A_1040 = arith.addf %gather3A_1039, %get3A_551 : vector<16xf32>
        %scatter3A_1041 = arith.constant 0 : i32
        %scatter3A_1042 = arith.constant 0 : i32
        %scatter3A_1043 = arith.constant 0 : i32
        %scatter3A_1044 = tpu.memref_slice %arg8[%scatter3A_1041, %scatter3A_1042, %scatter3A_1043] : memref<2x64x128xf32, #tpu.memory_space<vmem>> -> memref<1x64x128xf32, #tpu.memory_space<vmem>>
        %scatter3A_1045 = tpu.memref_squeeze %scatter3A_1044 : memref<1x64x128xf32, #tpu.memory_space<vmem>> -> memref<64x128xf32, #tpu.memory_space<vmem>>
        tpu.vector_store_idx %scatter3A_1045[%add3A_140, %add3A_997], %add3A_1040 : memref<64x128xf32, #tpu.memory_space<vmem>>[vector<16xi32>, vector<16xi32>], vector<16xf32>,
        %add3A_1046 = vector.broadcast %mul3A_947 : i32 to vector<16xi32>
        %add3A_1047 = arith.addi %add3A_1046, %and3A_50 : vector<16xi32>
        %gather3A_1048 = arith.constant 0 : i32
        %gather3A_1049 = arith.constant 0 : i32
        %gather3A_1050 = arith.constant 0 : i32
        %gather3A_1051 = tpu.memref_slice %arg7[%gather3A_1048, %gather3A_1049, %gather3A_1050] : memref<2x128x64xf32, #tpu.memory_space<vmem>> -> memref<1x128x64xf32, #tpu.memory_space<vmem>>
        %gather3A_1052 = tpu.memref_squeeze %gather3A_1051 : memref<1x128x64xf32, #tpu.memory_space<vmem>> -> memref<128x64xf32, #tpu.memory_space<vmem>>
        %gather3A_1053 = tpu.vector_load_idx %gather3A_1052[%add3A_1047, %add3A_131] : memref<128x64xf32, #tpu.memory_space<vmem>>[vector<16xi32>, vector<16xi32>], vector<16xf32>,
        %add3A_1054 = arith.addf %gather3A_1053, %get3A_542 : vector<16xf32>
        %scatter3A_1055 = arith.constant 0 : i32
        %scatter3A_1056 = arith.constant 0 : i32
        %scatter3A_1057 = arith.constant 0 : i32
        %scatter3A_1058 = tpu.memref_slice %arg8[%scatter3A_1055, %scatter3A_1056, %scatter3A_1057] : memref<2x64x128xf32, #tpu.memory_space<vmem>> -> memref<1x64x128xf32, #tpu.memory_space<vmem>>
        %scatter3A_1059 = tpu.memref_squeeze %scatter3A_1058 : memref<1x64x128xf32, #tpu.memory_space<vmem>> -> memref<64x128xf32, #tpu.memory_space<vmem>>
        tpu.vector_store_idx %scatter3A_1059[%add3A_131, %add3A_1047], %add3A_1054 : memref<64x128xf32, #tpu.memory_space<vmem>>[vector<16xi32>, vector<16xi32>], vector<16xf32>,
        %gather3A_1060 = arith.constant 0 : i32
        %gather3A_1061 = arith.constant 0 : i32
        %gather3A_1062 = arith.constant 0 : i32
        %gather3A_1063 = tpu.memref_slice %arg7[%gather3A_1060, %gather3A_1061, %gather3A_1062] : memref<2x128x64xf32, #tpu.memory_space<vmem>> -> memref<1x128x64xf32, #tpu.memory_space<vmem>>
        %gather3A_1064 = tpu.memref_squeeze %gather3A_1063 : memref<1x128x64xf32, #tpu.memory_space<vmem>> -> memref<128x64xf32, #tpu.memory_space<vmem>>
        %gather3A_1065 = tpu.vector_load_idx %gather3A_1064[%add3A_1047, %add3A_134] : memref<128x64xf32, #tpu.memory_space<vmem>>[vector<16xi32>, vector<16xi32>], vector<16xf32>,
        %add3A_1066 = arith.addf %gather3A_1065, %get3A_545 : vector<16xf32>
        %scatter3A_1067 = arith.constant 0 : i32
        %scatter3A_1068 = arith.constant 0 : i32
        %scatter3A_1069 = arith.constant 0 : i32
        %scatter3A_1070 = tpu.memref_slice %arg8[%scatter3A_1067, %scatter3A_1068, %scatter3A_1069] : memref<2x64x128xf32, #tpu.memory_space<vmem>> -> memref<1x64x128xf32, #tpu.memory_space<vmem>>
        %scatter3A_1071 = tpu.memref_squeeze %scatter3A_1070 : memref<1x64x128xf32, #tpu.memory_space<vmem>> -> memref<64x128xf32, #tpu.memory_space<vmem>>
        tpu.vector_store_idx %scatter3A_1071[%add3A_134, %add3A_1047], %add3A_1066 : memref<64x128xf32, #tpu.memory_space<vmem>>[vector<16xi32>, vector<16xi32>], vector<16xf32>,
        %gather3A_1072 = arith.constant 0 : i32
        %gather3A_1073 = arith.constant 0 : i32
        %gather3A_1074 = arith.constant 0 : i32
        %gather3A_1075 = tpu.memref_slice %arg7[%gather3A_1072, %gather3A_1073, %gather3A_1074] : memref<2x128x64xf32, #tpu.memory_space<vmem>> -> memref<1x128x64xf32, #tpu.memory_space<vmem>>
        %gather3A_1076 = tpu.memref_squeeze %gather3A_1075 : memref<1x128x64xf32, #tpu.memory_space<vmem>> -> memref<128x64xf32, #tpu.memory_space<vmem>>
        %gather3A_1077 = tpu.vector_load_idx %gather3A_1076[%add3A_1047, %add3A_137] : memref<128x64xf32, #tpu.memory_space<vmem>>[vector<16xi32>, vector<16xi32>], vector<16xf32>,
        %add3A_1078 = arith.addf %gather3A_1077, %get3A_548 : vector<16xf32>
        %scatter3A_1079 = arith.constant 0 : i32
        %scatter3A_1080 = arith.constant 0 : i32
        %scatter3A_1081 = arith.constant 0 : i32
        %scatter3A_1082 = tpu.memref_slice %arg8[%scatter3A_1079, %scatter3A_1080, %scatter3A_1081] : memref<2x64x128xf32, #tpu.memory_space<vmem>> -> memref<1x64x128xf32, #tpu.memory_space<vmem>>
        %scatter3A_1083 = tpu.memref_squeeze %scatter3A_1082 : memref<1x64x128xf32, #tpu.memory_space<vmem>> -> memref<64x128xf32, #tpu.memory_space<vmem>>
        tpu.vector_store_idx %scatter3A_1083[%add3A_137, %add3A_1047], %add3A_1078 : memref<64x128xf32, #tpu.memory_space<vmem>>[vector<16xi32>, vector<16xi32>], vector<16xf32>,
        %gather3A_1084 = arith.constant 0 : i32
        %gather3A_1085 = arith.constant 0 : i32
        %gather3A_1086 = arith.constant 0 : i32
        %gather3A_1087 = tpu.memref_slice %arg7[%gather3A_1084, %gather3A_1085, %gather3A_1086] : memref<2x128x64xf32, #tpu.memory_space<vmem>> -> memref<1x128x64xf32, #tpu.memory_space<vmem>>
        %gather3A_1088 = tpu.memref_squeeze %gather3A_1087 : memref<1x128x64xf32, #tpu.memory_space<vmem>> -> memref<128x64xf32, #tpu.memory_space<vmem>>
        %gather3A_1089 = tpu.vector_load_idx %gather3A_1088[%add3A_1047, %add3A_140] : memref<128x64xf32, #tpu.memory_space<vmem>>[vector<16xi32>, vector<16xi32>], vector<16xf32>,
        %add3A_1090 = arith.addf %gather3A_1089, %get3A_551 : vector<16xf32>
        %scatter3A_1091 = arith.constant 0 : i32
        %scatter3A_1092 = arith.constant 0 : i32
        %scatter3A_1093 = arith.constant 0 : i32
        %scatter3A_1094 = tpu.memref_slice %arg8[%scatter3A_1091, %scatter3A_1092, %scatter3A_1093] : memref<2x64x128xf32, #tpu.memory_space<vmem>> -> memref<1x64x128xf32, #tpu.memory_space<vmem>>
        %scatter3A_1095 = tpu.memref_squeeze %scatter3A_1094 : memref<1x64x128xf32, #tpu.memory_space<vmem>> -> memref<64x128xf32, #tpu.memory_space<vmem>>
        tpu.vector_store_idx %scatter3A_1095[%add3A_140, %add3A_1047], %add3A_1090 : memref<64x128xf32, #tpu.memory_space<vmem>>[vector<16xi32>, vector<16xi32>], vector<16xf32>,
        %add3A_1096 = vector.broadcast %mul3A_947 : i32 to vector<16xi32>
        %add3A_1097 = arith.addi %add3A_1096, %and3A_56 : vector<16xi32>
        %gather3A_1098 = arith.constant 0 : i32
        %gather3A_1099 = arith.constant 0 : i32
        %gather3A_1100 = arith.constant 0 : i32
        %gather3A_1101 = tpu.memref_slice %arg7[%gather3A_1098, %gather3A_1099, %gather3A_1100] : memref<2x128x64xf32, #tpu.memory_space<vmem>> -> memref<1x128x64xf32, #tpu.memory_space<vmem>>
        %gather3A_1102 = tpu.memref_squeeze %gather3A_1101 : memref<1x128x64xf32, #tpu.memory_space<vmem>> -> memref<128x64xf32, #tpu.memory_space<vmem>>
        %gather3A_1103 = tpu.vector_load_idx %gather3A_1102[%add3A_1097, %add3A_131] : memref<128x64xf32, #tpu.memory_space<vmem>>[vector<16xi32>, vector<16xi32>], vector<16xf32>,
        %add3A_1104 = arith.addf %gather3A_1103, %get3A_542 : vector<16xf32>
        %scatter3A_1105 = arith.constant 0 : i32
        %scatter3A_1106 = arith.constant 0 : i32
        %scatter3A_1107 = arith.constant 0 : i32
        %scatter3A_1108 = tpu.memref_slice %arg8[%scatter3A_1105, %scatter3A_1106, %scatter3A_1107] : memref<2x64x128xf32, #tpu.memory_space<vmem>> -> memref<1x64x128xf32, #tpu.memory_space<vmem>>
        %scatter3A_1109 = tpu.memref_squeeze %scatter3A_1108 : memref<1x64x128xf32, #tpu.memory_space<vmem>> -> memref<64x128xf32, #tpu.memory_space<vmem>>
        tpu.vector_store_idx %scatter3A_1109[%add3A_131, %add3A_1097], %add3A_1104 : memref<64x128xf32, #tpu.memory_space<vmem>>[vector<16xi32>, vector<16xi32>], vector<16xf32>,
        %gather3A_1110 = arith.constant 0 : i32
        %gather3A_1111 = arith.constant 0 : i32
        %gather3A_1112 = arith.constant 0 : i32
        %gather3A_1113 = tpu.memref_slice %arg7[%gather3A_1110, %gather3A_1111, %gather3A_1112] : memref<2x128x64xf32, #tpu.memory_space<vmem>> -> memref<1x128x64xf32, #tpu.memory_space<vmem>>
        %gather3A_1114 = tpu.memref_squeeze %gather3A_1113 : memref<1x128x64xf32, #tpu.memory_space<vmem>> -> memref<128x64xf32, #tpu.memory_space<vmem>>
        %gather3A_1115 = tpu.vector_load_idx %gather3A_1114[%add3A_1097, %add3A_134] : memref<128x64xf32, #tpu.memory_space<vmem>>[vector<16xi32>, vector<16xi32>], vector<16xf32>,
        %add3A_1116 = arith.addf %gather3A_1115, %get3A_545 : vector<16xf32>
        %scatter3A_1117 = arith.constant 0 : i32
        %scatter3A_1118 = arith.constant 0 : i32
        %scatter3A_1119 = arith.constant 0 : i32
        %scatter3A_1120 = tpu.memref_slice %arg8[%scatter3A_1117, %scatter3A_1118, %scatter3A_1119] : memref<2x64x128xf32, #tpu.memory_space<vmem>> -> memref<1x64x128xf32, #tpu.memory_space<vmem>>
        %scatter3A_1121 = tpu.memref_squeeze %scatter3A_1120 : memref<1x64x128xf32, #tpu.memory_space<vmem>> -> memref<64x128xf32, #tpu.memory_space<vmem>>
        tpu.vector_store_idx %scatter3A_1121[%add3A_134, %add3A_1097], %add3A_1116 : memref<64x128xf32, #tpu.memory_space<vmem>>[vector<16xi32>, vector<16xi32>], vector<16xf32>,
        %gather3A_1122 = arith.constant 0 : i32
        %gather3A_1123 = arith.constant 0 : i32
        %gather3A_1124 = arith.constant 0 : i32
        %gather3A_1125 = tpu.memref_slice %arg7[%gather3A_1122, %gather3A_1123, %gather3A_1124] : memref<2x128x64xf32, #tpu.memory_space<vmem>> -> memref<1x128x64xf32, #tpu.memory_space<vmem>>
        %gather3A_1126 = tpu.memref_squeeze %gather3A_1125 : memref<1x128x64xf32, #tpu.memory_space<vmem>> -> memref<128x64xf32, #tpu.memory_space<vmem>>
        %gather3A_1127 = tpu.vector_load_idx %gather3A_1126[%add3A_1097, %add3A_137] : memref<128x64xf32, #tpu.memory_space<vmem>>[vector<16xi32>, vector<16xi32>], vector<16xf32>,
        %add3A_1128 = arith.addf %gather3A_1127, %get3A_548 : vector<16xf32>
        %scatter3A_1129 = arith.constant 0 : i32
        %scatter3A_1130 = arith.constant 0 : i32
        %scatter3A_1131 = arith.constant 0 : i32
        %scatter3A_1132 = tpu.memref_slice %arg8[%scatter3A_1129, %scatter3A_1130, %scatter3A_1131] : memref<2x64x128xf32, #tpu.memory_space<vmem>> -> memref<1x64x128xf32, #tpu.memory_space<vmem>>
        %scatter3A_1133 = tpu.memref_squeeze %scatter3A_1132 : memref<1x64x128xf32, #tpu.memory_space<vmem>> -> memref<64x128xf32, #tpu.memory_space<vmem>>
        tpu.vector_store_idx %scatter3A_1133[%add3A_137, %add3A_1097], %add3A_1128 : memref<64x128xf32, #tpu.memory_space<vmem>>[vector<16xi32>, vector<16xi32>], vector<16xf32>,
        %gather3A_1134 = arith.constant 0 : i32
        %gather3A_1135 = arith.constant 0 : i32
        %gather3A_1136 = arith.constant 0 : i32
        %gather3A_1137 = tpu.memref_slice %arg7[%gather3A_1134, %gather3A_1135, %gather3A_1136] : memref<2x128x64xf32, #tpu.memory_space<vmem>> -> memref<1x128x64xf32, #tpu.memory_space<vmem>>
        %gather3A_1138 = tpu.memref_squeeze %gather3A_1137 : memref<1x128x64xf32, #tpu.memory_space<vmem>> -> memref<128x64xf32, #tpu.memory_space<vmem>>
        %gather3A_1139 = tpu.vector_load_idx %gather3A_1138[%add3A_1097, %add3A_140] : memref<128x64xf32, #tpu.memory_space<vmem>>[vector<16xi32>, vector<16xi32>], vector<16xf32>,
        %add3A_1140 = arith.addf %gather3A_1139, %get3A_551 : vector<16xf32>
        %scatter3A_1141 = arith.constant 0 : i32
        %scatter3A_1142 = arith.constant 0 : i32
        %scatter3A_1143 = arith.constant 0 : i32
        %scatter3A_1144 = tpu.memref_slice %arg8[%scatter3A_1141, %scatter3A_1142, %scatter3A_1143] : memref<2x64x128xf32, #tpu.memory_space<vmem>> -> memref<1x64x128xf32, #tpu.memory_space<vmem>>
        %scatter3A_1145 = tpu.memref_squeeze %scatter3A_1144 : memref<1x64x128xf32, #tpu.memory_space<vmem>> -> memref<64x128xf32, #tpu.memory_space<vmem>>
        tpu.vector_store_idx %scatter3A_1145[%add3A_140, %add3A_1097], %add3A_1140 : memref<64x128xf32, #tpu.memory_space<vmem>>[vector<16xi32>, vector<16xi32>], vector<16xf32>,
        %add3A_1146 = vector.broadcast %mul3A_947 : i32 to vector<16xi32>
        %add3A_1147 = arith.addi %add3A_1146, %and3A_62 : vector<16xi32>
        %gather3A_1148 = arith.constant 0 : i32
        %gather3A_1149 = arith.constant 0 : i32
        %gather3A_1150 = arith.constant 0 : i32
        %gather3A_1151 = tpu.memref_slice %arg7[%gather3A_1148, %gather3A_1149, %gather3A_1150] : memref<2x128x64xf32, #tpu.memory_space<vmem>> -> memref<1x128x64xf32, #tpu.memory_space<vmem>>
        %gather3A_1152 = tpu.memref_squeeze %gather3A_1151 : memref<1x128x64xf32, #tpu.memory_space<vmem>> -> memref<128x64xf32, #tpu.memory_space<vmem>>
        %gather3A_1153 = tpu.vector_load_idx %gather3A_1152[%add3A_1147, %add3A_131] : memref<128x64xf32, #tpu.memory_space<vmem>>[vector<16xi32>, vector<16xi32>], vector<16xf32>,
        %add3A_1154 = arith.addf %gather3A_1153, %get3A_542 : vector<16xf32>
        %scatter3A_1155 = arith.constant 0 : i32
        %scatter3A_1156 = arith.constant 0 : i32
        %scatter3A_1157 = arith.constant 0 : i32
        %scatter3A_1158 = tpu.memref_slice %arg8[%scatter3A_1155, %scatter3A_1156, %scatter3A_1157] : memref<2x64x128xf32, #tpu.memory_space<vmem>> -> memref<1x64x128xf32, #tpu.memory_space<vmem>>
        %scatter3A_1159 = tpu.memref_squeeze %scatter3A_1158 : memref<1x64x128xf32, #tpu.memory_space<vmem>> -> memref<64x128xf32, #tpu.memory_space<vmem>>
        tpu.vector_store_idx %scatter3A_1159[%add3A_131, %add3A_1147], %add3A_1154 : memref<64x128xf32, #tpu.memory_space<vmem>>[vector<16xi32>, vector<16xi32>], vector<16xf32>,
        %gather3A_1160 = arith.constant 0 : i32
        %gather3A_1161 = arith.constant 0 : i32
        %gather3A_1162 = arith.constant 0 : i32
        %gather3A_1163 = tpu.memref_slice %arg7[%gather3A_1160, %gather3A_1161, %gather3A_1162] : memref<2x128x64xf32, #tpu.memory_space<vmem>> -> memref<1x128x64xf32, #tpu.memory_space<vmem>>
        %gather3A_1164 = tpu.memref_squeeze %gather3A_1163 : memref<1x128x64xf32, #tpu.memory_space<vmem>> -> memref<128x64xf32, #tpu.memory_space<vmem>>
        %gather3A_1165 = tpu.vector_load_idx %gather3A_1164[%add3A_1147, %add3A_134] : memref<128x64xf32, #tpu.memory_space<vmem>>[vector<16xi32>, vector<16xi32>], vector<16xf32>,
        %add3A_1166 = arith.addf %gather3A_1165, %get3A_545 : vector<16xf32>
        %scatter3A_1167 = arith.constant 0 : i32
        %scatter3A_1168 = arith.constant 0 : i32
        %scatter3A_1169 = arith.constant 0 : i32
        %scatter3A_1170 = tpu.memref_slice %arg8[%scatter3A_1167, %scatter3A_1168, %scatter3A_1169] : memref<2x64x128xf32, #tpu.memory_space<vmem>> -> memref<1x64x128xf32, #tpu.memory_space<vmem>>
        %scatter3A_1171 = tpu.memref_squeeze %scatter3A_1170 : memref<1x64x128xf32, #tpu.memory_space<vmem>> -> memref<64x128xf32, #tpu.memory_space<vmem>>
        tpu.vector_store_idx %scatter3A_1171[%add3A_134, %add3A_1147], %add3A_1166 : memref<64x128xf32, #tpu.memory_space<vmem>>[vector<16xi32>, vector<16xi32>], vector<16xf32>,
        %gather3A_1172 = arith.constant 0 : i32
        %gather3A_1173 = arith.constant 0 : i32
        %gather3A_1174 = arith.constant 0 : i32
        %gather3A_1175 = tpu.memref_slice %arg7[%gather3A_1172, %gather3A_1173, %gather3A_1174] : memref<2x128x64xf32, #tpu.memory_space<vmem>> -> memref<1x128x64xf32, #tpu.memory_space<vmem>>
        %gather3A_1176 = tpu.memref_squeeze %gather3A_1175 : memref<1x128x64xf32, #tpu.memory_space<vmem>> -> memref<128x64xf32, #tpu.memory_space<vmem>>
        %gather3A_1177 = tpu.vector_load_idx %gather3A_1176[%add3A_1147, %add3A_137] : memref<128x64xf32, #tpu.memory_space<vmem>>[vector<16xi32>, vector<16xi32>], vector<16xf32>,
        %add3A_1178 = arith.addf %gather3A_1177, %get3A_548 : vector<16xf32>
        %scatter3A_1179 = arith.constant 0 : i32
        %scatter3A_1180 = arith.constant 0 : i32
        %scatter3A_1181 = arith.constant 0 : i32
        %scatter3A_1182 = tpu.memref_slice %arg8[%scatter3A_1179, %scatter3A_1180, %scatter3A_1181] : memref<2x64x128xf32, #tpu.memory_space<vmem>> -> memref<1x64x128xf32, #tpu.memory_space<vmem>>
        %scatter3A_1183 = tpu.memref_squeeze %scatter3A_1182 : memref<1x64x128xf32, #tpu.memory_space<vmem>> -> memref<64x128xf32, #tpu.memory_space<vmem>>
        tpu.vector_store_idx %scatter3A_1183[%add3A_137, %add3A_1147], %add3A_1178 : memref<64x128xf32, #tpu.memory_space<vmem>>[vector<16xi32>, vector<16xi32>], vector<16xf32>,
        %gather3A_1184 = arith.constant 0 : i32
        %gather3A_1185 = arith.constant 0 : i32
        %gather3A_1186 = arith.constant 0 : i32
        %gather3A_1187 = tpu.memref_slice %arg7[%gather3A_1184, %gather3A_1185, %gather3A_1186] : memref<2x128x64xf32, #tpu.memory_space<vmem>> -> memref<1x128x64xf32, #tpu.memory_space<vmem>>
        %gather3A_1188 = tpu.memref_squeeze %gather3A_1187 : memref<1x128x64xf32, #tpu.memory_space<vmem>> -> memref<128x64xf32, #tpu.memory_space<vmem>>
        %gather3A_1189 = tpu.vector_load_idx %gather3A_1188[%add3A_1147, %add3A_140] : memref<128x64xf32, #tpu.memory_space<vmem>>[vector<16xi32>, vector<16xi32>], vector<16xf32>,
        %add3A_1190 = arith.addf %gather3A_1189, %get3A_551 : vector<16xf32>
        %scatter3A_1191 = arith.constant 0 : i32
        %scatter3A_1192 = arith.constant 0 : i32
        %scatter3A_1193 = arith.constant 0 : i32
        %scatter3A_1194 = tpu.memref_slice %arg8[%scatter3A_1191, %scatter3A_1192, %scatter3A_1193] : memref<2x64x128xf32, #tpu.memory_space<vmem>> -> memref<1x64x128xf32, #tpu.memory_space<vmem>>
        %scatter3A_1195 = tpu.memref_squeeze %scatter3A_1194 : memref<1x64x128xf32, #tpu.memory_space<vmem>> -> memref<64x128xf32, #tpu.memory_space<vmem>>
        tpu.vector_store_idx %scatter3A_1195[%add3A_140, %add3A_1147], %add3A_1190 : memref<64x128xf32, #tpu.memory_space<vmem>>[vector<16xi32>, vector<16xi32>], vector<16xf32>,
        %add3A_1196 = vector.broadcast %mul3A_947 : i32 to vector<16xi32>
        %add3A_1197 = arith.addi %add3A_1196, %and3A_68 : vector<16xi32>
        %gather3A_1198 = arith.constant 0 : i32
        %gather3A_1199 = arith.constant 0 : i32
        %gather3A_1200 = arith.constant 0 : i32
        %gather3A_1201 = tpu.memref_slice %arg7[%gather3A_1198, %gather3A_1199, %gather3A_1200] : memref<2x128x64xf32, #tpu.memory_space<vmem>> -> memref<1x128x64xf32, #tpu.memory_space<vmem>>
        %gather3A_1202 = tpu.memref_squeeze %gather3A_1201 : memref<1x128x64xf32, #tpu.memory_space<vmem>> -> memref<128x64xf32, #tpu.memory_space<vmem>>
        %gather3A_1203 = tpu.vector_load_idx %gather3A_1202[%add3A_1197, %add3A_131] : memref<128x64xf32, #tpu.memory_space<vmem>>[vector<16xi32>, vector<16xi32>], vector<16xf32>,
        %add3A_1204 = arith.addf %gather3A_1203, %get3A_542 : vector<16xf32>
        %scatter3A_1205 = arith.constant 0 : i32
        %scatter3A_1206 = arith.constant 0 : i32
        %scatter3A_1207 = arith.constant 0 : i32
        %scatter3A_1208 = tpu.memref_slice %arg8[%scatter3A_1205, %scatter3A_1206, %scatter3A_1207] : memref<2x64x128xf32, #tpu.memory_space<vmem>> -> memref<1x64x128xf32, #tpu.memory_space<vmem>>
        %scatter3A_1209 = tpu.memref_squeeze %scatter3A_1208 : memref<1x64x128xf32, #tpu.memory_space<vmem>> -> memref<64x128xf32, #tpu.memory_space<vmem>>
        tpu.vector_store_idx %scatter3A_1209[%add3A_131, %add3A_1197], %add3A_1204 : memref<64x128xf32, #tpu.memory_space<vmem>>[vector<16xi32>, vector<16xi32>], vector<16xf32>,
        %gather3A_1210 = arith.constant 0 : i32
        %gather3A_1211 = arith.constant 0 : i32
        %gather3A_1212 = arith.constant 0 : i32
        %gather3A_1213 = tpu.memref_slice %arg7[%gather3A_1210, %gather3A_1211, %gather3A_1212] : memref<2x128x64xf32, #tpu.memory_space<vmem>> -> memref<1x128x64xf32, #tpu.memory_space<vmem>>
        %gather3A_1214 = tpu.memref_squeeze %gather3A_1213 : memref<1x128x64xf32, #tpu.memory_space<vmem>> -> memref<128x64xf32, #tpu.memory_space<vmem>>
        %gather3A_1215 = tpu.vector_load_idx %gather3A_1214[%add3A_1197, %add3A_134] : memref<128x64xf32, #tpu.memory_space<vmem>>[vector<16xi32>, vector<16xi32>], vector<16xf32>,
        %add3A_1216 = arith.addf %gather3A_1215, %get3A_545 : vector<16xf32>
        %scatter3A_1217 = arith.constant 0 : i32
        %scatter3A_1218 = arith.constant 0 : i32
        %scatter3A_1219 = arith.constant 0 : i32
        %scatter3A_1220 = tpu.memref_slice %arg8[%scatter3A_1217, %scatter3A_1218, %scatter3A_1219] : memref<2x64x128xf32, #tpu.memory_space<vmem>> -> memref<1x64x128xf32, #tpu.memory_space<vmem>>
        %scatter3A_1221 = tpu.memref_squeeze %scatter3A_1220 : memref<1x64x128xf32, #tpu.memory_space<vmem>> -> memref<64x128xf32, #tpu.memory_space<vmem>>
        tpu.vector_store_idx %scatter3A_1221[%add3A_134, %add3A_1197], %add3A_1216 : memref<64x128xf32, #tpu.memory_space<vmem>>[vector<16xi32>, vector<16xi32>], vector<16xf32>,
        %gather3A_1222 = arith.constant 0 : i32
        %gather3A_1223 = arith.constant 0 : i32
        %gather3A_1224 = arith.constant 0 : i32
        %gather3A_1225 = tpu.memref_slice %arg7[%gather3A_1222, %gather3A_1223, %gather3A_1224] : memref<2x128x64xf32, #tpu.memory_space<vmem>> -> memref<1x128x64xf32, #tpu.memory_space<vmem>>
        %gather3A_1226 = tpu.memref_squeeze %gather3A_1225 : memref<1x128x64xf32, #tpu.memory_space<vmem>> -> memref<128x64xf32, #tpu.memory_space<vmem>>
        %gather3A_1227 = tpu.vector_load_idx %gather3A_1226[%add3A_1197, %add3A_137] : memref<128x64xf32, #tpu.memory_space<vmem>>[vector<16xi32>, vector<16xi32>], vector<16xf32>,
        %add3A_1228 = arith.addf %gather3A_1227, %get3A_548 : vector<16xf32>
        %scatter3A_1229 = arith.constant 0 : i32
        %scatter3A_1230 = arith.constant 0 : i32
        %scatter3A_1231 = arith.constant 0 : i32
        %scatter3A_1232 = tpu.memref_slice %arg8[%scatter3A_1229, %scatter3A_1230, %scatter3A_1231] : memref<2x64x128xf32, #tpu.memory_space<vmem>> -> memref<1x64x128xf32, #tpu.memory_space<vmem>>
        %scatter3A_1233 = tpu.memref_squeeze %scatter3A_1232 : memref<1x64x128xf32, #tpu.memory_space<vmem>> -> memref<64x128xf32, #tpu.memory_space<vmem>>
        tpu.vector_store_idx %scatter3A_1233[%add3A_137, %add3A_1197], %add3A_1228 : memref<64x128xf32, #tpu.memory_space<vmem>>[vector<16xi32>, vector<16xi32>], vector<16xf32>,
        %gather3A_1234 = arith.constant 0 : i32
        %gather3A_1235 = arith.constant 0 : i32
        %gather3A_1236 = arith.constant 0 : i32
        %gather3A_1237 = tpu.memref_slice %arg7[%gather3A_1234, %gather3A_1235, %gather3A_1236] : memref<2x128x64xf32, #tpu.memory_space<vmem>> -> memref<1x128x64xf32, #tpu.memory_space<vmem>>
        %gather3A_1238 = tpu.memref_squeeze %gather3A_1237 : memref<1x128x64xf32, #tpu.memory_space<vmem>> -> memref<128x64xf32, #tpu.memory_space<vmem>>
        %gather3A_1239 = tpu.vector_load_idx %gather3A_1238[%add3A_1197, %add3A_140] : memref<128x64xf32, #tpu.memory_space<vmem>>[vector<16xi32>, vector<16xi32>], vector<16xf32>,
        %add3A_1240 = arith.addf %gather3A_1239, %get3A_551 : vector<16xf32>
        %scatter3A_1241 = arith.constant 0 : i32
        %scatter3A_1242 = arith.constant 0 : i32
        %scatter3A_1243 = arith.constant 0 : i32
        %scatter3A_1244 = tpu.memref_slice %arg8[%scatter3A_1241, %scatter3A_1242, %scatter3A_1243] : memref<2x64x128xf32, #tpu.memory_space<vmem>> -> memref<1x64x128xf32, #tpu.memory_space<vmem>>
        %scatter3A_1245 = tpu.memref_squeeze %scatter3A_1244 : memref<1x64x128xf32, #tpu.memory_space<vmem>> -> memref<64x128xf32, #tpu.memory_space<vmem>>
        tpu.vector_store_idx %scatter3A_1245[%add3A_140, %add3A_1197], %add3A_1240 : memref<64x128xf32, #tpu.memory_space<vmem>>[vector<16xi32>, vector<16xi32>], vector<16xf32>,
        %add3A_1246 = vector.broadcast %mul3A_947 : i32 to vector<16xi32>
        %add3A_1247 = arith.addi %add3A_1246, %and3A_74 : vector<16xi32>
        %gather3A_1248 = arith.constant 0 : i32
        %gather3A_1249 = arith.constant 0 : i32
        %gather3A_1250 = arith.constant 0 : i32
        %gather3A_1251 = tpu.memref_slice %arg7[%gather3A_1248, %gather3A_1249, %gather3A_1250] : memref<2x128x64xf32, #tpu.memory_space<vmem>> -> memref<1x128x64xf32, #tpu.memory_space<vmem>>
        %gather3A_1252 = tpu.memref_squeeze %gather3A_1251 : memref<1x128x64xf32, #tpu.memory_space<vmem>> -> memref<128x64xf32, #tpu.memory_space<vmem>>
        %gather3A_1253 = tpu.vector_load_idx %gather3A_1252[%add3A_1247, %add3A_131] : memref<128x64xf32, #tpu.memory_space<vmem>>[vector<16xi32>, vector<16xi32>], vector<16xf32>,
        %add3A_1254 = arith.addf %gather3A_1253, %get3A_542 : vector<16xf32>
        %scatter3A_1255 = arith.constant 0 : i32
        %scatter3A_1256 = arith.constant 0 : i32
        %scatter3A_1257 = arith.constant 0 : i32
        %scatter3A_1258 = tpu.memref_slice %arg8[%scatter3A_1255, %scatter3A_1256, %scatter3A_1257] : memref<2x64x128xf32, #tpu.memory_space<vmem>> -> memref<1x64x128xf32, #tpu.memory_space<vmem>>
        %scatter3A_1259 = tpu.memref_squeeze %scatter3A_1258 : memref<1x64x128xf32, #tpu.memory_space<vmem>> -> memref<64x128xf32, #tpu.memory_space<vmem>>
        tpu.vector_store_idx %scatter3A_1259[%add3A_131, %add3A_1247], %add3A_1254 : memref<64x128xf32, #tpu.memory_space<vmem>>[vector<16xi32>, vector<16xi32>], vector<16xf32>,
        %gather3A_1260 = arith.constant 0 : i32
        %gather3A_1261 = arith.constant 0 : i32
        %gather3A_1262 = arith.constant 0 : i32
        %gather3A_1263 = tpu.memref_slice %arg7[%gather3A_1260, %gather3A_1261, %gather3A_1262] : memref<2x128x64xf32, #tpu.memory_space<vmem>> -> memref<1x128x64xf32, #tpu.memory_space<vmem>>
        %gather3A_1264 = tpu.memref_squeeze %gather3A_1263 : memref<1x128x64xf32, #tpu.memory_space<vmem>> -> memref<128x64xf32, #tpu.memory_space<vmem>>
        %gather3A_1265 = tpu.vector_load_idx %gather3A_1264[%add3A_1247, %add3A_134] : memref<128x64xf32, #tpu.memory_space<vmem>>[vector<16xi32>, vector<16xi32>], vector<16xf32>,
        %add3A_1266 = arith.addf %gather3A_1265, %get3A_545 : vector<16xf32>
        %scatter3A_1267 = arith.constant 0 : i32
        %scatter3A_1268 = arith.constant 0 : i32
        %scatter3A_1269 = arith.constant 0 : i32
        %scatter3A_1270 = tpu.memref_slice %arg8[%scatter3A_1267, %scatter3A_1268, %scatter3A_1269] : memref<2x64x128xf32, #tpu.memory_space<vmem>> -> memref<1x64x128xf32, #tpu.memory_space<vmem>>
        %scatter3A_1271 = tpu.memref_squeeze %scatter3A_1270 : memref<1x64x128xf32, #tpu.memory_space<vmem>> -> memref<64x128xf32, #tpu.memory_space<vmem>>
        tpu.vector_store_idx %scatter3A_1271[%add3A_134, %add3A_1247], %add3A_1266 : memref<64x128xf32, #tpu.memory_space<vmem>>[vector<16xi32>, vector<16xi32>], vector<16xf32>,
        %gather3A_1272 = arith.constant 0 : i32
        %gather3A_1273 = arith.constant 0 : i32
        %gather3A_1274 = arith.constant 0 : i32
        %gather3A_1275 = tpu.memref_slice %arg7[%gather3A_1272, %gather3A_1273, %gather3A_1274] : memref<2x128x64xf32, #tpu.memory_space<vmem>> -> memref<1x128x64xf32, #tpu.memory_space<vmem>>
        %gather3A_1276 = tpu.memref_squeeze %gather3A_1275 : memref<1x128x64xf32, #tpu.memory_space<vmem>> -> memref<128x64xf32, #tpu.memory_space<vmem>>
        %gather3A_1277 = tpu.vector_load_idx %gather3A_1276[%add3A_1247, %add3A_137] : memref<128x64xf32, #tpu.memory_space<vmem>>[vector<16xi32>, vector<16xi32>], vector<16xf32>,
        %add3A_1278 = arith.addf %gather3A_1277, %get3A_548 : vector<16xf32>
        %scatter3A_1279 = arith.constant 0 : i32
        %scatter3A_1280 = arith.constant 0 : i32
        %scatter3A_1281 = arith.constant 0 : i32
        %scatter3A_1282 = tpu.memref_slice %arg8[%scatter3A_1279, %scatter3A_1280, %scatter3A_1281] : memref<2x64x128xf32, #tpu.memory_space<vmem>> -> memref<1x64x128xf32, #tpu.memory_space<vmem>>
        %scatter3A_1283 = tpu.memref_squeeze %scatter3A_1282 : memref<1x64x128xf32, #tpu.memory_space<vmem>> -> memref<64x128xf32, #tpu.memory_space<vmem>>
        tpu.vector_store_idx %scatter3A_1283[%add3A_137, %add3A_1247], %add3A_1278 : memref<64x128xf32, #tpu.memory_space<vmem>>[vector<16xi32>, vector<16xi32>], vector<16xf32>,
        %gather3A_1284 = arith.constant 0 : i32
        %gather3A_1285 = arith.constant 0 : i32
        %gather3A_1286 = arith.constant 0 : i32
        %gather3A_1287 = tpu.memref_slice %arg7[%gather3A_1284, %gather3A_1285, %gather3A_1286] : memref<2x128x64xf32, #tpu.memory_space<vmem>> -> memref<1x128x64xf32, #tpu.memory_space<vmem>>
        %gather3A_1288 = tpu.memref_squeeze %gather3A_1287 : memref<1x128x64xf32, #tpu.memory_space<vmem>> -> memref<128x64xf32, #tpu.memory_space<vmem>>
        %gather3A_1289 = tpu.vector_load_idx %gather3A_1288[%add3A_1247, %add3A_140] : memref<128x64xf32, #tpu.memory_space<vmem>>[vector<16xi32>, vector<16xi32>], vector<16xf32>,
        %add3A_1290 = arith.addf %gather3A_1289, %get3A_551 : vector<16xf32>
        %scatter3A_1291 = arith.constant 0 : i32
        %scatter3A_1292 = arith.constant 0 : i32
        %scatter3A_1293 = arith.constant 0 : i32
        %scatter3A_1294 = tpu.memref_slice %arg8[%scatter3A_1291, %scatter3A_1292, %scatter3A_1293] : memref<2x64x128xf32, #tpu.memory_space<vmem>> -> memref<1x64x128xf32, #tpu.memory_space<vmem>>
        %scatter3A_1295 = tpu.memref_squeeze %scatter3A_1294 : memref<1x64x128xf32, #tpu.memory_space<vmem>> -> memref<64x128xf32, #tpu.memory_space<vmem>>
        tpu.vector_store_idx %scatter3A_1295[%add3A_140, %add3A_1247], %add3A_1290 : memref<64x128xf32, #tpu.memory_space<vmem>>[vector<16xi32>, vector<16xi32>], vector<16xf32>,
        %add3A_1296 = vector.broadcast %mul3A_947 : i32 to vector<16xi32>
        %add3A_1297 = arith.addi %add3A_1296, %and3A_80 : vector<16xi32>
        %gather3A_1298 = arith.constant 0 : i32
        %gather3A_1299 = arith.constant 0 : i32
        %gather3A_1300 = arith.constant 0 : i32
        %gather3A_1301 = tpu.memref_slice %arg7[%gather3A_1298, %gather3A_1299, %gather3A_1300] : memref<2x128x64xf32, #tpu.memory_space<vmem>> -> memref<1x128x64xf32, #tpu.memory_space<vmem>>
        %gather3A_1302 = tpu.memref_squeeze %gather3A_1301 : memref<1x128x64xf32, #tpu.memory_space<vmem>> -> memref<128x64xf32, #tpu.memory_space<vmem>>
        %gather3A_1303 = tpu.vector_load_idx %gather3A_1302[%add3A_1297, %add3A_131] : memref<128x64xf32, #tpu.memory_space<vmem>>[vector<16xi32>, vector<16xi32>], vector<16xf32>,
        %add3A_1304 = arith.addf %gather3A_1303, %get3A_542 : vector<16xf32>
        %scatter3A_1305 = arith.constant 0 : i32
        %scatter3A_1306 = arith.constant 0 : i32
        %scatter3A_1307 = arith.constant 0 : i32
        %scatter3A_1308 = tpu.memref_slice %arg8[%scatter3A_1305, %scatter3A_1306, %scatter3A_1307] : memref<2x64x128xf32, #tpu.memory_space<vmem>> -> memref<1x64x128xf32, #tpu.memory_space<vmem>>
        %scatter3A_1309 = tpu.memref_squeeze %scatter3A_1308 : memref<1x64x128xf32, #tpu.memory_space<vmem>> -> memref<64x128xf32, #tpu.memory_space<vmem>>
        tpu.vector_store_idx %scatter3A_1309[%add3A_131, %add3A_1297], %add3A_1304 : memref<64x128xf32, #tpu.memory_space<vmem>>[vector<16xi32>, vector<16xi32>], vector<16xf32>,
        %gather3A_1310 = arith.constant 0 : i32
        %gather3A_1311 = arith.constant 0 : i32
        %gather3A_1312 = arith.constant 0 : i32
        %gather3A_1313 = tpu.memref_slice %arg7[%gather3A_1310, %gather3A_1311, %gather3A_1312] : memref<2x128x64xf32, #tpu.memory_space<vmem>> -> memref<1x128x64xf32, #tpu.memory_space<vmem>>
        %gather3A_1314 = tpu.memref_squeeze %gather3A_1313 : memref<1x128x64xf32, #tpu.memory_space<vmem>> -> memref<128x64xf32, #tpu.memory_space<vmem>>
        %gather3A_1315 = tpu.vector_load_idx %gather3A_1314[%add3A_1297, %add3A_134] : memref<128x64xf32, #tpu.memory_space<vmem>>[vector<16xi32>, vector<16xi32>], vector<16xf32>,
        %add3A_1316 = arith.addf %gather3A_1315, %get3A_545 : vector<16xf32>
        %scatter3A_1317 = arith.constant 0 : i32
        %scatter3A_1318 = arith.constant 0 : i32
        %scatter3A_1319 = arith.constant 0 : i32
        %scatter3A_1320 = tpu.memref_slice %arg8[%scatter3A_1317, %scatter3A_1318, %scatter3A_1319] : memref<2x64x128xf32, #tpu.memory_space<vmem>> -> memref<1x64x128xf32, #tpu.memory_space<vmem>>
        %scatter3A_1321 = tpu.memref_squeeze %scatter3A_1320 : memref<1x64x128xf32, #tpu.memory_space<vmem>> -> memref<64x128xf32, #tpu.memory_space<vmem>>
        tpu.vector_store_idx %scatter3A_1321[%add3A_134, %add3A_1297], %add3A_1316 : memref<64x128xf32, #tpu.memory_space<vmem>>[vector<16xi32>, vector<16xi32>], vector<16xf32>,
        %gather3A_1322 = arith.constant 0 : i32
        %gather3A_1323 = arith.constant 0 : i32
        %gather3A_1324 = arith.constant 0 : i32
        %gather3A_1325 = tpu.memref_slice %arg7[%gather3A_1322, %gather3A_1323, %gather3A_1324] : memref<2x128x64xf32, #tpu.memory_space<vmem>> -> memref<1x128x64xf32, #tpu.memory_space<vmem>>
        %gather3A_1326 = tpu.memref_squeeze %gather3A_1325 : memref<1x128x64xf32, #tpu.memory_space<vmem>> -> memref<128x64xf32, #tpu.memory_space<vmem>>
        %gather3A_1327 = tpu.vector_load_idx %gather3A_1326[%add3A_1297, %add3A_137] : memref<128x64xf32, #tpu.memory_space<vmem>>[vector<16xi32>, vector<16xi32>], vector<16xf32>,
        %add3A_1328 = arith.addf %gather3A_1327, %get3A_548 : vector<16xf32>
        %scatter3A_1329 = arith.constant 0 : i32
        %scatter3A_1330 = arith.constant 0 : i32
        %scatter3A_1331 = arith.constant 0 : i32
        %scatter3A_1332 = tpu.memref_slice %arg8[%scatter3A_1329, %scatter3A_1330, %scatter3A_1331] : memref<2x64x128xf32, #tpu.memory_space<vmem>> -> memref<1x64x128xf32, #tpu.memory_space<vmem>>
        %scatter3A_1333 = tpu.memref_squeeze %scatter3A_1332 : memref<1x64x128xf32, #tpu.memory_space<vmem>> -> memref<64x128xf32, #tpu.memory_space<vmem>>
        tpu.vector_store_idx %scatter3A_1333[%add3A_137, %add3A_1297], %add3A_1328 : memref<64x128xf32, #tpu.memory_space<vmem>>[vector<16xi32>, vector<16xi32>], vector<16xf32>,
        %gather3A_1334 = arith.constant 0 : i32
        %gather3A_1335 = arith.constant 0 : i32
        %gather3A_1336 = arith.constant 0 : i32
        %gather3A_1337 = tpu.memref_slice %arg7[%gather3A_1334, %gather3A_1335, %gather3A_1336] : memref<2x128x64xf32, #tpu.memory_space<vmem>> -> memref<1x128x64xf32, #tpu.memory_space<vmem>>
        %gather3A_1338 = tpu.memref_squeeze %gather3A_1337 : memref<1x128x64xf32, #tpu.memory_space<vmem>> -> memref<128x64xf32, #tpu.memory_space<vmem>>
        %gather3A_1339 = tpu.vector_load_idx %gather3A_1338[%add3A_1297, %add3A_140] : memref<128x64xf32, #tpu.memory_space<vmem>>[vector<16xi32>, vector<16xi32>], vector<16xf32>,
        %add3A_1340 = arith.addf %gather3A_1339, %get3A_551 : vector<16xf32>
        %scatter3A_1341 = arith.constant 0 : i32
        %scatter3A_1342 = arith.constant 0 : i32
        %scatter3A_1343 = arith.constant 0 : i32
        %scatter3A_1344 = tpu.memref_slice %arg8[%scatter3A_1341, %scatter3A_1342, %scatter3A_1343] : memref<2x64x128xf32, #tpu.memory_space<vmem>> -> memref<1x64x128xf32, #tpu.memory_space<vmem>>
        %scatter3A_1345 = tpu.memref_squeeze %scatter3A_1344 : memref<1x64x128xf32, #tpu.memory_space<vmem>> -> memref<64x128xf32, #tpu.memory_space<vmem>>
        tpu.vector_store_idx %scatter3A_1345[%add3A_140, %add3A_1297], %add3A_1340 : memref<64x128xf32, #tpu.memory_space<vmem>>[vector<16xi32>, vector<16xi32>], vector<16xf32>,
        %add3A_1346 = vector.broadcast %mul3A_947 : i32 to vector<16xi32>
        %add3A_1347 = arith.addi %add3A_1346, %and3A_86 : vector<16xi32>
        %gather3A_1348 = arith.constant 0 : i32
        %gather3A_1349 = arith.constant 0 : i32
        %gather3A_1350 = arith.constant 0 : i32
        %gather3A_1351 = tpu.memref_slice %arg7[%gather3A_1348, %gather3A_1349, %gather3A_1350] : memref<2x128x64xf32, #tpu.memory_space<vmem>> -> memref<1x128x64xf32, #tpu.memory_space<vmem>>
        %gather3A_1352 = tpu.memref_squeeze %gather3A_1351 : memref<1x128x64xf32, #tpu.memory_space<vmem>> -> memref<128x64xf32, #tpu.memory_space<vmem>>
        %gather3A_1353 = tpu.vector_load_idx %gather3A_1352[%add3A_1347, %add3A_131] : memref<128x64xf32, #tpu.memory_space<vmem>>[vector<16xi32>, vector<16xi32>], vector<16xf32>,
        %add3A_1354 = arith.addf %gather3A_1353, %get3A_542 : vector<16xf32>
        %scatter3A_1355 = arith.constant 0 : i32
        %scatter3A_1356 = arith.constant 0 : i32
        %scatter3A_1357 = arith.constant 0 : i32
        %scatter3A_1358 = tpu.memref_slice %arg8[%scatter3A_1355, %scatter3A_1356, %scatter3A_1357] : memref<2x64x128xf32, #tpu.memory_space<vmem>> -> memref<1x64x128xf32, #tpu.memory_space<vmem>>
        %scatter3A_1359 = tpu.memref_squeeze %scatter3A_1358 : memref<1x64x128xf32, #tpu.memory_space<vmem>> -> memref<64x128xf32, #tpu.memory_space<vmem>>
        tpu.vector_store_idx %scatter3A_1359[%add3A_131, %add3A_1347], %add3A_1354 : memref<64x128xf32, #tpu.memory_space<vmem>>[vector<16xi32>, vector<16xi32>], vector<16xf32>,
        %gather3A_1360 = arith.constant 0 : i32
        %gather3A_1361 = arith.constant 0 : i32
        %gather3A_1362 = arith.constant 0 : i32
        %gather3A_1363 = tpu.memref_slice %arg7[%gather3A_1360, %gather3A_1361, %gather3A_1362] : memref<2x128x64xf32, #tpu.memory_space<vmem>> -> memref<1x128x64xf32, #tpu.memory_space<vmem>>
        %gather3A_1364 = tpu.memref_squeeze %gather3A_1363 : memref<1x128x64xf32, #tpu.memory_space<vmem>> -> memref<128x64xf32, #tpu.memory_space<vmem>>
        %gather3A_1365 = tpu.vector_load_idx %gather3A_1364[%add3A_1347, %add3A_134] : memref<128x64xf32, #tpu.memory_space<vmem>>[vector<16xi32>, vector<16xi32>], vector<16xf32>,
        %add3A_1366 = arith.addf %gather3A_1365, %get3A_545 : vector<16xf32>
        %scatter3A_1367 = arith.constant 0 : i32
        %scatter3A_1368 = arith.constant 0 : i32
        %scatter3A_1369 = arith.constant 0 : i32
        %scatter3A_1370 = tpu.memref_slice %arg8[%scatter3A_1367, %scatter3A_1368, %scatter3A_1369] : memref<2x64x128xf32, #tpu.memory_space<vmem>> -> memref<1x64x128xf32, #tpu.memory_space<vmem>>
        %scatter3A_1371 = tpu.memref_squeeze %scatter3A_1370 : memref<1x64x128xf32, #tpu.memory_space<vmem>> -> memref<64x128xf32, #tpu.memory_space<vmem>>
        tpu.vector_store_idx %scatter3A_1371[%add3A_134, %add3A_1347], %add3A_1366 : memref<64x128xf32, #tpu.memory_space<vmem>>[vector<16xi32>, vector<16xi32>], vector<16xf32>,
        %gather3A_1372 = arith.constant 0 : i32
        %gather3A_1373 = arith.constant 0 : i32
        %gather3A_1374 = arith.constant 0 : i32
        %gather3A_1375 = tpu.memref_slice %arg7[%gather3A_1372, %gather3A_1373, %gather3A_1374] : memref<2x128x64xf32, #tpu.memory_space<vmem>> -> memref<1x128x64xf32, #tpu.memory_space<vmem>>
        %gather3A_1376 = tpu.memref_squeeze %gather3A_1375 : memref<1x128x64xf32, #tpu.memory_space<vmem>> -> memref<128x64xf32, #tpu.memory_space<vmem>>
        %gather3A_1377 = tpu.vector_load_idx %gather3A_1376[%add3A_1347, %add3A_137] : memref<128x64xf32, #tpu.memory_space<vmem>>[vector<16xi32>, vector<16xi32>], vector<16xf32>,
        %add3A_1378 = arith.addf %gather3A_1377, %get3A_548 : vector<16xf32>
        %scatter3A_1379 = arith.constant 0 : i32
        %scatter3A_1380 = arith.constant 0 : i32
        %scatter3A_1381 = arith.constant 0 : i32
        %scatter3A_1382 = tpu.memref_slice %arg8[%scatter3A_1379, %scatter3A_1380, %scatter3A_1381] : memref<2x64x128xf32, #tpu.memory_space<vmem>> -> memref<1x64x128xf32, #tpu.memory_space<vmem>>
        %scatter3A_1383 = tpu.memref_squeeze %scatter3A_1382 : memref<1x64x128xf32, #tpu.memory_space<vmem>> -> memref<64x128xf32, #tpu.memory_space<vmem>>
        tpu.vector_store_idx %scatter3A_1383[%add3A_137, %add3A_1347], %add3A_1378 : memref<64x128xf32, #tpu.memory_space<vmem>>[vector<16xi32>, vector<16xi32>], vector<16xf32>,
        %gather3A_1384 = arith.constant 0 : i32
        %gather3A_1385 = arith.constant 0 : i32
        %gather3A_1386 = arith.constant 0 : i32
        %gather3A_1387 = tpu.memref_slice %arg7[%gather3A_1384, %gather3A_1385, %gather3A_1386] : memref<2x128x64xf32, #tpu.memory_space<vmem>> -> memref<1x128x64xf32, #tpu.memory_space<vmem>>
        %gather3A_1388 = tpu.memref_squeeze %gather3A_1387 : memref<1x128x64xf32, #tpu.memory_space<vmem>> -> memref<128x64xf32, #tpu.memory_space<vmem>>
        %gather3A_1389 = tpu.vector_load_idx %gather3A_1388[%add3A_1347, %add3A_140] : memref<128x64xf32, #tpu.memory_space<vmem>>[vector<16xi32>, vector<16xi32>], vector<16xf32>,
        %add3A_1390 = arith.addf %gather3A_1389, %get3A_551 : vector<16xf32>
        %scatter3A_1391 = arith.constant 0 : i32
        %scatter3A_1392 = arith.constant 0 : i32
        %scatter3A_1393 = arith.constant 0 : i32
        %scatter3A_1394 = tpu.memref_slice %arg8[%scatter3A_1391, %scatter3A_1392, %scatter3A_1393] : memref<2x64x128xf32, #tpu.memory_space<vmem>> -> memref<1x64x128xf32, #tpu.memory_space<vmem>>
        %scatter3A_1395 = tpu.memref_squeeze %scatter3A_1394 : memref<1x64x128xf32, #tpu.memory_space<vmem>> -> memref<64x128xf32, #tpu.memory_space<vmem>>
        tpu.vector_store_idx %scatter3A_1395[%add3A_140, %add3A_1347], %add3A_1390 : memref<64x128xf32, #tpu.memory_space<vmem>>[vector<16xi32>, vector<16xi32>], vector<16xf32>,
        %add3A_1396 = vector.broadcast %mul3A_947 : i32 to vector<16xi32>
        %add3A_1397 = arith.addi %add3A_1396, %and3A_92 : vector<16xi32>
        %gather3A_1398 = arith.constant 0 : i32
        %gather3A_1399 = arith.constant 0 : i32
        %gather3A_1400 = arith.constant 0 : i32
        %gather3A_1401 = tpu.memref_slice %arg7[%gather3A_1398, %gather3A_1399, %gather3A_1400] : memref<2x128x64xf32, #tpu.memory_space<vmem>> -> memref<1x128x64xf32, #tpu.memory_space<vmem>>
        %gather3A_1402 = tpu.memref_squeeze %gather3A_1401 : memref<1x128x64xf32, #tpu.memory_space<vmem>> -> memref<128x64xf32, #tpu.memory_space<vmem>>
        %gather3A_1403 = tpu.vector_load_idx %gather3A_1402[%add3A_1397, %add3A_131] : memref<128x64xf32, #tpu.memory_space<vmem>>[vector<16xi32>, vector<16xi32>], vector<16xf32>,
        %add3A_1404 = arith.addf %gather3A_1403, %get3A_542 : vector<16xf32>
        %scatter3A_1405 = arith.constant 0 : i32
        %scatter3A_1406 = arith.constant 0 : i32
        %scatter3A_1407 = arith.constant 0 : i32
        %scatter3A_1408 = tpu.memref_slice %arg8[%scatter3A_1405, %scatter3A_1406, %scatter3A_1407] : memref<2x64x128xf32, #tpu.memory_space<vmem>> -> memref<1x64x128xf32, #tpu.memory_space<vmem>>
        %scatter3A_1409 = tpu.memref_squeeze %scatter3A_1408 : memref<1x64x128xf32, #tpu.memory_space<vmem>> -> memref<64x128xf32, #tpu.memory_space<vmem>>
        tpu.vector_store_idx %scatter3A_1409[%add3A_131, %add3A_1397], %add3A_1404 : memref<64x128xf32, #tpu.memory_space<vmem>>[vector<16xi32>, vector<16xi32>], vector<16xf32>,
        %gather3A_1410 = arith.constant 0 : i32
        %gather3A_1411 = arith.constant 0 : i32
        %gather3A_1412 = arith.constant 0 : i32
        %gather3A_1413 = tpu.memref_slice %arg7[%gather3A_1410, %gather3A_1411, %gather3A_1412] : memref<2x128x64xf32, #tpu.memory_space<vmem>> -> memref<1x128x64xf32, #tpu.memory_space<vmem>>
        %gather3A_1414 = tpu.memref_squeeze %gather3A_1413 : memref<1x128x64xf32, #tpu.memory_space<vmem>> -> memref<128x64xf32, #tpu.memory_space<vmem>>
        %gather3A_1415 = tpu.vector_load_idx %gather3A_1414[%add3A_1397, %add3A_134] : memref<128x64xf32, #tpu.memory_space<vmem>>[vector<16xi32>, vector<16xi32>], vector<16xf32>,
        %add3A_1416 = arith.addf %gather3A_1415, %get3A_545 : vector<16xf32>
        %scatter3A_1417 = arith.constant 0 : i32
        %scatter3A_1418 = arith.constant 0 : i32
        %scatter3A_1419 = arith.constant 0 : i32
        %scatter3A_1420 = tpu.memref_slice %arg8[%scatter3A_1417, %scatter3A_1418, %scatter3A_1419] : memref<2x64x128xf32, #tpu.memory_space<vmem>> -> memref<1x64x128xf32, #tpu.memory_space<vmem>>
        %scatter3A_1421 = tpu.memref_squeeze %scatter3A_1420 : memref<1x64x128xf32, #tpu.memory_space<vmem>> -> memref<64x128xf32, #tpu.memory_space<vmem>>
        tpu.vector_store_idx %scatter3A_1421[%add3A_134, %add3A_1397], %add3A_1416 : memref<64x128xf32, #tpu.memory_space<vmem>>[vector<16xi32>, vector<16xi32>], vector<16xf32>,
        %gather3A_1422 = arith.constant 0 : i32
        %gather3A_1423 = arith.constant 0 : i32
        %gather3A_1424 = arith.constant 0 : i32
        %gather3A_1425 = tpu.memref_slice %arg7[%gather3A_1422, %gather3A_1423, %gather3A_1424] : memref<2x128x64xf32, #tpu.memory_space<vmem>> -> memref<1x128x64xf32, #tpu.memory_space<vmem>>
        %gather3A_1426 = tpu.memref_squeeze %gather3A_1425 : memref<1x128x64xf32, #tpu.memory_space<vmem>> -> memref<128x64xf32, #tpu.memory_space<vmem>>
        %gather3A_1427 = tpu.vector_load_idx %gather3A_1426[%add3A_1397, %add3A_137] : memref<128x64xf32, #tpu.memory_space<vmem>>[vector<16xi32>, vector<16xi32>], vector<16xf32>,
        %add3A_1428 = arith.addf %gather3A_1427, %get3A_548 : vector<16xf32>
        %scatter3A_1429 = arith.constant 0 : i32
        %scatter3A_1430 = arith.constant 0 : i32
        %scatter3A_1431 = arith.constant 0 : i32
        %scatter3A_1432 = tpu.memref_slice %arg8[%scatter3A_1429, %scatter3A_1430, %scatter3A_1431] : memref<2x64x128xf32, #tpu.memory_space<vmem>> -> memref<1x64x128xf32, #tpu.memory_space<vmem>>
        %scatter3A_1433 = tpu.memref_squeeze %scatter3A_1432 : memref<1x64x128xf32, #tpu.memory_space<vmem>> -> memref<64x128xf32, #tpu.memory_space<vmem>>
        tpu.vector_store_idx %scatter3A_1433[%add3A_137, %add3A_1397], %add3A_1428 : memref<64x128xf32, #tpu.memory_space<vmem>>[vector<16xi32>, vector<16xi32>], vector<16xf32>,
        %gather3A_1434 = arith.constant 0 : i32
        %gather3A_1435 = arith.constant 0 : i32
        %gather3A_1436 = arith.constant 0 : i32
        %gather3A_1437 = tpu.memref_slice %arg7[%gather3A_1434, %gather3A_1435, %gather3A_1436] : memref<2x128x64xf32, #tpu.memory_space<vmem>> -> memref<1x128x64xf32, #tpu.memory_space<vmem>>
        %gather3A_1438 = tpu.memref_squeeze %gather3A_1437 : memref<1x128x64xf32, #tpu.memory_space<vmem>> -> memref<128x64xf32, #tpu.memory_space<vmem>>
        %gather3A_1439 = tpu.vector_load_idx %gather3A_1438[%add3A_1397, %add3A_140] : memref<128x64xf32, #tpu.memory_space<vmem>>[vector<16xi32>, vector<16xi32>], vector<16xf32>,
        %add3A_1440 = arith.addf %gather3A_1439, %get3A_551 : vector<16xf32>
        %scatter3A_1441 = arith.constant 0 : i32
        %scatter3A_1442 = arith.constant 0 : i32
        %scatter3A_1443 = arith.constant 0 : i32
        %scatter3A_1444 = tpu.memref_slice %arg8[%scatter3A_1441, %scatter3A_1442, %scatter3A_1443] : memref<2x64x128xf32, #tpu.memory_space<vmem>> -> memref<1x64x128xf32, #tpu.memory_space<vmem>>
        %scatter3A_1445 = tpu.memref_squeeze %scatter3A_1444 : memref<1x64x128xf32, #tpu.memory_space<vmem>> -> memref<64x128xf32, #tpu.memory_space<vmem>>
        tpu.vector_store_idx %scatter3A_1445[%add3A_140, %add3A_1397], %add3A_1440 : memref<64x128xf32, #tpu.memory_space<vmem>>[vector<16xi32>, vector<16xi32>], vector<16xf32>,
        %add3A_1446 = vector.broadcast %mul3A_947 : i32 to vector<16xi32>
        %add3A_1447 = arith.addi %add3A_1446, %and3A_98 : vector<16xi32>
        %gather3A_1448 = arith.constant 0 : i32
        %gather3A_1449 = arith.constant 0 : i32
        %gather3A_1450 = arith.constant 0 : i32
        %gather3A_1451 = tpu.memref_slice %arg7[%gather3A_1448, %gather3A_1449, %gather3A_1450] : memref<2x128x64xf32, #tpu.memory_space<vmem>> -> memref<1x128x64xf32, #tpu.memory_space<vmem>>
        %gather3A_1452 = tpu.memref_squeeze %gather3A_1451 : memref<1x128x64xf32, #tpu.memory_space<vmem>> -> memref<128x64xf32, #tpu.memory_space<vmem>>
        %gather3A_1453 = tpu.vector_load_idx %gather3A_1452[%add3A_1447, %add3A_131] : memref<128x64xf32, #tpu.memory_space<vmem>>[vector<16xi32>, vector<16xi32>], vector<16xf32>,
        %add3A_1454 = arith.addf %gather3A_1453, %get3A_542 : vector<16xf32>
        %scatter3A_1455 = arith.constant 0 : i32
        %scatter3A_1456 = arith.constant 0 : i32
        %scatter3A_1457 = arith.constant 0 : i32
        %scatter3A_1458 = tpu.memref_slice %arg8[%scatter3A_1455, %scatter3A_1456, %scatter3A_1457] : memref<2x64x128xf32, #tpu.memory_space<vmem>> -> memref<1x64x128xf32, #tpu.memory_space<vmem>>
        %scatter3A_1459 = tpu.memref_squeeze %scatter3A_1458 : memref<1x64x128xf32, #tpu.memory_space<vmem>> -> memref<64x128xf32, #tpu.memory_space<vmem>>
        tpu.vector_store_idx %scatter3A_1459[%add3A_131, %add3A_1447], %add3A_1454 : memref<64x128xf32, #tpu.memory_space<vmem>>[vector<16xi32>, vector<16xi32>], vector<16xf32>,
        %gather3A_1460 = arith.constant 0 : i32
        %gather3A_1461 = arith.constant 0 : i32
        %gather3A_1462 = arith.constant 0 : i32
        %gather3A_1463 = tpu.memref_slice %arg7[%gather3A_1460, %gather3A_1461, %gather3A_1462] : memref<2x128x64xf32, #tpu.memory_space<vmem>> -> memref<1x128x64xf32, #tpu.memory_space<vmem>>
        %gather3A_1464 = tpu.memref_squeeze %gather3A_1463 : memref<1x128x64xf32, #tpu.memory_space<vmem>> -> memref<128x64xf32, #tpu.memory_space<vmem>>
        %gather3A_1465 = tpu.vector_load_idx %gather3A_1464[%add3A_1447, %add3A_134] : memref<128x64xf32, #tpu.memory_space<vmem>>[vector<16xi32>, vector<16xi32>], vector<16xf32>,
        %add3A_1466 = arith.addf %gather3A_1465, %get3A_545 : vector<16xf32>
        %scatter3A_1467 = arith.constant 0 : i32
        %scatter3A_1468 = arith.constant 0 : i32
        %scatter3A_1469 = arith.constant 0 : i32
        %scatter3A_1470 = tpu.memref_slice %arg8[%scatter3A_1467, %scatter3A_1468, %scatter3A_1469] : memref<2x64x128xf32, #tpu.memory_space<vmem>> -> memref<1x64x128xf32, #tpu.memory_space<vmem>>
        %scatter3A_1471 = tpu.memref_squeeze %scatter3A_1470 : memref<1x64x128xf32, #tpu.memory_space<vmem>> -> memref<64x128xf32, #tpu.memory_space<vmem>>
        tpu.vector_store_idx %scatter3A_1471[%add3A_134, %add3A_1447], %add3A_1466 : memref<64x128xf32, #tpu.memory_space<vmem>>[vector<16xi32>, vector<16xi32>], vector<16xf32>,
        %gather3A_1472 = arith.constant 0 : i32
        %gather3A_1473 = arith.constant 0 : i32
        %gather3A_1474 = arith.constant 0 : i32
        %gather3A_1475 = tpu.memref_slice %arg7[%gather3A_1472, %gather3A_1473, %gather3A_1474] : memref<2x128x64xf32, #tpu.memory_space<vmem>> -> memref<1x128x64xf32, #tpu.memory_space<vmem>>
        %gather3A_1476 = tpu.memref_squeeze %gather3A_1475 : memref<1x128x64xf32, #tpu.memory_space<vmem>> -> memref<128x64xf32, #tpu.memory_space<vmem>>
        %gather3A_1477 = tpu.vector_load_idx %gather3A_1476[%add3A_1447, %add3A_137] : memref<128x64xf32, #tpu.memory_space<vmem>>[vector<16xi32>, vector<16xi32>], vector<16xf32>,
        %add3A_1478 = arith.addf %gather3A_1477, %get3A_548 : vector<16xf32>
        %scatter3A_1479 = arith.constant 0 : i32
        %scatter3A_1480 = arith.constant 0 : i32
        %scatter3A_1481 = arith.constant 0 : i32
        %scatter3A_1482 = tpu.memref_slice %arg8[%scatter3A_1479, %scatter3A_1480, %scatter3A_1481] : memref<2x64x128xf32, #tpu.memory_space<vmem>> -> memref<1x64x128xf32, #tpu.memory_space<vmem>>
        %scatter3A_1483 = tpu.memref_squeeze %scatter3A_1482 : memref<1x64x128xf32, #tpu.memory_space<vmem>> -> memref<64x128xf32, #tpu.memory_space<vmem>>
        tpu.vector_store_idx %scatter3A_1483[%add3A_137, %add3A_1447], %add3A_1478 : memref<64x128xf32, #tpu.memory_space<vmem>>[vector<16xi32>, vector<16xi32>], vector<16xf32>,
        %gather3A_1484 = arith.constant 0 : i32
        %gather3A_1485 = arith.constant 0 : i32
        %gather3A_1486 = arith.constant 0 : i32
        %gather3A_1487 = tpu.memref_slice %arg7[%gather3A_1484, %gather3A_1485, %gather3A_1486] : memref<2x128x64xf32, #tpu.memory_space<vmem>> -> memref<1x128x64xf32, #tpu.memory_space<vmem>>
        %gather3A_1488 = tpu.memref_squeeze %gather3A_1487 : memref<1x128x64xf32, #tpu.memory_space<vmem>> -> memref<128x64xf32, #tpu.memory_space<vmem>>
        %gather3A_1489 = tpu.vector_load_idx %gather3A_1488[%add3A_1447, %add3A_140] : memref<128x64xf32, #tpu.memory_space<vmem>>[vector<16xi32>, vector<16xi32>], vector<16xf32>,
        %add3A_1490 = arith.addf %gather3A_1489, %get3A_551 : vector<16xf32>
        %scatter3A_1491 = arith.constant 0 : i32
        %scatter3A_1492 = arith.constant 0 : i32
        %scatter3A_1493 = arith.constant 0 : i32
        %scatter3A_1494 = tpu.memref_slice %arg8[%scatter3A_1491, %scatter3A_1492, %scatter3A_1493] : memref<2x64x128xf32, #tpu.memory_space<vmem>> -> memref<1x64x128xf32, #tpu.memory_space<vmem>>
        %scatter3A_1495 = tpu.memref_squeeze %scatter3A_1494 : memref<1x64x128xf32, #tpu.memory_space<vmem>> -> memref<64x128xf32, #tpu.memory_space<vmem>>
        tpu.vector_store_idx %scatter3A_1495[%add3A_140, %add3A_1447], %add3A_1490 : memref<64x128xf32, #tpu.memory_space<vmem>>[vector<16xi32>, vector<16xi32>], vector<16xf32>,
        %add3A_1496 = vector.broadcast %mul3A_947 : i32 to vector<16xi32>
        %add3A_1497 = arith.addi %add3A_1496, %and3A_104 : vector<16xi32>
        %gather3A_1498 = arith.constant 0 : i32
        %gather3A_1499 = arith.constant 0 : i32
        %gather3A_1500 = arith.constant 0 : i32
        %gather3A_1501 = tpu.memref_slice %arg7[%gather3A_1498, %gather3A_1499, %gather3A_1500] : memref<2x128x64xf32, #tpu.memory_space<vmem>> -> memref<1x128x64xf32, #tpu.memory_space<vmem>>
        %gather3A_1502 = tpu.memref_squeeze %gather3A_1501 : memref<1x128x64xf32, #tpu.memory_space<vmem>> -> memref<128x64xf32, #tpu.memory_space<vmem>>
        %gather3A_1503 = tpu.vector_load_idx %gather3A_1502[%add3A_1497, %add3A_131] : memref<128x64xf32, #tpu.memory_space<vmem>>[vector<16xi32>, vector<16xi32>], vector<16xf32>,
        %add3A_1504 = arith.addf %gather3A_1503, %get3A_542 : vector<16xf32>
        %scatter3A_1505 = arith.constant 0 : i32
        %scatter3A_1506 = arith.constant 0 : i32
        %scatter3A_1507 = arith.constant 0 : i32
        %scatter3A_1508 = tpu.memref_slice %arg8[%scatter3A_1505, %scatter3A_1506, %scatter3A_1507] : memref<2x64x128xf32, #tpu.memory_space<vmem>> -> memref<1x64x128xf32, #tpu.memory_space<vmem>>
        %scatter3A_1509 = tpu.memref_squeeze %scatter3A_1508 : memref<1x64x128xf32, #tpu.memory_space<vmem>> -> memref<64x128xf32, #tpu.memory_space<vmem>>
        tpu.vector_store_idx %scatter3A_1509[%add3A_131, %add3A_1497], %add3A_1504 : memref<64x128xf32, #tpu.memory_space<vmem>>[vector<16xi32>, vector<16xi32>], vector<16xf32>,
        %gather3A_1510 = arith.constant 0 : i32
        %gather3A_1511 = arith.constant 0 : i32
        %gather3A_1512 = arith.constant 0 : i32
        %gather3A_1513 = tpu.memref_slice %arg7[%gather3A_1510, %gather3A_1511, %gather3A_1512] : memref<2x128x64xf32, #tpu.memory_space<vmem>> -> memref<1x128x64xf32, #tpu.memory_space<vmem>>
        %gather3A_1514 = tpu.memref_squeeze %gather3A_1513 : memref<1x128x64xf32, #tpu.memory_space<vmem>> -> memref<128x64xf32, #tpu.memory_space<vmem>>
        %gather3A_1515 = tpu.vector_load_idx %gather3A_1514[%add3A_1497, %add3A_134] : memref<128x64xf32, #tpu.memory_space<vmem>>[vector<16xi32>, vector<16xi32>], vector<16xf32>,
        %add3A_1516 = arith.addf %gather3A_1515, %get3A_545 : vector<16xf32>
        %scatter3A_1517 = arith.constant 0 : i32
        %scatter3A_1518 = arith.constant 0 : i32
        %scatter3A_1519 = arith.constant 0 : i32
        %scatter3A_1520 = tpu.memref_slice %arg8[%scatter3A_1517, %scatter3A_1518, %scatter3A_1519] : memref<2x64x128xf32, #tpu.memory_space<vmem>> -> memref<1x64x128xf32, #tpu.memory_space<vmem>>
        %scatter3A_1521 = tpu.memref_squeeze %scatter3A_1520 : memref<1x64x128xf32, #tpu.memory_space<vmem>> -> memref<64x128xf32, #tpu.memory_space<vmem>>
        tpu.vector_store_idx %scatter3A_1521[%add3A_134, %add3A_1497], %add3A_1516 : memref<64x128xf32, #tpu.memory_space<vmem>>[vector<16xi32>, vector<16xi32>], vector<16xf32>,
        %gather3A_1522 = arith.constant 0 : i32
        %gather3A_1523 = arith.constant 0 : i32
        %gather3A_1524 = arith.constant 0 : i32
        %gather3A_1525 = tpu.memref_slice %arg7[%gather3A_1522, %gather3A_1523, %gather3A_1524] : memref<2x128x64xf32, #tpu.memory_space<vmem>> -> memref<1x128x64xf32, #tpu.memory_space<vmem>>
        %gather3A_1526 = tpu.memref_squeeze %gather3A_1525 : memref<1x128x64xf32, #tpu.memory_space<vmem>> -> memref<128x64xf32, #tpu.memory_space<vmem>>
        %gather3A_1527 = tpu.vector_load_idx %gather3A_1526[%add3A_1497, %add3A_137] : memref<128x64xf32, #tpu.memory_space<vmem>>[vector<16xi32>, vector<16xi32>], vector<16xf32>,
        %add3A_1528 = arith.addf %gather3A_1527, %get3A_548 : vector<16xf32>
        %scatter3A_1529 = arith.constant 0 : i32
        %scatter3A_1530 = arith.constant 0 : i32
        %scatter3A_1531 = arith.constant 0 : i32
        %scatter3A_1532 = tpu.memref_slice %arg8[%scatter3A_1529, %scatter3A_1530, %scatter3A_1531] : memref<2x64x128xf32, #tpu.memory_space<vmem>> -> memref<1x64x128xf32, #tpu.memory_space<vmem>>
        %scatter3A_1533 = tpu.memref_squeeze %scatter3A_1532 : memref<1x64x128xf32, #tpu.memory_space<vmem>> -> memref<64x128xf32, #tpu.memory_space<vmem>>
        tpu.vector_store_idx %scatter3A_1533[%add3A_137, %add3A_1497], %add3A_1528 : memref<64x128xf32, #tpu.memory_space<vmem>>[vector<16xi32>, vector<16xi32>], vector<16xf32>,
        %gather3A_1534 = arith.constant 0 : i32
        %gather3A_1535 = arith.constant 0 : i32
        %gather3A_1536 = arith.constant 0 : i32
        %gather3A_1537 = tpu.memref_slice %arg7[%gather3A_1534, %gather3A_1535, %gather3A_1536] : memref<2x128x64xf32, #tpu.memory_space<vmem>> -> memref<1x128x64xf32, #tpu.memory_space<vmem>>
        %gather3A_1538 = tpu.memref_squeeze %gather3A_1537 : memref<1x128x64xf32, #tpu.memory_space<vmem>> -> memref<128x64xf32, #tpu.memory_space<vmem>>
        %gather3A_1539 = tpu.vector_load_idx %gather3A_1538[%add3A_1497, %add3A_140] : memref<128x64xf32, #tpu.memory_space<vmem>>[vector<16xi32>, vector<16xi32>], vector<16xf32>,
        %add3A_1540 = arith.addf %gather3A_1539, %get3A_551 : vector<16xf32>
        %scatter3A_1541 = arith.constant 0 : i32
        %scatter3A_1542 = arith.constant 0 : i32
        %scatter3A_1543 = arith.constant 0 : i32
        %scatter3A_1544 = tpu.memref_slice %arg8[%scatter3A_1541, %scatter3A_1542, %scatter3A_1543] : memref<2x64x128xf32, #tpu.memory_space<vmem>> -> memref<1x64x128xf32, #tpu.memory_space<vmem>>
        %scatter3A_1545 = tpu.memref_squeeze %scatter3A_1544 : memref<1x64x128xf32, #tpu.memory_space<vmem>> -> memref<64x128xf32, #tpu.memory_space<vmem>>
        tpu.vector_store_idx %scatter3A_1545[%add3A_140, %add3A_1497], %add3A_1540 : memref<64x128xf32, #tpu.memory_space<vmem>>[vector<16xi32>, vector<16xi32>], vector<16xf32>,
        %add3A_1546 = vector.broadcast %mul3A_947 : i32 to vector<16xi32>
        %add3A_1547 = arith.addi %add3A_1546, %and3A_110 : vector<16xi32>
        %gather3A_1548 = arith.constant 0 : i32
        %gather3A_1549 = arith.constant 0 : i32
        %gather3A_1550 = arith.constant 0 : i32
        %gather3A_1551 = tpu.memref_slice %arg7[%gather3A_1548, %gather3A_1549, %gather3A_1550] : memref<2x128x64xf32, #tpu.memory_space<vmem>> -> memref<1x128x64xf32, #tpu.memory_space<vmem>>
        %gather3A_1552 = tpu.memref_squeeze %gather3A_1551 : memref<1x128x64xf32, #tpu.memory_space<vmem>> -> memref<128x64xf32, #tpu.memory_space<vmem>>
        %gather3A_1553 = tpu.vector_load_idx %gather3A_1552[%add3A_1547, %add3A_131] : memref<128x64xf32, #tpu.memory_space<vmem>>[vector<16xi32>, vector<16xi32>], vector<16xf32>,
        %add3A_1554 = arith.addf %gather3A_1553, %get3A_542 : vector<16xf32>
        %scatter3A_1555 = arith.constant 0 : i32
        %scatter3A_1556 = arith.constant 0 : i32
        %scatter3A_1557 = arith.constant 0 : i32
        %scatter3A_1558 = tpu.memref_slice %arg8[%scatter3A_1555, %scatter3A_1556, %scatter3A_1557] : memref<2x64x128xf32, #tpu.memory_space<vmem>> -> memref<1x64x128xf32, #tpu.memory_space<vmem>>
        %scatter3A_1559 = tpu.memref_squeeze %scatter3A_1558 : memref<1x64x128xf32, #tpu.memory_space<vmem>> -> memref<64x128xf32, #tpu.memory_space<vmem>>
        tpu.vector_store_idx %scatter3A_1559[%add3A_131, %add3A_1547], %add3A_1554 : memref<64x128xf32, #tpu.memory_space<vmem>>[vector<16xi32>, vector<16xi32>], vector<16xf32>,
        %gather3A_1560 = arith.constant 0 : i32
        %gather3A_1561 = arith.constant 0 : i32
        %gather3A_1562 = arith.constant 0 : i32
        %gather3A_1563 = tpu.memref_slice %arg7[%gather3A_1560, %gather3A_1561, %gather3A_1562] : memref<2x128x64xf32, #tpu.memory_space<vmem>> -> memref<1x128x64xf32, #tpu.memory_space<vmem>>
        %gather3A_1564 = tpu.memref_squeeze %gather3A_1563 : memref<1x128x64xf32, #tpu.memory_space<vmem>> -> memref<128x64xf32, #tpu.memory_space<vmem>>
        %gather3A_1565 = tpu.vector_load_idx %gather3A_1564[%add3A_1547, %add3A_134] : memref<128x64xf32, #tpu.memory_space<vmem>>[vector<16xi32>, vector<16xi32>], vector<16xf32>,
        %add3A_1566 = arith.addf %gather3A_1565, %get3A_545 : vector<16xf32>
        %scatter3A_1567 = arith.constant 0 : i32
        %scatter3A_1568 = arith.constant 0 : i32
        %scatter3A_1569 = arith.constant 0 : i32
        %scatter3A_1570 = tpu.memref_slice %arg8[%scatter3A_1567, %scatter3A_1568, %scatter3A_1569] : memref<2x64x128xf32, #tpu.memory_space<vmem>> -> memref<1x64x128xf32, #tpu.memory_space<vmem>>
        %scatter3A_1571 = tpu.memref_squeeze %scatter3A_1570 : memref<1x64x128xf32, #tpu.memory_space<vmem>> -> memref<64x128xf32, #tpu.memory_space<vmem>>
        tpu.vector_store_idx %scatter3A_1571[%add3A_134, %add3A_1547], %add3A_1566 : memref<64x128xf32, #tpu.memory_space<vmem>>[vector<16xi32>, vector<16xi32>], vector<16xf32>,
        %gather3A_1572 = arith.constant 0 : i32
        %gather3A_1573 = arith.constant 0 : i32
        %gather3A_1574 = arith.constant 0 : i32
        %gather3A_1575 = tpu.memref_slice %arg7[%gather3A_1572, %gather3A_1573, %gather3A_1574] : memref<2x128x64xf32, #tpu.memory_space<vmem>> -> memref<1x128x64xf32, #tpu.memory_space<vmem>>
        %gather3A_1576 = tpu.memref_squeeze %gather3A_1575 : memref<1x128x64xf32, #tpu.memory_space<vmem>> -> memref<128x64xf32, #tpu.memory_space<vmem>>
        %gather3A_1577 = tpu.vector_load_idx %gather3A_1576[%add3A_1547, %add3A_137] : memref<128x64xf32, #tpu.memory_space<vmem>>[vector<16xi32>, vector<16xi32>], vector<16xf32>,
        %add3A_1578 = arith.addf %gather3A_1577, %get3A_548 : vector<16xf32>
        %scatter3A_1579 = arith.constant 0 : i32
        %scatter3A_1580 = arith.constant 0 : i32
        %scatter3A_1581 = arith.constant 0 : i32
        %scatter3A_1582 = tpu.memref_slice %arg8[%scatter3A_1579, %scatter3A_1580, %scatter3A_1581] : memref<2x64x128xf32, #tpu.memory_space<vmem>> -> memref<1x64x128xf32, #tpu.memory_space<vmem>>
        %scatter3A_1583 = tpu.memref_squeeze %scatter3A_1582 : memref<1x64x128xf32, #tpu.memory_space<vmem>> -> memref<64x128xf32, #tpu.memory_space<vmem>>
        tpu.vector_store_idx %scatter3A_1583[%add3A_137, %add3A_1547], %add3A_1578 : memref<64x128xf32, #tpu.memory_space<vmem>>[vector<16xi32>, vector<16xi32>], vector<16xf32>,
        %gather3A_1584 = arith.constant 0 : i32
        %gather3A_1585 = arith.constant 0 : i32
        %gather3A_1586 = arith.constant 0 : i32
        %gather3A_1587 = tpu.memref_slice %arg7[%gather3A_1584, %gather3A_1585, %gather3A_1586] : memref<2x128x64xf32, #tpu.memory_space<vmem>> -> memref<1x128x64xf32, #tpu.memory_space<vmem>>
        %gather3A_1588 = tpu.memref_squeeze %gather3A_1587 : memref<1x128x64xf32, #tpu.memory_space<vmem>> -> memref<128x64xf32, #tpu.memory_space<vmem>>
        %gather3A_1589 = tpu.vector_load_idx %gather3A_1588[%add3A_1547, %add3A_140] : memref<128x64xf32, #tpu.memory_space<vmem>>[vector<16xi32>, vector<16xi32>], vector<16xf32>,
        %add3A_1590 = arith.addf %gather3A_1589, %get3A_551 : vector<16xf32>
        %scatter3A_1591 = arith.constant 0 : i32
        %scatter3A_1592 = arith.constant 0 : i32
        %scatter3A_1593 = arith.constant 0 : i32
        %scatter3A_1594 = tpu.memref_slice %arg8[%scatter3A_1591, %scatter3A_1592, %scatter3A_1593] : memref<2x64x128xf32, #tpu.memory_space<vmem>> -> memref<1x64x128xf32, #tpu.memory_space<vmem>>
        %scatter3A_1595 = tpu.memref_squeeze %scatter3A_1594 : memref<1x64x128xf32, #tpu.memory_space<vmem>> -> memref<64x128xf32, #tpu.memory_space<vmem>>
        tpu.vector_store_idx %scatter3A_1595[%add3A_140, %add3A_1547], %add3A_1590 : memref<64x128xf32, #tpu.memory_space<vmem>>[vector<16xi32>, vector<16xi32>], vector<16xf32>,
        %add3A_1596 = vector.broadcast %mul3A_947 : i32 to vector<16xi32>
        %add3A_1597 = arith.addi %add3A_1596, %and3A_116 : vector<16xi32>
        %gather3A_1598 = arith.constant 0 : i32
        %gather3A_1599 = arith.constant 0 : i32
        %gather3A_1600 = arith.constant 0 : i32
        %gather3A_1601 = tpu.memref_slice %arg7[%gather3A_1598, %gather3A_1599, %gather3A_1600] : memref<2x128x64xf32, #tpu.memory_space<vmem>> -> memref<1x128x64xf32, #tpu.memory_space<vmem>>
        %gather3A_1602 = tpu.memref_squeeze %gather3A_1601 : memref<1x128x64xf32, #tpu.memory_space<vmem>> -> memref<128x64xf32, #tpu.memory_space<vmem>>
        %gather3A_1603 = tpu.vector_load_idx %gather3A_1602[%add3A_1597, %add3A_131] : memref<128x64xf32, #tpu.memory_space<vmem>>[vector<16xi32>, vector<16xi32>], vector<16xf32>,
        %add3A_1604 = arith.addf %gather3A_1603, %get3A_542 : vector<16xf32>
        %scatter3A_1605 = arith.constant 0 : i32
        %scatter3A_1606 = arith.constant 0 : i32
        %scatter3A_1607 = arith.constant 0 : i32
        %scatter3A_1608 = tpu.memref_slice %arg8[%scatter3A_1605, %scatter3A_1606, %scatter3A_1607] : memref<2x64x128xf32, #tpu.memory_space<vmem>> -> memref<1x64x128xf32, #tpu.memory_space<vmem>>
        %scatter3A_1609 = tpu.memref_squeeze %scatter3A_1608 : memref<1x64x128xf32, #tpu.memory_space<vmem>> -> memref<64x128xf32, #tpu.memory_space<vmem>>
        tpu.vector_store_idx %scatter3A_1609[%add3A_131, %add3A_1597], %add3A_1604 : memref<64x128xf32, #tpu.memory_space<vmem>>[vector<16xi32>, vector<16xi32>], vector<16xf32>,
        %gather3A_1610 = arith.constant 0 : i32
        %gather3A_1611 = arith.constant 0 : i32
        %gather3A_1612 = arith.constant 0 : i32
        %gather3A_1613 = tpu.memref_slice %arg7[%gather3A_1610, %gather3A_1611, %gather3A_1612] : memref<2x128x64xf32, #tpu.memory_space<vmem>> -> memref<1x128x64xf32, #tpu.memory_space<vmem>>
        %gather3A_1614 = tpu.memref_squeeze %gather3A_1613 : memref<1x128x64xf32, #tpu.memory_space<vmem>> -> memref<128x64xf32, #tpu.memory_space<vmem>>
        %gather3A_1615 = tpu.vector_load_idx %gather3A_1614[%add3A_1597, %add3A_134] : memref<128x64xf32, #tpu.memory_space<vmem>>[vector<16xi32>, vector<16xi32>], vector<16xf32>,
        %add3A_1616 = arith.addf %gather3A_1615, %get3A_545 : vector<16xf32>
        %scatter3A_1617 = arith.constant 0 : i32
        %scatter3A_1618 = arith.constant 0 : i32
        %scatter3A_1619 = arith.constant 0 : i32
        %scatter3A_1620 = tpu.memref_slice %arg8[%scatter3A_1617, %scatter3A_1618, %scatter3A_1619] : memref<2x64x128xf32, #tpu.memory_space<vmem>> -> memref<1x64x128xf32, #tpu.memory_space<vmem>>
        %scatter3A_1621 = tpu.memref_squeeze %scatter3A_1620 : memref<1x64x128xf32, #tpu.memory_space<vmem>> -> memref<64x128xf32, #tpu.memory_space<vmem>>
        tpu.vector_store_idx %scatter3A_1621[%add3A_134, %add3A_1597], %add3A_1616 : memref<64x128xf32, #tpu.memory_space<vmem>>[vector<16xi32>, vector<16xi32>], vector<16xf32>,
        %gather3A_1622 = arith.constant 0 : i32
        %gather3A_1623 = arith.constant 0 : i32
        %gather3A_1624 = arith.constant 0 : i32
        %gather3A_1625 = tpu.memref_slice %arg7[%gather3A_1622, %gather3A_1623, %gather3A_1624] : memref<2x128x64xf32, #tpu.memory_space<vmem>> -> memref<1x128x64xf32, #tpu.memory_space<vmem>>
        %gather3A_1626 = tpu.memref_squeeze %gather3A_1625 : memref<1x128x64xf32, #tpu.memory_space<vmem>> -> memref<128x64xf32, #tpu.memory_space<vmem>>
        %gather3A_1627 = tpu.vector_load_idx %gather3A_1626[%add3A_1597, %add3A_137] : memref<128x64xf32, #tpu.memory_space<vmem>>[vector<16xi32>, vector<16xi32>], vector<16xf32>,
        %add3A_1628 = arith.addf %gather3A_1627, %get3A_548 : vector<16xf32>
        %scatter3A_1629 = arith.constant 0 : i32
        %scatter3A_1630 = arith.constant 0 : i32
        %scatter3A_1631 = arith.constant 0 : i32
        %scatter3A_1632 = tpu.memref_slice %arg8[%scatter3A_1629, %scatter3A_1630, %scatter3A_1631] : memref<2x64x128xf32, #tpu.memory_space<vmem>> -> memref<1x64x128xf32, #tpu.memory_space<vmem>>
        %scatter3A_1633 = tpu.memref_squeeze %scatter3A_1632 : memref<1x64x128xf32, #tpu.memory_space<vmem>> -> memref<64x128xf32, #tpu.memory_space<vmem>>
        tpu.vector_store_idx %scatter3A_1633[%add3A_137, %add3A_1597], %add3A_1628 : memref<64x128xf32, #tpu.memory_space<vmem>>[vector<16xi32>, vector<16xi32>], vector<16xf32>,
        %gather3A_1634 = arith.constant 0 : i32
        %gather3A_1635 = arith.constant 0 : i32
        %gather3A_1636 = arith.constant 0 : i32
        %gather3A_1637 = tpu.memref_slice %arg7[%gather3A_1634, %gather3A_1635, %gather3A_1636] : memref<2x128x64xf32, #tpu.memory_space<vmem>> -> memref<1x128x64xf32, #tpu.memory_space<vmem>>
        %gather3A_1638 = tpu.memref_squeeze %gather3A_1637 : memref<1x128x64xf32, #tpu.memory_space<vmem>> -> memref<128x64xf32, #tpu.memory_space<vmem>>
        %gather3A_1639 = tpu.vector_load_idx %gather3A_1638[%add3A_1597, %add3A_140] : memref<128x64xf32, #tpu.memory_space<vmem>>[vector<16xi32>, vector<16xi32>], vector<16xf32>,
        %add3A_1640 = arith.addf %gather3A_1639, %get3A_551 : vector<16xf32>
        %scatter3A_1641 = arith.constant 0 : i32
        %scatter3A_1642 = arith.constant 0 : i32
        %scatter3A_1643 = arith.constant 0 : i32
        %scatter3A_1644 = tpu.memref_slice %arg8[%scatter3A_1641, %scatter3A_1642, %scatter3A_1643] : memref<2x64x128xf32, #tpu.memory_space<vmem>> -> memref<1x64x128xf32, #tpu.memory_space<vmem>>
        %scatter3A_1645 = tpu.memref_squeeze %scatter3A_1644 : memref<1x64x128xf32, #tpu.memory_space<vmem>> -> memref<64x128xf32, #tpu.memory_space<vmem>>
        tpu.vector_store_idx %scatter3A_1645[%add3A_140, %add3A_1597], %add3A_1640 : memref<64x128xf32, #tpu.memory_space<vmem>>[vector<16xi32>, vector<16xi32>], vector<16xf32>,
        %add3A_1646 = vector.broadcast %mul3A_947 : i32 to vector<16xi32>
        %add3A_1647 = arith.addi %add3A_1646, %and3A_122 : vector<16xi32>
        %gather3A_1648 = arith.constant 0 : i32
        %gather3A_1649 = arith.constant 0 : i32
        %gather3A_1650 = arith.constant 0 : i32
        %gather3A_1651 = tpu.memref_slice %arg7[%gather3A_1648, %gather3A_1649, %gather3A_1650] : memref<2x128x64xf32, #tpu.memory_space<vmem>> -> memref<1x128x64xf32, #tpu.memory_space<vmem>>
        %gather3A_1652 = tpu.memref_squeeze %gather3A_1651 : memref<1x128x64xf32, #tpu.memory_space<vmem>> -> memref<128x64xf32, #tpu.memory_space<vmem>>
        %gather3A_1653 = tpu.vector_load_idx %gather3A_1652[%add3A_1647, %add3A_131] : memref<128x64xf32, #tpu.memory_space<vmem>>[vector<16xi32>, vector<16xi32>], vector<16xf32>,
        %add3A_1654 = arith.addf %gather3A_1653, %get3A_542 : vector<16xf32>
        %scatter3A_1655 = arith.constant 0 : i32
        %scatter3A_1656 = arith.constant 0 : i32
        %scatter3A_1657 = arith.constant 0 : i32
        %scatter3A_1658 = tpu.memref_slice %arg8[%scatter3A_1655, %scatter3A_1656, %scatter3A_1657] : memref<2x64x128xf32, #tpu.memory_space<vmem>> -> memref<1x64x128xf32, #tpu.memory_space<vmem>>
        %scatter3A_1659 = tpu.memref_squeeze %scatter3A_1658 : memref<1x64x128xf32, #tpu.memory_space<vmem>> -> memref<64x128xf32, #tpu.memory_space<vmem>>
        tpu.vector_store_idx %scatter3A_1659[%add3A_131, %add3A_1647], %add3A_1654 : memref<64x128xf32, #tpu.memory_space<vmem>>[vector<16xi32>, vector<16xi32>], vector<16xf32>,
        %gather3A_1660 = arith.constant 0 : i32
        %gather3A_1661 = arith.constant 0 : i32
        %gather3A_1662 = arith.constant 0 : i32
        %gather3A_1663 = tpu.memref_slice %arg7[%gather3A_1660, %gather3A_1661, %gather3A_1662] : memref<2x128x64xf32, #tpu.memory_space<vmem>> -> memref<1x128x64xf32, #tpu.memory_space<vmem>>
        %gather3A_1664 = tpu.memref_squeeze %gather3A_1663 : memref<1x128x64xf32, #tpu.memory_space<vmem>> -> memref<128x64xf32, #tpu.memory_space<vmem>>
        %gather3A_1665 = tpu.vector_load_idx %gather3A_1664[%add3A_1647, %add3A_134] : memref<128x64xf32, #tpu.memory_space<vmem>>[vector<16xi32>, vector<16xi32>], vector<16xf32>,
        %add3A_1666 = arith.addf %gather3A_1665, %get3A_545 : vector<16xf32>
        %scatter3A_1667 = arith.constant 0 : i32
        %scatter3A_1668 = arith.constant 0 : i32
        %scatter3A_1669 = arith.constant 0 : i32
        %scatter3A_1670 = tpu.memref_slice %arg8[%scatter3A_1667, %scatter3A_1668, %scatter3A_1669] : memref<2x64x128xf32, #tpu.memory_space<vmem>> -> memref<1x64x128xf32, #tpu.memory_space<vmem>>
        %scatter3A_1671 = tpu.memref_squeeze %scatter3A_1670 : memref<1x64x128xf32, #tpu.memory_space<vmem>> -> memref<64x128xf32, #tpu.memory_space<vmem>>
        tpu.vector_store_idx %scatter3A_1671[%add3A_134, %add3A_1647], %add3A_1666 : memref<64x128xf32, #tpu.memory_space<vmem>>[vector<16xi32>, vector<16xi32>], vector<16xf32>,
        %gather3A_1672 = arith.constant 0 : i32
        %gather3A_1673 = arith.constant 0 : i32
        %gather3A_1674 = arith.constant 0 : i32
        %gather3A_1675 = tpu.memref_slice %arg7[%gather3A_1672, %gather3A_1673, %gather3A_1674] : memref<2x128x64xf32, #tpu.memory_space<vmem>> -> memref<1x128x64xf32, #tpu.memory_space<vmem>>
        %gather3A_1676 = tpu.memref_squeeze %gather3A_1675 : memref<1x128x64xf32, #tpu.memory_space<vmem>> -> memref<128x64xf32, #tpu.memory_space<vmem>>
        %gather3A_1677 = tpu.vector_load_idx %gather3A_1676[%add3A_1647, %add3A_137] : memref<128x64xf32, #tpu.memory_space<vmem>>[vector<16xi32>, vector<16xi32>], vector<16xf32>,
        %add3A_1678 = arith.addf %gather3A_1677, %get3A_548 : vector<16xf32>
        %scatter3A_1679 = arith.constant 0 : i32
        %scatter3A_1680 = arith.constant 0 : i32
        %scatter3A_1681 = arith.constant 0 : i32
        %scatter3A_1682 = tpu.memref_slice %arg8[%scatter3A_1679, %scatter3A_1680, %scatter3A_1681] : memref<2x64x128xf32, #tpu.memory_space<vmem>> -> memref<1x64x128xf32, #tpu.memory_space<vmem>>
        %scatter3A_1683 = tpu.memref_squeeze %scatter3A_1682 : memref<1x64x128xf32, #tpu.memory_space<vmem>> -> memref<64x128xf32, #tpu.memory_space<vmem>>
        tpu.vector_store_idx %scatter3A_1683[%add3A_137, %add3A_1647], %add3A_1678 : memref<64x128xf32, #tpu.memory_space<vmem>>[vector<16xi32>, vector<16xi32>], vector<16xf32>,
        %gather3A_1684 = arith.constant 0 : i32
        %gather3A_1685 = arith.constant 0 : i32
        %gather3A_1686 = arith.constant 0 : i32
        %gather3A_1687 = tpu.memref_slice %arg7[%gather3A_1684, %gather3A_1685, %gather3A_1686] : memref<2x128x64xf32, #tpu.memory_space<vmem>> -> memref<1x128x64xf32, #tpu.memory_space<vmem>>
        %gather3A_1688 = tpu.memref_squeeze %gather3A_1687 : memref<1x128x64xf32, #tpu.memory_space<vmem>> -> memref<128x64xf32, #tpu.memory_space<vmem>>
        %gather3A_1689 = tpu.vector_load_idx %gather3A_1688[%add3A_1647, %add3A_140] : memref<128x64xf32, #tpu.memory_space<vmem>>[vector<16xi32>, vector<16xi32>], vector<16xf32>,
        %add3A_1690 = arith.addf %gather3A_1689, %get3A_551 : vector<16xf32>
        %scatter3A_1691 = arith.constant 0 : i32
        %scatter3A_1692 = arith.constant 0 : i32
        %scatter3A_1693 = arith.constant 0 : i32
        %scatter3A_1694 = tpu.memref_slice %arg8[%scatter3A_1691, %scatter3A_1692, %scatter3A_1693] : memref<2x64x128xf32, #tpu.memory_space<vmem>> -> memref<1x64x128xf32, #tpu.memory_space<vmem>>
        %scatter3A_1695 = tpu.memref_squeeze %scatter3A_1694 : memref<1x64x128xf32, #tpu.memory_space<vmem>> -> memref<64x128xf32, #tpu.memory_space<vmem>>
        tpu.vector_store_idx %scatter3A_1695[%add3A_140, %add3A_1647], %add3A_1690 : memref<64x128xf32, #tpu.memory_space<vmem>>[vector<16xi32>, vector<16xi32>], vector<16xf32>,
        %add3A_1696 = vector.broadcast %mul3A_947 : i32 to vector<16xi32>
        %add3A_1697 = arith.addi %add3A_1696, %and3A_128 : vector<16xi32>
        %gather3A_1698 = arith.constant 0 : i32
        %gather3A_1699 = arith.constant 0 : i32
        %gather3A_1700 = arith.constant 0 : i32
        %gather3A_1701 = tpu.memref_slice %arg7[%gather3A_1698, %gather3A_1699, %gather3A_1700] : memref<2x128x64xf32, #tpu.memory_space<vmem>> -> memref<1x128x64xf32, #tpu.memory_space<vmem>>
        %gather3A_1702 = tpu.memref_squeeze %gather3A_1701 : memref<1x128x64xf32, #tpu.memory_space<vmem>> -> memref<128x64xf32, #tpu.memory_space<vmem>>
        %gather3A_1703 = tpu.vector_load_idx %gather3A_1702[%add3A_1697, %add3A_131] : memref<128x64xf32, #tpu.memory_space<vmem>>[vector<16xi32>, vector<16xi32>], vector<16xf32>,
        %add3A_1704 = arith.addf %gather3A_1703, %get3A_542 : vector<16xf32>
        %scatter3A_1705 = arith.constant 0 : i32
        %scatter3A_1706 = arith.constant 0 : i32
        %scatter3A_1707 = arith.constant 0 : i32
        %scatter3A_1708 = tpu.memref_slice %arg8[%scatter3A_1705, %scatter3A_1706, %scatter3A_1707] : memref<2x64x128xf32, #tpu.memory_space<vmem>> -> memref<1x64x128xf32, #tpu.memory_space<vmem>>
        %scatter3A_1709 = tpu.memref_squeeze %scatter3A_1708 : memref<1x64x128xf32, #tpu.memory_space<vmem>> -> memref<64x128xf32, #tpu.memory_space<vmem>>
        tpu.vector_store_idx %scatter3A_1709[%add3A_131, %add3A_1697], %add3A_1704 : memref<64x128xf32, #tpu.memory_space<vmem>>[vector<16xi32>, vector<16xi32>], vector<16xf32>,
        %gather3A_1710 = arith.constant 0 : i32
        %gather3A_1711 = arith.constant 0 : i32
        %gather3A_1712 = arith.constant 0 : i32
        %gather3A_1713 = tpu.memref_slice %arg7[%gather3A_1710, %gather3A_1711, %gather3A_1712] : memref<2x128x64xf32, #tpu.memory_space<vmem>> -> memref<1x128x64xf32, #tpu.memory_space<vmem>>
        %gather3A_1714 = tpu.memref_squeeze %gather3A_1713 : memref<1x128x64xf32, #tpu.memory_space<vmem>> -> memref<128x64xf32, #tpu.memory_space<vmem>>
        %gather3A_1715 = tpu.vector_load_idx %gather3A_1714[%add3A_1697, %add3A_134] : memref<128x64xf32, #tpu.memory_space<vmem>>[vector<16xi32>, vector<16xi32>], vector<16xf32>,
        %add3A_1716 = arith.addf %gather3A_1715, %get3A_545 : vector<16xf32>
        %scatter3A_1717 = arith.constant 0 : i32
        %scatter3A_1718 = arith.constant 0 : i32
        %scatter3A_1719 = arith.constant 0 : i32
        %scatter3A_1720 = tpu.memref_slice %arg8[%scatter3A_1717, %scatter3A_1718, %scatter3A_1719] : memref<2x64x128xf32, #tpu.memory_space<vmem>> -> memref<1x64x128xf32, #tpu.memory_space<vmem>>
        %scatter3A_1721 = tpu.memref_squeeze %scatter3A_1720 : memref<1x64x128xf32, #tpu.memory_space<vmem>> -> memref<64x128xf32, #tpu.memory_space<vmem>>
        tpu.vector_store_idx %scatter3A_1721[%add3A_134, %add3A_1697], %add3A_1716 : memref<64x128xf32, #tpu.memory_space<vmem>>[vector<16xi32>, vector<16xi32>], vector<16xf32>,
        %gather3A_1722 = arith.constant 0 : i32
        %gather3A_1723 = arith.constant 0 : i32
        %gather3A_1724 = arith.constant 0 : i32
        %gather3A_1725 = tpu.memref_slice %arg7[%gather3A_1722, %gather3A_1723, %gather3A_1724] : memref<2x128x64xf32, #tpu.memory_space<vmem>> -> memref<1x128x64xf32, #tpu.memory_space<vmem>>
        %gather3A_1726 = tpu.memref_squeeze %gather3A_1725 : memref<1x128x64xf32, #tpu.memory_space<vmem>> -> memref<128x64xf32, #tpu.memory_space<vmem>>
        %gather3A_1727 = tpu.vector_load_idx %gather3A_1726[%add3A_1697, %add3A_137] : memref<128x64xf32, #tpu.memory_space<vmem>>[vector<16xi32>, vector<16xi32>], vector<16xf32>,
        %add3A_1728 = arith.addf %gather3A_1727, %get3A_548 : vector<16xf32>
        %scatter3A_1729 = arith.constant 0 : i32
        %scatter3A_1730 = arith.constant 0 : i32
        %scatter3A_1731 = arith.constant 0 : i32
        %scatter3A_1732 = tpu.memref_slice %arg8[%scatter3A_1729, %scatter3A_1730, %scatter3A_1731] : memref<2x64x128xf32, #tpu.memory_space<vmem>> -> memref<1x64x128xf32, #tpu.memory_space<vmem>>
        %scatter3A_1733 = tpu.memref_squeeze %scatter3A_1732 : memref<1x64x128xf32, #tpu.memory_space<vmem>> -> memref<64x128xf32, #tpu.memory_space<vmem>>
        tpu.vector_store_idx %scatter3A_1733[%add3A_137, %add3A_1697], %add3A_1728 : memref<64x128xf32, #tpu.memory_space<vmem>>[vector<16xi32>, vector<16xi32>], vector<16xf32>,
        %gather3A_1734 = arith.constant 0 : i32
        %gather3A_1735 = arith.constant 0 : i32
        %gather3A_1736 = arith.constant 0 : i32
        %gather3A_1737 = tpu.memref_slice %arg7[%gather3A_1734, %gather3A_1735, %gather3A_1736] : memref<2x128x64xf32, #tpu.memory_space<vmem>> -> memref<1x128x64xf32, #tpu.memory_space<vmem>>
        %gather3A_1738 = tpu.memref_squeeze %gather3A_1737 : memref<1x128x64xf32, #tpu.memory_space<vmem>> -> memref<128x64xf32, #tpu.memory_space<vmem>>
        %gather3A_1739 = tpu.vector_load_idx %gather3A_1738[%add3A_1697, %add3A_140] : memref<128x64xf32, #tpu.memory_space<vmem>>[vector<16xi32>, vector<16xi32>], vector<16xf32>,
        %add3A_1740 = arith.addf %gather3A_1739, %get3A_551 : vector<16xf32>
        %scatter3A_1741 = arith.constant 0 : i32
        %scatter3A_1742 = arith.constant 0 : i32
        %scatter3A_1743 = arith.constant 0 : i32
        %scatter3A_1744 = tpu.memref_slice %arg8[%scatter3A_1741, %scatter3A_1742, %scatter3A_1743] : memref<2x64x128xf32, #tpu.memory_space<vmem>> -> memref<1x64x128xf32, #tpu.memory_space<vmem>>
        %scatter3A_1745 = tpu.memref_squeeze %scatter3A_1744 : memref<1x64x128xf32, #tpu.memory_space<vmem>> -> memref<64x128xf32, #tpu.memory_space<vmem>>
        tpu.vector_store_idx %scatter3A_1745[%add3A_140, %add3A_1697], %add3A_1740 : memref<64x128xf32, #tpu.memory_space<vmem>>[vector<16xi32>, vector<16xi32>], vector<16xf32>,
      }
      %scan3A_557 = arith.constant 8 : i32
      %add3A_558 = arith.addi %mul3A_32, %add3A_516 : i32
      %dma_start3A_559 = arith.constant 0 : i32
      %dma_start3A_560 = arith.constant 0 : i32
      %dma_start3A_561 = arith.constant 0 : i32
      %dma_start3A_562 = arith.constant 0 : i32
      %dma_start3A_563 = arith.constant 0 : i32
      %dma_start3A_564 = tpu.memref_slice %arg8[%dma_start3A_559, %dma_start3A_562, %dma_start3A_563] : memref<2x64x128xf32, #tpu.memory_space<vmem>> -> memref<1x8x128xf32, #tpu.memory_space<vmem>>
      %dma_start3A_565 = tpu.memref_squeeze %dma_start3A_564 : memref<1x8x128xf32, #tpu.memory_space<vmem>> -> memref<8x128xf32, #tpu.memory_space<vmem>>
      %dma_start3A_566 = arith.constant 0 : i32
      %dma_start3A_567 = arith.constant 0 : i32
      %dma_start3A_568 = tpu.memref_slice %arg5[%add3A_558, %dma_start3A_560, %select_n3A_9, %dma_start3A_566, %dma_start3A_567] : memref<200x8x8x8x128xf32, #tpu.memory_space<hbm>> -> memref<1x1x1x8x128xf32, #tpu.memory_space<hbm>>
      %dma_start3A_569 = tpu.memref_squeeze %dma_start3A_568 : memref<1x1x1x8x128xf32, #tpu.memory_space<hbm>> -> memref<8x128xf32, #tpu.memory_space<hbm>>
      %dma_start3A_570 = tpu.memref_slice %arg11[%dma_start3A_561] : memref<2x!tpu.dma_semaphore, #tpu.memory_space<semaphore_mem>> -> memref<1x!tpu.dma_semaphore, #tpu.memory_space<semaphore_mem>>
      %dma_start3A_571 = tpu.memref_squeeze %dma_start3A_570 : memref<1x!tpu.dma_semaphore, #tpu.memory_space<semaphore_mem>> -> memref<!tpu.dma_semaphore, #tpu.memory_space<semaphore_mem>>
      %dma_start3A_572 = arith.constant 0 : i32
      %dma_start3A_573 = arith.constant 0 : i32
      %dma_start3A_574 = tpu.memref_slice %arg5[%add3A_558, %dma_start3A_560, %select_n3A_9, %dma_start3A_572, %dma_start3A_573] : memref<200x8x8x8x128xf32, #tpu.memory_space<hbm>> -> memref<1x1x1x8x128xf32, #tpu.memory_space<hbm>>
      %dma_start3A_575 = tpu.memref_squeeze %dma_start3A_574 : memref<1x1x1x8x128xf32, #tpu.memory_space<hbm>> -> memref<8x128xf32, #tpu.memory_space<hbm>>
      %dma_start3A_576 = arith.constant 0 : i32
      %dma_start3A_577 = arith.constant 0 : i32
      %dma_start3A_578 = tpu.memref_slice %arg8[%dma_start3A_559, %dma_start3A_576, %dma_start3A_577] : memref<2x64x128xf32, #tpu.memory_space<vmem>> -> memref<1x8x128xf32, #tpu.memory_space<vmem>>
      %dma_start3A_579 = tpu.memref_squeeze %dma_start3A_578 : memref<1x8x128xf32, #tpu.memory_space<vmem>> -> memref<8x128xf32, #tpu.memory_space<vmem>>
      tpu.enqueue_dma source(%dma_start3A_579 : memref<8x128xf32, #tpu.memory_space<vmem>>) target(%dma_start3A_575 : memref<8x128xf32, #tpu.memory_space<hbm>>) target_semaphore(%dma_start3A_571 : memref<!tpu.dma_semaphore, #tpu.memory_space<semaphore_mem>>)
      %dma_start3A_580 = arith.constant 0 : i32
      %dma_start3A_581 = arith.constant 1 : i32
      %dma_start3A_582 = arith.constant 0 : i32
      %dma_start3A_583 = arith.constant 8 : i32
      %dma_start3A_584 = arith.constant 0 : i32
      %dma_start3A_585 = tpu.memref_slice %arg8[%dma_start3A_580, %dma_start3A_583, %dma_start3A_584] : memref<2x64x128xf32, #tpu.memory_space<vmem>> -> memref<1x8x128xf32, #tpu.memory_space<vmem>>
      %dma_start3A_586 = tpu.memref_squeeze %dma_start3A_585 : memref<1x8x128xf32, #tpu.memory_space<vmem>> -> memref<8x128xf32, #tpu.memory_space<vmem>>
      %dma_start3A_587 = arith.constant 0 : i32
      %dma_start3A_588 = arith.constant 0 : i32
      %dma_start3A_589 = tpu.memref_slice %arg5[%add3A_558, %dma_start3A_581, %select_n3A_9, %dma_start3A_587, %dma_start3A_588] : memref<200x8x8x8x128xf32, #tpu.memory_space<hbm>> -> memref<1x1x1x8x128xf32, #tpu.memory_space<hbm>>
      %dma_start3A_590 = tpu.memref_squeeze %dma_start3A_589 : memref<1x1x1x8x128xf32, #tpu.memory_space<hbm>> -> memref<8x128xf32, #tpu.memory_space<hbm>>
      %dma_start3A_591 = tpu.memref_slice %arg11[%dma_start3A_582] : memref<2x!tpu.dma_semaphore, #tpu.memory_space<semaphore_mem>> -> memref<1x!tpu.dma_semaphore, #tpu.memory_space<semaphore_mem>>
      %dma_start3A_592 = tpu.memref_squeeze %dma_start3A_591 : memref<1x!tpu.dma_semaphore, #tpu.memory_space<semaphore_mem>> -> memref<!tpu.dma_semaphore, #tpu.memory_space<semaphore_mem>>
      %dma_start3A_593 = arith.constant 0 : i32
      %dma_start3A_594 = arith.constant 0 : i32
      %dma_start3A_595 = tpu.memref_slice %arg5[%add3A_558, %dma_start3A_581, %select_n3A_9, %dma_start3A_593, %dma_start3A_594] : memref<200x8x8x8x128xf32, #tpu.memory_space<hbm>> -> memref<1x1x1x8x128xf32, #tpu.memory_space<hbm>>
      %dma_start3A_596 = tpu.memref_squeeze %dma_start3A_595 : memref<1x1x1x8x128xf32, #tpu.memory_space<hbm>> -> memref<8x128xf32, #tpu.memory_space<hbm>>
      %dma_start3A_597 = arith.constant 8 : i32
      %dma_start3A_598 = arith.constant 0 : i32
      %dma_start3A_599 = tpu.memref_slice %arg8[%dma_start3A_580, %dma_start3A_597, %dma_start3A_598] : memref<2x64x128xf32, #tpu.memory_space<vmem>> -> memref<1x8x128xf32, #tpu.memory_space<vmem>>
      %dma_start3A_600 = tpu.memref_squeeze %dma_start3A_599 : memref<1x8x128xf32, #tpu.memory_space<vmem>> -> memref<8x128xf32, #tpu.memory_space<vmem>>
      tpu.enqueue_dma source(%dma_start3A_600 : memref<8x128xf32, #tpu.memory_space<vmem>>) target(%dma_start3A_596 : memref<8x128xf32, #tpu.memory_space<hbm>>) target_semaphore(%dma_start3A_592 : memref<!tpu.dma_semaphore, #tpu.memory_space<semaphore_mem>>)
      %dma_start3A_601 = arith.constant 0 : i32
      %dma_start3A_602 = arith.constant 2 : i32
      %dma_start3A_603 = arith.constant 0 : i32
      %dma_start3A_604 = arith.constant 16 : i32
      %dma_start3A_605 = arith.constant 0 : i32
      %dma_start3A_606 = tpu.memref_slice %arg8[%dma_start3A_601, %dma_start3A_604, %dma_start3A_605] : memref<2x64x128xf32, #tpu.memory_space<vmem>> -> memref<1x8x128xf32, #tpu.memory_space<vmem>>
      %dma_start3A_607 = tpu.memref_squeeze %dma_start3A_606 : memref<1x8x128xf32, #tpu.memory_space<vmem>> -> memref<8x128xf32, #tpu.memory_space<vmem>>
      %dma_start3A_608 = arith.constant 0 : i32
      %dma_start3A_609 = arith.constant 0 : i32
      %dma_start3A_610 = tpu.memref_slice %arg5[%add3A_558, %dma_start3A_602, %select_n3A_9, %dma_start3A_608, %dma_start3A_609] : memref<200x8x8x8x128xf32, #tpu.memory_space<hbm>> -> memref<1x1x1x8x128xf32, #tpu.memory_space<hbm>>
      %dma_start3A_611 = tpu.memref_squeeze %dma_start3A_610 : memref<1x1x1x8x128xf32, #tpu.memory_space<hbm>> -> memref<8x128xf32, #tpu.memory_space<hbm>>
      %dma_start3A_612 = tpu.memref_slice %arg11[%dma_start3A_603] : memref<2x!tpu.dma_semaphore, #tpu.memory_space<semaphore_mem>> -> memref<1x!tpu.dma_semaphore, #tpu.memory_space<semaphore_mem>>
      %dma_start3A_613 = tpu.memref_squeeze %dma_start3A_612 : memref<1x!tpu.dma_semaphore, #tpu.memory_space<semaphore_mem>> -> memref<!tpu.dma_semaphore, #tpu.memory_space<semaphore_mem>>
      %dma_start3A_614 = arith.constant 0 : i32
      %dma_start3A_615 = arith.constant 0 : i32
      %dma_start3A_616 = tpu.memref_slice %arg5[%add3A_558, %dma_start3A_602, %select_n3A_9, %dma_start3A_614, %dma_start3A_615] : memref<200x8x8x8x128xf32, #tpu.memory_space<hbm>> -> memref<1x1x1x8x128xf32, #tpu.memory_space<hbm>>
      %dma_start3A_617 = tpu.memref_squeeze %dma_start3A_616 : memref<1x1x1x8x128xf32, #tpu.memory_space<hbm>> -> memref<8x128xf32, #tpu.memory_space<hbm>>
      %dma_start3A_618 = arith.constant 16 : i32
      %dma_start3A_619 = arith.constant 0 : i32
      %dma_start3A_620 = tpu.memref_slice %arg8[%dma_start3A_601, %dma_start3A_618, %dma_start3A_619] : memref<2x64x128xf32, #tpu.memory_space<vmem>> -> memref<1x8x128xf32, #tpu.memory_space<vmem>>
      %dma_start3A_621 = tpu.memref_squeeze %dma_start3A_620 : memref<1x8x128xf32, #tpu.memory_space<vmem>> -> memref<8x128xf32, #tpu.memory_space<vmem>>
      tpu.enqueue_dma source(%dma_start3A_621 : memref<8x128xf32, #tpu.memory_space<vmem>>) target(%dma_start3A_617 : memref<8x128xf32, #tpu.memory_space<hbm>>) target_semaphore(%dma_start3A_613 : memref<!tpu.dma_semaphore, #tpu.memory_space<semaphore_mem>>)
      %dma_start3A_622 = arith.constant 0 : i32
      %dma_start3A_623 = arith.constant 3 : i32
      %dma_start3A_624 = arith.constant 0 : i32
      %dma_start3A_625 = arith.constant 24 : i32
      %dma_start3A_626 = arith.constant 0 : i32
      %dma_start3A_627 = tpu.memref_slice %arg8[%dma_start3A_622, %dma_start3A_625, %dma_start3A_626] : memref<2x64x128xf32, #tpu.memory_space<vmem>> -> memref<1x8x128xf32, #tpu.memory_space<vmem>>
      %dma_start3A_628 = tpu.memref_squeeze %dma_start3A_627 : memref<1x8x128xf32, #tpu.memory_space<vmem>> -> memref<8x128xf32, #tpu.memory_space<vmem>>
      %dma_start3A_629 = arith.constant 0 : i32
      %dma_start3A_630 = arith.constant 0 : i32
      %dma_start3A_631 = tpu.memref_slice %arg5[%add3A_558, %dma_start3A_623, %select_n3A_9, %dma_start3A_629, %dma_start3A_630] : memref<200x8x8x8x128xf32, #tpu.memory_space<hbm>> -> memref<1x1x1x8x128xf32, #tpu.memory_space<hbm>>
      %dma_start3A_632 = tpu.memref_squeeze %dma_start3A_631 : memref<1x1x1x8x128xf32, #tpu.memory_space<hbm>> -> memref<8x128xf32, #tpu.memory_space<hbm>>
      %dma_start3A_633 = tpu.memref_slice %arg11[%dma_start3A_624] : memref<2x!tpu.dma_semaphore, #tpu.memory_space<semaphore_mem>> -> memref<1x!tpu.dma_semaphore, #tpu.memory_space<semaphore_mem>>
      %dma_start3A_634 = tpu.memref_squeeze %dma_start3A_633 : memref<1x!tpu.dma_semaphore, #tpu.memory_space<semaphore_mem>> -> memref<!tpu.dma_semaphore, #tpu.memory_space<semaphore_mem>>
      %dma_start3A_635 = arith.constant 0 : i32
      %dma_start3A_636 = arith.constant 0 : i32
      %dma_start3A_637 = tpu.memref_slice %arg5[%add3A_558, %dma_start3A_623, %select_n3A_9, %dma_start3A_635, %dma_start3A_636] : memref<200x8x8x8x128xf32, #tpu.memory_space<hbm>> -> memref<1x1x1x8x128xf32, #tpu.memory_space<hbm>>
      %dma_start3A_638 = tpu.memref_squeeze %dma_start3A_637 : memref<1x1x1x8x128xf32, #tpu.memory_space<hbm>> -> memref<8x128xf32, #tpu.memory_space<hbm>>
      %dma_start3A_639 = arith.constant 24 : i32
      %dma_start3A_640 = arith.constant 0 : i32
      %dma_start3A_641 = tpu.memref_slice %arg8[%dma_start3A_622, %dma_start3A_639, %dma_start3A_640] : memref<2x64x128xf32, #tpu.memory_space<vmem>> -> memref<1x8x128xf32, #tpu.memory_space<vmem>>
      %dma_start3A_642 = tpu.memref_squeeze %dma_start3A_641 : memref<1x8x128xf32, #tpu.memory_space<vmem>> -> memref<8x128xf32, #tpu.memory_space<vmem>>
      tpu.enqueue_dma source(%dma_start3A_642 : memref<8x128xf32, #tpu.memory_space<vmem>>) target(%dma_start3A_638 : memref<8x128xf32, #tpu.memory_space<hbm>>) target_semaphore(%dma_start3A_634 : memref<!tpu.dma_semaphore, #tpu.memory_space<semaphore_mem>>)
      %dma_start3A_643 = arith.constant 0 : i32
      %dma_start3A_644 = arith.constant 4 : i32
      %dma_start3A_645 = arith.constant 0 : i32
      %dma_start3A_646 = arith.constant 32 : i32
      %dma_start3A_647 = arith.constant 0 : i32
      %dma_start3A_648 = tpu.memref_slice %arg8[%dma_start3A_643, %dma_start3A_646, %dma_start3A_647] : memref<2x64x128xf32, #tpu.memory_space<vmem>> -> memref<1x8x128xf32, #tpu.memory_space<vmem>>
      %dma_start3A_649 = tpu.memref_squeeze %dma_start3A_648 : memref<1x8x128xf32, #tpu.memory_space<vmem>> -> memref<8x128xf32, #tpu.memory_space<vmem>>
      %dma_start3A_650 = arith.constant 0 : i32
      %dma_start3A_651 = arith.constant 0 : i32
      %dma_start3A_652 = tpu.memref_slice %arg5[%add3A_558, %dma_start3A_644, %select_n3A_9, %dma_start3A_650, %dma_start3A_651] : memref<200x8x8x8x128xf32, #tpu.memory_space<hbm>> -> memref<1x1x1x8x128xf32, #tpu.memory_space<hbm>>
      %dma_start3A_653 = tpu.memref_squeeze %dma_start3A_652 : memref<1x1x1x8x128xf32, #tpu.memory_space<hbm>> -> memref<8x128xf32, #tpu.memory_space<hbm>>
      %dma_start3A_654 = tpu.memref_slice %arg11[%dma_start3A_645] : memref<2x!tpu.dma_semaphore, #tpu.memory_space<semaphore_mem>> -> memref<1x!tpu.dma_semaphore, #tpu.memory_space<semaphore_mem>>
      %dma_start3A_655 = tpu.memref_squeeze %dma_start3A_654 : memref<1x!tpu.dma_semaphore, #tpu.memory_space<semaphore_mem>> -> memref<!tpu.dma_semaphore, #tpu.memory_space<semaphore_mem>>
      %dma_start3A_656 = arith.constant 0 : i32
      %dma_start3A_657 = arith.constant 0 : i32
      %dma_start3A_658 = tpu.memref_slice %arg5[%add3A_558, %dma_start3A_644, %select_n3A_9, %dma_start3A_656, %dma_start3A_657] : memref<200x8x8x8x128xf32, #tpu.memory_space<hbm>> -> memref<1x1x1x8x128xf32, #tpu.memory_space<hbm>>
      %dma_start3A_659 = tpu.memref_squeeze %dma_start3A_658 : memref<1x1x1x8x128xf32, #tpu.memory_space<hbm>> -> memref<8x128xf32, #tpu.memory_space<hbm>>
      %dma_start3A_660 = arith.constant 32 : i32
      %dma_start3A_661 = arith.constant 0 : i32
      %dma_start3A_662 = tpu.memref_slice %arg8[%dma_start3A_643, %dma_start3A_660, %dma_start3A_661] : memref<2x64x128xf32, #tpu.memory_space<vmem>> -> memref<1x8x128xf32, #tpu.memory_space<vmem>>
      %dma_start3A_663 = tpu.memref_squeeze %dma_start3A_662 : memref<1x8x128xf32, #tpu.memory_space<vmem>> -> memref<8x128xf32, #tpu.memory_space<vmem>>
      tpu.enqueue_dma source(%dma_start3A_663 : memref<8x128xf32, #tpu.memory_space<vmem>>) target(%dma_start3A_659 : memref<8x128xf32, #tpu.memory_space<hbm>>) target_semaphore(%dma_start3A_655 : memref<!tpu.dma_semaphore, #tpu.memory_space<semaphore_mem>>)
      %dma_start3A_664 = arith.constant 0 : i32
      %dma_start3A_665 = arith.constant 5 : i32
      %dma_start3A_666 = arith.constant 0 : i32
      %dma_start3A_667 = arith.constant 40 : i32
      %dma_start3A_668 = arith.constant 0 : i32
      %dma_start3A_669 = tpu.memref_slice %arg8[%dma_start3A_664, %dma_start3A_667, %dma_start3A_668] : memref<2x64x128xf32, #tpu.memory_space<vmem>> -> memref<1x8x128xf32, #tpu.memory_space<vmem>>
      %dma_start3A_670 = tpu.memref_squeeze %dma_start3A_669 : memref<1x8x128xf32, #tpu.memory_space<vmem>> -> memref<8x128xf32, #tpu.memory_space<vmem>>
      %dma_start3A_671 = arith.constant 0 : i32
      %dma_start3A_672 = arith.constant 0 : i32
      %dma_start3A_673 = tpu.memref_slice %arg5[%add3A_558, %dma_start3A_665, %select_n3A_9, %dma_start3A_671, %dma_start3A_672] : memref<200x8x8x8x128xf32, #tpu.memory_space<hbm>> -> memref<1x1x1x8x128xf32, #tpu.memory_space<hbm>>
      %dma_start3A_674 = tpu.memref_squeeze %dma_start3A_673 : memref<1x1x1x8x128xf32, #tpu.memory_space<hbm>> -> memref<8x128xf32, #tpu.memory_space<hbm>>
      %dma_start3A_675 = tpu.memref_slice %arg11[%dma_start3A_666] : memref<2x!tpu.dma_semaphore, #tpu.memory_space<semaphore_mem>> -> memref<1x!tpu.dma_semaphore, #tpu.memory_space<semaphore_mem>>
      %dma_start3A_676 = tpu.memref_squeeze %dma_start3A_675 : memref<1x!tpu.dma_semaphore, #tpu.memory_space<semaphore_mem>> -> memref<!tpu.dma_semaphore, #tpu.memory_space<semaphore_mem>>
      %dma_start3A_677 = arith.constant 0 : i32
      %dma_start3A_678 = arith.constant 0 : i32
      %dma_start3A_679 = tpu.memref_slice %arg5[%add3A_558, %dma_start3A_665, %select_n3A_9, %dma_start3A_677, %dma_start3A_678] : memref<200x8x8x8x128xf32, #tpu.memory_space<hbm>> -> memref<1x1x1x8x128xf32, #tpu.memory_space<hbm>>
      %dma_start3A_680 = tpu.memref_squeeze %dma_start3A_679 : memref<1x1x1x8x128xf32, #tpu.memory_space<hbm>> -> memref<8x128xf32, #tpu.memory_space<hbm>>
      %dma_start3A_681 = arith.constant 40 : i32
      %dma_start3A_682 = arith.constant 0 : i32
      %dma_start3A_683 = tpu.memref_slice %arg8[%dma_start3A_664, %dma_start3A_681, %dma_start3A_682] : memref<2x64x128xf32, #tpu.memory_space<vmem>> -> memref<1x8x128xf32, #tpu.memory_space<vmem>>
      %dma_start3A_684 = tpu.memref_squeeze %dma_start3A_683 : memref<1x8x128xf32, #tpu.memory_space<vmem>> -> memref<8x128xf32, #tpu.memory_space<vmem>>
      tpu.enqueue_dma source(%dma_start3A_684 : memref<8x128xf32, #tpu.memory_space<vmem>>) target(%dma_start3A_680 : memref<8x128xf32, #tpu.memory_space<hbm>>) target_semaphore(%dma_start3A_676 : memref<!tpu.dma_semaphore, #tpu.memory_space<semaphore_mem>>)
      %dma_start3A_685 = arith.constant 0 : i32
      %dma_start3A_686 = arith.constant 6 : i32
      %dma_start3A_687 = arith.constant 0 : i32
      %dma_start3A_688 = arith.constant 48 : i32
      %dma_start3A_689 = arith.constant 0 : i32
      %dma_start3A_690 = tpu.memref_slice %arg8[%dma_start3A_685, %dma_start3A_688, %dma_start3A_689] : memref<2x64x128xf32, #tpu.memory_space<vmem>> -> memref<1x8x128xf32, #tpu.memory_space<vmem>>
      %dma_start3A_691 = tpu.memref_squeeze %dma_start3A_690 : memref<1x8x128xf32, #tpu.memory_space<vmem>> -> memref<8x128xf32, #tpu.memory_space<vmem>>
      %dma_start3A_692 = arith.constant 0 : i32
      %dma_start3A_693 = arith.constant 0 : i32
      %dma_start3A_694 = tpu.memref_slice %arg5[%add3A_558, %dma_start3A_686, %select_n3A_9, %dma_start3A_692, %dma_start3A_693] : memref<200x8x8x8x128xf32, #tpu.memory_space<hbm>> -> memref<1x1x1x8x128xf32, #tpu.memory_space<hbm>>
      %dma_start3A_695 = tpu.memref_squeeze %dma_start3A_694 : memref<1x1x1x8x128xf32, #tpu.memory_space<hbm>> -> memref<8x128xf32, #tpu.memory_space<hbm>>
      %dma_start3A_696 = tpu.memref_slice %arg11[%dma_start3A_687] : memref<2x!tpu.dma_semaphore, #tpu.memory_space<semaphore_mem>> -> memref<1x!tpu.dma_semaphore, #tpu.memory_space<semaphore_mem>>
      %dma_start3A_697 = tpu.memref_squeeze %dma_start3A_696 : memref<1x!tpu.dma_semaphore, #tpu.memory_space<semaphore_mem>> -> memref<!tpu.dma_semaphore, #tpu.memory_space<semaphore_mem>>
      %dma_start3A_698 = arith.constant 0 : i32
      %dma_start3A_699 = arith.constant 0 : i32
      %dma_start3A_700 = tpu.memref_slice %arg5[%add3A_558, %dma_start3A_686, %select_n3A_9, %dma_start3A_698, %dma_start3A_699] : memref<200x8x8x8x128xf32, #tpu.memory_space<hbm>> -> memref<1x1x1x8x128xf32, #tpu.memory_space<hbm>>
      %dma_start3A_701 = tpu.memref_squeeze %dma_start3A_700 : memref<1x1x1x8x128xf32, #tpu.memory_space<hbm>> -> memref<8x128xf32, #tpu.memory_space<hbm>>
      %dma_start3A_702 = arith.constant 48 : i32
      %dma_start3A_703 = arith.constant 0 : i32
      %dma_start3A_704 = tpu.memref_slice %arg8[%dma_start3A_685, %dma_start3A_702, %dma_start3A_703] : memref<2x64x128xf32, #tpu.memory_space<vmem>> -> memref<1x8x128xf32, #tpu.memory_space<vmem>>
      %dma_start3A_705 = tpu.memref_squeeze %dma_start3A_704 : memref<1x8x128xf32, #tpu.memory_space<vmem>> -> memref<8x128xf32, #tpu.memory_space<vmem>>
      tpu.enqueue_dma source(%dma_start3A_705 : memref<8x128xf32, #tpu.memory_space<vmem>>) target(%dma_start3A_701 : memref<8x128xf32, #tpu.memory_space<hbm>>) target_semaphore(%dma_start3A_697 : memref<!tpu.dma_semaphore, #tpu.memory_space<semaphore_mem>>)
      %dma_start3A_706 = arith.constant 0 : i32
      %dma_start3A_707 = arith.constant 7 : i32
      %dma_start3A_708 = arith.constant 0 : i32
      %dma_start3A_709 = arith.constant 56 : i32
      %dma_start3A_710 = arith.constant 0 : i32
      %dma_start3A_711 = tpu.memref_slice %arg8[%dma_start3A_706, %dma_start3A_709, %dma_start3A_710] : memref<2x64x128xf32, #tpu.memory_space<vmem>> -> memref<1x8x128xf32, #tpu.memory_space<vmem>>
      %dma_start3A_712 = tpu.memref_squeeze %dma_start3A_711 : memref<1x8x128xf32, #tpu.memory_space<vmem>> -> memref<8x128xf32, #tpu.memory_space<vmem>>
      %dma_start3A_713 = arith.constant 0 : i32
      %dma_start3A_714 = arith.constant 0 : i32
      %dma_start3A_715 = tpu.memref_slice %arg5[%add3A_558, %dma_start3A_707, %select_n3A_9, %dma_start3A_713, %dma_start3A_714] : memref<200x8x8x8x128xf32, #tpu.memory_space<hbm>> -> memref<1x1x1x8x128xf32, #tpu.memory_space<hbm>>
      %dma_start3A_716 = tpu.memref_squeeze %dma_start3A_715 : memref<1x1x1x8x128xf32, #tpu.memory_space<hbm>> -> memref<8x128xf32, #tpu.memory_space<hbm>>
      %dma_start3A_717 = tpu.memref_slice %arg11[%dma_start3A_708] : memref<2x!tpu.dma_semaphore, #tpu.memory_space<semaphore_mem>> -> memref<1x!tpu.dma_semaphore, #tpu.memory_space<semaphore_mem>>
      %dma_start3A_718 = tpu.memref_squeeze %dma_start3A_717 : memref<1x!tpu.dma_semaphore, #tpu.memory_space<semaphore_mem>> -> memref<!tpu.dma_semaphore, #tpu.memory_space<semaphore_mem>>
      %dma_start3A_719 = arith.constant 0 : i32
      %dma_start3A_720 = arith.constant 0 : i32
      %dma_start3A_721 = tpu.memref_slice %arg5[%add3A_558, %dma_start3A_707, %select_n3A_9, %dma_start3A_719, %dma_start3A_720] : memref<200x8x8x8x128xf32, #tpu.memory_space<hbm>> -> memref<1x1x1x8x128xf32, #tpu.memory_space<hbm>>
      %dma_start3A_722 = tpu.memref_squeeze %dma_start3A_721 : memref<1x1x1x8x128xf32, #tpu.memory_space<hbm>> -> memref<8x128xf32, #tpu.memory_space<hbm>>
      %dma_start3A_723 = arith.constant 56 : i32
      %dma_start3A_724 = arith.constant 0 : i32
      %dma_start3A_725 = tpu.memref_slice %arg8[%dma_start3A_706, %dma_start3A_723, %dma_start3A_724] : memref<2x64x128xf32, #tpu.memory_space<vmem>> -> memref<1x8x128xf32, #tpu.memory_space<vmem>>
      %dma_start3A_726 = tpu.memref_squeeze %dma_start3A_725 : memref<1x8x128xf32, #tpu.memory_space<vmem>> -> memref<8x128xf32, #tpu.memory_space<vmem>>
      tpu.enqueue_dma source(%dma_start3A_726 : memref<8x128xf32, #tpu.memory_space<vmem>>) target(%dma_start3A_722 : memref<8x128xf32, #tpu.memory_space<hbm>>) target_semaphore(%dma_start3A_718 : memref<!tpu.dma_semaphore, #tpu.memory_space<semaphore_mem>>)
      %mul3A_727 = arith.constant 2 : i32
      %mul3A_728 = arith.muli %scan3A_512, %mul3A_727 : i32
      %add3A_729 = arith.constant 1 : i32
      %add3A_730 = arith.addi %mul3A_728, %add3A_729 : i32
      %add3A_731 = arith.constant 1 : i32
      %add3A_732 = arith.addi %add3A_730, %add3A_731 : i32
      %lt3A_733 = arith.constant 50 : i32
      %lt3A_734 = arith.cmpi slt, %add3A_732, %lt3A_733 : i32
      %convert_element_type3A_735 = arith.extui %lt3A_734 : i1 to i32
      %cond3A_736 = arith.constant 0 : i32
      %cond3A_737 = arith.cmpi ne, %convert_element_type3A_735, %cond3A_736 : i32
      scf.if %cond3A_737 {
        %mul3A_945 = arith.constant 128 : i32
        %mul3A_946 = arith.muli %select_n3A_9, %mul3A_945 : i32
        %dma_start3A_947 = arith.constant 0 : i32
        %dma_start3A_948 = arith.constant 0 : i32
        %dma_start3A_949 = arith.constant 0 : i32
        %dma_start3A_950 = arith.constant 0 : i32
        %dma_start3A_951 = tpu.memref_slice %arg7[%dma_start3A_947, %dma_start3A_949, %dma_start3A_950] : memref<2x128x64xf32, #tpu.memory_space<vmem>> -> memref<1x128x64xf32, #tpu.memory_space<vmem>>
        %dma_start3A_952 = tpu.memref_squeeze %dma_start3A_951 : memref<1x128x64xf32, #tpu.memory_space<vmem>> -> memref<128x64xf32, #tpu.memory_space<vmem>>
        %dma_start3A_953 = tpu.memref_slice %arg6[%add3A_732, %mul3A_946] : memref<50x1024xi32, #tpu.memory_space<vmem>> -> memref<1x128xi32, #tpu.memory_space<vmem>>
        %dma_start3A_954 = tpu.memref_squeeze %dma_start3A_953 : memref<1x128xi32, #tpu.memory_space<vmem>> -> memref<128xi32, #tpu.memory_space<vmem>>
        %dma_start3A_955 = arith.constant 0 : i32
        %dma_start3A_956 = arith.constant 0 : i32
        %dma_start3A_957 = tpu.memref_slice %arg3[%dma_start3A_955, %dma_start3A_956] : memref<100000x64xf32, #tpu.memory_space<hbm>> -> memref<100000x64xf32, #tpu.memory_space<hbm>>
        %dma_start3A_958 = tpu.memref_slice %arg10[%dma_start3A_948] : memref<2x!tpu.dma_semaphore, #tpu.memory_space<semaphore_mem>> -> memref<1x!tpu.dma_semaphore, #tpu.memory_space<semaphore_mem>>
        %dma_start3A_959 = tpu.memref_squeeze %dma_start3A_958 : memref<1x!tpu.dma_semaphore, #tpu.memory_space<semaphore_mem>> -> memref<!tpu.dma_semaphore, #tpu.memory_space<semaphore_mem>>
        tpu.enqueue_indirect_dma source(%dma_start3A_957 : memref<100000x64xf32, #tpu.memory_space<hbm>>) target(%dma_start3A_952 : memref<128x64xf32, #tpu.memory_space<vmem>>) offsets(%dma_start3A_954 : memref<128xi32, #tpu.memory_space<vmem>>) semaphore(%dma_start3A_959 : memref<!tpu.dma_semaphore, #tpu.memory_space<semaphore_mem>>)
      } else {
      }
      %mul3A_738 = arith.constant 128 : i32
      %mul3A_739 = arith.muli %select_n3A_9, %mul3A_738 : i32
      %dma_wait3A_740 = arith.constant 1 : i32
      %dma_wait3A_741 = arith.constant 1 : i32
      %dma_wait3A_742 = arith.constant 0 : i32
      %dma_wait3A_743 = arith.constant 0 : i32
      %dma_wait3A_744 = tpu.memref_slice %arg7[%dma_wait3A_740, %dma_wait3A_742, %dma_wait3A_743] : memref<2x128x64xf32, #tpu.memory_space<vmem>> -> memref<1x128x64xf32, #tpu.memory_space<vmem>>
      %dma_wait3A_745 = tpu.memref_squeeze %dma_wait3A_744 : memref<1x128x64xf32, #tpu.memory_space<vmem>> -> memref<128x64xf32, #tpu.memory_space<vmem>>
      %dma_wait3A_746 = tpu.memref_slice %arg6[%add3A_730, %mul3A_739] : memref<50x1024xi32, #tpu.memory_space<vmem>> -> memref<1x128xi32, #tpu.memory_space<vmem>>
      %dma_wait3A_747 = tpu.memref_squeeze %dma_wait3A_746 : memref<1x128xi32, #tpu.memory_space<vmem>> -> memref<128xi32, #tpu.memory_space<vmem>>
      %dma_wait3A_748 = arith.constant 0 : i32
      %dma_wait3A_749 = arith.constant 0 : i32
      %dma_wait3A_750 = tpu.memref_slice %arg3[%dma_wait3A_748, %dma_wait3A_749] : memref<100000x64xf32, #tpu.memory_space<hbm>> -> memref<100000x64xf32, #tpu.memory_space<hbm>>
      %dma_wait3A_751 = tpu.memref_slice %arg10[%dma_wait3A_741] : memref<2x!tpu.dma_semaphore, #tpu.memory_space<semaphore_mem>> -> memref<1x!tpu.dma_semaphore, #tpu.memory_space<semaphore_mem>>
      %dma_wait3A_752 = tpu.memref_squeeze %dma_wait3A_751 : memref<1x!tpu.dma_semaphore, #tpu.memory_space<semaphore_mem>> -> memref<!tpu.dma_semaphore, #tpu.memory_space<semaphore_mem>>
      tpu.wait_indirect_dma semaphore(%dma_wait3A_752 : memref<!tpu.dma_semaphore, #tpu.memory_space<semaphore_mem>>) src(%dma_wait3A_750 : memref<100000x64xf32, #tpu.memory_space<hbm>>) dst(%dma_wait3A_745 : memref<128x64xf32, #tpu.memory_space<vmem>>)
      %ge3A_753 = arith.constant 2 : i32
      %ge3A_754 = arith.cmpi sge, %add3A_730, %ge3A_753 : i32
      %convert_element_type3A_755 = arith.extui %ge3A_754 : i1 to i32
      %cond3A_756 = arith.constant 0 : i32
      %cond3A_757 = arith.cmpi ne, %convert_element_type3A_755, %cond3A_756 : i32
      scf.if %cond3A_757 {
        %dma_wait3A_945 = arith.constant 0 : i32
        %dma_wait3A_946 = arith.constant 0 : i32
        %dma_wait3A_947 = arith.constant 0 : i32
        %dma_wait3A_948 = arith.constant 0 : i32
        %dma_wait3A_949 = arith.constant 1 : i32
        %dma_wait3A_950 = arith.constant 1 : i32
        %dma_wait3A_951 = arith.constant 0 : i32
        %dma_wait3A_952 = arith.constant 0 : i32
        %dma_wait3A_953 = tpu.memref_slice %arg8[%dma_wait3A_949, %dma_wait3A_951, %dma_wait3A_952] : memref<2x64x128xf32, #tpu.memory_space<vmem>> -> memref<1x8x128xf32, #tpu.memory_space<vmem>>
        %dma_wait3A_954 = tpu.memref_squeeze %dma_wait3A_953 : memref<1x8x128xf32, #tpu.memory_space<vmem>> -> memref<8x128xf32, #tpu.memory_space<vmem>>
        %dma_wait3A_955 = arith.constant 0 : i32
        %dma_wait3A_956 = tpu.memref_slice %arg5[%dma_wait3A_945, %dma_wait3A_946, %dma_wait3A_947, %dma_wait3A_948, %dma_wait3A_955] : memref<200x8x8x8x128xf32, #tpu.memory_space<hbm>> -> memref<1x1x1x1x128xf32, #tpu.memory_space<hbm>>
        %dma_wait3A_957 = tpu.memref_squeeze %dma_wait3A_956 : memref<1x1x1x1x128xf32, #tpu.memory_space<hbm>> -> memref<128xf32, #tpu.memory_space<hbm>>
        %dma_wait3A_958 = tpu.memref_slice %arg11[%dma_wait3A_950] : memref<2x!tpu.dma_semaphore, #tpu.memory_space<semaphore_mem>> -> memref<1x!tpu.dma_semaphore, #tpu.memory_space<semaphore_mem>>
        %dma_wait3A_959 = tpu.memref_squeeze %dma_wait3A_958 : memref<1x!tpu.dma_semaphore, #tpu.memory_space<semaphore_mem>> -> memref<!tpu.dma_semaphore, #tpu.memory_space<semaphore_mem>>
        %dma_wait3A_960 = arith.constant 0 : i32
        %dma_wait3A_961 = arith.constant 0 : i32
        %dma_wait3A_962 = tpu.memref_slice %arg8[%dma_wait3A_949, %dma_wait3A_960, %dma_wait3A_961] : memref<2x64x128xf32, #tpu.memory_space<vmem>> -> memref<1x8x128xf32, #tpu.memory_space<vmem>>
        %dma_wait3A_963 = tpu.memref_squeeze %dma_wait3A_962 : memref<1x8x128xf32, #tpu.memory_space<vmem>> -> memref<8x128xf32, #tpu.memory_space<vmem>>
        %dma_wait3A_964 = arith.constant 0 : i32
        %dma_wait3A_965 = tpu.memref_slice %arg5[%dma_wait3A_945, %dma_wait3A_946, %dma_wait3A_947, %dma_wait3A_948, %dma_wait3A_964] : memref<200x8x8x8x128xf32, #tpu.memory_space<hbm>> -> memref<1x1x1x1x128xf32, #tpu.memory_space<hbm>>
        %dma_wait3A_966 = tpu.memref_squeeze %dma_wait3A_965 : memref<1x1x1x1x128xf32, #tpu.memory_space<hbm>> -> memref<128xf32, #tpu.memory_space<hbm>>
        tpu.wait_dma2 semaphore(%dma_wait3A_959 : memref<!tpu.dma_semaphore, #tpu.memory_space<semaphore_mem>>) src(%dma_wait3A_966 : memref<128xf32, #tpu.memory_space<hbm>>) dst(%dma_wait3A_963 : memref<8x128xf32, #tpu.memory_space<vmem>>)
        %dma_wait3A_967 = arith.constant 0 : i32
        %dma_wait3A_968 = arith.constant 1 : i32
        %dma_wait3A_969 = arith.constant 0 : i32
        %dma_wait3A_970 = arith.constant 0 : i32
        %dma_wait3A_971 = arith.constant 1 : i32
        %dma_wait3A_972 = arith.constant 1 : i32
        %dma_wait3A_973 = arith.constant 8 : i32
        %dma_wait3A_974 = arith.constant 0 : i32
        %dma_wait3A_975 = tpu.memref_slice %arg8[%dma_wait3A_971, %dma_wait3A_973, %dma_wait3A_974] : memref<2x64x128xf32, #tpu.memory_space<vmem>> -> memref<1x8x128xf32, #tpu.memory_space<vmem>>
        %dma_wait3A_976 = tpu.memref_squeeze %dma_wait3A_975 : memref<1x8x128xf32, #tpu.memory_space<vmem>> -> memref<8x128xf32, #tpu.memory_space<vmem>>
        %dma_wait3A_977 = arith.constant 0 : i32
        %dma_wait3A_978 = tpu.memref_slice %arg5[%dma_wait3A_967, %dma_wait3A_968, %dma_wait3A_969, %dma_wait3A_970, %dma_wait3A_977] : memref<200x8x8x8x128xf32, #tpu.memory_space<hbm>> -> memref<1x1x1x1x128xf32, #tpu.memory_space<hbm>>
        %dma_wait3A_979 = tpu.memref_squeeze %dma_wait3A_978 : memref<1x1x1x1x128xf32, #tpu.memory_space<hbm>> -> memref<128xf32, #tpu.memory_space<hbm>>
        %dma_wait3A_980 = tpu.memref_slice %arg11[%dma_wait3A_972] : memref<2x!tpu.dma_semaphore, #tpu.memory_space<semaphore_mem>> -> memref<1x!tpu.dma_semaphore, #tpu.memory_space<semaphore_mem>>
        %dma_wait3A_981 = tpu.memref_squeeze %dma_wait3A_980 : memref<1x!tpu.dma_semaphore, #tpu.memory_space<semaphore_mem>> -> memref<!tpu.dma_semaphore, #tpu.memory_space<semaphore_mem>>
        %dma_wait3A_982 = arith.constant 8 : i32
        %dma_wait3A_983 = arith.constant 0 : i32
        %dma_wait3A_984 = tpu.memref_slice %arg8[%dma_wait3A_971, %dma_wait3A_982, %dma_wait3A_983] : memref<2x64x128xf32, #tpu.memory_space<vmem>> -> memref<1x8x128xf32, #tpu.memory_space<vmem>>
        %dma_wait3A_985 = tpu.memref_squeeze %dma_wait3A_984 : memref<1x8x128xf32, #tpu.memory_space<vmem>> -> memref<8x128xf32, #tpu.memory_space<vmem>>
        %dma_wait3A_986 = arith.constant 0 : i32
        %dma_wait3A_987 = tpu.memref_slice %arg5[%dma_wait3A_967, %dma_wait3A_968, %dma_wait3A_969, %dma_wait3A_970, %dma_wait3A_986] : memref<200x8x8x8x128xf32, #tpu.memory_space<hbm>> -> memref<1x1x1x1x128xf32, #tpu.memory_space<hbm>>
        %dma_wait3A_988 = tpu.memref_squeeze %dma_wait3A_987 : memref<1x1x1x1x128xf32, #tpu.memory_space<hbm>> -> memref<128xf32, #tpu.memory_space<hbm>>
        tpu.wait_dma2 semaphore(%dma_wait3A_981 : memref<!tpu.dma_semaphore, #tpu.memory_space<semaphore_mem>>) src(%dma_wait3A_988 : memref<128xf32, #tpu.memory_space<hbm>>) dst(%dma_wait3A_985 : memref<8x128xf32, #tpu.memory_space<vmem>>)
        %dma_wait3A_989 = arith.constant 0 : i32
        %dma_wait3A_990 = arith.constant 2 : i32
        %dma_wait3A_991 = arith.constant 0 : i32
        %dma_wait3A_992 = arith.constant 0 : i32
        %dma_wait3A_993 = arith.constant 1 : i32
        %dma_wait3A_994 = arith.constant 1 : i32
        %dma_wait3A_995 = arith.constant 16 : i32
        %dma_wait3A_996 = arith.constant 0 : i32
        %dma_wait3A_997 = tpu.memref_slice %arg8[%dma_wait3A_993, %dma_wait3A_995, %dma_wait3A_996] : memref<2x64x128xf32, #tpu.memory_space<vmem>> -> memref<1x8x128xf32, #tpu.memory_space<vmem>>
        %dma_wait3A_998 = tpu.memref_squeeze %dma_wait3A_997 : memref<1x8x128xf32, #tpu.memory_space<vmem>> -> memref<8x128xf32, #tpu.memory_space<vmem>>
        %dma_wait3A_999 = arith.constant 0 : i32
        %dma_wait3A_1000 = tpu.memref_slice %arg5[%dma_wait3A_989, %dma_wait3A_990, %dma_wait3A_991, %dma_wait3A_992, %dma_wait3A_999] : memref<200x8x8x8x128xf32, #tpu.memory_space<hbm>> -> memref<1x1x1x1x128xf32, #tpu.memory_space<hbm>>
        %dma_wait3A_1001 = tpu.memref_squeeze %dma_wait3A_1000 : memref<1x1x1x1x128xf32, #tpu.memory_space<hbm>> -> memref<128xf32, #tpu.memory_space<hbm>>
        %dma_wait3A_1002 = tpu.memref_slice %arg11[%dma_wait3A_994] : memref<2x!tpu.dma_semaphore, #tpu.memory_space<semaphore_mem>> -> memref<1x!tpu.dma_semaphore, #tpu.memory_space<semaphore_mem>>
        %dma_wait3A_1003 = tpu.memref_squeeze %dma_wait3A_1002 : memref<1x!tpu.dma_semaphore, #tpu.memory_space<semaphore_mem>> -> memref<!tpu.dma_semaphore, #tpu.memory_space<semaphore_mem>>
        %dma_wait3A_1004 = arith.constant 16 : i32
        %dma_wait3A_1005 = arith.constant 0 : i32
        %dma_wait3A_1006 = tpu.memref_slice %arg8[%dma_wait3A_993, %dma_wait3A_1004, %dma_wait3A_1005] : memref<2x64x128xf32, #tpu.memory_space<vmem>> -> memref<1x8x128xf32, #tpu.memory_space<vmem>>
        %dma_wait3A_1007 = tpu.memref_squeeze %dma_wait3A_1006 : memref<1x8x128xf32, #tpu.memory_space<vmem>> -> memref<8x128xf32, #tpu.memory_space<vmem>>
        %dma_wait3A_1008 = arith.constant 0 : i32
        %dma_wait3A_1009 = tpu.memref_slice %arg5[%dma_wait3A_989, %dma_wait3A_990, %dma_wait3A_991, %dma_wait3A_992, %dma_wait3A_1008] : memref<200x8x8x8x128xf32, #tpu.memory_space<hbm>> -> memref<1x1x1x1x128xf32, #tpu.memory_space<hbm>>
        %dma_wait3A_1010 = tpu.memref_squeeze %dma_wait3A_1009 : memref<1x1x1x1x128xf32, #tpu.memory_space<hbm>> -> memref<128xf32, #tpu.memory_space<hbm>>
        tpu.wait_dma2 semaphore(%dma_wait3A_1003 : memref<!tpu.dma_semaphore, #tpu.memory_space<semaphore_mem>>) src(%dma_wait3A_1010 : memref<128xf32, #tpu.memory_space<hbm>>) dst(%dma_wait3A_1007 : memref<8x128xf32, #tpu.memory_space<vmem>>)
        %dma_wait3A_1011 = arith.constant 0 : i32
        %dma_wait3A_1012 = arith.constant 3 : i32
        %dma_wait3A_1013 = arith.constant 0 : i32
        %dma_wait3A_1014 = arith.constant 0 : i32
        %dma_wait3A_1015 = arith.constant 1 : i32
        %dma_wait3A_1016 = arith.constant 1 : i32
        %dma_wait3A_1017 = arith.constant 24 : i32
        %dma_wait3A_1018 = arith.constant 0 : i32
        %dma_wait3A_1019 = tpu.memref_slice %arg8[%dma_wait3A_1015, %dma_wait3A_1017, %dma_wait3A_1018] : memref<2x64x128xf32, #tpu.memory_space<vmem>> -> memref<1x8x128xf32, #tpu.memory_space<vmem>>
        %dma_wait3A_1020 = tpu.memref_squeeze %dma_wait3A_1019 : memref<1x8x128xf32, #tpu.memory_space<vmem>> -> memref<8x128xf32, #tpu.memory_space<vmem>>
        %dma_wait3A_1021 = arith.constant 0 : i32
        %dma_wait3A_1022 = tpu.memref_slice %arg5[%dma_wait3A_1011, %dma_wait3A_1012, %dma_wait3A_1013, %dma_wait3A_1014, %dma_wait3A_1021] : memref<200x8x8x8x128xf32, #tpu.memory_space<hbm>> -> memref<1x1x1x1x128xf32, #tpu.memory_space<hbm>>
        %dma_wait3A_1023 = tpu.memref_squeeze %dma_wait3A_1022 : memref<1x1x1x1x128xf32, #tpu.memory_space<hbm>> -> memref<128xf32, #tpu.memory_space<hbm>>
        %dma_wait3A_1024 = tpu.memref_slice %arg11[%dma_wait3A_1016] : memref<2x!tpu.dma_semaphore, #tpu.memory_space<semaphore_mem>> -> memref<1x!tpu.dma_semaphore, #tpu.memory_space<semaphore_mem>>
        %dma_wait3A_1025 = tpu.memref_squeeze %dma_wait3A_1024 : memref<1x!tpu.dma_semaphore, #tpu.memory_space<semaphore_mem>> -> memref<!tpu.dma_semaphore, #tpu.memory_space<semaphore_mem>>
        %dma_wait3A_1026 = arith.constant 24 : i32
        %dma_wait3A_1027 = arith.constant 0 : i32
        %dma_wait3A_1028 = tpu.memref_slice %arg8[%dma_wait3A_1015, %dma_wait3A_1026, %dma_wait3A_1027] : memref<2x64x128xf32, #tpu.memory_space<vmem>> -> memref<1x8x128xf32, #tpu.memory_space<vmem>>
        %dma_wait3A_1029 = tpu.memref_squeeze %dma_wait3A_1028 : memref<1x8x128xf32, #tpu.memory_space<vmem>> -> memref<8x128xf32, #tpu.memory_space<vmem>>
        %dma_wait3A_1030 = arith.constant 0 : i32
        %dma_wait3A_1031 = tpu.memref_slice %arg5[%dma_wait3A_1011, %dma_wait3A_1012, %dma_wait3A_1013, %dma_wait3A_1014, %dma_wait3A_1030] : memref<200x8x8x8x128xf32, #tpu.memory_space<hbm>> -> memref<1x1x1x1x128xf32, #tpu.memory_space<hbm>>
        %dma_wait3A_1032 = tpu.memref_squeeze %dma_wait3A_1031 : memref<1x1x1x1x128xf32, #tpu.memory_space<hbm>> -> memref<128xf32, #tpu.memory_space<hbm>>
        tpu.wait_dma2 semaphore(%dma_wait3A_1025 : memref<!tpu.dma_semaphore, #tpu.memory_space<semaphore_mem>>) src(%dma_wait3A_1032 : memref<128xf32, #tpu.memory_space<hbm>>) dst(%dma_wait3A_1029 : memref<8x128xf32, #tpu.memory_space<vmem>>)
        %dma_wait3A_1033 = arith.constant 0 : i32
        %dma_wait3A_1034 = arith.constant 4 : i32
        %dma_wait3A_1035 = arith.constant 0 : i32
        %dma_wait3A_1036 = arith.constant 0 : i32
        %dma_wait3A_1037 = arith.constant 1 : i32
        %dma_wait3A_1038 = arith.constant 1 : i32
        %dma_wait3A_1039 = arith.constant 32 : i32
        %dma_wait3A_1040 = arith.constant 0 : i32
        %dma_wait3A_1041 = tpu.memref_slice %arg8[%dma_wait3A_1037, %dma_wait3A_1039, %dma_wait3A_1040] : memref<2x64x128xf32, #tpu.memory_space<vmem>> -> memref<1x8x128xf32, #tpu.memory_space<vmem>>
        %dma_wait3A_1042 = tpu.memref_squeeze %dma_wait3A_1041 : memref<1x8x128xf32, #tpu.memory_space<vmem>> -> memref<8x128xf32, #tpu.memory_space<vmem>>
        %dma_wait3A_1043 = arith.constant 0 : i32
        %dma_wait3A_1044 = tpu.memref_slice %arg5[%dma_wait3A_1033, %dma_wait3A_1034, %dma_wait3A_1035, %dma_wait3A_1036, %dma_wait3A_1043] : memref<200x8x8x8x128xf32, #tpu.memory_space<hbm>> -> memref<1x1x1x1x128xf32, #tpu.memory_space<hbm>>
        %dma_wait3A_1045 = tpu.memref_squeeze %dma_wait3A_1044 : memref<1x1x1x1x128xf32, #tpu.memory_space<hbm>> -> memref<128xf32, #tpu.memory_space<hbm>>
        %dma_wait3A_1046 = tpu.memref_slice %arg11[%dma_wait3A_1038] : memref<2x!tpu.dma_semaphore, #tpu.memory_space<semaphore_mem>> -> memref<1x!tpu.dma_semaphore, #tpu.memory_space<semaphore_mem>>
        %dma_wait3A_1047 = tpu.memref_squeeze %dma_wait3A_1046 : memref<1x!tpu.dma_semaphore, #tpu.memory_space<semaphore_mem>> -> memref<!tpu.dma_semaphore, #tpu.memory_space<semaphore_mem>>
        %dma_wait3A_1048 = arith.constant 32 : i32
        %dma_wait3A_1049 = arith.constant 0 : i32
        %dma_wait3A_1050 = tpu.memref_slice %arg8[%dma_wait3A_1037, %dma_wait3A_1048, %dma_wait3A_1049] : memref<2x64x128xf32, #tpu.memory_space<vmem>> -> memref<1x8x128xf32, #tpu.memory_space<vmem>>
        %dma_wait3A_1051 = tpu.memref_squeeze %dma_wait3A_1050 : memref<1x8x128xf32, #tpu.memory_space<vmem>> -> memref<8x128xf32, #tpu.memory_space<vmem>>
        %dma_wait3A_1052 = arith.constant 0 : i32
        %dma_wait3A_1053 = tpu.memref_slice %arg5[%dma_wait3A_1033, %dma_wait3A_1034, %dma_wait3A_1035, %dma_wait3A_1036, %dma_wait3A_1052] : memref<200x8x8x8x128xf32, #tpu.memory_space<hbm>> -> memref<1x1x1x1x128xf32, #tpu.memory_space<hbm>>
        %dma_wait3A_1054 = tpu.memref_squeeze %dma_wait3A_1053 : memref<1x1x1x1x128xf32, #tpu.memory_space<hbm>> -> memref<128xf32, #tpu.memory_space<hbm>>
        tpu.wait_dma2 semaphore(%dma_wait3A_1047 : memref<!tpu.dma_semaphore, #tpu.memory_space<semaphore_mem>>) src(%dma_wait3A_1054 : memref<128xf32, #tpu.memory_space<hbm>>) dst(%dma_wait3A_1051 : memref<8x128xf32, #tpu.memory_space<vmem>>)
        %dma_wait3A_1055 = arith.constant 0 : i32
        %dma_wait3A_1056 = arith.constant 5 : i32
        %dma_wait3A_1057 = arith.constant 0 : i32
        %dma_wait3A_1058 = arith.constant 0 : i32
        %dma_wait3A_1059 = arith.constant 1 : i32
        %dma_wait3A_1060 = arith.constant 1 : i32
        %dma_wait3A_1061 = arith.constant 40 : i32
        %dma_wait3A_1062 = arith.constant 0 : i32
        %dma_wait3A_1063 = tpu.memref_slice %arg8[%dma_wait3A_1059, %dma_wait3A_1061, %dma_wait3A_1062] : memref<2x64x128xf32, #tpu.memory_space<vmem>> -> memref<1x8x128xf32, #tpu.memory_space<vmem>>
        %dma_wait3A_1064 = tpu.memref_squeeze %dma_wait3A_1063 : memref<1x8x128xf32, #tpu.memory_space<vmem>> -> memref<8x128xf32, #tpu.memory_space<vmem>>
        %dma_wait3A_1065 = arith.constant 0 : i32
        %dma_wait3A_1066 = tpu.memref_slice %arg5[%dma_wait3A_1055, %dma_wait3A_1056, %dma_wait3A_1057, %dma_wait3A_1058, %dma_wait3A_1065] : memref<200x8x8x8x128xf32, #tpu.memory_space<hbm>> -> memref<1x1x1x1x128xf32, #tpu.memory_space<hbm>>
        %dma_wait3A_1067 = tpu.memref_squeeze %dma_wait3A_1066 : memref<1x1x1x1x128xf32, #tpu.memory_space<hbm>> -> memref<128xf32, #tpu.memory_space<hbm>>
        %dma_wait3A_1068 = tpu.memref_slice %arg11[%dma_wait3A_1060] : memref<2x!tpu.dma_semaphore, #tpu.memory_space<semaphore_mem>> -> memref<1x!tpu.dma_semaphore, #tpu.memory_space<semaphore_mem>>
        %dma_wait3A_1069 = tpu.memref_squeeze %dma_wait3A_1068 : memref<1x!tpu.dma_semaphore, #tpu.memory_space<semaphore_mem>> -> memref<!tpu.dma_semaphore, #tpu.memory_space<semaphore_mem>>
        %dma_wait3A_1070 = arith.constant 40 : i32
        %dma_wait3A_1071 = arith.constant 0 : i32
        %dma_wait3A_1072 = tpu.memref_slice %arg8[%dma_wait3A_1059, %dma_wait3A_1070, %dma_wait3A_1071] : memref<2x64x128xf32, #tpu.memory_space<vmem>> -> memref<1x8x128xf32, #tpu.memory_space<vmem>>
        %dma_wait3A_1073 = tpu.memref_squeeze %dma_wait3A_1072 : memref<1x8x128xf32, #tpu.memory_space<vmem>> -> memref<8x128xf32, #tpu.memory_space<vmem>>
        %dma_wait3A_1074 = arith.constant 0 : i32
        %dma_wait3A_1075 = tpu.memref_slice %arg5[%dma_wait3A_1055, %dma_wait3A_1056, %dma_wait3A_1057, %dma_wait3A_1058, %dma_wait3A_1074] : memref<200x8x8x8x128xf32, #tpu.memory_space<hbm>> -> memref<1x1x1x1x128xf32, #tpu.memory_space<hbm>>
        %dma_wait3A_1076 = tpu.memref_squeeze %dma_wait3A_1075 : memref<1x1x1x1x128xf32, #tpu.memory_space<hbm>> -> memref<128xf32, #tpu.memory_space<hbm>>
        tpu.wait_dma2 semaphore(%dma_wait3A_1069 : memref<!tpu.dma_semaphore, #tpu.memory_space<semaphore_mem>>) src(%dma_wait3A_1076 : memref<128xf32, #tpu.memory_space<hbm>>) dst(%dma_wait3A_1073 : memref<8x128xf32, #tpu.memory_space<vmem>>)
        %dma_wait3A_1077 = arith.constant 0 : i32
        %dma_wait3A_1078 = arith.constant 6 : i32
        %dma_wait3A_1079 = arith.constant 0 : i32
        %dma_wait3A_1080 = arith.constant 0 : i32
        %dma_wait3A_1081 = arith.constant 1 : i32
        %dma_wait3A_1082 = arith.constant 1 : i32
        %dma_wait3A_1083 = arith.constant 48 : i32
        %dma_wait3A_1084 = arith.constant 0 : i32
        %dma_wait3A_1085 = tpu.memref_slice %arg8[%dma_wait3A_1081, %dma_wait3A_1083, %dma_wait3A_1084] : memref<2x64x128xf32, #tpu.memory_space<vmem>> -> memref<1x8x128xf32, #tpu.memory_space<vmem>>
        %dma_wait3A_1086 = tpu.memref_squeeze %dma_wait3A_1085 : memref<1x8x128xf32, #tpu.memory_space<vmem>> -> memref<8x128xf32, #tpu.memory_space<vmem>>
        %dma_wait3A_1087 = arith.constant 0 : i32
        %dma_wait3A_1088 = tpu.memref_slice %arg5[%dma_wait3A_1077, %dma_wait3A_1078, %dma_wait3A_1079, %dma_wait3A_1080, %dma_wait3A_1087] : memref<200x8x8x8x128xf32, #tpu.memory_space<hbm>> -> memref<1x1x1x1x128xf32, #tpu.memory_space<hbm>>
        %dma_wait3A_1089 = tpu.memref_squeeze %dma_wait3A_1088 : memref<1x1x1x1x128xf32, #tpu.memory_space<hbm>> -> memref<128xf32, #tpu.memory_space<hbm>>
        %dma_wait3A_1090 = tpu.memref_slice %arg11[%dma_wait3A_1082] : memref<2x!tpu.dma_semaphore, #tpu.memory_space<semaphore_mem>> -> memref<1x!tpu.dma_semaphore, #tpu.memory_space<semaphore_mem>>
        %dma_wait3A_1091 = tpu.memref_squeeze %dma_wait3A_1090 : memref<1x!tpu.dma_semaphore, #tpu.memory_space<semaphore_mem>> -> memref<!tpu.dma_semaphore, #tpu.memory_space<semaphore_mem>>
        %dma_wait3A_1092 = arith.constant 48 : i32
        %dma_wait3A_1093 = arith.constant 0 : i32
        %dma_wait3A_1094 = tpu.memref_slice %arg8[%dma_wait3A_1081, %dma_wait3A_1092, %dma_wait3A_1093] : memref<2x64x128xf32, #tpu.memory_space<vmem>> -> memref<1x8x128xf32, #tpu.memory_space<vmem>>
        %dma_wait3A_1095 = tpu.memref_squeeze %dma_wait3A_1094 : memref<1x8x128xf32, #tpu.memory_space<vmem>> -> memref<8x128xf32, #tpu.memory_space<vmem>>
        %dma_wait3A_1096 = arith.constant 0 : i32
        %dma_wait3A_1097 = tpu.memref_slice %arg5[%dma_wait3A_1077, %dma_wait3A_1078, %dma_wait3A_1079, %dma_wait3A_1080, %dma_wait3A_1096] : memref<200x8x8x8x128xf32, #tpu.memory_space<hbm>> -> memref<1x1x1x1x128xf32, #tpu.memory_space<hbm>>
        %dma_wait3A_1098 = tpu.memref_squeeze %dma_wait3A_1097 : memref<1x1x1x1x128xf32, #tpu.memory_space<hbm>> -> memref<128xf32, #tpu.memory_space<hbm>>
        tpu.wait_dma2 semaphore(%dma_wait3A_1091 : memref<!tpu.dma_semaphore, #tpu.memory_space<semaphore_mem>>) src(%dma_wait3A_1098 : memref<128xf32, #tpu.memory_space<hbm>>) dst(%dma_wait3A_1095 : memref<8x128xf32, #tpu.memory_space<vmem>>)
        %dma_wait3A_1099 = arith.constant 0 : i32
        %dma_wait3A_1100 = arith.constant 7 : i32
        %dma_wait3A_1101 = arith.constant 0 : i32
        %dma_wait3A_1102 = arith.constant 0 : i32
        %dma_wait3A_1103 = arith.constant 1 : i32
        %dma_wait3A_1104 = arith.constant 1 : i32
        %dma_wait3A_1105 = arith.constant 56 : i32
        %dma_wait3A_1106 = arith.constant 0 : i32
        %dma_wait3A_1107 = tpu.memref_slice %arg8[%dma_wait3A_1103, %dma_wait3A_1105, %dma_wait3A_1106] : memref<2x64x128xf32, #tpu.memory_space<vmem>> -> memref<1x8x128xf32, #tpu.memory_space<vmem>>
        %dma_wait3A_1108 = tpu.memref_squeeze %dma_wait3A_1107 : memref<1x8x128xf32, #tpu.memory_space<vmem>> -> memref<8x128xf32, #tpu.memory_space<vmem>>
        %dma_wait3A_1109 = arith.constant 0 : i32
        %dma_wait3A_1110 = tpu.memref_slice %arg5[%dma_wait3A_1099, %dma_wait3A_1100, %dma_wait3A_1101, %dma_wait3A_1102, %dma_wait3A_1109] : memref<200x8x8x8x128xf32, #tpu.memory_space<hbm>> -> memref<1x1x1x1x128xf32, #tpu.memory_space<hbm>>
        %dma_wait3A_1111 = tpu.memref_squeeze %dma_wait3A_1110 : memref<1x1x1x1x128xf32, #tpu.memory_space<hbm>> -> memref<128xf32, #tpu.memory_space<hbm>>
        %dma_wait3A_1112 = tpu.memref_slice %arg11[%dma_wait3A_1104] : memref<2x!tpu.dma_semaphore, #tpu.memory_space<semaphore_mem>> -> memref<1x!tpu.dma_semaphore, #tpu.memory_space<semaphore_mem>>
        %dma_wait3A_1113 = tpu.memref_squeeze %dma_wait3A_1112 : memref<1x!tpu.dma_semaphore, #tpu.memory_space<semaphore_mem>> -> memref<!tpu.dma_semaphore, #tpu.memory_space<semaphore_mem>>
        %dma_wait3A_1114 = arith.constant 56 : i32
        %dma_wait3A_1115 = arith.constant 0 : i32
        %dma_wait3A_1116 = tpu.memref_slice %arg8[%dma_wait3A_1103, %dma_wait3A_1114, %dma_wait3A_1115] : memref<2x64x128xf32, #tpu.memory_space<vmem>> -> memref<1x8x128xf32, #tpu.memory_space<vmem>>
        %dma_wait3A_1117 = tpu.memref_squeeze %dma_wait3A_1116 : memref<1x8x128xf32, #tpu.memory_space<vmem>> -> memref<8x128xf32, #tpu.memory_space<vmem>>
        %dma_wait3A_1118 = arith.constant 0 : i32
        %dma_wait3A_1119 = tpu.memref_slice %arg5[%dma_wait3A_1099, %dma_wait3A_1100, %dma_wait3A_1101, %dma_wait3A_1102, %dma_wait3A_1118] : memref<200x8x8x8x128xf32, #tpu.memory_space<hbm>> -> memref<1x1x1x1x128xf32, #tpu.memory_space<hbm>>
        %dma_wait3A_1120 = tpu.memref_squeeze %dma_wait3A_1119 : memref<1x1x1x1x128xf32, #tpu.memory_space<hbm>> -> memref<128xf32, #tpu.memory_space<hbm>>
        tpu.wait_dma2 semaphore(%dma_wait3A_1113 : memref<!tpu.dma_semaphore, #tpu.memory_space<semaphore_mem>>) src(%dma_wait3A_1120 : memref<128xf32, #tpu.memory_space<hbm>>) dst(%dma_wait3A_1117 : memref<8x128xf32, #tpu.memory_space<vmem>>)
      } else {
      }
      %get3A_758 = arith.index_cast %add3A_730 : i32 to index
      %get3A_759 = arith.constant 0 : index
      %get3A_760 = tpu.vector_load %arg9[%get3A_758, %get3A_759] {strides = array<i32>} : memref<50x64xf32, #tpu.memory_space<vmem>>, vector<16xf32>,
      %get3A_761 = arith.index_cast %add3A_730 : i32 to index
      %get3A_762 = arith.constant 16 : index
      %get3A_763 = tpu.vector_load %arg9[%get3A_761, %get3A_762] {strides = array<i32>} : memref<50x64xf32, #tpu.memory_space<vmem>>, vector<16xf32>,
      %get3A_764 = arith.index_cast %add3A_730 : i32 to index
      %get3A_765 = arith.constant 32 : index
      %get3A_766 = tpu.vector_load %arg9[%get3A_764, %get3A_765] {strides = array<i32>} : memref<50x64xf32, #tpu.memory_space<vmem>>, vector<16xf32>,
      %get3A_767 = arith.index_cast %add3A_730 : i32 to index
      %get3A_768 = arith.constant 48 : index
      %get3A_769 = tpu.vector_load %arg9[%get3A_767, %get3A_768] {strides = array<i32>} : memref<50x64xf32, #tpu.memory_space<vmem>>, vector<16xf32>,
      %scan3A_770 = arith.constant 0 : i32
      %scan3A_771 = arith.constant 0 : i32
      %scan3A_772 = arith.constant 8 : i32
      %scan3A_773 = arith.addi %scan3A_771, %scan3A_772 : i32
      %scan3A_774 = arith.constant 1 : i32
      scf.for %scan3A_945 = %scan3A_771 to %scan3A_773 step %scan3A_774  : i32 {
        %mul3A_946 = arith.constant 16 : i32
        %mul3A_947 = arith.muli %scan3A_945, %mul3A_946 : i32
        %add3A_948 = vector.broadcast %mul3A_947 : i32 to vector<16xi32>
        %add3A_949 = arith.addi %add3A_948, %and3A_38 : vector<16xi32>
        %gather3A = arith.constant 1 : i32
        %gather3A_950 = arith.constant 0 : i32
        %gather3A_951 = arith.constant 0 : i32
        %gather3A_952 = tpu.memref_slice %arg7[%gather3A, %gather3A_950, %gather3A_951] : memref<2x128x64xf32, #tpu.memory_space<vmem>> -> memref<1x128x64xf32, #tpu.memory_space<vmem>>
        %gather3A_953 = tpu.memref_squeeze %gather3A_952 : memref<1x128x64xf32, #tpu.memory_space<vmem>> -> memref<128x64xf32, #tpu.memory_space<vmem>>
        %gather3A_954 = tpu.vector_load_idx %gather3A_953[%add3A_949, %add3A_131] : memref<128x64xf32, #tpu.memory_space<vmem>>[vector<16xi32>, vector<16xi32>], vector<16xf32>,
        %add3A_955 = arith.addf %gather3A_954, %get3A_760 : vector<16xf32>
        %scatter3A = arith.constant 1 : i32
        %scatter3A_956 = arith.constant 0 : i32
        %scatter3A_957 = arith.constant 0 : i32
        %scatter3A_958 = tpu.memref_slice %arg8[%scatter3A, %scatter3A_956, %scatter3A_957] : memref<2x64x128xf32, #tpu.memory_space<vmem>> -> memref<1x64x128xf32, #tpu.memory_space<vmem>>
        %scatter3A_959 = tpu.memref_squeeze %scatter3A_958 : memref<1x64x128xf32, #tpu.memory_space<vmem>> -> memref<64x128xf32, #tpu.memory_space<vmem>>
        tpu.vector_store_idx %scatter3A_959[%add3A_131, %add3A_949], %add3A_955 : memref<64x128xf32, #tpu.memory_space<vmem>>[vector<16xi32>, vector<16xi32>], vector<16xf32>,
        %gather3A_960 = arith.constant 1 : i32
        %gather3A_961 = arith.constant 0 : i32
        %gather3A_962 = arith.constant 0 : i32
        %gather3A_963 = tpu.memref_slice %arg7[%gather3A_960, %gather3A_961, %gather3A_962] : memref<2x128x64xf32, #tpu.memory_space<vmem>> -> memref<1x128x64xf32, #tpu.memory_space<vmem>>
        %gather3A_964 = tpu.memref_squeeze %gather3A_963 : memref<1x128x64xf32, #tpu.memory_space<vmem>> -> memref<128x64xf32, #tpu.memory_space<vmem>>
        %gather3A_965 = tpu.vector_load_idx %gather3A_964[%add3A_949, %add3A_134] : memref<128x64xf32, #tpu.memory_space<vmem>>[vector<16xi32>, vector<16xi32>], vector<16xf32>,
        %add3A_966 = arith.addf %gather3A_965, %get3A_763 : vector<16xf32>
        %scatter3A_967 = arith.constant 1 : i32
        %scatter3A_968 = arith.constant 0 : i32
        %scatter3A_969 = arith.constant 0 : i32
        %scatter3A_970 = tpu.memref_slice %arg8[%scatter3A_967, %scatter3A_968, %scatter3A_969] : memref<2x64x128xf32, #tpu.memory_space<vmem>> -> memref<1x64x128xf32, #tpu.memory_space<vmem>>
        %scatter3A_971 = tpu.memref_squeeze %scatter3A_970 : memref<1x64x128xf32, #tpu.memory_space<vmem>> -> memref<64x128xf32, #tpu.memory_space<vmem>>
        tpu.vector_store_idx %scatter3A_971[%add3A_134, %add3A_949], %add3A_966 : memref<64x128xf32, #tpu.memory_space<vmem>>[vector<16xi32>, vector<16xi32>], vector<16xf32>,
        %gather3A_972 = arith.constant 1 : i32
        %gather3A_973 = arith.constant 0 : i32
        %gather3A_974 = arith.constant 0 : i32
        %gather3A_975 = tpu.memref_slice %arg7[%gather3A_972, %gather3A_973, %gather3A_974] : memref<2x128x64xf32, #tpu.memory_space<vmem>> -> memref<1x128x64xf32, #tpu.memory_space<vmem>>
        %gather3A_976 = tpu.memref_squeeze %gather3A_975 : memref<1x128x64xf32, #tpu.memory_space<vmem>> -> memref<128x64xf32, #tpu.memory_space<vmem>>
        %gather3A_977 = tpu.vector_load_idx %gather3A_976[%add3A_949, %add3A_137] : memref<128x64xf32, #tpu.memory_space<vmem>>[vector<16xi32>, vector<16xi32>], vector<16xf32>,
        %add3A_978 = arith.addf %gather3A_977, %get3A_766 : vector<16xf32>
        %scatter3A_979 = arith.constant 1 : i32
        %scatter3A_980 = arith.constant 0 : i32
        %scatter3A_981 = arith.constant 0 : i32
        %scatter3A_982 = tpu.memref_slice %arg8[%scatter3A_979, %scatter3A_980, %scatter3A_981] : memref<2x64x128xf32, #tpu.memory_space<vmem>> -> memref<1x64x128xf32, #tpu.memory_space<vmem>>
        %scatter3A_983 = tpu.memref_squeeze %scatter3A_982 : memref<1x64x128xf32, #tpu.memory_space<vmem>> -> memref<64x128xf32, #tpu.memory_space<vmem>>
        tpu.vector_store_idx %scatter3A_983[%add3A_137, %add3A_949], %add3A_978 : memref<64x128xf32, #tpu.memory_space<vmem>>[vector<16xi32>, vector<16xi32>], vector<16xf32>,
        %gather3A_984 = arith.constant 1 : i32
        %gather3A_985 = arith.constant 0 : i32
        %gather3A_986 = arith.constant 0 : i32
        %gather3A_987 = tpu.memref_slice %arg7[%gather3A_984, %gather3A_985, %gather3A_986] : memref<2x128x64xf32, #tpu.memory_space<vmem>> -> memref<1x128x64xf32, #tpu.memory_space<vmem>>
        %gather3A_988 = tpu.memref_squeeze %gather3A_987 : memref<1x128x64xf32, #tpu.memory_space<vmem>> -> memref<128x64xf32, #tpu.memory_space<vmem>>
        %gather3A_989 = tpu.vector_load_idx %gather3A_988[%add3A_949, %add3A_140] : memref<128x64xf32, #tpu.memory_space<vmem>>[vector<16xi32>, vector<16xi32>], vector<16xf32>,
        %add3A_990 = arith.addf %gather3A_989, %get3A_769 : vector<16xf32>
        %scatter3A_991 = arith.constant 1 : i32
        %scatter3A_992 = arith.constant 0 : i32
        %scatter3A_993 = arith.constant 0 : i32
        %scatter3A_994 = tpu.memref_slice %arg8[%scatter3A_991, %scatter3A_992, %scatter3A_993] : memref<2x64x128xf32, #tpu.memory_space<vmem>> -> memref<1x64x128xf32, #tpu.memory_space<vmem>>
        %scatter3A_995 = tpu.memref_squeeze %scatter3A_994 : memref<1x64x128xf32, #tpu.memory_space<vmem>> -> memref<64x128xf32, #tpu.memory_space<vmem>>
        tpu.vector_store_idx %scatter3A_995[%add3A_140, %add3A_949], %add3A_990 : memref<64x128xf32, #tpu.memory_space<vmem>>[vector<16xi32>, vector<16xi32>], vector<16xf32>,
        %add3A_996 = vector.broadcast %mul3A_947 : i32 to vector<16xi32>
        %add3A_997 = arith.addi %add3A_996, %and3A_44 : vector<16xi32>
        %gather3A_998 = arith.constant 1 : i32
        %gather3A_999 = arith.constant 0 : i32
        %gather3A_1000 = arith.constant 0 : i32
        %gather3A_1001 = tpu.memref_slice %arg7[%gather3A_998, %gather3A_999, %gather3A_1000] : memref<2x128x64xf32, #tpu.memory_space<vmem>> -> memref<1x128x64xf32, #tpu.memory_space<vmem>>
        %gather3A_1002 = tpu.memref_squeeze %gather3A_1001 : memref<1x128x64xf32, #tpu.memory_space<vmem>> -> memref<128x64xf32, #tpu.memory_space<vmem>>
        %gather3A_1003 = tpu.vector_load_idx %gather3A_1002[%add3A_997, %add3A_131] : memref<128x64xf32, #tpu.memory_space<vmem>>[vector<16xi32>, vector<16xi32>], vector<16xf32>,
        %add3A_1004 = arith.addf %gather3A_1003, %get3A_760 : vector<16xf32>
        %scatter3A_1005 = arith.constant 1 : i32
        %scatter3A_1006 = arith.constant 0 : i32
        %scatter3A_1007 = arith.constant 0 : i32
        %scatter3A_1008 = tpu.memref_slice %arg8[%scatter3A_1005, %scatter3A_1006, %scatter3A_1007] : memref<2x64x128xf32, #tpu.memory_space<vmem>> -> memref<1x64x128xf32, #tpu.memory_space<vmem>>
        %scatter3A_1009 = tpu.memref_squeeze %scatter3A_1008 : memref<1x64x128xf32, #tpu.memory_space<vmem>> -> memref<64x128xf32, #tpu.memory_space<vmem>>
        tpu.vector_store_idx %scatter3A_1009[%add3A_131, %add3A_997], %add3A_1004 : memref<64x128xf32, #tpu.memory_space<vmem>>[vector<16xi32>, vector<16xi32>], vector<16xf32>,
        %gather3A_1010 = arith.constant 1 : i32
        %gather3A_1011 = arith.constant 0 : i32
        %gather3A_1012 = arith.constant 0 : i32
        %gather3A_1013 = tpu.memref_slice %arg7[%gather3A_1010, %gather3A_1011, %gather3A_1012] : memref<2x128x64xf32, #tpu.memory_space<vmem>> -> memref<1x128x64xf32, #tpu.memory_space<vmem>>
        %gather3A_1014 = tpu.memref_squeeze %gather3A_1013 : memref<1x128x64xf32, #tpu.memory_space<vmem>> -> memref<128x64xf32, #tpu.memory_space<vmem>>
        %gather3A_1015 = tpu.vector_load_idx %gather3A_1014[%add3A_997, %add3A_134] : memref<128x64xf32, #tpu.memory_space<vmem>>[vector<16xi32>, vector<16xi32>], vector<16xf32>,
        %add3A_1016 = arith.addf %gather3A_1015, %get3A_763 : vector<16xf32>
        %scatter3A_1017 = arith.constant 1 : i32
        %scatter3A_1018 = arith.constant 0 : i32
        %scatter3A_1019 = arith.constant 0 : i32
        %scatter3A_1020 = tpu.memref_slice %arg8[%scatter3A_1017, %scatter3A_1018, %scatter3A_1019] : memref<2x64x128xf32, #tpu.memory_space<vmem>> -> memref<1x64x128xf32, #tpu.memory_space<vmem>>
        %scatter3A_1021 = tpu.memref_squeeze %scatter3A_1020 : memref<1x64x128xf32, #tpu.memory_space<vmem>> -> memref<64x128xf32, #tpu.memory_space<vmem>>
        tpu.vector_store_idx %scatter3A_1021[%add3A_134, %add3A_997], %add3A_1016 : memref<64x128xf32, #tpu.memory_space<vmem>>[vector<16xi32>, vector<16xi32>], vector<16xf32>,
        %gather3A_1022 = arith.constant 1 : i32
        %gather3A_1023 = arith.constant 0 : i32
        %gather3A_1024 = arith.constant 0 : i32
        %gather3A_1025 = tpu.memref_slice %arg7[%gather3A_1022, %gather3A_1023, %gather3A_1024] : memref<2x128x64xf32, #tpu.memory_space<vmem>> -> memref<1x128x64xf32, #tpu.memory_space<vmem>>
        %gather3A_1026 = tpu.memref_squeeze %gather3A_1025 : memref<1x128x64xf32, #tpu.memory_space<vmem>> -> memref<128x64xf32, #tpu.memory_space<vmem>>
        %gather3A_1027 = tpu.vector_load_idx %gather3A_1026[%add3A_997, %add3A_137] : memref<128x64xf32, #tpu.memory_space<vmem>>[vector<16xi32>, vector<16xi32>], vector<16xf32>,
        %add3A_1028 = arith.addf %gather3A_1027, %get3A_766 : vector<16xf32>
        %scatter3A_1029 = arith.constant 1 : i32
        %scatter3A_1030 = arith.constant 0 : i32
        %scatter3A_1031 = arith.constant 0 : i32
        %scatter3A_1032 = tpu.memref_slice %arg8[%scatter3A_1029, %scatter3A_1030, %scatter3A_1031] : memref<2x64x128xf32, #tpu.memory_space<vmem>> -> memref<1x64x128xf32, #tpu.memory_space<vmem>>
        %scatter3A_1033 = tpu.memref_squeeze %scatter3A_1032 : memref<1x64x128xf32, #tpu.memory_space<vmem>> -> memref<64x128xf32, #tpu.memory_space<vmem>>
        tpu.vector_store_idx %scatter3A_1033[%add3A_137, %add3A_997], %add3A_1028 : memref<64x128xf32, #tpu.memory_space<vmem>>[vector<16xi32>, vector<16xi32>], vector<16xf32>,
        %gather3A_1034 = arith.constant 1 : i32
        %gather3A_1035 = arith.constant 0 : i32
        %gather3A_1036 = arith.constant 0 : i32
        %gather3A_1037 = tpu.memref_slice %arg7[%gather3A_1034, %gather3A_1035, %gather3A_1036] : memref<2x128x64xf32, #tpu.memory_space<vmem>> -> memref<1x128x64xf32, #tpu.memory_space<vmem>>
        %gather3A_1038 = tpu.memref_squeeze %gather3A_1037 : memref<1x128x64xf32, #tpu.memory_space<vmem>> -> memref<128x64xf32, #tpu.memory_space<vmem>>
        %gather3A_1039 = tpu.vector_load_idx %gather3A_1038[%add3A_997, %add3A_140] : memref<128x64xf32, #tpu.memory_space<vmem>>[vector<16xi32>, vector<16xi32>], vector<16xf32>,
        %add3A_1040 = arith.addf %gather3A_1039, %get3A_769 : vector<16xf32>
        %scatter3A_1041 = arith.constant 1 : i32
        %scatter3A_1042 = arith.constant 0 : i32
        %scatter3A_1043 = arith.constant 0 : i32
        %scatter3A_1044 = tpu.memref_slice %arg8[%scatter3A_1041, %scatter3A_1042, %scatter3A_1043] : memref<2x64x128xf32, #tpu.memory_space<vmem>> -> memref<1x64x128xf32, #tpu.memory_space<vmem>>
        %scatter3A_1045 = tpu.memref_squeeze %scatter3A_1044 : memref<1x64x128xf32, #tpu.memory_space<vmem>> -> memref<64x128xf32, #tpu.memory_space<vmem>>
        tpu.vector_store_idx %scatter3A_1045[%add3A_140, %add3A_997], %add3A_1040 : memref<64x128xf32, #tpu.memory_space<vmem>>[vector<16xi32>, vector<16xi32>], vector<16xf32>,
        %add3A_1046 = vector.broadcast %mul3A_947 : i32 to vector<16xi32>
        %add3A_1047 = arith.addi %add3A_1046, %and3A_50 : vector<16xi32>
        %gather3A_1048 = arith.constant 1 : i32
        %gather3A_1049 = arith.constant 0 : i32
        %gather3A_1050 = arith.constant 0 : i32
        %gather3A_1051 = tpu.memref_slice %arg7[%gather3A_1048, %gather3A_1049, %gather3A_1050] : memref<2x128x64xf32, #tpu.memory_space<vmem>> -> memref<1x128x64xf32, #tpu.memory_space<vmem>>
        %gather3A_1052 = tpu.memref_squeeze %gather3A_1051 : memref<1x128x64xf32, #tpu.memory_space<vmem>> -> memref<128x64xf32, #tpu.memory_space<vmem>>
        %gather3A_1053 = tpu.vector_load_idx %gather3A_1052[%add3A_1047, %add3A_131] : memref<128x64xf32, #tpu.memory_space<vmem>>[vector<16xi32>, vector<16xi32>], vector<16xf32>,
        %add3A_1054 = arith.addf %gather3A_1053, %get3A_760 : vector<16xf32>
        %scatter3A_1055 = arith.constant 1 : i32
        %scatter3A_1056 = arith.constant 0 : i32
        %scatter3A_1057 = arith.constant 0 : i32
        %scatter3A_1058 = tpu.memref_slice %arg8[%scatter3A_1055, %scatter3A_1056, %scatter3A_1057] : memref<2x64x128xf32, #tpu.memory_space<vmem>> -> memref<1x64x128xf32, #tpu.memory_space<vmem>>
        %scatter3A_1059 = tpu.memref_squeeze %scatter3A_1058 : memref<1x64x128xf32, #tpu.memory_space<vmem>> -> memref<64x128xf32, #tpu.memory_space<vmem>>
        tpu.vector_store_idx %scatter3A_1059[%add3A_131, %add3A_1047], %add3A_1054 : memref<64x128xf32, #tpu.memory_space<vmem>>[vector<16xi32>, vector<16xi32>], vector<16xf32>,
        %gather3A_1060 = arith.constant 1 : i32
        %gather3A_1061 = arith.constant 0 : i32
        %gather3A_1062 = arith.constant 0 : i32
        %gather3A_1063 = tpu.memref_slice %arg7[%gather3A_1060, %gather3A_1061, %gather3A_1062] : memref<2x128x64xf32, #tpu.memory_space<vmem>> -> memref<1x128x64xf32, #tpu.memory_space<vmem>>
        %gather3A_1064 = tpu.memref_squeeze %gather3A_1063 : memref<1x128x64xf32, #tpu.memory_space<vmem>> -> memref<128x64xf32, #tpu.memory_space<vmem>>
        %gather3A_1065 = tpu.vector_load_idx %gather3A_1064[%add3A_1047, %add3A_134] : memref<128x64xf32, #tpu.memory_space<vmem>>[vector<16xi32>, vector<16xi32>], vector<16xf32>,
        %add3A_1066 = arith.addf %gather3A_1065, %get3A_763 : vector<16xf32>
        %scatter3A_1067 = arith.constant 1 : i32
        %scatter3A_1068 = arith.constant 0 : i32
        %scatter3A_1069 = arith.constant 0 : i32
        %scatter3A_1070 = tpu.memref_slice %arg8[%scatter3A_1067, %scatter3A_1068, %scatter3A_1069] : memref<2x64x128xf32, #tpu.memory_space<vmem>> -> memref<1x64x128xf32, #tpu.memory_space<vmem>>
        %scatter3A_1071 = tpu.memref_squeeze %scatter3A_1070 : memref<1x64x128xf32, #tpu.memory_space<vmem>> -> memref<64x128xf32, #tpu.memory_space<vmem>>
        tpu.vector_store_idx %scatter3A_1071[%add3A_134, %add3A_1047], %add3A_1066 : memref<64x128xf32, #tpu.memory_space<vmem>>[vector<16xi32>, vector<16xi32>], vector<16xf32>,
        %gather3A_1072 = arith.constant 1 : i32
        %gather3A_1073 = arith.constant 0 : i32
        %gather3A_1074 = arith.constant 0 : i32
        %gather3A_1075 = tpu.memref_slice %arg7[%gather3A_1072, %gather3A_1073, %gather3A_1074] : memref<2x128x64xf32, #tpu.memory_space<vmem>> -> memref<1x128x64xf32, #tpu.memory_space<vmem>>
        %gather3A_1076 = tpu.memref_squeeze %gather3A_1075 : memref<1x128x64xf32, #tpu.memory_space<vmem>> -> memref<128x64xf32, #tpu.memory_space<vmem>>
        %gather3A_1077 = tpu.vector_load_idx %gather3A_1076[%add3A_1047, %add3A_137] : memref<128x64xf32, #tpu.memory_space<vmem>>[vector<16xi32>, vector<16xi32>], vector<16xf32>,
        %add3A_1078 = arith.addf %gather3A_1077, %get3A_766 : vector<16xf32>
        %scatter3A_1079 = arith.constant 1 : i32
        %scatter3A_1080 = arith.constant 0 : i32
        %scatter3A_1081 = arith.constant 0 : i32
        %scatter3A_1082 = tpu.memref_slice %arg8[%scatter3A_1079, %scatter3A_1080, %scatter3A_1081] : memref<2x64x128xf32, #tpu.memory_space<vmem>> -> memref<1x64x128xf32, #tpu.memory_space<vmem>>
        %scatter3A_1083 = tpu.memref_squeeze %scatter3A_1082 : memref<1x64x128xf32, #tpu.memory_space<vmem>> -> memref<64x128xf32, #tpu.memory_space<vmem>>
        tpu.vector_store_idx %scatter3A_1083[%add3A_137, %add3A_1047], %add3A_1078 : memref<64x128xf32, #tpu.memory_space<vmem>>[vector<16xi32>, vector<16xi32>], vector<16xf32>,
        %gather3A_1084 = arith.constant 1 : i32
        %gather3A_1085 = arith.constant 0 : i32
        %gather3A_1086 = arith.constant 0 : i32
        %gather3A_1087 = tpu.memref_slice %arg7[%gather3A_1084, %gather3A_1085, %gather3A_1086] : memref<2x128x64xf32, #tpu.memory_space<vmem>> -> memref<1x128x64xf32, #tpu.memory_space<vmem>>
        %gather3A_1088 = tpu.memref_squeeze %gather3A_1087 : memref<1x128x64xf32, #tpu.memory_space<vmem>> -> memref<128x64xf32, #tpu.memory_space<vmem>>
        %gather3A_1089 = tpu.vector_load_idx %gather3A_1088[%add3A_1047, %add3A_140] : memref<128x64xf32, #tpu.memory_space<vmem>>[vector<16xi32>, vector<16xi32>], vector<16xf32>,
        %add3A_1090 = arith.addf %gather3A_1089, %get3A_769 : vector<16xf32>
        %scatter3A_1091 = arith.constant 1 : i32
        %scatter3A_1092 = arith.constant 0 : i32
        %scatter3A_1093 = arith.constant 0 : i32
        %scatter3A_1094 = tpu.memref_slice %arg8[%scatter3A_1091, %scatter3A_1092, %scatter3A_1093] : memref<2x64x128xf32, #tpu.memory_space<vmem>> -> memref<1x64x128xf32, #tpu.memory_space<vmem>>
        %scatter3A_1095 = tpu.memref_squeeze %scatter3A_1094 : memref<1x64x128xf32, #tpu.memory_space<vmem>> -> memref<64x128xf32, #tpu.memory_space<vmem>>
        tpu.vector_store_idx %scatter3A_1095[%add3A_140, %add3A_1047], %add3A_1090 : memref<64x128xf32, #tpu.memory_space<vmem>>[vector<16xi32>, vector<16xi32>], vector<16xf32>,
        %add3A_1096 = vector.broadcast %mul3A_947 : i32 to vector<16xi32>
        %add3A_1097 = arith.addi %add3A_1096, %and3A_56 : vector<16xi32>
        %gather3A_1098 = arith.constant 1 : i32
        %gather3A_1099 = arith.constant 0 : i32
        %gather3A_1100 = arith.constant 0 : i32
        %gather3A_1101 = tpu.memref_slice %arg7[%gather3A_1098, %gather3A_1099, %gather3A_1100] : memref<2x128x64xf32, #tpu.memory_space<vmem>> -> memref<1x128x64xf32, #tpu.memory_space<vmem>>
        %gather3A_1102 = tpu.memref_squeeze %gather3A_1101 : memref<1x128x64xf32, #tpu.memory_space<vmem>> -> memref<128x64xf32, #tpu.memory_space<vmem>>
        %gather3A_1103 = tpu.vector_load_idx %gather3A_1102[%add3A_1097, %add3A_131] : memref<128x64xf32, #tpu.memory_space<vmem>>[vector<16xi32>, vector<16xi32>], vector<16xf32>,
        %add3A_1104 = arith.addf %gather3A_1103, %get3A_760 : vector<16xf32>
        %scatter3A_1105 = arith.constant 1 : i32
        %scatter3A_1106 = arith.constant 0 : i32
        %scatter3A_1107 = arith.constant 0 : i32
        %scatter3A_1108 = tpu.memref_slice %arg8[%scatter3A_1105, %scatter3A_1106, %scatter3A_1107] : memref<2x64x128xf32, #tpu.memory_space<vmem>> -> memref<1x64x128xf32, #tpu.memory_space<vmem>>
        %scatter3A_1109 = tpu.memref_squeeze %scatter3A_1108 : memref<1x64x128xf32, #tpu.memory_space<vmem>> -> memref<64x128xf32, #tpu.memory_space<vmem>>
        tpu.vector_store_idx %scatter3A_1109[%add3A_131, %add3A_1097], %add3A_1104 : memref<64x128xf32, #tpu.memory_space<vmem>>[vector<16xi32>, vector<16xi32>], vector<16xf32>,
        %gather3A_1110 = arith.constant 1 : i32
        %gather3A_1111 = arith.constant 0 : i32
        %gather3A_1112 = arith.constant 0 : i32
        %gather3A_1113 = tpu.memref_slice %arg7[%gather3A_1110, %gather3A_1111, %gather3A_1112] : memref<2x128x64xf32, #tpu.memory_space<vmem>> -> memref<1x128x64xf32, #tpu.memory_space<vmem>>
        %gather3A_1114 = tpu.memref_squeeze %gather3A_1113 : memref<1x128x64xf32, #tpu.memory_space<vmem>> -> memref<128x64xf32, #tpu.memory_space<vmem>>
        %gather3A_1115 = tpu.vector_load_idx %gather3A_1114[%add3A_1097, %add3A_134] : memref<128x64xf32, #tpu.memory_space<vmem>>[vector<16xi32>, vector<16xi32>], vector<16xf32>,
        %add3A_1116 = arith.addf %gather3A_1115, %get3A_763 : vector<16xf32>
        %scatter3A_1117 = arith.constant 1 : i32
        %scatter3A_1118 = arith.constant 0 : i32
        %scatter3A_1119 = arith.constant 0 : i32
        %scatter3A_1120 = tpu.memref_slice %arg8[%scatter3A_1117, %scatter3A_1118, %scatter3A_1119] : memref<2x64x128xf32, #tpu.memory_space<vmem>> -> memref<1x64x128xf32, #tpu.memory_space<vmem>>
        %scatter3A_1121 = tpu.memref_squeeze %scatter3A_1120 : memref<1x64x128xf32, #tpu.memory_space<vmem>> -> memref<64x128xf32, #tpu.memory_space<vmem>>
        tpu.vector_store_idx %scatter3A_1121[%add3A_134, %add3A_1097], %add3A_1116 : memref<64x128xf32, #tpu.memory_space<vmem>>[vector<16xi32>, vector<16xi32>], vector<16xf32>,
        %gather3A_1122 = arith.constant 1 : i32
        %gather3A_1123 = arith.constant 0 : i32
        %gather3A_1124 = arith.constant 0 : i32
        %gather3A_1125 = tpu.memref_slice %arg7[%gather3A_1122, %gather3A_1123, %gather3A_1124] : memref<2x128x64xf32, #tpu.memory_space<vmem>> -> memref<1x128x64xf32, #tpu.memory_space<vmem>>
        %gather3A_1126 = tpu.memref_squeeze %gather3A_1125 : memref<1x128x64xf32, #tpu.memory_space<vmem>> -> memref<128x64xf32, #tpu.memory_space<vmem>>
        %gather3A_1127 = tpu.vector_load_idx %gather3A_1126[%add3A_1097, %add3A_137] : memref<128x64xf32, #tpu.memory_space<vmem>>[vector<16xi32>, vector<16xi32>], vector<16xf32>,
        %add3A_1128 = arith.addf %gather3A_1127, %get3A_766 : vector<16xf32>
        %scatter3A_1129 = arith.constant 1 : i32
        %scatter3A_1130 = arith.constant 0 : i32
        %scatter3A_1131 = arith.constant 0 : i32
        %scatter3A_1132 = tpu.memref_slice %arg8[%scatter3A_1129, %scatter3A_1130, %scatter3A_1131] : memref<2x64x128xf32, #tpu.memory_space<vmem>> -> memref<1x64x128xf32, #tpu.memory_space<vmem>>
        %scatter3A_1133 = tpu.memref_squeeze %scatter3A_1132 : memref<1x64x128xf32, #tpu.memory_space<vmem>> -> memref<64x128xf32, #tpu.memory_space<vmem>>
        tpu.vector_store_idx %scatter3A_1133[%add3A_137, %add3A_1097], %add3A_1128 : memref<64x128xf32, #tpu.memory_space<vmem>>[vector<16xi32>, vector<16xi32>], vector<16xf32>,
        %gather3A_1134 = arith.constant 1 : i32
        %gather3A_1135 = arith.constant 0 : i32
        %gather3A_1136 = arith.constant 0 : i32
        %gather3A_1137 = tpu.memref_slice %arg7[%gather3A_1134, %gather3A_1135, %gather3A_1136] : memref<2x128x64xf32, #tpu.memory_space<vmem>> -> memref<1x128x64xf32, #tpu.memory_space<vmem>>
        %gather3A_1138 = tpu.memref_squeeze %gather3A_1137 : memref<1x128x64xf32, #tpu.memory_space<vmem>> -> memref<128x64xf32, #tpu.memory_space<vmem>>
        %gather3A_1139 = tpu.vector_load_idx %gather3A_1138[%add3A_1097, %add3A_140] : memref<128x64xf32, #tpu.memory_space<vmem>>[vector<16xi32>, vector<16xi32>], vector<16xf32>,
        %add3A_1140 = arith.addf %gather3A_1139, %get3A_769 : vector<16xf32>
        %scatter3A_1141 = arith.constant 1 : i32
        %scatter3A_1142 = arith.constant 0 : i32
        %scatter3A_1143 = arith.constant 0 : i32
        %scatter3A_1144 = tpu.memref_slice %arg8[%scatter3A_1141, %scatter3A_1142, %scatter3A_1143] : memref<2x64x128xf32, #tpu.memory_space<vmem>> -> memref<1x64x128xf32, #tpu.memory_space<vmem>>
        %scatter3A_1145 = tpu.memref_squeeze %scatter3A_1144 : memref<1x64x128xf32, #tpu.memory_space<vmem>> -> memref<64x128xf32, #tpu.memory_space<vmem>>
        tpu.vector_store_idx %scatter3A_1145[%add3A_140, %add3A_1097], %add3A_1140 : memref<64x128xf32, #tpu.memory_space<vmem>>[vector<16xi32>, vector<16xi32>], vector<16xf32>,
        %add3A_1146 = vector.broadcast %mul3A_947 : i32 to vector<16xi32>
        %add3A_1147 = arith.addi %add3A_1146, %and3A_62 : vector<16xi32>
        %gather3A_1148 = arith.constant 1 : i32
        %gather3A_1149 = arith.constant 0 : i32
        %gather3A_1150 = arith.constant 0 : i32
        %gather3A_1151 = tpu.memref_slice %arg7[%gather3A_1148, %gather3A_1149, %gather3A_1150] : memref<2x128x64xf32, #tpu.memory_space<vmem>> -> memref<1x128x64xf32, #tpu.memory_space<vmem>>
        %gather3A_1152 = tpu.memref_squeeze %gather3A_1151 : memref<1x128x64xf32, #tpu.memory_space<vmem>> -> memref<128x64xf32, #tpu.memory_space<vmem>>
        %gather3A_1153 = tpu.vector_load_idx %gather3A_1152[%add3A_1147, %add3A_131] : memref<128x64xf32, #tpu.memory_space<vmem>>[vector<16xi32>, vector<16xi32>], vector<16xf32>,
        %add3A_1154 = arith.addf %gather3A_1153, %get3A_760 : vector<16xf32>
        %scatter3A_1155 = arith.constant 1 : i32
        %scatter3A_1156 = arith.constant 0 : i32
        %scatter3A_1157 = arith.constant 0 : i32
        %scatter3A_1158 = tpu.memref_slice %arg8[%scatter3A_1155, %scatter3A_1156, %scatter3A_1157] : memref<2x64x128xf32, #tpu.memory_space<vmem>> -> memref<1x64x128xf32, #tpu.memory_space<vmem>>
        %scatter3A_1159 = tpu.memref_squeeze %scatter3A_1158 : memref<1x64x128xf32, #tpu.memory_space<vmem>> -> memref<64x128xf32, #tpu.memory_space<vmem>>
        tpu.vector_store_idx %scatter3A_1159[%add3A_131, %add3A_1147], %add3A_1154 : memref<64x128xf32, #tpu.memory_space<vmem>>[vector<16xi32>, vector<16xi32>], vector<16xf32>,
        %gather3A_1160 = arith.constant 1 : i32
        %gather3A_1161 = arith.constant 0 : i32
        %gather3A_1162 = arith.constant 0 : i32
        %gather3A_1163 = tpu.memref_slice %arg7[%gather3A_1160, %gather3A_1161, %gather3A_1162] : memref<2x128x64xf32, #tpu.memory_space<vmem>> -> memref<1x128x64xf32, #tpu.memory_space<vmem>>
        %gather3A_1164 = tpu.memref_squeeze %gather3A_1163 : memref<1x128x64xf32, #tpu.memory_space<vmem>> -> memref<128x64xf32, #tpu.memory_space<vmem>>
        %gather3A_1165 = tpu.vector_load_idx %gather3A_1164[%add3A_1147, %add3A_134] : memref<128x64xf32, #tpu.memory_space<vmem>>[vector<16xi32>, vector<16xi32>], vector<16xf32>,
        %add3A_1166 = arith.addf %gather3A_1165, %get3A_763 : vector<16xf32>
        %scatter3A_1167 = arith.constant 1 : i32
        %scatter3A_1168 = arith.constant 0 : i32
        %scatter3A_1169 = arith.constant 0 : i32
        %scatter3A_1170 = tpu.memref_slice %arg8[%scatter3A_1167, %scatter3A_1168, %scatter3A_1169] : memref<2x64x128xf32, #tpu.memory_space<vmem>> -> memref<1x64x128xf32, #tpu.memory_space<vmem>>
        %scatter3A_1171 = tpu.memref_squeeze %scatter3A_1170 : memref<1x64x128xf32, #tpu.memory_space<vmem>> -> memref<64x128xf32, #tpu.memory_space<vmem>>
        tpu.vector_store_idx %scatter3A_1171[%add3A_134, %add3A_1147], %add3A_1166 : memref<64x128xf32, #tpu.memory_space<vmem>>[vector<16xi32>, vector<16xi32>], vector<16xf32>,
        %gather3A_1172 = arith.constant 1 : i32
        %gather3A_1173 = arith.constant 0 : i32
        %gather3A_1174 = arith.constant 0 : i32
        %gather3A_1175 = tpu.memref_slice %arg7[%gather3A_1172, %gather3A_1173, %gather3A_1174] : memref<2x128x64xf32, #tpu.memory_space<vmem>> -> memref<1x128x64xf32, #tpu.memory_space<vmem>>
        %gather3A_1176 = tpu.memref_squeeze %gather3A_1175 : memref<1x128x64xf32, #tpu.memory_space<vmem>> -> memref<128x64xf32, #tpu.memory_space<vmem>>
        %gather3A_1177 = tpu.vector_load_idx %gather3A_1176[%add3A_1147, %add3A_137] : memref<128x64xf32, #tpu.memory_space<vmem>>[vector<16xi32>, vector<16xi32>], vector<16xf32>,
        %add3A_1178 = arith.addf %gather3A_1177, %get3A_766 : vector<16xf32>
        %scatter3A_1179 = arith.constant 1 : i32
        %scatter3A_1180 = arith.constant 0 : i32
        %scatter3A_1181 = arith.constant 0 : i32
        %scatter3A_1182 = tpu.memref_slice %arg8[%scatter3A_1179, %scatter3A_1180, %scatter3A_1181] : memref<2x64x128xf32, #tpu.memory_space<vmem>> -> memref<1x64x128xf32, #tpu.memory_space<vmem>>
        %scatter3A_1183 = tpu.memref_squeeze %scatter3A_1182 : memref<1x64x128xf32, #tpu.memory_space<vmem>> -> memref<64x128xf32, #tpu.memory_space<vmem>>
        tpu.vector_store_idx %scatter3A_1183[%add3A_137, %add3A_1147], %add3A_1178 : memref<64x128xf32, #tpu.memory_space<vmem>>[vector<16xi32>, vector<16xi32>], vector<16xf32>,
        %gather3A_1184 = arith.constant 1 : i32
        %gather3A_1185 = arith.constant 0 : i32
        %gather3A_1186 = arith.constant 0 : i32
        %gather3A_1187 = tpu.memref_slice %arg7[%gather3A_1184, %gather3A_1185, %gather3A_1186] : memref<2x128x64xf32, #tpu.memory_space<vmem>> -> memref<1x128x64xf32, #tpu.memory_space<vmem>>
        %gather3A_1188 = tpu.memref_squeeze %gather3A_1187 : memref<1x128x64xf32, #tpu.memory_space<vmem>> -> memref<128x64xf32, #tpu.memory_space<vmem>>
        %gather3A_1189 = tpu.vector_load_idx %gather3A_1188[%add3A_1147, %add3A_140] : memref<128x64xf32, #tpu.memory_space<vmem>>[vector<16xi32>, vector<16xi32>], vector<16xf32>,
        %add3A_1190 = arith.addf %gather3A_1189, %get3A_769 : vector<16xf32>
        %scatter3A_1191 = arith.constant 1 : i32
        %scatter3A_1192 = arith.constant 0 : i32
        %scatter3A_1193 = arith.constant 0 : i32
        %scatter3A_1194 = tpu.memref_slice %arg8[%scatter3A_1191, %scatter3A_1192, %scatter3A_1193] : memref<2x64x128xf32, #tpu.memory_space<vmem>> -> memref<1x64x128xf32, #tpu.memory_space<vmem>>
        %scatter3A_1195 = tpu.memref_squeeze %scatter3A_1194 : memref<1x64x128xf32, #tpu.memory_space<vmem>> -> memref<64x128xf32, #tpu.memory_space<vmem>>
        tpu.vector_store_idx %scatter3A_1195[%add3A_140, %add3A_1147], %add3A_1190 : memref<64x128xf32, #tpu.memory_space<vmem>>[vector<16xi32>, vector<16xi32>], vector<16xf32>,
        %add3A_1196 = vector.broadcast %mul3A_947 : i32 to vector<16xi32>
        %add3A_1197 = arith.addi %add3A_1196, %and3A_68 : vector<16xi32>
        %gather3A_1198 = arith.constant 1 : i32
        %gather3A_1199 = arith.constant 0 : i32
        %gather3A_1200 = arith.constant 0 : i32
        %gather3A_1201 = tpu.memref_slice %arg7[%gather3A_1198, %gather3A_1199, %gather3A_1200] : memref<2x128x64xf32, #tpu.memory_space<vmem>> -> memref<1x128x64xf32, #tpu.memory_space<vmem>>
        %gather3A_1202 = tpu.memref_squeeze %gather3A_1201 : memref<1x128x64xf32, #tpu.memory_space<vmem>> -> memref<128x64xf32, #tpu.memory_space<vmem>>
        %gather3A_1203 = tpu.vector_load_idx %gather3A_1202[%add3A_1197, %add3A_131] : memref<128x64xf32, #tpu.memory_space<vmem>>[vector<16xi32>, vector<16xi32>], vector<16xf32>,
        %add3A_1204 = arith.addf %gather3A_1203, %get3A_760 : vector<16xf32>
        %scatter3A_1205 = arith.constant 1 : i32
        %scatter3A_1206 = arith.constant 0 : i32
        %scatter3A_1207 = arith.constant 0 : i32
        %scatter3A_1208 = tpu.memref_slice %arg8[%scatter3A_1205, %scatter3A_1206, %scatter3A_1207] : memref<2x64x128xf32, #tpu.memory_space<vmem>> -> memref<1x64x128xf32, #tpu.memory_space<vmem>>
        %scatter3A_1209 = tpu.memref_squeeze %scatter3A_1208 : memref<1x64x128xf32, #tpu.memory_space<vmem>> -> memref<64x128xf32, #tpu.memory_space<vmem>>
        tpu.vector_store_idx %scatter3A_1209[%add3A_131, %add3A_1197], %add3A_1204 : memref<64x128xf32, #tpu.memory_space<vmem>>[vector<16xi32>, vector<16xi32>], vector<16xf32>,
        %gather3A_1210 = arith.constant 1 : i32
        %gather3A_1211 = arith.constant 0 : i32
        %gather3A_1212 = arith.constant 0 : i32
        %gather3A_1213 = tpu.memref_slice %arg7[%gather3A_1210, %gather3A_1211, %gather3A_1212] : memref<2x128x64xf32, #tpu.memory_space<vmem>> -> memref<1x128x64xf32, #tpu.memory_space<vmem>>
        %gather3A_1214 = tpu.memref_squeeze %gather3A_1213 : memref<1x128x64xf32, #tpu.memory_space<vmem>> -> memref<128x64xf32, #tpu.memory_space<vmem>>
        %gather3A_1215 = tpu.vector_load_idx %gather3A_1214[%add3A_1197, %add3A_134] : memref<128x64xf32, #tpu.memory_space<vmem>>[vector<16xi32>, vector<16xi32>], vector<16xf32>,
        %add3A_1216 = arith.addf %gather3A_1215, %get3A_763 : vector<16xf32>
        %scatter3A_1217 = arith.constant 1 : i32
        %scatter3A_1218 = arith.constant 0 : i32
        %scatter3A_1219 = arith.constant 0 : i32
        %scatter3A_1220 = tpu.memref_slice %arg8[%scatter3A_1217, %scatter3A_1218, %scatter3A_1219] : memref<2x64x128xf32, #tpu.memory_space<vmem>> -> memref<1x64x128xf32, #tpu.memory_space<vmem>>
        %scatter3A_1221 = tpu.memref_squeeze %scatter3A_1220 : memref<1x64x128xf32, #tpu.memory_space<vmem>> -> memref<64x128xf32, #tpu.memory_space<vmem>>
        tpu.vector_store_idx %scatter3A_1221[%add3A_134, %add3A_1197], %add3A_1216 : memref<64x128xf32, #tpu.memory_space<vmem>>[vector<16xi32>, vector<16xi32>], vector<16xf32>,
        %gather3A_1222 = arith.constant 1 : i32
        %gather3A_1223 = arith.constant 0 : i32
        %gather3A_1224 = arith.constant 0 : i32
        %gather3A_1225 = tpu.memref_slice %arg7[%gather3A_1222, %gather3A_1223, %gather3A_1224] : memref<2x128x64xf32, #tpu.memory_space<vmem>> -> memref<1x128x64xf32, #tpu.memory_space<vmem>>
        %gather3A_1226 = tpu.memref_squeeze %gather3A_1225 : memref<1x128x64xf32, #tpu.memory_space<vmem>> -> memref<128x64xf32, #tpu.memory_space<vmem>>
        %gather3A_1227 = tpu.vector_load_idx %gather3A_1226[%add3A_1197, %add3A_137] : memref<128x64xf32, #tpu.memory_space<vmem>>[vector<16xi32>, vector<16xi32>], vector<16xf32>,
        %add3A_1228 = arith.addf %gather3A_1227, %get3A_766 : vector<16xf32>
        %scatter3A_1229 = arith.constant 1 : i32
        %scatter3A_1230 = arith.constant 0 : i32
        %scatter3A_1231 = arith.constant 0 : i32
        %scatter3A_1232 = tpu.memref_slice %arg8[%scatter3A_1229, %scatter3A_1230, %scatter3A_1231] : memref<2x64x128xf32, #tpu.memory_space<vmem>> -> memref<1x64x128xf32, #tpu.memory_space<vmem>>
        %scatter3A_1233 = tpu.memref_squeeze %scatter3A_1232 : memref<1x64x128xf32, #tpu.memory_space<vmem>> -> memref<64x128xf32, #tpu.memory_space<vmem>>
        tpu.vector_store_idx %scatter3A_1233[%add3A_137, %add3A_1197], %add3A_1228 : memref<64x128xf32, #tpu.memory_space<vmem>>[vector<16xi32>, vector<16xi32>], vector<16xf32>,
        %gather3A_1234 = arith.constant 1 : i32
        %gather3A_1235 = arith.constant 0 : i32
        %gather3A_1236 = arith.constant 0 : i32
        %gather3A_1237 = tpu.memref_slice %arg7[%gather3A_1234, %gather3A_1235, %gather3A_1236] : memref<2x128x64xf32, #tpu.memory_space<vmem>> -> memref<1x128x64xf32, #tpu.memory_space<vmem>>
        %gather3A_1238 = tpu.memref_squeeze %gather3A_1237 : memref<1x128x64xf32, #tpu.memory_space<vmem>> -> memref<128x64xf32, #tpu.memory_space<vmem>>
        %gather3A_1239 = tpu.vector_load_idx %gather3A_1238[%add3A_1197, %add3A_140] : memref<128x64xf32, #tpu.memory_space<vmem>>[vector<16xi32>, vector<16xi32>], vector<16xf32>,
        %add3A_1240 = arith.addf %gather3A_1239, %get3A_769 : vector<16xf32>
        %scatter3A_1241 = arith.constant 1 : i32
        %scatter3A_1242 = arith.constant 0 : i32
        %scatter3A_1243 = arith.constant 0 : i32
        %scatter3A_1244 = tpu.memref_slice %arg8[%scatter3A_1241, %scatter3A_1242, %scatter3A_1243] : memref<2x64x128xf32, #tpu.memory_space<vmem>> -> memref<1x64x128xf32, #tpu.memory_space<vmem>>
        %scatter3A_1245 = tpu.memref_squeeze %scatter3A_1244 : memref<1x64x128xf32, #tpu.memory_space<vmem>> -> memref<64x128xf32, #tpu.memory_space<vmem>>
        tpu.vector_store_idx %scatter3A_1245[%add3A_140, %add3A_1197], %add3A_1240 : memref<64x128xf32, #tpu.memory_space<vmem>>[vector<16xi32>, vector<16xi32>], vector<16xf32>,
        %add3A_1246 = vector.broadcast %mul3A_947 : i32 to vector<16xi32>
        %add3A_1247 = arith.addi %add3A_1246, %and3A_74 : vector<16xi32>
        %gather3A_1248 = arith.constant 1 : i32
        %gather3A_1249 = arith.constant 0 : i32
        %gather3A_1250 = arith.constant 0 : i32
        %gather3A_1251 = tpu.memref_slice %arg7[%gather3A_1248, %gather3A_1249, %gather3A_1250] : memref<2x128x64xf32, #tpu.memory_space<vmem>> -> memref<1x128x64xf32, #tpu.memory_space<vmem>>
        %gather3A_1252 = tpu.memref_squeeze %gather3A_1251 : memref<1x128x64xf32, #tpu.memory_space<vmem>> -> memref<128x64xf32, #tpu.memory_space<vmem>>
        %gather3A_1253 = tpu.vector_load_idx %gather3A_1252[%add3A_1247, %add3A_131] : memref<128x64xf32, #tpu.memory_space<vmem>>[vector<16xi32>, vector<16xi32>], vector<16xf32>,
        %add3A_1254 = arith.addf %gather3A_1253, %get3A_760 : vector<16xf32>
        %scatter3A_1255 = arith.constant 1 : i32
        %scatter3A_1256 = arith.constant 0 : i32
        %scatter3A_1257 = arith.constant 0 : i32
        %scatter3A_1258 = tpu.memref_slice %arg8[%scatter3A_1255, %scatter3A_1256, %scatter3A_1257] : memref<2x64x128xf32, #tpu.memory_space<vmem>> -> memref<1x64x128xf32, #tpu.memory_space<vmem>>
        %scatter3A_1259 = tpu.memref_squeeze %scatter3A_1258 : memref<1x64x128xf32, #tpu.memory_space<vmem>> -> memref<64x128xf32, #tpu.memory_space<vmem>>
        tpu.vector_store_idx %scatter3A_1259[%add3A_131, %add3A_1247], %add3A_1254 : memref<64x128xf32, #tpu.memory_space<vmem>>[vector<16xi32>, vector<16xi32>], vector<16xf32>,
        %gather3A_1260 = arith.constant 1 : i32
        %gather3A_1261 = arith.constant 0 : i32
        %gather3A_1262 = arith.constant 0 : i32
        %gather3A_1263 = tpu.memref_slice %arg7[%gather3A_1260, %gather3A_1261, %gather3A_1262] : memref<2x128x64xf32, #tpu.memory_space<vmem>> -> memref<1x128x64xf32, #tpu.memory_space<vmem>>
        %gather3A_1264 = tpu.memref_squeeze %gather3A_1263 : memref<1x128x64xf32, #tpu.memory_space<vmem>> -> memref<128x64xf32, #tpu.memory_space<vmem>>
        %gather3A_1265 = tpu.vector_load_idx %gather3A_1264[%add3A_1247, %add3A_134] : memref<128x64xf32, #tpu.memory_space<vmem>>[vector<16xi32>, vector<16xi32>], vector<16xf32>,
        %add3A_1266 = arith.addf %gather3A_1265, %get3A_763 : vector<16xf32>
        %scatter3A_1267 = arith.constant 1 : i32
        %scatter3A_1268 = arith.constant 0 : i32
        %scatter3A_1269 = arith.constant 0 : i32
        %scatter3A_1270 = tpu.memref_slice %arg8[%scatter3A_1267, %scatter3A_1268, %scatter3A_1269] : memref<2x64x128xf32, #tpu.memory_space<vmem>> -> memref<1x64x128xf32, #tpu.memory_space<vmem>>
        %scatter3A_1271 = tpu.memref_squeeze %scatter3A_1270 : memref<1x64x128xf32, #tpu.memory_space<vmem>> -> memref<64x128xf32, #tpu.memory_space<vmem>>
        tpu.vector_store_idx %scatter3A_1271[%add3A_134, %add3A_1247], %add3A_1266 : memref<64x128xf32, #tpu.memory_space<vmem>>[vector<16xi32>, vector<16xi32>], vector<16xf32>,
        %gather3A_1272 = arith.constant 1 : i32
        %gather3A_1273 = arith.constant 0 : i32
        %gather3A_1274 = arith.constant 0 : i32
        %gather3A_1275 = tpu.memref_slice %arg7[%gather3A_1272, %gather3A_1273, %gather3A_1274] : memref<2x128x64xf32, #tpu.memory_space<vmem>> -> memref<1x128x64xf32, #tpu.memory_space<vmem>>
        %gather3A_1276 = tpu.memref_squeeze %gather3A_1275 : memref<1x128x64xf32, #tpu.memory_space<vmem>> -> memref<128x64xf32, #tpu.memory_space<vmem>>
        %gather3A_1277 = tpu.vector_load_idx %gather3A_1276[%add3A_1247, %add3A_137] : memref<128x64xf32, #tpu.memory_space<vmem>>[vector<16xi32>, vector<16xi32>], vector<16xf32>,
        %add3A_1278 = arith.addf %gather3A_1277, %get3A_766 : vector<16xf32>
        %scatter3A_1279 = arith.constant 1 : i32
        %scatter3A_1280 = arith.constant 0 : i32
        %scatter3A_1281 = arith.constant 0 : i32
        %scatter3A_1282 = tpu.memref_slice %arg8[%scatter3A_1279, %scatter3A_1280, %scatter3A_1281] : memref<2x64x128xf32, #tpu.memory_space<vmem>> -> memref<1x64x128xf32, #tpu.memory_space<vmem>>
        %scatter3A_1283 = tpu.memref_squeeze %scatter3A_1282 : memref<1x64x128xf32, #tpu.memory_space<vmem>> -> memref<64x128xf32, #tpu.memory_space<vmem>>
        tpu.vector_store_idx %scatter3A_1283[%add3A_137, %add3A_1247], %add3A_1278 : memref<64x128xf32, #tpu.memory_space<vmem>>[vector<16xi32>, vector<16xi32>], vector<16xf32>,
        %gather3A_1284 = arith.constant 1 : i32
        %gather3A_1285 = arith.constant 0 : i32
        %gather3A_1286 = arith.constant 0 : i32
        %gather3A_1287 = tpu.memref_slice %arg7[%gather3A_1284, %gather3A_1285, %gather3A_1286] : memref<2x128x64xf32, #tpu.memory_space<vmem>> -> memref<1x128x64xf32, #tpu.memory_space<vmem>>
        %gather3A_1288 = tpu.memref_squeeze %gather3A_1287 : memref<1x128x64xf32, #tpu.memory_space<vmem>> -> memref<128x64xf32, #tpu.memory_space<vmem>>
        %gather3A_1289 = tpu.vector_load_idx %gather3A_1288[%add3A_1247, %add3A_140] : memref<128x64xf32, #tpu.memory_space<vmem>>[vector<16xi32>, vector<16xi32>], vector<16xf32>,
        %add3A_1290 = arith.addf %gather3A_1289, %get3A_769 : vector<16xf32>
        %scatter3A_1291 = arith.constant 1 : i32
        %scatter3A_1292 = arith.constant 0 : i32
        %scatter3A_1293 = arith.constant 0 : i32
        %scatter3A_1294 = tpu.memref_slice %arg8[%scatter3A_1291, %scatter3A_1292, %scatter3A_1293] : memref<2x64x128xf32, #tpu.memory_space<vmem>> -> memref<1x64x128xf32, #tpu.memory_space<vmem>>
        %scatter3A_1295 = tpu.memref_squeeze %scatter3A_1294 : memref<1x64x128xf32, #tpu.memory_space<vmem>> -> memref<64x128xf32, #tpu.memory_space<vmem>>
        tpu.vector_store_idx %scatter3A_1295[%add3A_140, %add3A_1247], %add3A_1290 : memref<64x128xf32, #tpu.memory_space<vmem>>[vector<16xi32>, vector<16xi32>], vector<16xf32>,
        %add3A_1296 = vector.broadcast %mul3A_947 : i32 to vector<16xi32>
        %add3A_1297 = arith.addi %add3A_1296, %and3A_80 : vector<16xi32>
        %gather3A_1298 = arith.constant 1 : i32
        %gather3A_1299 = arith.constant 0 : i32
        %gather3A_1300 = arith.constant 0 : i32
        %gather3A_1301 = tpu.memref_slice %arg7[%gather3A_1298, %gather3A_1299, %gather3A_1300] : memref<2x128x64xf32, #tpu.memory_space<vmem>> -> memref<1x128x64xf32, #tpu.memory_space<vmem>>
        %gather3A_1302 = tpu.memref_squeeze %gather3A_1301 : memref<1x128x64xf32, #tpu.memory_space<vmem>> -> memref<128x64xf32, #tpu.memory_space<vmem>>
        %gather3A_1303 = tpu.vector_load_idx %gather3A_1302[%add3A_1297, %add3A_131] : memref<128x64xf32, #tpu.memory_space<vmem>>[vector<16xi32>, vector<16xi32>], vector<16xf32>,
        %add3A_1304 = arith.addf %gather3A_1303, %get3A_760 : vector<16xf32>
        %scatter3A_1305 = arith.constant 1 : i32
        %scatter3A_1306 = arith.constant 0 : i32
        %scatter3A_1307 = arith.constant 0 : i32
        %scatter3A_1308 = tpu.memref_slice %arg8[%scatter3A_1305, %scatter3A_1306, %scatter3A_1307] : memref<2x64x128xf32, #tpu.memory_space<vmem>> -> memref<1x64x128xf32, #tpu.memory_space<vmem>>
        %scatter3A_1309 = tpu.memref_squeeze %scatter3A_1308 : memref<1x64x128xf32, #tpu.memory_space<vmem>> -> memref<64x128xf32, #tpu.memory_space<vmem>>
        tpu.vector_store_idx %scatter3A_1309[%add3A_131, %add3A_1297], %add3A_1304 : memref<64x128xf32, #tpu.memory_space<vmem>>[vector<16xi32>, vector<16xi32>], vector<16xf32>,
        %gather3A_1310 = arith.constant 1 : i32
        %gather3A_1311 = arith.constant 0 : i32
        %gather3A_1312 = arith.constant 0 : i32
        %gather3A_1313 = tpu.memref_slice %arg7[%gather3A_1310, %gather3A_1311, %gather3A_1312] : memref<2x128x64xf32, #tpu.memory_space<vmem>> -> memref<1x128x64xf32, #tpu.memory_space<vmem>>
        %gather3A_1314 = tpu.memref_squeeze %gather3A_1313 : memref<1x128x64xf32, #tpu.memory_space<vmem>> -> memref<128x64xf32, #tpu.memory_space<vmem>>
        %gather3A_1315 = tpu.vector_load_idx %gather3A_1314[%add3A_1297, %add3A_134] : memref<128x64xf32, #tpu.memory_space<vmem>>[vector<16xi32>, vector<16xi32>], vector<16xf32>,
        %add3A_1316 = arith.addf %gather3A_1315, %get3A_763 : vector<16xf32>
        %scatter3A_1317 = arith.constant 1 : i32
        %scatter3A_1318 = arith.constant 0 : i32
        %scatter3A_1319 = arith.constant 0 : i32
        %scatter3A_1320 = tpu.memref_slice %arg8[%scatter3A_1317, %scatter3A_1318, %scatter3A_1319] : memref<2x64x128xf32, #tpu.memory_space<vmem>> -> memref<1x64x128xf32, #tpu.memory_space<vmem>>
        %scatter3A_1321 = tpu.memref_squeeze %scatter3A_1320 : memref<1x64x128xf32, #tpu.memory_space<vmem>> -> memref<64x128xf32, #tpu.memory_space<vmem>>
        tpu.vector_store_idx %scatter3A_1321[%add3A_134, %add3A_1297], %add3A_1316 : memref<64x128xf32, #tpu.memory_space<vmem>>[vector<16xi32>, vector<16xi32>], vector<16xf32>,
        %gather3A_1322 = arith.constant 1 : i32
        %gather3A_1323 = arith.constant 0 : i32
        %gather3A_1324 = arith.constant 0 : i32
        %gather3A_1325 = tpu.memref_slice %arg7[%gather3A_1322, %gather3A_1323, %gather3A_1324] : memref<2x128x64xf32, #tpu.memory_space<vmem>> -> memref<1x128x64xf32, #tpu.memory_space<vmem>>
        %gather3A_1326 = tpu.memref_squeeze %gather3A_1325 : memref<1x128x64xf32, #tpu.memory_space<vmem>> -> memref<128x64xf32, #tpu.memory_space<vmem>>
        %gather3A_1327 = tpu.vector_load_idx %gather3A_1326[%add3A_1297, %add3A_137] : memref<128x64xf32, #tpu.memory_space<vmem>>[vector<16xi32>, vector<16xi32>], vector<16xf32>,
        %add3A_1328 = arith.addf %gather3A_1327, %get3A_766 : vector<16xf32>
        %scatter3A_1329 = arith.constant 1 : i32
        %scatter3A_1330 = arith.constant 0 : i32
        %scatter3A_1331 = arith.constant 0 : i32
        %scatter3A_1332 = tpu.memref_slice %arg8[%scatter3A_1329, %scatter3A_1330, %scatter3A_1331] : memref<2x64x128xf32, #tpu.memory_space<vmem>> -> memref<1x64x128xf32, #tpu.memory_space<vmem>>
        %scatter3A_1333 = tpu.memref_squeeze %scatter3A_1332 : memref<1x64x128xf32, #tpu.memory_space<vmem>> -> memref<64x128xf32, #tpu.memory_space<vmem>>
        tpu.vector_store_idx %scatter3A_1333[%add3A_137, %add3A_1297], %add3A_1328 : memref<64x128xf32, #tpu.memory_space<vmem>>[vector<16xi32>, vector<16xi32>], vector<16xf32>,
        %gather3A_1334 = arith.constant 1 : i32
        %gather3A_1335 = arith.constant 0 : i32
        %gather3A_1336 = arith.constant 0 : i32
        %gather3A_1337 = tpu.memref_slice %arg7[%gather3A_1334, %gather3A_1335, %gather3A_1336] : memref<2x128x64xf32, #tpu.memory_space<vmem>> -> memref<1x128x64xf32, #tpu.memory_space<vmem>>
        %gather3A_1338 = tpu.memref_squeeze %gather3A_1337 : memref<1x128x64xf32, #tpu.memory_space<vmem>> -> memref<128x64xf32, #tpu.memory_space<vmem>>
        %gather3A_1339 = tpu.vector_load_idx %gather3A_1338[%add3A_1297, %add3A_140] : memref<128x64xf32, #tpu.memory_space<vmem>>[vector<16xi32>, vector<16xi32>], vector<16xf32>,
        %add3A_1340 = arith.addf %gather3A_1339, %get3A_769 : vector<16xf32>
        %scatter3A_1341 = arith.constant 1 : i32
        %scatter3A_1342 = arith.constant 0 : i32
        %scatter3A_1343 = arith.constant 0 : i32
        %scatter3A_1344 = tpu.memref_slice %arg8[%scatter3A_1341, %scatter3A_1342, %scatter3A_1343] : memref<2x64x128xf32, #tpu.memory_space<vmem>> -> memref<1x64x128xf32, #tpu.memory_space<vmem>>
        %scatter3A_1345 = tpu.memref_squeeze %scatter3A_1344 : memref<1x64x128xf32, #tpu.memory_space<vmem>> -> memref<64x128xf32, #tpu.memory_space<vmem>>
        tpu.vector_store_idx %scatter3A_1345[%add3A_140, %add3A_1297], %add3A_1340 : memref<64x128xf32, #tpu.memory_space<vmem>>[vector<16xi32>, vector<16xi32>], vector<16xf32>,
        %add3A_1346 = vector.broadcast %mul3A_947 : i32 to vector<16xi32>
        %add3A_1347 = arith.addi %add3A_1346, %and3A_86 : vector<16xi32>
        %gather3A_1348 = arith.constant 1 : i32
        %gather3A_1349 = arith.constant 0 : i32
        %gather3A_1350 = arith.constant 0 : i32
        %gather3A_1351 = tpu.memref_slice %arg7[%gather3A_1348, %gather3A_1349, %gather3A_1350] : memref<2x128x64xf32, #tpu.memory_space<vmem>> -> memref<1x128x64xf32, #tpu.memory_space<vmem>>
        %gather3A_1352 = tpu.memref_squeeze %gather3A_1351 : memref<1x128x64xf32, #tpu.memory_space<vmem>> -> memref<128x64xf32, #tpu.memory_space<vmem>>
        %gather3A_1353 = tpu.vector_load_idx %gather3A_1352[%add3A_1347, %add3A_131] : memref<128x64xf32, #tpu.memory_space<vmem>>[vector<16xi32>, vector<16xi32>], vector<16xf32>,
        %add3A_1354 = arith.addf %gather3A_1353, %get3A_760 : vector<16xf32>
        %scatter3A_1355 = arith.constant 1 : i32
        %scatter3A_1356 = arith.constant 0 : i32
        %scatter3A_1357 = arith.constant 0 : i32
        %scatter3A_1358 = tpu.memref_slice %arg8[%scatter3A_1355, %scatter3A_1356, %scatter3A_1357] : memref<2x64x128xf32, #tpu.memory_space<vmem>> -> memref<1x64x128xf32, #tpu.memory_space<vmem>>
        %scatter3A_1359 = tpu.memref_squeeze %scatter3A_1358 : memref<1x64x128xf32, #tpu.memory_space<vmem>> -> memref<64x128xf32, #tpu.memory_space<vmem>>
        tpu.vector_store_idx %scatter3A_1359[%add3A_131, %add3A_1347], %add3A_1354 : memref<64x128xf32, #tpu.memory_space<vmem>>[vector<16xi32>, vector<16xi32>], vector<16xf32>,
        %gather3A_1360 = arith.constant 1 : i32
        %gather3A_1361 = arith.constant 0 : i32
        %gather3A_1362 = arith.constant 0 : i32
        %gather3A_1363 = tpu.memref_slice %arg7[%gather3A_1360, %gather3A_1361, %gather3A_1362] : memref<2x128x64xf32, #tpu.memory_space<vmem>> -> memref<1x128x64xf32, #tpu.memory_space<vmem>>
        %gather3A_1364 = tpu.memref_squeeze %gather3A_1363 : memref<1x128x64xf32, #tpu.memory_space<vmem>> -> memref<128x64xf32, #tpu.memory_space<vmem>>
        %gather3A_1365 = tpu.vector_load_idx %gather3A_1364[%add3A_1347, %add3A_134] : memref<128x64xf32, #tpu.memory_space<vmem>>[vector<16xi32>, vector<16xi32>], vector<16xf32>,
        %add3A_1366 = arith.addf %gather3A_1365, %get3A_763 : vector<16xf32>
        %scatter3A_1367 = arith.constant 1 : i32
        %scatter3A_1368 = arith.constant 0 : i32
        %scatter3A_1369 = arith.constant 0 : i32
        %scatter3A_1370 = tpu.memref_slice %arg8[%scatter3A_1367, %scatter3A_1368, %scatter3A_1369] : memref<2x64x128xf32, #tpu.memory_space<vmem>> -> memref<1x64x128xf32, #tpu.memory_space<vmem>>
        %scatter3A_1371 = tpu.memref_squeeze %scatter3A_1370 : memref<1x64x128xf32, #tpu.memory_space<vmem>> -> memref<64x128xf32, #tpu.memory_space<vmem>>
        tpu.vector_store_idx %scatter3A_1371[%add3A_134, %add3A_1347], %add3A_1366 : memref<64x128xf32, #tpu.memory_space<vmem>>[vector<16xi32>, vector<16xi32>], vector<16xf32>,
        %gather3A_1372 = arith.constant 1 : i32
        %gather3A_1373 = arith.constant 0 : i32
        %gather3A_1374 = arith.constant 0 : i32
        %gather3A_1375 = tpu.memref_slice %arg7[%gather3A_1372, %gather3A_1373, %gather3A_1374] : memref<2x128x64xf32, #tpu.memory_space<vmem>> -> memref<1x128x64xf32, #tpu.memory_space<vmem>>
        %gather3A_1376 = tpu.memref_squeeze %gather3A_1375 : memref<1x128x64xf32, #tpu.memory_space<vmem>> -> memref<128x64xf32, #tpu.memory_space<vmem>>
        %gather3A_1377 = tpu.vector_load_idx %gather3A_1376[%add3A_1347, %add3A_137] : memref<128x64xf32, #tpu.memory_space<vmem>>[vector<16xi32>, vector<16xi32>], vector<16xf32>,
        %add3A_1378 = arith.addf %gather3A_1377, %get3A_766 : vector<16xf32>
        %scatter3A_1379 = arith.constant 1 : i32
        %scatter3A_1380 = arith.constant 0 : i32
        %scatter3A_1381 = arith.constant 0 : i32
        %scatter3A_1382 = tpu.memref_slice %arg8[%scatter3A_1379, %scatter3A_1380, %scatter3A_1381] : memref<2x64x128xf32, #tpu.memory_space<vmem>> -> memref<1x64x128xf32, #tpu.memory_space<vmem>>
        %scatter3A_1383 = tpu.memref_squeeze %scatter3A_1382 : memref<1x64x128xf32, #tpu.memory_space<vmem>> -> memref<64x128xf32, #tpu.memory_space<vmem>>
        tpu.vector_store_idx %scatter3A_1383[%add3A_137, %add3A_1347], %add3A_1378 : memref<64x128xf32, #tpu.memory_space<vmem>>[vector<16xi32>, vector<16xi32>], vector<16xf32>,
        %gather3A_1384 = arith.constant 1 : i32
        %gather3A_1385 = arith.constant 0 : i32
        %gather3A_1386 = arith.constant 0 : i32
        %gather3A_1387 = tpu.memref_slice %arg7[%gather3A_1384, %gather3A_1385, %gather3A_1386] : memref<2x128x64xf32, #tpu.memory_space<vmem>> -> memref<1x128x64xf32, #tpu.memory_space<vmem>>
        %gather3A_1388 = tpu.memref_squeeze %gather3A_1387 : memref<1x128x64xf32, #tpu.memory_space<vmem>> -> memref<128x64xf32, #tpu.memory_space<vmem>>
        %gather3A_1389 = tpu.vector_load_idx %gather3A_1388[%add3A_1347, %add3A_140] : memref<128x64xf32, #tpu.memory_space<vmem>>[vector<16xi32>, vector<16xi32>], vector<16xf32>,
        %add3A_1390 = arith.addf %gather3A_1389, %get3A_769 : vector<16xf32>
        %scatter3A_1391 = arith.constant 1 : i32
        %scatter3A_1392 = arith.constant 0 : i32
        %scatter3A_1393 = arith.constant 0 : i32
        %scatter3A_1394 = tpu.memref_slice %arg8[%scatter3A_1391, %scatter3A_1392, %scatter3A_1393] : memref<2x64x128xf32, #tpu.memory_space<vmem>> -> memref<1x64x128xf32, #tpu.memory_space<vmem>>
        %scatter3A_1395 = tpu.memref_squeeze %scatter3A_1394 : memref<1x64x128xf32, #tpu.memory_space<vmem>> -> memref<64x128xf32, #tpu.memory_space<vmem>>
        tpu.vector_store_idx %scatter3A_1395[%add3A_140, %add3A_1347], %add3A_1390 : memref<64x128xf32, #tpu.memory_space<vmem>>[vector<16xi32>, vector<16xi32>], vector<16xf32>,
        %add3A_1396 = vector.broadcast %mul3A_947 : i32 to vector<16xi32>
        %add3A_1397 = arith.addi %add3A_1396, %and3A_92 : vector<16xi32>
        %gather3A_1398 = arith.constant 1 : i32
        %gather3A_1399 = arith.constant 0 : i32
        %gather3A_1400 = arith.constant 0 : i32
        %gather3A_1401 = tpu.memref_slice %arg7[%gather3A_1398, %gather3A_1399, %gather3A_1400] : memref<2x128x64xf32, #tpu.memory_space<vmem>> -> memref<1x128x64xf32, #tpu.memory_space<vmem>>
        %gather3A_1402 = tpu.memref_squeeze %gather3A_1401 : memref<1x128x64xf32, #tpu.memory_space<vmem>> -> memref<128x64xf32, #tpu.memory_space<vmem>>
        %gather3A_1403 = tpu.vector_load_idx %gather3A_1402[%add3A_1397, %add3A_131] : memref<128x64xf32, #tpu.memory_space<vmem>>[vector<16xi32>, vector<16xi32>], vector<16xf32>,
        %add3A_1404 = arith.addf %gather3A_1403, %get3A_760 : vector<16xf32>
        %scatter3A_1405 = arith.constant 1 : i32
        %scatter3A_1406 = arith.constant 0 : i32
        %scatter3A_1407 = arith.constant 0 : i32
        %scatter3A_1408 = tpu.memref_slice %arg8[%scatter3A_1405, %scatter3A_1406, %scatter3A_1407] : memref<2x64x128xf32, #tpu.memory_space<vmem>> -> memref<1x64x128xf32, #tpu.memory_space<vmem>>
        %scatter3A_1409 = tpu.memref_squeeze %scatter3A_1408 : memref<1x64x128xf32, #tpu.memory_space<vmem>> -> memref<64x128xf32, #tpu.memory_space<vmem>>
        tpu.vector_store_idx %scatter3A_1409[%add3A_131, %add3A_1397], %add3A_1404 : memref<64x128xf32, #tpu.memory_space<vmem>>[vector<16xi32>, vector<16xi32>], vector<16xf32>,
        %gather3A_1410 = arith.constant 1 : i32
        %gather3A_1411 = arith.constant 0 : i32
        %gather3A_1412 = arith.constant 0 : i32
        %gather3A_1413 = tpu.memref_slice %arg7[%gather3A_1410, %gather3A_1411, %gather3A_1412] : memref<2x128x64xf32, #tpu.memory_space<vmem>> -> memref<1x128x64xf32, #tpu.memory_space<vmem>>
        %gather3A_1414 = tpu.memref_squeeze %gather3A_1413 : memref<1x128x64xf32, #tpu.memory_space<vmem>> -> memref<128x64xf32, #tpu.memory_space<vmem>>
        %gather3A_1415 = tpu.vector_load_idx %gather3A_1414[%add3A_1397, %add3A_134] : memref<128x64xf32, #tpu.memory_space<vmem>>[vector<16xi32>, vector<16xi32>], vector<16xf32>,
        %add3A_1416 = arith.addf %gather3A_1415, %get3A_763 : vector<16xf32>
        %scatter3A_1417 = arith.constant 1 : i32
        %scatter3A_1418 = arith.constant 0 : i32
        %scatter3A_1419 = arith.constant 0 : i32
        %scatter3A_1420 = tpu.memref_slice %arg8[%scatter3A_1417, %scatter3A_1418, %scatter3A_1419] : memref<2x64x128xf32, #tpu.memory_space<vmem>> -> memref<1x64x128xf32, #tpu.memory_space<vmem>>
        %scatter3A_1421 = tpu.memref_squeeze %scatter3A_1420 : memref<1x64x128xf32, #tpu.memory_space<vmem>> -> memref<64x128xf32, #tpu.memory_space<vmem>>
        tpu.vector_store_idx %scatter3A_1421[%add3A_134, %add3A_1397], %add3A_1416 : memref<64x128xf32, #tpu.memory_space<vmem>>[vector<16xi32>, vector<16xi32>], vector<16xf32>,
        %gather3A_1422 = arith.constant 1 : i32
        %gather3A_1423 = arith.constant 0 : i32
        %gather3A_1424 = arith.constant 0 : i32
        %gather3A_1425 = tpu.memref_slice %arg7[%gather3A_1422, %gather3A_1423, %gather3A_1424] : memref<2x128x64xf32, #tpu.memory_space<vmem>> -> memref<1x128x64xf32, #tpu.memory_space<vmem>>
        %gather3A_1426 = tpu.memref_squeeze %gather3A_1425 : memref<1x128x64xf32, #tpu.memory_space<vmem>> -> memref<128x64xf32, #tpu.memory_space<vmem>>
        %gather3A_1427 = tpu.vector_load_idx %gather3A_1426[%add3A_1397, %add3A_137] : memref<128x64xf32, #tpu.memory_space<vmem>>[vector<16xi32>, vector<16xi32>], vector<16xf32>,
        %add3A_1428 = arith.addf %gather3A_1427, %get3A_766 : vector<16xf32>
        %scatter3A_1429 = arith.constant 1 : i32
        %scatter3A_1430 = arith.constant 0 : i32
        %scatter3A_1431 = arith.constant 0 : i32
        %scatter3A_1432 = tpu.memref_slice %arg8[%scatter3A_1429, %scatter3A_1430, %scatter3A_1431] : memref<2x64x128xf32, #tpu.memory_space<vmem>> -> memref<1x64x128xf32, #tpu.memory_space<vmem>>
        %scatter3A_1433 = tpu.memref_squeeze %scatter3A_1432 : memref<1x64x128xf32, #tpu.memory_space<vmem>> -> memref<64x128xf32, #tpu.memory_space<vmem>>
        tpu.vector_store_idx %scatter3A_1433[%add3A_137, %add3A_1397], %add3A_1428 : memref<64x128xf32, #tpu.memory_space<vmem>>[vector<16xi32>, vector<16xi32>], vector<16xf32>,
        %gather3A_1434 = arith.constant 1 : i32
        %gather3A_1435 = arith.constant 0 : i32
        %gather3A_1436 = arith.constant 0 : i32
        %gather3A_1437 = tpu.memref_slice %arg7[%gather3A_1434, %gather3A_1435, %gather3A_1436] : memref<2x128x64xf32, #tpu.memory_space<vmem>> -> memref<1x128x64xf32, #tpu.memory_space<vmem>>
        %gather3A_1438 = tpu.memref_squeeze %gather3A_1437 : memref<1x128x64xf32, #tpu.memory_space<vmem>> -> memref<128x64xf32, #tpu.memory_space<vmem>>
        %gather3A_1439 = tpu.vector_load_idx %gather3A_1438[%add3A_1397, %add3A_140] : memref<128x64xf32, #tpu.memory_space<vmem>>[vector<16xi32>, vector<16xi32>], vector<16xf32>,
        %add3A_1440 = arith.addf %gather3A_1439, %get3A_769 : vector<16xf32>
        %scatter3A_1441 = arith.constant 1 : i32
        %scatter3A_1442 = arith.constant 0 : i32
        %scatter3A_1443 = arith.constant 0 : i32
        %scatter3A_1444 = tpu.memref_slice %arg8[%scatter3A_1441, %scatter3A_1442, %scatter3A_1443] : memref<2x64x128xf32, #tpu.memory_space<vmem>> -> memref<1x64x128xf32, #tpu.memory_space<vmem>>
        %scatter3A_1445 = tpu.memref_squeeze %scatter3A_1444 : memref<1x64x128xf32, #tpu.memory_space<vmem>> -> memref<64x128xf32, #tpu.memory_space<vmem>>
        tpu.vector_store_idx %scatter3A_1445[%add3A_140, %add3A_1397], %add3A_1440 : memref<64x128xf32, #tpu.memory_space<vmem>>[vector<16xi32>, vector<16xi32>], vector<16xf32>,
        %add3A_1446 = vector.broadcast %mul3A_947 : i32 to vector<16xi32>
        %add3A_1447 = arith.addi %add3A_1446, %and3A_98 : vector<16xi32>
        %gather3A_1448 = arith.constant 1 : i32
        %gather3A_1449 = arith.constant 0 : i32
        %gather3A_1450 = arith.constant 0 : i32
        %gather3A_1451 = tpu.memref_slice %arg7[%gather3A_1448, %gather3A_1449, %gather3A_1450] : memref<2x128x64xf32, #tpu.memory_space<vmem>> -> memref<1x128x64xf32, #tpu.memory_space<vmem>>
        %gather3A_1452 = tpu.memref_squeeze %gather3A_1451 : memref<1x128x64xf32, #tpu.memory_space<vmem>> -> memref<128x64xf32, #tpu.memory_space<vmem>>
        %gather3A_1453 = tpu.vector_load_idx %gather3A_1452[%add3A_1447, %add3A_131] : memref<128x64xf32, #tpu.memory_space<vmem>>[vector<16xi32>, vector<16xi32>], vector<16xf32>,
        %add3A_1454 = arith.addf %gather3A_1453, %get3A_760 : vector<16xf32>
        %scatter3A_1455 = arith.constant 1 : i32
        %scatter3A_1456 = arith.constant 0 : i32
        %scatter3A_1457 = arith.constant 0 : i32
        %scatter3A_1458 = tpu.memref_slice %arg8[%scatter3A_1455, %scatter3A_1456, %scatter3A_1457] : memref<2x64x128xf32, #tpu.memory_space<vmem>> -> memref<1x64x128xf32, #tpu.memory_space<vmem>>
        %scatter3A_1459 = tpu.memref_squeeze %scatter3A_1458 : memref<1x64x128xf32, #tpu.memory_space<vmem>> -> memref<64x128xf32, #tpu.memory_space<vmem>>
        tpu.vector_store_idx %scatter3A_1459[%add3A_131, %add3A_1447], %add3A_1454 : memref<64x128xf32, #tpu.memory_space<vmem>>[vector<16xi32>, vector<16xi32>], vector<16xf32>,
        %gather3A_1460 = arith.constant 1 : i32
        %gather3A_1461 = arith.constant 0 : i32
        %gather3A_1462 = arith.constant 0 : i32
        %gather3A_1463 = tpu.memref_slice %arg7[%gather3A_1460, %gather3A_1461, %gather3A_1462] : memref<2x128x64xf32, #tpu.memory_space<vmem>> -> memref<1x128x64xf32, #tpu.memory_space<vmem>>
        %gather3A_1464 = tpu.memref_squeeze %gather3A_1463 : memref<1x128x64xf32, #tpu.memory_space<vmem>> -> memref<128x64xf32, #tpu.memory_space<vmem>>
        %gather3A_1465 = tpu.vector_load_idx %gather3A_1464[%add3A_1447, %add3A_134] : memref<128x64xf32, #tpu.memory_space<vmem>>[vector<16xi32>, vector<16xi32>], vector<16xf32>,
        %add3A_1466 = arith.addf %gather3A_1465, %get3A_763 : vector<16xf32>
        %scatter3A_1467 = arith.constant 1 : i32
        %scatter3A_1468 = arith.constant 0 : i32
        %scatter3A_1469 = arith.constant 0 : i32
        %scatter3A_1470 = tpu.memref_slice %arg8[%scatter3A_1467, %scatter3A_1468, %scatter3A_1469] : memref<2x64x128xf32, #tpu.memory_space<vmem>> -> memref<1x64x128xf32, #tpu.memory_space<vmem>>
        %scatter3A_1471 = tpu.memref_squeeze %scatter3A_1470 : memref<1x64x128xf32, #tpu.memory_space<vmem>> -> memref<64x128xf32, #tpu.memory_space<vmem>>
        tpu.vector_store_idx %scatter3A_1471[%add3A_134, %add3A_1447], %add3A_1466 : memref<64x128xf32, #tpu.memory_space<vmem>>[vector<16xi32>, vector<16xi32>], vector<16xf32>,
        %gather3A_1472 = arith.constant 1 : i32
        %gather3A_1473 = arith.constant 0 : i32
        %gather3A_1474 = arith.constant 0 : i32
        %gather3A_1475 = tpu.memref_slice %arg7[%gather3A_1472, %gather3A_1473, %gather3A_1474] : memref<2x128x64xf32, #tpu.memory_space<vmem>> -> memref<1x128x64xf32, #tpu.memory_space<vmem>>
        %gather3A_1476 = tpu.memref_squeeze %gather3A_1475 : memref<1x128x64xf32, #tpu.memory_space<vmem>> -> memref<128x64xf32, #tpu.memory_space<vmem>>
        %gather3A_1477 = tpu.vector_load_idx %gather3A_1476[%add3A_1447, %add3A_137] : memref<128x64xf32, #tpu.memory_space<vmem>>[vector<16xi32>, vector<16xi32>], vector<16xf32>,
        %add3A_1478 = arith.addf %gather3A_1477, %get3A_766 : vector<16xf32>
        %scatter3A_1479 = arith.constant 1 : i32
        %scatter3A_1480 = arith.constant 0 : i32
        %scatter3A_1481 = arith.constant 0 : i32
        %scatter3A_1482 = tpu.memref_slice %arg8[%scatter3A_1479, %scatter3A_1480, %scatter3A_1481] : memref<2x64x128xf32, #tpu.memory_space<vmem>> -> memref<1x64x128xf32, #tpu.memory_space<vmem>>
        %scatter3A_1483 = tpu.memref_squeeze %scatter3A_1482 : memref<1x64x128xf32, #tpu.memory_space<vmem>> -> memref<64x128xf32, #tpu.memory_space<vmem>>
        tpu.vector_store_idx %scatter3A_1483[%add3A_137, %add3A_1447], %add3A_1478 : memref<64x128xf32, #tpu.memory_space<vmem>>[vector<16xi32>, vector<16xi32>], vector<16xf32>,
        %gather3A_1484 = arith.constant 1 : i32
        %gather3A_1485 = arith.constant 0 : i32
        %gather3A_1486 = arith.constant 0 : i32
        %gather3A_1487 = tpu.memref_slice %arg7[%gather3A_1484, %gather3A_1485, %gather3A_1486] : memref<2x128x64xf32, #tpu.memory_space<vmem>> -> memref<1x128x64xf32, #tpu.memory_space<vmem>>
        %gather3A_1488 = tpu.memref_squeeze %gather3A_1487 : memref<1x128x64xf32, #tpu.memory_space<vmem>> -> memref<128x64xf32, #tpu.memory_space<vmem>>
        %gather3A_1489 = tpu.vector_load_idx %gather3A_1488[%add3A_1447, %add3A_140] : memref<128x64xf32, #tpu.memory_space<vmem>>[vector<16xi32>, vector<16xi32>], vector<16xf32>,
        %add3A_1490 = arith.addf %gather3A_1489, %get3A_769 : vector<16xf32>
        %scatter3A_1491 = arith.constant 1 : i32
        %scatter3A_1492 = arith.constant 0 : i32
        %scatter3A_1493 = arith.constant 0 : i32
        %scatter3A_1494 = tpu.memref_slice %arg8[%scatter3A_1491, %scatter3A_1492, %scatter3A_1493] : memref<2x64x128xf32, #tpu.memory_space<vmem>> -> memref<1x64x128xf32, #tpu.memory_space<vmem>>
        %scatter3A_1495 = tpu.memref_squeeze %scatter3A_1494 : memref<1x64x128xf32, #tpu.memory_space<vmem>> -> memref<64x128xf32, #tpu.memory_space<vmem>>
        tpu.vector_store_idx %scatter3A_1495[%add3A_140, %add3A_1447], %add3A_1490 : memref<64x128xf32, #tpu.memory_space<vmem>>[vector<16xi32>, vector<16xi32>], vector<16xf32>,
        %add3A_1496 = vector.broadcast %mul3A_947 : i32 to vector<16xi32>
        %add3A_1497 = arith.addi %add3A_1496, %and3A_104 : vector<16xi32>
        %gather3A_1498 = arith.constant 1 : i32
        %gather3A_1499 = arith.constant 0 : i32
        %gather3A_1500 = arith.constant 0 : i32
        %gather3A_1501 = tpu.memref_slice %arg7[%gather3A_1498, %gather3A_1499, %gather3A_1500] : memref<2x128x64xf32, #tpu.memory_space<vmem>> -> memref<1x128x64xf32, #tpu.memory_space<vmem>>
        %gather3A_1502 = tpu.memref_squeeze %gather3A_1501 : memref<1x128x64xf32, #tpu.memory_space<vmem>> -> memref<128x64xf32, #tpu.memory_space<vmem>>
        %gather3A_1503 = tpu.vector_load_idx %gather3A_1502[%add3A_1497, %add3A_131] : memref<128x64xf32, #tpu.memory_space<vmem>>[vector<16xi32>, vector<16xi32>], vector<16xf32>,
        %add3A_1504 = arith.addf %gather3A_1503, %get3A_760 : vector<16xf32>
        %scatter3A_1505 = arith.constant 1 : i32
        %scatter3A_1506 = arith.constant 0 : i32
        %scatter3A_1507 = arith.constant 0 : i32
        %scatter3A_1508 = tpu.memref_slice %arg8[%scatter3A_1505, %scatter3A_1506, %scatter3A_1507] : memref<2x64x128xf32, #tpu.memory_space<vmem>> -> memref<1x64x128xf32, #tpu.memory_space<vmem>>
        %scatter3A_1509 = tpu.memref_squeeze %scatter3A_1508 : memref<1x64x128xf32, #tpu.memory_space<vmem>> -> memref<64x128xf32, #tpu.memory_space<vmem>>
        tpu.vector_store_idx %scatter3A_1509[%add3A_131, %add3A_1497], %add3A_1504 : memref<64x128xf32, #tpu.memory_space<vmem>>[vector<16xi32>, vector<16xi32>], vector<16xf32>,
        %gather3A_1510 = arith.constant 1 : i32
        %gather3A_1511 = arith.constant 0 : i32
        %gather3A_1512 = arith.constant 0 : i32
        %gather3A_1513 = tpu.memref_slice %arg7[%gather3A_1510, %gather3A_1511, %gather3A_1512] : memref<2x128x64xf32, #tpu.memory_space<vmem>> -> memref<1x128x64xf32, #tpu.memory_space<vmem>>
        %gather3A_1514 = tpu.memref_squeeze %gather3A_1513 : memref<1x128x64xf32, #tpu.memory_space<vmem>> -> memref<128x64xf32, #tpu.memory_space<vmem>>
        %gather3A_1515 = tpu.vector_load_idx %gather3A_1514[%add3A_1497, %add3A_134] : memref<128x64xf32, #tpu.memory_space<vmem>>[vector<16xi32>, vector<16xi32>], vector<16xf32>,
        %add3A_1516 = arith.addf %gather3A_1515, %get3A_763 : vector<16xf32>
        %scatter3A_1517 = arith.constant 1 : i32
        %scatter3A_1518 = arith.constant 0 : i32
        %scatter3A_1519 = arith.constant 0 : i32
        %scatter3A_1520 = tpu.memref_slice %arg8[%scatter3A_1517, %scatter3A_1518, %scatter3A_1519] : memref<2x64x128xf32, #tpu.memory_space<vmem>> -> memref<1x64x128xf32, #tpu.memory_space<vmem>>
        %scatter3A_1521 = tpu.memref_squeeze %scatter3A_1520 : memref<1x64x128xf32, #tpu.memory_space<vmem>> -> memref<64x128xf32, #tpu.memory_space<vmem>>
        tpu.vector_store_idx %scatter3A_1521[%add3A_134, %add3A_1497], %add3A_1516 : memref<64x128xf32, #tpu.memory_space<vmem>>[vector<16xi32>, vector<16xi32>], vector<16xf32>,
        %gather3A_1522 = arith.constant 1 : i32
        %gather3A_1523 = arith.constant 0 : i32
        %gather3A_1524 = arith.constant 0 : i32
        %gather3A_1525 = tpu.memref_slice %arg7[%gather3A_1522, %gather3A_1523, %gather3A_1524] : memref<2x128x64xf32, #tpu.memory_space<vmem>> -> memref<1x128x64xf32, #tpu.memory_space<vmem>>
        %gather3A_1526 = tpu.memref_squeeze %gather3A_1525 : memref<1x128x64xf32, #tpu.memory_space<vmem>> -> memref<128x64xf32, #tpu.memory_space<vmem>>
        %gather3A_1527 = tpu.vector_load_idx %gather3A_1526[%add3A_1497, %add3A_137] : memref<128x64xf32, #tpu.memory_space<vmem>>[vector<16xi32>, vector<16xi32>], vector<16xf32>,
        %add3A_1528 = arith.addf %gather3A_1527, %get3A_766 : vector<16xf32>
        %scatter3A_1529 = arith.constant 1 : i32
        %scatter3A_1530 = arith.constant 0 : i32
        %scatter3A_1531 = arith.constant 0 : i32
        %scatter3A_1532 = tpu.memref_slice %arg8[%scatter3A_1529, %scatter3A_1530, %scatter3A_1531] : memref<2x64x128xf32, #tpu.memory_space<vmem>> -> memref<1x64x128xf32, #tpu.memory_space<vmem>>
        %scatter3A_1533 = tpu.memref_squeeze %scatter3A_1532 : memref<1x64x128xf32, #tpu.memory_space<vmem>> -> memref<64x128xf32, #tpu.memory_space<vmem>>
        tpu.vector_store_idx %scatter3A_1533[%add3A_137, %add3A_1497], %add3A_1528 : memref<64x128xf32, #tpu.memory_space<vmem>>[vector<16xi32>, vector<16xi32>], vector<16xf32>,
        %gather3A_1534 = arith.constant 1 : i32
        %gather3A_1535 = arith.constant 0 : i32
        %gather3A_1536 = arith.constant 0 : i32
        %gather3A_1537 = tpu.memref_slice %arg7[%gather3A_1534, %gather3A_1535, %gather3A_1536] : memref<2x128x64xf32, #tpu.memory_space<vmem>> -> memref<1x128x64xf32, #tpu.memory_space<vmem>>
        %gather3A_1538 = tpu.memref_squeeze %gather3A_1537 : memref<1x128x64xf32, #tpu.memory_space<vmem>> -> memref<128x64xf32, #tpu.memory_space<vmem>>
        %gather3A_1539 = tpu.vector_load_idx %gather3A_1538[%add3A_1497, %add3A_140] : memref<128x64xf32, #tpu.memory_space<vmem>>[vector<16xi32>, vector<16xi32>], vector<16xf32>,
        %add3A_1540 = arith.addf %gather3A_1539, %get3A_769 : vector<16xf32>
        %scatter3A_1541 = arith.constant 1 : i32
        %scatter3A_1542 = arith.constant 0 : i32
        %scatter3A_1543 = arith.constant 0 : i32
        %scatter3A_1544 = tpu.memref_slice %arg8[%scatter3A_1541, %scatter3A_1542, %scatter3A_1543] : memref<2x64x128xf32, #tpu.memory_space<vmem>> -> memref<1x64x128xf32, #tpu.memory_space<vmem>>
        %scatter3A_1545 = tpu.memref_squeeze %scatter3A_1544 : memref<1x64x128xf32, #tpu.memory_space<vmem>> -> memref<64x128xf32, #tpu.memory_space<vmem>>
        tpu.vector_store_idx %scatter3A_1545[%add3A_140, %add3A_1497], %add3A_1540 : memref<64x128xf32, #tpu.memory_space<vmem>>[vector<16xi32>, vector<16xi32>], vector<16xf32>,
        %add3A_1546 = vector.broadcast %mul3A_947 : i32 to vector<16xi32>
        %add3A_1547 = arith.addi %add3A_1546, %and3A_110 : vector<16xi32>
        %gather3A_1548 = arith.constant 1 : i32
        %gather3A_1549 = arith.constant 0 : i32
        %gather3A_1550 = arith.constant 0 : i32
        %gather3A_1551 = tpu.memref_slice %arg7[%gather3A_1548, %gather3A_1549, %gather3A_1550] : memref<2x128x64xf32, #tpu.memory_space<vmem>> -> memref<1x128x64xf32, #tpu.memory_space<vmem>>
        %gather3A_1552 = tpu.memref_squeeze %gather3A_1551 : memref<1x128x64xf32, #tpu.memory_space<vmem>> -> memref<128x64xf32, #tpu.memory_space<vmem>>
        %gather3A_1553 = tpu.vector_load_idx %gather3A_1552[%add3A_1547, %add3A_131] : memref<128x64xf32, #tpu.memory_space<vmem>>[vector<16xi32>, vector<16xi32>], vector<16xf32>,
        %add3A_1554 = arith.addf %gather3A_1553, %get3A_760 : vector<16xf32>
        %scatter3A_1555 = arith.constant 1 : i32
        %scatter3A_1556 = arith.constant 0 : i32
        %scatter3A_1557 = arith.constant 0 : i32
        %scatter3A_1558 = tpu.memref_slice %arg8[%scatter3A_1555, %scatter3A_1556, %scatter3A_1557] : memref<2x64x128xf32, #tpu.memory_space<vmem>> -> memref<1x64x128xf32, #tpu.memory_space<vmem>>
        %scatter3A_1559 = tpu.memref_squeeze %scatter3A_1558 : memref<1x64x128xf32, #tpu.memory_space<vmem>> -> memref<64x128xf32, #tpu.memory_space<vmem>>
        tpu.vector_store_idx %scatter3A_1559[%add3A_131, %add3A_1547], %add3A_1554 : memref<64x128xf32, #tpu.memory_space<vmem>>[vector<16xi32>, vector<16xi32>], vector<16xf32>,
        %gather3A_1560 = arith.constant 1 : i32
        %gather3A_1561 = arith.constant 0 : i32
        %gather3A_1562 = arith.constant 0 : i32
        %gather3A_1563 = tpu.memref_slice %arg7[%gather3A_1560, %gather3A_1561, %gather3A_1562] : memref<2x128x64xf32, #tpu.memory_space<vmem>> -> memref<1x128x64xf32, #tpu.memory_space<vmem>>
        %gather3A_1564 = tpu.memref_squeeze %gather3A_1563 : memref<1x128x64xf32, #tpu.memory_space<vmem>> -> memref<128x64xf32, #tpu.memory_space<vmem>>
        %gather3A_1565 = tpu.vector_load_idx %gather3A_1564[%add3A_1547, %add3A_134] : memref<128x64xf32, #tpu.memory_space<vmem>>[vector<16xi32>, vector<16xi32>], vector<16xf32>,
        %add3A_1566 = arith.addf %gather3A_1565, %get3A_763 : vector<16xf32>
        %scatter3A_1567 = arith.constant 1 : i32
        %scatter3A_1568 = arith.constant 0 : i32
        %scatter3A_1569 = arith.constant 0 : i32
        %scatter3A_1570 = tpu.memref_slice %arg8[%scatter3A_1567, %scatter3A_1568, %scatter3A_1569] : memref<2x64x128xf32, #tpu.memory_space<vmem>> -> memref<1x64x128xf32, #tpu.memory_space<vmem>>
        %scatter3A_1571 = tpu.memref_squeeze %scatter3A_1570 : memref<1x64x128xf32, #tpu.memory_space<vmem>> -> memref<64x128xf32, #tpu.memory_space<vmem>>
        tpu.vector_store_idx %scatter3A_1571[%add3A_134, %add3A_1547], %add3A_1566 : memref<64x128xf32, #tpu.memory_space<vmem>>[vector<16xi32>, vector<16xi32>], vector<16xf32>,
        %gather3A_1572 = arith.constant 1 : i32
        %gather3A_1573 = arith.constant 0 : i32
        %gather3A_1574 = arith.constant 0 : i32
        %gather3A_1575 = tpu.memref_slice %arg7[%gather3A_1572, %gather3A_1573, %gather3A_1574] : memref<2x128x64xf32, #tpu.memory_space<vmem>> -> memref<1x128x64xf32, #tpu.memory_space<vmem>>
        %gather3A_1576 = tpu.memref_squeeze %gather3A_1575 : memref<1x128x64xf32, #tpu.memory_space<vmem>> -> memref<128x64xf32, #tpu.memory_space<vmem>>
        %gather3A_1577 = tpu.vector_load_idx %gather3A_1576[%add3A_1547, %add3A_137] : memref<128x64xf32, #tpu.memory_space<vmem>>[vector<16xi32>, vector<16xi32>], vector<16xf32>,
        %add3A_1578 = arith.addf %gather3A_1577, %get3A_766 : vector<16xf32>
        %scatter3A_1579 = arith.constant 1 : i32
        %scatter3A_1580 = arith.constant 0 : i32
        %scatter3A_1581 = arith.constant 0 : i32
        %scatter3A_1582 = tpu.memref_slice %arg8[%scatter3A_1579, %scatter3A_1580, %scatter3A_1581] : memref<2x64x128xf32, #tpu.memory_space<vmem>> -> memref<1x64x128xf32, #tpu.memory_space<vmem>>
        %scatter3A_1583 = tpu.memref_squeeze %scatter3A_1582 : memref<1x64x128xf32, #tpu.memory_space<vmem>> -> memref<64x128xf32, #tpu.memory_space<vmem>>
        tpu.vector_store_idx %scatter3A_1583[%add3A_137, %add3A_1547], %add3A_1578 : memref<64x128xf32, #tpu.memory_space<vmem>>[vector<16xi32>, vector<16xi32>], vector<16xf32>,
        %gather3A_1584 = arith.constant 1 : i32
        %gather3A_1585 = arith.constant 0 : i32
        %gather3A_1586 = arith.constant 0 : i32
        %gather3A_1587 = tpu.memref_slice %arg7[%gather3A_1584, %gather3A_1585, %gather3A_1586] : memref<2x128x64xf32, #tpu.memory_space<vmem>> -> memref<1x128x64xf32, #tpu.memory_space<vmem>>
        %gather3A_1588 = tpu.memref_squeeze %gather3A_1587 : memref<1x128x64xf32, #tpu.memory_space<vmem>> -> memref<128x64xf32, #tpu.memory_space<vmem>>
        %gather3A_1589 = tpu.vector_load_idx %gather3A_1588[%add3A_1547, %add3A_140] : memref<128x64xf32, #tpu.memory_space<vmem>>[vector<16xi32>, vector<16xi32>], vector<16xf32>,
        %add3A_1590 = arith.addf %gather3A_1589, %get3A_769 : vector<16xf32>
        %scatter3A_1591 = arith.constant 1 : i32
        %scatter3A_1592 = arith.constant 0 : i32
        %scatter3A_1593 = arith.constant 0 : i32
        %scatter3A_1594 = tpu.memref_slice %arg8[%scatter3A_1591, %scatter3A_1592, %scatter3A_1593] : memref<2x64x128xf32, #tpu.memory_space<vmem>> -> memref<1x64x128xf32, #tpu.memory_space<vmem>>
        %scatter3A_1595 = tpu.memref_squeeze %scatter3A_1594 : memref<1x64x128xf32, #tpu.memory_space<vmem>> -> memref<64x128xf32, #tpu.memory_space<vmem>>
        tpu.vector_store_idx %scatter3A_1595[%add3A_140, %add3A_1547], %add3A_1590 : memref<64x128xf32, #tpu.memory_space<vmem>>[vector<16xi32>, vector<16xi32>], vector<16xf32>,
        %add3A_1596 = vector.broadcast %mul3A_947 : i32 to vector<16xi32>
        %add3A_1597 = arith.addi %add3A_1596, %and3A_116 : vector<16xi32>
        %gather3A_1598 = arith.constant 1 : i32
        %gather3A_1599 = arith.constant 0 : i32
        %gather3A_1600 = arith.constant 0 : i32
        %gather3A_1601 = tpu.memref_slice %arg7[%gather3A_1598, %gather3A_1599, %gather3A_1600] : memref<2x128x64xf32, #tpu.memory_space<vmem>> -> memref<1x128x64xf32, #tpu.memory_space<vmem>>
        %gather3A_1602 = tpu.memref_squeeze %gather3A_1601 : memref<1x128x64xf32, #tpu.memory_space<vmem>> -> memref<128x64xf32, #tpu.memory_space<vmem>>
        %gather3A_1603 = tpu.vector_load_idx %gather3A_1602[%add3A_1597, %add3A_131] : memref<128x64xf32, #tpu.memory_space<vmem>>[vector<16xi32>, vector<16xi32>], vector<16xf32>,
        %add3A_1604 = arith.addf %gather3A_1603, %get3A_760 : vector<16xf32>
        %scatter3A_1605 = arith.constant 1 : i32
        %scatter3A_1606 = arith.constant 0 : i32
        %scatter3A_1607 = arith.constant 0 : i32
        %scatter3A_1608 = tpu.memref_slice %arg8[%scatter3A_1605, %scatter3A_1606, %scatter3A_1607] : memref<2x64x128xf32, #tpu.memory_space<vmem>> -> memref<1x64x128xf32, #tpu.memory_space<vmem>>
        %scatter3A_1609 = tpu.memref_squeeze %scatter3A_1608 : memref<1x64x128xf32, #tpu.memory_space<vmem>> -> memref<64x128xf32, #tpu.memory_space<vmem>>
        tpu.vector_store_idx %scatter3A_1609[%add3A_131, %add3A_1597], %add3A_1604 : memref<64x128xf32, #tpu.memory_space<vmem>>[vector<16xi32>, vector<16xi32>], vector<16xf32>,
        %gather3A_1610 = arith.constant 1 : i32
        %gather3A_1611 = arith.constant 0 : i32
        %gather3A_1612 = arith.constant 0 : i32
        %gather3A_1613 = tpu.memref_slice %arg7[%gather3A_1610, %gather3A_1611, %gather3A_1612] : memref<2x128x64xf32, #tpu.memory_space<vmem>> -> memref<1x128x64xf32, #tpu.memory_space<vmem>>
        %gather3A_1614 = tpu.memref_squeeze %gather3A_1613 : memref<1x128x64xf32, #tpu.memory_space<vmem>> -> memref<128x64xf32, #tpu.memory_space<vmem>>
        %gather3A_1615 = tpu.vector_load_idx %gather3A_1614[%add3A_1597, %add3A_134] : memref<128x64xf32, #tpu.memory_space<vmem>>[vector<16xi32>, vector<16xi32>], vector<16xf32>,
        %add3A_1616 = arith.addf %gather3A_1615, %get3A_763 : vector<16xf32>
        %scatter3A_1617 = arith.constant 1 : i32
        %scatter3A_1618 = arith.constant 0 : i32
        %scatter3A_1619 = arith.constant 0 : i32
        %scatter3A_1620 = tpu.memref_slice %arg8[%scatter3A_1617, %scatter3A_1618, %scatter3A_1619] : memref<2x64x128xf32, #tpu.memory_space<vmem>> -> memref<1x64x128xf32, #tpu.memory_space<vmem>>
        %scatter3A_1621 = tpu.memref_squeeze %scatter3A_1620 : memref<1x64x128xf32, #tpu.memory_space<vmem>> -> memref<64x128xf32, #tpu.memory_space<vmem>>
        tpu.vector_store_idx %scatter3A_1621[%add3A_134, %add3A_1597], %add3A_1616 : memref<64x128xf32, #tpu.memory_space<vmem>>[vector<16xi32>, vector<16xi32>], vector<16xf32>,
        %gather3A_1622 = arith.constant 1 : i32
        %gather3A_1623 = arith.constant 0 : i32
        %gather3A_1624 = arith.constant 0 : i32
        %gather3A_1625 = tpu.memref_slice %arg7[%gather3A_1622, %gather3A_1623, %gather3A_1624] : memref<2x128x64xf32, #tpu.memory_space<vmem>> -> memref<1x128x64xf32, #tpu.memory_space<vmem>>
        %gather3A_1626 = tpu.memref_squeeze %gather3A_1625 : memref<1x128x64xf32, #tpu.memory_space<vmem>> -> memref<128x64xf32, #tpu.memory_space<vmem>>
        %gather3A_1627 = tpu.vector_load_idx %gather3A_1626[%add3A_1597, %add3A_137] : memref<128x64xf32, #tpu.memory_space<vmem>>[vector<16xi32>, vector<16xi32>], vector<16xf32>,
        %add3A_1628 = arith.addf %gather3A_1627, %get3A_766 : vector<16xf32>
        %scatter3A_1629 = arith.constant 1 : i32
        %scatter3A_1630 = arith.constant 0 : i32
        %scatter3A_1631 = arith.constant 0 : i32
        %scatter3A_1632 = tpu.memref_slice %arg8[%scatter3A_1629, %scatter3A_1630, %scatter3A_1631] : memref<2x64x128xf32, #tpu.memory_space<vmem>> -> memref<1x64x128xf32, #tpu.memory_space<vmem>>
        %scatter3A_1633 = tpu.memref_squeeze %scatter3A_1632 : memref<1x64x128xf32, #tpu.memory_space<vmem>> -> memref<64x128xf32, #tpu.memory_space<vmem>>
        tpu.vector_store_idx %scatter3A_1633[%add3A_137, %add3A_1597], %add3A_1628 : memref<64x128xf32, #tpu.memory_space<vmem>>[vector<16xi32>, vector<16xi32>], vector<16xf32>,
        %gather3A_1634 = arith.constant 1 : i32
        %gather3A_1635 = arith.constant 0 : i32
        %gather3A_1636 = arith.constant 0 : i32
        %gather3A_1637 = tpu.memref_slice %arg7[%gather3A_1634, %gather3A_1635, %gather3A_1636] : memref<2x128x64xf32, #tpu.memory_space<vmem>> -> memref<1x128x64xf32, #tpu.memory_space<vmem>>
        %gather3A_1638 = tpu.memref_squeeze %gather3A_1637 : memref<1x128x64xf32, #tpu.memory_space<vmem>> -> memref<128x64xf32, #tpu.memory_space<vmem>>
        %gather3A_1639 = tpu.vector_load_idx %gather3A_1638[%add3A_1597, %add3A_140] : memref<128x64xf32, #tpu.memory_space<vmem>>[vector<16xi32>, vector<16xi32>], vector<16xf32>,
        %add3A_1640 = arith.addf %gather3A_1639, %get3A_769 : vector<16xf32>
        %scatter3A_1641 = arith.constant 1 : i32
        %scatter3A_1642 = arith.constant 0 : i32
        %scatter3A_1643 = arith.constant 0 : i32
        %scatter3A_1644 = tpu.memref_slice %arg8[%scatter3A_1641, %scatter3A_1642, %scatter3A_1643] : memref<2x64x128xf32, #tpu.memory_space<vmem>> -> memref<1x64x128xf32, #tpu.memory_space<vmem>>
        %scatter3A_1645 = tpu.memref_squeeze %scatter3A_1644 : memref<1x64x128xf32, #tpu.memory_space<vmem>> -> memref<64x128xf32, #tpu.memory_space<vmem>>
        tpu.vector_store_idx %scatter3A_1645[%add3A_140, %add3A_1597], %add3A_1640 : memref<64x128xf32, #tpu.memory_space<vmem>>[vector<16xi32>, vector<16xi32>], vector<16xf32>,
        %add3A_1646 = vector.broadcast %mul3A_947 : i32 to vector<16xi32>
        %add3A_1647 = arith.addi %add3A_1646, %and3A_122 : vector<16xi32>
        %gather3A_1648 = arith.constant 1 : i32
        %gather3A_1649 = arith.constant 0 : i32
        %gather3A_1650 = arith.constant 0 : i32
        %gather3A_1651 = tpu.memref_slice %arg7[%gather3A_1648, %gather3A_1649, %gather3A_1650] : memref<2x128x64xf32, #tpu.memory_space<vmem>> -> memref<1x128x64xf32, #tpu.memory_space<vmem>>
        %gather3A_1652 = tpu.memref_squeeze %gather3A_1651 : memref<1x128x64xf32, #tpu.memory_space<vmem>> -> memref<128x64xf32, #tpu.memory_space<vmem>>
        %gather3A_1653 = tpu.vector_load_idx %gather3A_1652[%add3A_1647, %add3A_131] : memref<128x64xf32, #tpu.memory_space<vmem>>[vector<16xi32>, vector<16xi32>], vector<16xf32>,
        %add3A_1654 = arith.addf %gather3A_1653, %get3A_760 : vector<16xf32>
        %scatter3A_1655 = arith.constant 1 : i32
        %scatter3A_1656 = arith.constant 0 : i32
        %scatter3A_1657 = arith.constant 0 : i32
        %scatter3A_1658 = tpu.memref_slice %arg8[%scatter3A_1655, %scatter3A_1656, %scatter3A_1657] : memref<2x64x128xf32, #tpu.memory_space<vmem>> -> memref<1x64x128xf32, #tpu.memory_space<vmem>>
        %scatter3A_1659 = tpu.memref_squeeze %scatter3A_1658 : memref<1x64x128xf32, #tpu.memory_space<vmem>> -> memref<64x128xf32, #tpu.memory_space<vmem>>
        tpu.vector_store_idx %scatter3A_1659[%add3A_131, %add3A_1647], %add3A_1654 : memref<64x128xf32, #tpu.memory_space<vmem>>[vector<16xi32>, vector<16xi32>], vector<16xf32>,
        %gather3A_1660 = arith.constant 1 : i32
        %gather3A_1661 = arith.constant 0 : i32
        %gather3A_1662 = arith.constant 0 : i32
        %gather3A_1663 = tpu.memref_slice %arg7[%gather3A_1660, %gather3A_1661, %gather3A_1662] : memref<2x128x64xf32, #tpu.memory_space<vmem>> -> memref<1x128x64xf32, #tpu.memory_space<vmem>>
        %gather3A_1664 = tpu.memref_squeeze %gather3A_1663 : memref<1x128x64xf32, #tpu.memory_space<vmem>> -> memref<128x64xf32, #tpu.memory_space<vmem>>
        %gather3A_1665 = tpu.vector_load_idx %gather3A_1664[%add3A_1647, %add3A_134] : memref<128x64xf32, #tpu.memory_space<vmem>>[vector<16xi32>, vector<16xi32>], vector<16xf32>,
        %add3A_1666 = arith.addf %gather3A_1665, %get3A_763 : vector<16xf32>
        %scatter3A_1667 = arith.constant 1 : i32
        %scatter3A_1668 = arith.constant 0 : i32
        %scatter3A_1669 = arith.constant 0 : i32
        %scatter3A_1670 = tpu.memref_slice %arg8[%scatter3A_1667, %scatter3A_1668, %scatter3A_1669] : memref<2x64x128xf32, #tpu.memory_space<vmem>> -> memref<1x64x128xf32, #tpu.memory_space<vmem>>
        %scatter3A_1671 = tpu.memref_squeeze %scatter3A_1670 : memref<1x64x128xf32, #tpu.memory_space<vmem>> -> memref<64x128xf32, #tpu.memory_space<vmem>>
        tpu.vector_store_idx %scatter3A_1671[%add3A_134, %add3A_1647], %add3A_1666 : memref<64x128xf32, #tpu.memory_space<vmem>>[vector<16xi32>, vector<16xi32>], vector<16xf32>,
        %gather3A_1672 = arith.constant 1 : i32
        %gather3A_1673 = arith.constant 0 : i32
        %gather3A_1674 = arith.constant 0 : i32
        %gather3A_1675 = tpu.memref_slice %arg7[%gather3A_1672, %gather3A_1673, %gather3A_1674] : memref<2x128x64xf32, #tpu.memory_space<vmem>> -> memref<1x128x64xf32, #tpu.memory_space<vmem>>
        %gather3A_1676 = tpu.memref_squeeze %gather3A_1675 : memref<1x128x64xf32, #tpu.memory_space<vmem>> -> memref<128x64xf32, #tpu.memory_space<vmem>>
        %gather3A_1677 = tpu.vector_load_idx %gather3A_1676[%add3A_1647, %add3A_137] : memref<128x64xf32, #tpu.memory_space<vmem>>[vector<16xi32>, vector<16xi32>], vector<16xf32>,
        %add3A_1678 = arith.addf %gather3A_1677, %get3A_766 : vector<16xf32>
        %scatter3A_1679 = arith.constant 1 : i32
        %scatter3A_1680 = arith.constant 0 : i32
        %scatter3A_1681 = arith.constant 0 : i32
        %scatter3A_1682 = tpu.memref_slice %arg8[%scatter3A_1679, %scatter3A_1680, %scatter3A_1681] : memref<2x64x128xf32, #tpu.memory_space<vmem>> -> memref<1x64x128xf32, #tpu.memory_space<vmem>>
        %scatter3A_1683 = tpu.memref_squeeze %scatter3A_1682 : memref<1x64x128xf32, #tpu.memory_space<vmem>> -> memref<64x128xf32, #tpu.memory_space<vmem>>
        tpu.vector_store_idx %scatter3A_1683[%add3A_137, %add3A_1647], %add3A_1678 : memref<64x128xf32, #tpu.memory_space<vmem>>[vector<16xi32>, vector<16xi32>], vector<16xf32>,
        %gather3A_1684 = arith.constant 1 : i32
        %gather3A_1685 = arith.constant 0 : i32
        %gather3A_1686 = arith.constant 0 : i32
        %gather3A_1687 = tpu.memref_slice %arg7[%gather3A_1684, %gather3A_1685, %gather3A_1686] : memref<2x128x64xf32, #tpu.memory_space<vmem>> -> memref<1x128x64xf32, #tpu.memory_space<vmem>>
        %gather3A_1688 = tpu.memref_squeeze %gather3A_1687 : memref<1x128x64xf32, #tpu.memory_space<vmem>> -> memref<128x64xf32, #tpu.memory_space<vmem>>
        %gather3A_1689 = tpu.vector_load_idx %gather3A_1688[%add3A_1647, %add3A_140] : memref<128x64xf32, #tpu.memory_space<vmem>>[vector<16xi32>, vector<16xi32>], vector<16xf32>,
        %add3A_1690 = arith.addf %gather3A_1689, %get3A_769 : vector<16xf32>
        %scatter3A_1691 = arith.constant 1 : i32
        %scatter3A_1692 = arith.constant 0 : i32
        %scatter3A_1693 = arith.constant 0 : i32
        %scatter3A_1694 = tpu.memref_slice %arg8[%scatter3A_1691, %scatter3A_1692, %scatter3A_1693] : memref<2x64x128xf32, #tpu.memory_space<vmem>> -> memref<1x64x128xf32, #tpu.memory_space<vmem>>
        %scatter3A_1695 = tpu.memref_squeeze %scatter3A_1694 : memref<1x64x128xf32, #tpu.memory_space<vmem>> -> memref<64x128xf32, #tpu.memory_space<vmem>>
        tpu.vector_store_idx %scatter3A_1695[%add3A_140, %add3A_1647], %add3A_1690 : memref<64x128xf32, #tpu.memory_space<vmem>>[vector<16xi32>, vector<16xi32>], vector<16xf32>,
        %add3A_1696 = vector.broadcast %mul3A_947 : i32 to vector<16xi32>
        %add3A_1697 = arith.addi %add3A_1696, %and3A_128 : vector<16xi32>
        %gather3A_1698 = arith.constant 1 : i32
        %gather3A_1699 = arith.constant 0 : i32
        %gather3A_1700 = arith.constant 0 : i32
        %gather3A_1701 = tpu.memref_slice %arg7[%gather3A_1698, %gather3A_1699, %gather3A_1700] : memref<2x128x64xf32, #tpu.memory_space<vmem>> -> memref<1x128x64xf32, #tpu.memory_space<vmem>>
        %gather3A_1702 = tpu.memref_squeeze %gather3A_1701 : memref<1x128x64xf32, #tpu.memory_space<vmem>> -> memref<128x64xf32, #tpu.memory_space<vmem>>
        %gather3A_1703 = tpu.vector_load_idx %gather3A_1702[%add3A_1697, %add3A_131] : memref<128x64xf32, #tpu.memory_space<vmem>>[vector<16xi32>, vector<16xi32>], vector<16xf32>,
        %add3A_1704 = arith.addf %gather3A_1703, %get3A_760 : vector<16xf32>
        %scatter3A_1705 = arith.constant 1 : i32
        %scatter3A_1706 = arith.constant 0 : i32
        %scatter3A_1707 = arith.constant 0 : i32
        %scatter3A_1708 = tpu.memref_slice %arg8[%scatter3A_1705, %scatter3A_1706, %scatter3A_1707] : memref<2x64x128xf32, #tpu.memory_space<vmem>> -> memref<1x64x128xf32, #tpu.memory_space<vmem>>
        %scatter3A_1709 = tpu.memref_squeeze %scatter3A_1708 : memref<1x64x128xf32, #tpu.memory_space<vmem>> -> memref<64x128xf32, #tpu.memory_space<vmem>>
        tpu.vector_store_idx %scatter3A_1709[%add3A_131, %add3A_1697], %add3A_1704 : memref<64x128xf32, #tpu.memory_space<vmem>>[vector<16xi32>, vector<16xi32>], vector<16xf32>,
        %gather3A_1710 = arith.constant 1 : i32
        %gather3A_1711 = arith.constant 0 : i32
        %gather3A_1712 = arith.constant 0 : i32
        %gather3A_1713 = tpu.memref_slice %arg7[%gather3A_1710, %gather3A_1711, %gather3A_1712] : memref<2x128x64xf32, #tpu.memory_space<vmem>> -> memref<1x128x64xf32, #tpu.memory_space<vmem>>
        %gather3A_1714 = tpu.memref_squeeze %gather3A_1713 : memref<1x128x64xf32, #tpu.memory_space<vmem>> -> memref<128x64xf32, #tpu.memory_space<vmem>>
        %gather3A_1715 = tpu.vector_load_idx %gather3A_1714[%add3A_1697, %add3A_134] : memref<128x64xf32, #tpu.memory_space<vmem>>[vector<16xi32>, vector<16xi32>], vector<16xf32>,
        %add3A_1716 = arith.addf %gather3A_1715, %get3A_763 : vector<16xf32>
        %scatter3A_1717 = arith.constant 1 : i32
        %scatter3A_1718 = arith.constant 0 : i32
        %scatter3A_1719 = arith.constant 0 : i32
        %scatter3A_1720 = tpu.memref_slice %arg8[%scatter3A_1717, %scatter3A_1718, %scatter3A_1719] : memref<2x64x128xf32, #tpu.memory_space<vmem>> -> memref<1x64x128xf32, #tpu.memory_space<vmem>>
        %scatter3A_1721 = tpu.memref_squeeze %scatter3A_1720 : memref<1x64x128xf32, #tpu.memory_space<vmem>> -> memref<64x128xf32, #tpu.memory_space<vmem>>
        tpu.vector_store_idx %scatter3A_1721[%add3A_134, %add3A_1697], %add3A_1716 : memref<64x128xf32, #tpu.memory_space<vmem>>[vector<16xi32>, vector<16xi32>], vector<16xf32>,
        %gather3A_1722 = arith.constant 1 : i32
        %gather3A_1723 = arith.constant 0 : i32
        %gather3A_1724 = arith.constant 0 : i32
        %gather3A_1725 = tpu.memref_slice %arg7[%gather3A_1722, %gather3A_1723, %gather3A_1724] : memref<2x128x64xf32, #tpu.memory_space<vmem>> -> memref<1x128x64xf32, #tpu.memory_space<vmem>>
        %gather3A_1726 = tpu.memref_squeeze %gather3A_1725 : memref<1x128x64xf32, #tpu.memory_space<vmem>> -> memref<128x64xf32, #tpu.memory_space<vmem>>
        %gather3A_1727 = tpu.vector_load_idx %gather3A_1726[%add3A_1697, %add3A_137] : memref<128x64xf32, #tpu.memory_space<vmem>>[vector<16xi32>, vector<16xi32>], vector<16xf32>,
        %add3A_1728 = arith.addf %gather3A_1727, %get3A_766 : vector<16xf32>
        %scatter3A_1729 = arith.constant 1 : i32
        %scatter3A_1730 = arith.constant 0 : i32
        %scatter3A_1731 = arith.constant 0 : i32
        %scatter3A_1732 = tpu.memref_slice %arg8[%scatter3A_1729, %scatter3A_1730, %scatter3A_1731] : memref<2x64x128xf32, #tpu.memory_space<vmem>> -> memref<1x64x128xf32, #tpu.memory_space<vmem>>
        %scatter3A_1733 = tpu.memref_squeeze %scatter3A_1732 : memref<1x64x128xf32, #tpu.memory_space<vmem>> -> memref<64x128xf32, #tpu.memory_space<vmem>>
        tpu.vector_store_idx %scatter3A_1733[%add3A_137, %add3A_1697], %add3A_1728 : memref<64x128xf32, #tpu.memory_space<vmem>>[vector<16xi32>, vector<16xi32>], vector<16xf32>,
        %gather3A_1734 = arith.constant 1 : i32
        %gather3A_1735 = arith.constant 0 : i32
        %gather3A_1736 = arith.constant 0 : i32
        %gather3A_1737 = tpu.memref_slice %arg7[%gather3A_1734, %gather3A_1735, %gather3A_1736] : memref<2x128x64xf32, #tpu.memory_space<vmem>> -> memref<1x128x64xf32, #tpu.memory_space<vmem>>
        %gather3A_1738 = tpu.memref_squeeze %gather3A_1737 : memref<1x128x64xf32, #tpu.memory_space<vmem>> -> memref<128x64xf32, #tpu.memory_space<vmem>>
        %gather3A_1739 = tpu.vector_load_idx %gather3A_1738[%add3A_1697, %add3A_140] : memref<128x64xf32, #tpu.memory_space<vmem>>[vector<16xi32>, vector<16xi32>], vector<16xf32>,
        %add3A_1740 = arith.addf %gather3A_1739, %get3A_769 : vector<16xf32>
        %scatter3A_1741 = arith.constant 1 : i32
        %scatter3A_1742 = arith.constant 0 : i32
        %scatter3A_1743 = arith.constant 0 : i32
        %scatter3A_1744 = tpu.memref_slice %arg8[%scatter3A_1741, %scatter3A_1742, %scatter3A_1743] : memref<2x64x128xf32, #tpu.memory_space<vmem>> -> memref<1x64x128xf32, #tpu.memory_space<vmem>>
        %scatter3A_1745 = tpu.memref_squeeze %scatter3A_1744 : memref<1x64x128xf32, #tpu.memory_space<vmem>> -> memref<64x128xf32, #tpu.memory_space<vmem>>
        tpu.vector_store_idx %scatter3A_1745[%add3A_140, %add3A_1697], %add3A_1740 : memref<64x128xf32, #tpu.memory_space<vmem>>[vector<16xi32>, vector<16xi32>], vector<16xf32>,
      }
      %scan3A_775 = arith.constant 8 : i32
      %add3A_776 = arith.addi %mul3A_32, %add3A_730 : i32
      %dma_start3A_777 = arith.constant 1 : i32
      %dma_start3A_778 = arith.constant 0 : i32
      %dma_start3A_779 = arith.constant 1 : i32
      %dma_start3A_780 = arith.constant 0 : i32
      %dma_start3A_781 = arith.constant 0 : i32
      %dma_start3A_782 = tpu.memref_slice %arg8[%dma_start3A_777, %dma_start3A_780, %dma_start3A_781] : memref<2x64x128xf32, #tpu.memory_space<vmem>> -> memref<1x8x128xf32, #tpu.memory_space<vmem>>
      %dma_start3A_783 = tpu.memref_squeeze %dma_start3A_782 : memref<1x8x128xf32, #tpu.memory_space<vmem>> -> memref<8x128xf32, #tpu.memory_space<vmem>>
      %dma_start3A_784 = arith.constant 0 : i32
      %dma_start3A_785 = arith.constant 0 : i32
      %dma_start3A_786 = tpu.memref_slice %arg5[%add3A_776, %dma_start3A_778, %select_n3A_9, %dma_start3A_784, %dma_start3A_785] : memref<200x8x8x8x128xf32, #tpu.memory_space<hbm>> -> memref<1x1x1x8x128xf32, #tpu.memory_space<hbm>>
      %dma_start3A_787 = tpu.memref_squeeze %dma_start3A_786 : memref<1x1x1x8x128xf32, #tpu.memory_space<hbm>> -> memref<8x128xf32, #tpu.memory_space<hbm>>
      %dma_start3A_788 = tpu.memref_slice %arg11[%dma_start3A_779] : memref<2x!tpu.dma_semaphore, #tpu.memory_space<semaphore_mem>> -> memref<1x!tpu.dma_semaphore, #tpu.memory_space<semaphore_mem>>
      %dma_start3A_789 = tpu.memref_squeeze %dma_start3A_788 : memref<1x!tpu.dma_semaphore, #tpu.memory_space<semaphore_mem>> -> memref<!tpu.dma_semaphore, #tpu.memory_space<semaphore_mem>>
      %dma_start3A_790 = arith.constant 0 : i32
      %dma_start3A_791 = arith.constant 0 : i32
      %dma_start3A_792 = tpu.memref_slice %arg5[%add3A_776, %dma_start3A_778, %select_n3A_9, %dma_start3A_790, %dma_start3A_791] : memref<200x8x8x8x128xf32, #tpu.memory_space<hbm>> -> memref<1x1x1x8x128xf32, #tpu.memory_space<hbm>>
      %dma_start3A_793 = tpu.memref_squeeze %dma_start3A_792 : memref<1x1x1x8x128xf32, #tpu.memory_space<hbm>> -> memref<8x128xf32, #tpu.memory_space<hbm>>
      %dma_start3A_794 = arith.constant 0 : i32
      %dma_start3A_795 = arith.constant 0 : i32
      %dma_start3A_796 = tpu.memref_slice %arg8[%dma_start3A_777, %dma_start3A_794, %dma_start3A_795] : memref<2x64x128xf32, #tpu.memory_space<vmem>> -> memref<1x8x128xf32, #tpu.memory_space<vmem>>
      %dma_start3A_797 = tpu.memref_squeeze %dma_start3A_796 : memref<1x8x128xf32, #tpu.memory_space<vmem>> -> memref<8x128xf32, #tpu.memory_space<vmem>>
      tpu.enqueue_dma source(%dma_start3A_797 : memref<8x128xf32, #tpu.memory_space<vmem>>) target(%dma_start3A_793 : memref<8x128xf32, #tpu.memory_space<hbm>>) target_semaphore(%dma_start3A_789 : memref<!tpu.dma_semaphore, #tpu.memory_space<semaphore_mem>>)
      %dma_start3A_798 = arith.constant 1 : i32
      %dma_start3A_799 = arith.constant 1 : i32
      %dma_start3A_800 = arith.constant 1 : i32
      %dma_start3A_801 = arith.constant 8 : i32
      %dma_start3A_802 = arith.constant 0 : i32
      %dma_start3A_803 = tpu.memref_slice %arg8[%dma_start3A_798, %dma_start3A_801, %dma_start3A_802] : memref<2x64x128xf32, #tpu.memory_space<vmem>> -> memref<1x8x128xf32, #tpu.memory_space<vmem>>
      %dma_start3A_804 = tpu.memref_squeeze %dma_start3A_803 : memref<1x8x128xf32, #tpu.memory_space<vmem>> -> memref<8x128xf32, #tpu.memory_space<vmem>>
      %dma_start3A_805 = arith.constant 0 : i32
      %dma_start3A_806 = arith.constant 0 : i32
      %dma_start3A_807 = tpu.memref_slice %arg5[%add3A_776, %dma_start3A_799, %select_n3A_9, %dma_start3A_805, %dma_start3A_806] : memref<200x8x8x8x128xf32, #tpu.memory_space<hbm>> -> memref<1x1x1x8x128xf32, #tpu.memory_space<hbm>>
      %dma_start3A_808 = tpu.memref_squeeze %dma_start3A_807 : memref<1x1x1x8x128xf32, #tpu.memory_space<hbm>> -> memref<8x128xf32, #tpu.memory_space<hbm>>
      %dma_start3A_809 = tpu.memref_slice %arg11[%dma_start3A_800] : memref<2x!tpu.dma_semaphore, #tpu.memory_space<semaphore_mem>> -> memref<1x!tpu.dma_semaphore, #tpu.memory_space<semaphore_mem>>
      %dma_start3A_810 = tpu.memref_squeeze %dma_start3A_809 : memref<1x!tpu.dma_semaphore, #tpu.memory_space<semaphore_mem>> -> memref<!tpu.dma_semaphore, #tpu.memory_space<semaphore_mem>>
      %dma_start3A_811 = arith.constant 0 : i32
      %dma_start3A_812 = arith.constant 0 : i32
      %dma_start3A_813 = tpu.memref_slice %arg5[%add3A_776, %dma_start3A_799, %select_n3A_9, %dma_start3A_811, %dma_start3A_812] : memref<200x8x8x8x128xf32, #tpu.memory_space<hbm>> -> memref<1x1x1x8x128xf32, #tpu.memory_space<hbm>>
      %dma_start3A_814 = tpu.memref_squeeze %dma_start3A_813 : memref<1x1x1x8x128xf32, #tpu.memory_space<hbm>> -> memref<8x128xf32, #tpu.memory_space<hbm>>
      %dma_start3A_815 = arith.constant 8 : i32
      %dma_start3A_816 = arith.constant 0 : i32
      %dma_start3A_817 = tpu.memref_slice %arg8[%dma_start3A_798, %dma_start3A_815, %dma_start3A_816] : memref<2x64x128xf32, #tpu.memory_space<vmem>> -> memref<1x8x128xf32, #tpu.memory_space<vmem>>
      %dma_start3A_818 = tpu.memref_squeeze %dma_start3A_817 : memref<1x8x128xf32, #tpu.memory_space<vmem>> -> memref<8x128xf32, #tpu.memory_space<vmem>>
      tpu.enqueue_dma source(%dma_start3A_818 : memref<8x128xf32, #tpu.memory_space<vmem>>) target(%dma_start3A_814 : memref<8x128xf32, #tpu.memory_space<hbm>>) target_semaphore(%dma_start3A_810 : memref<!tpu.dma_semaphore, #tpu.memory_space<semaphore_mem>>)
      %dma_start3A_819 = arith.constant 1 : i32
      %dma_start3A_820 = arith.constant 2 : i32
      %dma_start3A_821 = arith.constant 1 : i32
      %dma_start3A_822 = arith.constant 16 : i32
      %dma_start3A_823 = arith.constant 0 : i32
      %dma_start3A_824 = tpu.memref_slice %arg8[%dma_start3A_819, %dma_start3A_822, %dma_start3A_823] : memref<2x64x128xf32, #tpu.memory_space<vmem>> -> memref<1x8x128xf32, #tpu.memory_space<vmem>>
      %dma_start3A_825 = tpu.memref_squeeze %dma_start3A_824 : memref<1x8x128xf32, #tpu.memory_space<vmem>> -> memref<8x128xf32, #tpu.memory_space<vmem>>
      %dma_start3A_826 = arith.constant 0 : i32
      %dma_start3A_827 = arith.constant 0 : i32
      %dma_start3A_828 = tpu.memref_slice %arg5[%add3A_776, %dma_start3A_820, %select_n3A_9, %dma_start3A_826, %dma_start3A_827] : memref<200x8x8x8x128xf32, #tpu.memory_space<hbm>> -> memref<1x1x1x8x128xf32, #tpu.memory_space<hbm>>
      %dma_start3A_829 = tpu.memref_squeeze %dma_start3A_828 : memref<1x1x1x8x128xf32, #tpu.memory_space<hbm>> -> memref<8x128xf32, #tpu.memory_space<hbm>>
      %dma_start3A_830 = tpu.memref_slice %arg11[%dma_start3A_821] : memref<2x!tpu.dma_semaphore, #tpu.memory_space<semaphore_mem>> -> memref<1x!tpu.dma_semaphore, #tpu.memory_space<semaphore_mem>>
      %dma_start3A_831 = tpu.memref_squeeze %dma_start3A_830 : memref<1x!tpu.dma_semaphore, #tpu.memory_space<semaphore_mem>> -> memref<!tpu.dma_semaphore, #tpu.memory_space<semaphore_mem>>
      %dma_start3A_832 = arith.constant 0 : i32
      %dma_start3A_833 = arith.constant 0 : i32
      %dma_start3A_834 = tpu.memref_slice %arg5[%add3A_776, %dma_start3A_820, %select_n3A_9, %dma_start3A_832, %dma_start3A_833] : memref<200x8x8x8x128xf32, #tpu.memory_space<hbm>> -> memref<1x1x1x8x128xf32, #tpu.memory_space<hbm>>
      %dma_start3A_835 = tpu.memref_squeeze %dma_start3A_834 : memref<1x1x1x8x128xf32, #tpu.memory_space<hbm>> -> memref<8x128xf32, #tpu.memory_space<hbm>>
      %dma_start3A_836 = arith.constant 16 : i32
      %dma_start3A_837 = arith.constant 0 : i32
      %dma_start3A_838 = tpu.memref_slice %arg8[%dma_start3A_819, %dma_start3A_836, %dma_start3A_837] : memref<2x64x128xf32, #tpu.memory_space<vmem>> -> memref<1x8x128xf32, #tpu.memory_space<vmem>>
      %dma_start3A_839 = tpu.memref_squeeze %dma_start3A_838 : memref<1x8x128xf32, #tpu.memory_space<vmem>> -> memref<8x128xf32, #tpu.memory_space<vmem>>
      tpu.enqueue_dma source(%dma_start3A_839 : memref<8x128xf32, #tpu.memory_space<vmem>>) target(%dma_start3A_835 : memref<8x128xf32, #tpu.memory_space<hbm>>) target_semaphore(%dma_start3A_831 : memref<!tpu.dma_semaphore, #tpu.memory_space<semaphore_mem>>)
      %dma_start3A_840 = arith.constant 1 : i32
      %dma_start3A_841 = arith.constant 3 : i32
      %dma_start3A_842 = arith.constant 1 : i32
      %dma_start3A_843 = arith.constant 24 : i32
      %dma_start3A_844 = arith.constant 0 : i32
      %dma_start3A_845 = tpu.memref_slice %arg8[%dma_start3A_840, %dma_start3A_843, %dma_start3A_844] : memref<2x64x128xf32, #tpu.memory_space<vmem>> -> memref<1x8x128xf32, #tpu.memory_space<vmem>>
      %dma_start3A_846 = tpu.memref_squeeze %dma_start3A_845 : memref<1x8x128xf32, #tpu.memory_space<vmem>> -> memref<8x128xf32, #tpu.memory_space<vmem>>
      %dma_start3A_847 = arith.constant 0 : i32
      %dma_start3A_848 = arith.constant 0 : i32
      %dma_start3A_849 = tpu.memref_slice %arg5[%add3A_776, %dma_start3A_841, %select_n3A_9, %dma_start3A_847, %dma_start3A_848] : memref<200x8x8x8x128xf32, #tpu.memory_space<hbm>> -> memref<1x1x1x8x128xf32, #tpu.memory_space<hbm>>
      %dma_start3A_850 = tpu.memref_squeeze %dma_start3A_849 : memref<1x1x1x8x128xf32, #tpu.memory_space<hbm>> -> memref<8x128xf32, #tpu.memory_space<hbm>>
      %dma_start3A_851 = tpu.memref_slice %arg11[%dma_start3A_842] : memref<2x!tpu.dma_semaphore, #tpu.memory_space<semaphore_mem>> -> memref<1x!tpu.dma_semaphore, #tpu.memory_space<semaphore_mem>>
      %dma_start3A_852 = tpu.memref_squeeze %dma_start3A_851 : memref<1x!tpu.dma_semaphore, #tpu.memory_space<semaphore_mem>> -> memref<!tpu.dma_semaphore, #tpu.memory_space<semaphore_mem>>
      %dma_start3A_853 = arith.constant 0 : i32
      %dma_start3A_854 = arith.constant 0 : i32
      %dma_start3A_855 = tpu.memref_slice %arg5[%add3A_776, %dma_start3A_841, %select_n3A_9, %dma_start3A_853, %dma_start3A_854] : memref<200x8x8x8x128xf32, #tpu.memory_space<hbm>> -> memref<1x1x1x8x128xf32, #tpu.memory_space<hbm>>
      %dma_start3A_856 = tpu.memref_squeeze %dma_start3A_855 : memref<1x1x1x8x128xf32, #tpu.memory_space<hbm>> -> memref<8x128xf32, #tpu.memory_space<hbm>>
      %dma_start3A_857 = arith.constant 24 : i32
      %dma_start3A_858 = arith.constant 0 : i32
      %dma_start3A_859 = tpu.memref_slice %arg8[%dma_start3A_840, %dma_start3A_857, %dma_start3A_858] : memref<2x64x128xf32, #tpu.memory_space<vmem>> -> memref<1x8x128xf32, #tpu.memory_space<vmem>>
      %dma_start3A_860 = tpu.memref_squeeze %dma_start3A_859 : memref<1x8x128xf32, #tpu.memory_space<vmem>> -> memref<8x128xf32, #tpu.memory_space<vmem>>
      tpu.enqueue_dma source(%dma_start3A_860 : memref<8x128xf32, #tpu.memory_space<vmem>>) target(%dma_start3A_856 : memref<8x128xf32, #tpu.memory_space<hbm>>) target_semaphore(%dma_start3A_852 : memref<!tpu.dma_semaphore, #tpu.memory_space<semaphore_mem>>)
      %dma_start3A_861 = arith.constant 1 : i32
      %dma_start3A_862 = arith.constant 4 : i32
      %dma_start3A_863 = arith.constant 1 : i32
      %dma_start3A_864 = arith.constant 32 : i32
      %dma_start3A_865 = arith.constant 0 : i32
      %dma_start3A_866 = tpu.memref_slice %arg8[%dma_start3A_861, %dma_start3A_864, %dma_start3A_865] : memref<2x64x128xf32, #tpu.memory_space<vmem>> -> memref<1x8x128xf32, #tpu.memory_space<vmem>>
      %dma_start3A_867 = tpu.memref_squeeze %dma_start3A_866 : memref<1x8x128xf32, #tpu.memory_space<vmem>> -> memref<8x128xf32, #tpu.memory_space<vmem>>
      %dma_start3A_868 = arith.constant 0 : i32
      %dma_start3A_869 = arith.constant 0 : i32
      %dma_start3A_870 = tpu.memref_slice %arg5[%add3A_776, %dma_start3A_862, %select_n3A_9, %dma_start3A_868, %dma_start3A_869] : memref<200x8x8x8x128xf32, #tpu.memory_space<hbm>> -> memref<1x1x1x8x128xf32, #tpu.memory_space<hbm>>
      %dma_start3A_871 = tpu.memref_squeeze %dma_start3A_870 : memref<1x1x1x8x128xf32, #tpu.memory_space<hbm>> -> memref<8x128xf32, #tpu.memory_space<hbm>>
      %dma_start3A_872 = tpu.memref_slice %arg11[%dma_start3A_863] : memref<2x!tpu.dma_semaphore, #tpu.memory_space<semaphore_mem>> -> memref<1x!tpu.dma_semaphore, #tpu.memory_space<semaphore_mem>>
      %dma_start3A_873 = tpu.memref_squeeze %dma_start3A_872 : memref<1x!tpu.dma_semaphore, #tpu.memory_space<semaphore_mem>> -> memref<!tpu.dma_semaphore, #tpu.memory_space<semaphore_mem>>
      %dma_start3A_874 = arith.constant 0 : i32
      %dma_start3A_875 = arith.constant 0 : i32
      %dma_start3A_876 = tpu.memref_slice %arg5[%add3A_776, %dma_start3A_862, %select_n3A_9, %dma_start3A_874, %dma_start3A_875] : memref<200x8x8x8x128xf32, #tpu.memory_space<hbm>> -> memref<1x1x1x8x128xf32, #tpu.memory_space<hbm>>
      %dma_start3A_877 = tpu.memref_squeeze %dma_start3A_876 : memref<1x1x1x8x128xf32, #tpu.memory_space<hbm>> -> memref<8x128xf32, #tpu.memory_space<hbm>>
      %dma_start3A_878 = arith.constant 32 : i32
      %dma_start3A_879 = arith.constant 0 : i32
      %dma_start3A_880 = tpu.memref_slice %arg8[%dma_start3A_861, %dma_start3A_878, %dma_start3A_879] : memref<2x64x128xf32, #tpu.memory_space<vmem>> -> memref<1x8x128xf32, #tpu.memory_space<vmem>>
      %dma_start3A_881 = tpu.memref_squeeze %dma_start3A_880 : memref<1x8x128xf32, #tpu.memory_space<vmem>> -> memref<8x128xf32, #tpu.memory_space<vmem>>
      tpu.enqueue_dma source(%dma_start3A_881 : memref<8x128xf32, #tpu.memory_space<vmem>>) target(%dma_start3A_877 : memref<8x128xf32, #tpu.memory_space<hbm>>) target_semaphore(%dma_start3A_873 : memref<!tpu.dma_semaphore, #tpu.memory_space<semaphore_mem>>)
      %dma_start3A_882 = arith.constant 1 : i32
      %dma_start3A_883 = arith.constant 5 : i32
      %dma_start3A_884 = arith.constant 1 : i32
      %dma_start3A_885 = arith.constant 40 : i32
      %dma_start3A_886 = arith.constant 0 : i32
      %dma_start3A_887 = tpu.memref_slice %arg8[%dma_start3A_882, %dma_start3A_885, %dma_start3A_886] : memref<2x64x128xf32, #tpu.memory_space<vmem>> -> memref<1x8x128xf32, #tpu.memory_space<vmem>>
      %dma_start3A_888 = tpu.memref_squeeze %dma_start3A_887 : memref<1x8x128xf32, #tpu.memory_space<vmem>> -> memref<8x128xf32, #tpu.memory_space<vmem>>
      %dma_start3A_889 = arith.constant 0 : i32
      %dma_start3A_890 = arith.constant 0 : i32
      %dma_start3A_891 = tpu.memref_slice %arg5[%add3A_776, %dma_start3A_883, %select_n3A_9, %dma_start3A_889, %dma_start3A_890] : memref<200x8x8x8x128xf32, #tpu.memory_space<hbm>> -> memref<1x1x1x8x128xf32, #tpu.memory_space<hbm>>
      %dma_start3A_892 = tpu.memref_squeeze %dma_start3A_891 : memref<1x1x1x8x128xf32, #tpu.memory_space<hbm>> -> memref<8x128xf32, #tpu.memory_space<hbm>>
      %dma_start3A_893 = tpu.memref_slice %arg11[%dma_start3A_884] : memref<2x!tpu.dma_semaphore, #tpu.memory_space<semaphore_mem>> -> memref<1x!tpu.dma_semaphore, #tpu.memory_space<semaphore_mem>>
      %dma_start3A_894 = tpu.memref_squeeze %dma_start3A_893 : memref<1x!tpu.dma_semaphore, #tpu.memory_space<semaphore_mem>> -> memref<!tpu.dma_semaphore, #tpu.memory_space<semaphore_mem>>
      %dma_start3A_895 = arith.constant 0 : i32
      %dma_start3A_896 = arith.constant 0 : i32
      %dma_start3A_897 = tpu.memref_slice %arg5[%add3A_776, %dma_start3A_883, %select_n3A_9, %dma_start3A_895, %dma_start3A_896] : memref<200x8x8x8x128xf32, #tpu.memory_space<hbm>> -> memref<1x1x1x8x128xf32, #tpu.memory_space<hbm>>
      %dma_start3A_898 = tpu.memref_squeeze %dma_start3A_897 : memref<1x1x1x8x128xf32, #tpu.memory_space<hbm>> -> memref<8x128xf32, #tpu.memory_space<hbm>>
      %dma_start3A_899 = arith.constant 40 : i32
      %dma_start3A_900 = arith.constant 0 : i32
      %dma_start3A_901 = tpu.memref_slice %arg8[%dma_start3A_882, %dma_start3A_899, %dma_start3A_900] : memref<2x64x128xf32, #tpu.memory_space<vmem>> -> memref<1x8x128xf32, #tpu.memory_space<vmem>>
      %dma_start3A_902 = tpu.memref_squeeze %dma_start3A_901 : memref<1x8x128xf32, #tpu.memory_space<vmem>> -> memref<8x128xf32, #tpu.memory_space<vmem>>
      tpu.enqueue_dma source(%dma_start3A_902 : memref<8x128xf32, #tpu.memory_space<vmem>>) target(%dma_start3A_898 : memref<8x128xf32, #tpu.memory_space<hbm>>) target_semaphore(%dma_start3A_894 : memref<!tpu.dma_semaphore, #tpu.memory_space<semaphore_mem>>)
      %dma_start3A_903 = arith.constant 1 : i32
      %dma_start3A_904 = arith.constant 6 : i32
      %dma_start3A_905 = arith.constant 1 : i32
      %dma_start3A_906 = arith.constant 48 : i32
      %dma_start3A_907 = arith.constant 0 : i32
      %dma_start3A_908 = tpu.memref_slice %arg8[%dma_start3A_903, %dma_start3A_906, %dma_start3A_907] : memref<2x64x128xf32, #tpu.memory_space<vmem>> -> memref<1x8x128xf32, #tpu.memory_space<vmem>>
      %dma_start3A_909 = tpu.memref_squeeze %dma_start3A_908 : memref<1x8x128xf32, #tpu.memory_space<vmem>> -> memref<8x128xf32, #tpu.memory_space<vmem>>
      %dma_start3A_910 = arith.constant 0 : i32
      %dma_start3A_911 = arith.constant 0 : i32
      %dma_start3A_912 = tpu.memref_slice %arg5[%add3A_776, %dma_start3A_904, %select_n3A_9, %dma_start3A_910, %dma_start3A_911] : memref<200x8x8x8x128xf32, #tpu.memory_space<hbm>> -> memref<1x1x1x8x128xf32, #tpu.memory_space<hbm>>
      %dma_start3A_913 = tpu.memref_squeeze %dma_start3A_912 : memref<1x1x1x8x128xf32, #tpu.memory_space<hbm>> -> memref<8x128xf32, #tpu.memory_space<hbm>>
      %dma_start3A_914 = tpu.memref_slice %arg11[%dma_start3A_905] : memref<2x!tpu.dma_semaphore, #tpu.memory_space<semaphore_mem>> -> memref<1x!tpu.dma_semaphore, #tpu.memory_space<semaphore_mem>>
      %dma_start3A_915 = tpu.memref_squeeze %dma_start3A_914 : memref<1x!tpu.dma_semaphore, #tpu.memory_space<semaphore_mem>> -> memref<!tpu.dma_semaphore, #tpu.memory_space<semaphore_mem>>
      %dma_start3A_916 = arith.constant 0 : i32
      %dma_start3A_917 = arith.constant 0 : i32
      %dma_start3A_918 = tpu.memref_slice %arg5[%add3A_776, %dma_start3A_904, %select_n3A_9, %dma_start3A_916, %dma_start3A_917] : memref<200x8x8x8x128xf32, #tpu.memory_space<hbm>> -> memref<1x1x1x8x128xf32, #tpu.memory_space<hbm>>
      %dma_start3A_919 = tpu.memref_squeeze %dma_start3A_918 : memref<1x1x1x8x128xf32, #tpu.memory_space<hbm>> -> memref<8x128xf32, #tpu.memory_space<hbm>>
      %dma_start3A_920 = arith.constant 48 : i32
      %dma_start3A_921 = arith.constant 0 : i32
      %dma_start3A_922 = tpu.memref_slice %arg8[%dma_start3A_903, %dma_start3A_920, %dma_start3A_921] : memref<2x64x128xf32, #tpu.memory_space<vmem>> -> memref<1x8x128xf32, #tpu.memory_space<vmem>>
      %dma_start3A_923 = tpu.memref_squeeze %dma_start3A_922 : memref<1x8x128xf32, #tpu.memory_space<vmem>> -> memref<8x128xf32, #tpu.memory_space<vmem>>
      tpu.enqueue_dma source(%dma_start3A_923 : memref<8x128xf32, #tpu.memory_space<vmem>>) target(%dma_start3A_919 : memref<8x128xf32, #tpu.memory_space<hbm>>) target_semaphore(%dma_start3A_915 : memref<!tpu.dma_semaphore, #tpu.memory_space<semaphore_mem>>)
      %dma_start3A_924 = arith.constant 1 : i32
      %dma_start3A_925 = arith.constant 7 : i32
      %dma_start3A_926 = arith.constant 1 : i32
      %dma_start3A_927 = arith.constant 56 : i32
      %dma_start3A_928 = arith.constant 0 : i32
      %dma_start3A_929 = tpu.memref_slice %arg8[%dma_start3A_924, %dma_start3A_927, %dma_start3A_928] : memref<2x64x128xf32, #tpu.memory_space<vmem>> -> memref<1x8x128xf32, #tpu.memory_space<vmem>>
      %dma_start3A_930 = tpu.memref_squeeze %dma_start3A_929 : memref<1x8x128xf32, #tpu.memory_space<vmem>> -> memref<8x128xf32, #tpu.memory_space<vmem>>
      %dma_start3A_931 = arith.constant 0 : i32
      %dma_start3A_932 = arith.constant 0 : i32
      %dma_start3A_933 = tpu.memref_slice %arg5[%add3A_776, %dma_start3A_925, %select_n3A_9, %dma_start3A_931, %dma_start3A_932] : memref<200x8x8x8x128xf32, #tpu.memory_space<hbm>> -> memref<1x1x1x8x128xf32, #tpu.memory_space<hbm>>
      %dma_start3A_934 = tpu.memref_squeeze %dma_start3A_933 : memref<1x1x1x8x128xf32, #tpu.memory_space<hbm>> -> memref<8x128xf32, #tpu.memory_space<hbm>>
      %dma_start3A_935 = tpu.memref_slice %arg11[%dma_start3A_926] : memref<2x!tpu.dma_semaphore, #tpu.memory_space<semaphore_mem>> -> memref<1x!tpu.dma_semaphore, #tpu.memory_space<semaphore_mem>>
      %dma_start3A_936 = tpu.memref_squeeze %dma_start3A_935 : memref<1x!tpu.dma_semaphore, #tpu.memory_space<semaphore_mem>> -> memref<!tpu.dma_semaphore, #tpu.memory_space<semaphore_mem>>
      %dma_start3A_937 = arith.constant 0 : i32
      %dma_start3A_938 = arith.constant 0 : i32
      %dma_start3A_939 = tpu.memref_slice %arg5[%add3A_776, %dma_start3A_925, %select_n3A_9, %dma_start3A_937, %dma_start3A_938] : memref<200x8x8x8x128xf32, #tpu.memory_space<hbm>> -> memref<1x1x1x8x128xf32, #tpu.memory_space<hbm>>
      %dma_start3A_940 = tpu.memref_squeeze %dma_start3A_939 : memref<1x1x1x8x128xf32, #tpu.memory_space<hbm>> -> memref<8x128xf32, #tpu.memory_space<hbm>>
      %dma_start3A_941 = arith.constant 56 : i32
      %dma_start3A_942 = arith.constant 0 : i32
      %dma_start3A_943 = tpu.memref_slice %arg8[%dma_start3A_924, %dma_start3A_941, %dma_start3A_942] : memref<2x64x128xf32, #tpu.memory_space<vmem>> -> memref<1x8x128xf32, #tpu.memory_space<vmem>>
      %dma_start3A_944 = tpu.memref_squeeze %dma_start3A_943 : memref<1x8x128xf32, #tpu.memory_space<vmem>> -> memref<8x128xf32, #tpu.memory_space<vmem>>
      tpu.enqueue_dma source(%dma_start3A_944 : memref<8x128xf32, #tpu.memory_space<vmem>>) target(%dma_start3A_940 : memref<8x128xf32, #tpu.memory_space<hbm>>) target_semaphore(%dma_start3A_936 : memref<!tpu.dma_semaphore, #tpu.memory_space<semaphore_mem>>)
    }
    %scan3A_160 = arith.constant 25 : i32
    %dma_wait3A = arith.constant 0 : i32
    %dma_wait3A_161 = arith.constant 0 : i32
    %dma_wait3A_162 = arith.constant 0 : i32
    %dma_wait3A_163 = arith.constant 0 : i32
    %dma_wait3A_164 = arith.constant 0 : i32
    %dma_wait3A_165 = arith.constant 0 : i32
    %dma_wait3A_166 = arith.constant 0 : i32
    %dma_wait3A_167 = arith.constant 0 : i32
    %dma_wait3A_168 = tpu.memref_slice %arg8[%dma_wait3A_164, %dma_wait3A_166, %dma_wait3A_167] : memref<2x64x128xf32, #tpu.memory_space<vmem>> -> memref<1x8x128xf32, #tpu.memory_space<vmem>>
    %dma_wait3A_169 = tpu.memref_squeeze %dma_wait3A_168 : memref<1x8x128xf32, #tpu.memory_space<vmem>> -> memref<8x128xf32, #tpu.memory_space<vmem>>
    %dma_wait3A_170 = arith.constant 0 : i32
    %dma_wait3A_171 = tpu.memref_slice %arg5[%dma_wait3A, %dma_wait3A_161, %dma_wait3A_162, %dma_wait3A_163, %dma_wait3A_170] : memref<200x8x8x8x128xf32, #tpu.memory_space<hbm>> -> memref<1x1x1x1x128xf32, #tpu.memory_space<hbm>>
    %dma_wait3A_172 = tpu.memref_squeeze %dma_wait3A_171 : memref<1x1x1x1x128xf32, #tpu.memory_space<hbm>> -> memref<128xf32, #tpu.memory_space<hbm>>
    %dma_wait3A_173 = tpu.memref_slice %arg11[%dma_wait3A_165] : memref<2x!tpu.dma_semaphore, #tpu.memory_space<semaphore_mem>> -> memref<1x!tpu.dma_semaphore, #tpu.memory_space<semaphore_mem>>
    %dma_wait3A_174 = tpu.memref_squeeze %dma_wait3A_173 : memref<1x!tpu.dma_semaphore, #tpu.memory_space<semaphore_mem>> -> memref<!tpu.dma_semaphore, #tpu.memory_space<semaphore_mem>>
    %dma_wait3A_175 = arith.constant 0 : i32
    %dma_wait3A_176 = arith.constant 0 : i32
    %dma_wait3A_177 = tpu.memref_slice %arg8[%dma_wait3A_164, %dma_wait3A_175, %dma_wait3A_176] : memref<2x64x128xf32, #tpu.memory_space<vmem>> -> memref<1x8x128xf32, #tpu.memory_space<vmem>>
    %dma_wait3A_178 = tpu.memref_squeeze %dma_wait3A_177 : memref<1x8x128xf32, #tpu.memory_space<vmem>> -> memref<8x128xf32, #tpu.memory_space<vmem>>
    %dma_wait3A_179 = arith.constant 0 : i32
    %dma_wait3A_180 = tpu.memref_slice %arg5[%dma_wait3A, %dma_wait3A_161, %dma_wait3A_162, %dma_wait3A_163, %dma_wait3A_179] : memref<200x8x8x8x128xf32, #tpu.memory_space<hbm>> -> memref<1x1x1x1x128xf32, #tpu.memory_space<hbm>>
    %dma_wait3A_181 = tpu.memref_squeeze %dma_wait3A_180 : memref<1x1x1x1x128xf32, #tpu.memory_space<hbm>> -> memref<128xf32, #tpu.memory_space<hbm>>
    tpu.wait_dma2 semaphore(%dma_wait3A_174 : memref<!tpu.dma_semaphore, #tpu.memory_space<semaphore_mem>>) src(%dma_wait3A_181 : memref<128xf32, #tpu.memory_space<hbm>>) dst(%dma_wait3A_178 : memref<8x128xf32, #tpu.memory_space<vmem>>)
    %dma_wait3A_182 = arith.constant 0 : i32
    %dma_wait3A_183 = arith.constant 1 : i32
    %dma_wait3A_184 = arith.constant 0 : i32
    %dma_wait3A_185 = arith.constant 0 : i32
    %dma_wait3A_186 = arith.constant 0 : i32
    %dma_wait3A_187 = arith.constant 0 : i32
    %dma_wait3A_188 = arith.constant 8 : i32
    %dma_wait3A_189 = arith.constant 0 : i32
    %dma_wait3A_190 = tpu.memref_slice %arg8[%dma_wait3A_186, %dma_wait3A_188, %dma_wait3A_189] : memref<2x64x128xf32, #tpu.memory_space<vmem>> -> memref<1x8x128xf32, #tpu.memory_space<vmem>>
    %dma_wait3A_191 = tpu.memref_squeeze %dma_wait3A_190 : memref<1x8x128xf32, #tpu.memory_space<vmem>> -> memref<8x128xf32, #tpu.memory_space<vmem>>
    %dma_wait3A_192 = arith.constant 0 : i32
    %dma_wait3A_193 = tpu.memref_slice %arg5[%dma_wait3A_182, %dma_wait3A_183, %dma_wait3A_184, %dma_wait3A_185, %dma_wait3A_192] : memref<200x8x8x8x128xf32, #tpu.memory_space<hbm>> -> memref<1x1x1x1x128xf32, #tpu.memory_space<hbm>>
    %dma_wait3A_194 = tpu.memref_squeeze %dma_wait3A_193 : memref<1x1x1x1x128xf32, #tpu.memory_space<hbm>> -> memref<128xf32, #tpu.memory_space<hbm>>
    %dma_wait3A_195 = tpu.memref_slice %arg11[%dma_wait3A_187] : memref<2x!tpu.dma_semaphore, #tpu.memory_space<semaphore_mem>> -> memref<1x!tpu.dma_semaphore, #tpu.memory_space<semaphore_mem>>
    %dma_wait3A_196 = tpu.memref_squeeze %dma_wait3A_195 : memref<1x!tpu.dma_semaphore, #tpu.memory_space<semaphore_mem>> -> memref<!tpu.dma_semaphore, #tpu.memory_space<semaphore_mem>>
    %dma_wait3A_197 = arith.constant 8 : i32
    %dma_wait3A_198 = arith.constant 0 : i32
    %dma_wait3A_199 = tpu.memref_slice %arg8[%dma_wait3A_186, %dma_wait3A_197, %dma_wait3A_198] : memref<2x64x128xf32, #tpu.memory_space<vmem>> -> memref<1x8x128xf32, #tpu.memory_space<vmem>>
    %dma_wait3A_200 = tpu.memref_squeeze %dma_wait3A_199 : memref<1x8x128xf32, #tpu.memory_space<vmem>> -> memref<8x128xf32, #tpu.memory_space<vmem>>
    %dma_wait3A_201 = arith.constant 0 : i32
    %dma_wait3A_202 = tpu.memref_slice %arg5[%dma_wait3A_182, %dma_wait3A_183, %dma_wait3A_184, %dma_wait3A_185, %dma_wait3A_201] : memref<200x8x8x8x128xf32, #tpu.memory_space<hbm>> -> memref<1x1x1x1x128xf32, #tpu.memory_space<hbm>>
    %dma_wait3A_203 = tpu.memref_squeeze %dma_wait3A_202 : memref<1x1x1x1x128xf32, #tpu.memory_space<hbm>> -> memref<128xf32, #tpu.memory_space<hbm>>
    tpu.wait_dma2 semaphore(%dma_wait3A_196 : memref<!tpu.dma_semaphore, #tpu.memory_space<semaphore_mem>>) src(%dma_wait3A_203 : memref<128xf32, #tpu.memory_space<hbm>>) dst(%dma_wait3A_200 : memref<8x128xf32, #tpu.memory_space<vmem>>)
    %dma_wait3A_204 = arith.constant 0 : i32
    %dma_wait3A_205 = arith.constant 2 : i32
    %dma_wait3A_206 = arith.constant 0 : i32
    %dma_wait3A_207 = arith.constant 0 : i32
    %dma_wait3A_208 = arith.constant 0 : i32
    %dma_wait3A_209 = arith.constant 0 : i32
    %dma_wait3A_210 = arith.constant 16 : i32
    %dma_wait3A_211 = arith.constant 0 : i32
    %dma_wait3A_212 = tpu.memref_slice %arg8[%dma_wait3A_208, %dma_wait3A_210, %dma_wait3A_211] : memref<2x64x128xf32, #tpu.memory_space<vmem>> -> memref<1x8x128xf32, #tpu.memory_space<vmem>>
    %dma_wait3A_213 = tpu.memref_squeeze %dma_wait3A_212 : memref<1x8x128xf32, #tpu.memory_space<vmem>> -> memref<8x128xf32, #tpu.memory_space<vmem>>
    %dma_wait3A_214 = arith.constant 0 : i32
    %dma_wait3A_215 = tpu.memref_slice %arg5[%dma_wait3A_204, %dma_wait3A_205, %dma_wait3A_206, %dma_wait3A_207, %dma_wait3A_214] : memref<200x8x8x8x128xf32, #tpu.memory_space<hbm>> -> memref<1x1x1x1x128xf32, #tpu.memory_space<hbm>>
    %dma_wait3A_216 = tpu.memref_squeeze %dma_wait3A_215 : memref<1x1x1x1x128xf32, #tpu.memory_space<hbm>> -> memref<128xf32, #tpu.memory_space<hbm>>
    %dma_wait3A_217 = tpu.memref_slice %arg11[%dma_wait3A_209] : memref<2x!tpu.dma_semaphore, #tpu.memory_space<semaphore_mem>> -> memref<1x!tpu.dma_semaphore, #tpu.memory_space<semaphore_mem>>
    %dma_wait3A_218 = tpu.memref_squeeze %dma_wait3A_217 : memref<1x!tpu.dma_semaphore, #tpu.memory_space<semaphore_mem>> -> memref<!tpu.dma_semaphore, #tpu.memory_space<semaphore_mem>>
    %dma_wait3A_219 = arith.constant 16 : i32
    %dma_wait3A_220 = arith.constant 0 : i32
    %dma_wait3A_221 = tpu.memref_slice %arg8[%dma_wait3A_208, %dma_wait3A_219, %dma_wait3A_220] : memref<2x64x128xf32, #tpu.memory_space<vmem>> -> memref<1x8x128xf32, #tpu.memory_space<vmem>>
    %dma_wait3A_222 = tpu.memref_squeeze %dma_wait3A_221 : memref<1x8x128xf32, #tpu.memory_space<vmem>> -> memref<8x128xf32, #tpu.memory_space<vmem>>
    %dma_wait3A_223 = arith.constant 0 : i32
    %dma_wait3A_224 = tpu.memref_slice %arg5[%dma_wait3A_204, %dma_wait3A_205, %dma_wait3A_206, %dma_wait3A_207, %dma_wait3A_223] : memref<200x8x8x8x128xf32, #tpu.memory_space<hbm>> -> memref<1x1x1x1x128xf32, #tpu.memory_space<hbm>>
    %dma_wait3A_225 = tpu.memref_squeeze %dma_wait3A_224 : memref<1x1x1x1x128xf32, #tpu.memory_space<hbm>> -> memref<128xf32, #tpu.memory_space<hbm>>
    tpu.wait_dma2 semaphore(%dma_wait3A_218 : memref<!tpu.dma_semaphore, #tpu.memory_space<semaphore_mem>>) src(%dma_wait3A_225 : memref<128xf32, #tpu.memory_space<hbm>>) dst(%dma_wait3A_222 : memref<8x128xf32, #tpu.memory_space<vmem>>)
    %dma_wait3A_226 = arith.constant 0 : i32
    %dma_wait3A_227 = arith.constant 3 : i32
    %dma_wait3A_228 = arith.constant 0 : i32
    %dma_wait3A_229 = arith.constant 0 : i32
    %dma_wait3A_230 = arith.constant 0 : i32
    %dma_wait3A_231 = arith.constant 0 : i32
    %dma_wait3A_232 = arith.constant 24 : i32
    %dma_wait3A_233 = arith.constant 0 : i32
    %dma_wait3A_234 = tpu.memref_slice %arg8[%dma_wait3A_230, %dma_wait3A_232, %dma_wait3A_233] : memref<2x64x128xf32, #tpu.memory_space<vmem>> -> memref<1x8x128xf32, #tpu.memory_space<vmem>>
    %dma_wait3A_235 = tpu.memref_squeeze %dma_wait3A_234 : memref<1x8x128xf32, #tpu.memory_space<vmem>> -> memref<8x128xf32, #tpu.memory_space<vmem>>
    %dma_wait3A_236 = arith.constant 0 : i32
    %dma_wait3A_237 = tpu.memref_slice %arg5[%dma_wait3A_226, %dma_wait3A_227, %dma_wait3A_228, %dma_wait3A_229, %dma_wait3A_236] : memref<200x8x8x8x128xf32, #tpu.memory_space<hbm>> -> memref<1x1x1x1x128xf32, #tpu.memory_space<hbm>>
    %dma_wait3A_238 = tpu.memref_squeeze %dma_wait3A_237 : memref<1x1x1x1x128xf32, #tpu.memory_space<hbm>> -> memref<128xf32, #tpu.memory_space<hbm>>
    %dma_wait3A_239 = tpu.memref_slice %arg11[%dma_wait3A_231] : memref<2x!tpu.dma_semaphore, #tpu.memory_space<semaphore_mem>> -> memref<1x!tpu.dma_semaphore, #tpu.memory_space<semaphore_mem>>
    %dma_wait3A_240 = tpu.memref_squeeze %dma_wait3A_239 : memref<1x!tpu.dma_semaphore, #tpu.memory_space<semaphore_mem>> -> memref<!tpu.dma_semaphore, #tpu.memory_space<semaphore_mem>>
    %dma_wait3A_241 = arith.constant 24 : i32
    %dma_wait3A_242 = arith.constant 0 : i32
    %dma_wait3A_243 = tpu.memref_slice %arg8[%dma_wait3A_230, %dma_wait3A_241, %dma_wait3A_242] : memref<2x64x128xf32, #tpu.memory_space<vmem>> -> memref<1x8x128xf32, #tpu.memory_space<vmem>>
    %dma_wait3A_244 = tpu.memref_squeeze %dma_wait3A_243 : memref<1x8x128xf32, #tpu.memory_space<vmem>> -> memref<8x128xf32, #tpu.memory_space<vmem>>
    %dma_wait3A_245 = arith.constant 0 : i32
    %dma_wait3A_246 = tpu.memref_slice %arg5[%dma_wait3A_226, %dma_wait3A_227, %dma_wait3A_228, %dma_wait3A_229, %dma_wait3A_245] : memref<200x8x8x8x128xf32, #tpu.memory_space<hbm>> -> memref<1x1x1x1x128xf32, #tpu.memory_space<hbm>>
    %dma_wait3A_247 = tpu.memref_squeeze %dma_wait3A_246 : memref<1x1x1x1x128xf32, #tpu.memory_space<hbm>> -> memref<128xf32, #tpu.memory_space<hbm>>
    tpu.wait_dma2 semaphore(%dma_wait3A_240 : memref<!tpu.dma_semaphore, #tpu.memory_space<semaphore_mem>>) src(%dma_wait3A_247 : memref<128xf32, #tpu.memory_space<hbm>>) dst(%dma_wait3A_244 : memref<8x128xf32, #tpu.memory_space<vmem>>)
    %dma_wait3A_248 = arith.constant 0 : i32
    %dma_wait3A_249 = arith.constant 4 : i32
    %dma_wait3A_250 = arith.constant 0 : i32
    %dma_wait3A_251 = arith.constant 0 : i32
    %dma_wait3A_252 = arith.constant 0 : i32
    %dma_wait3A_253 = arith.constant 0 : i32
    %dma_wait3A_254 = arith.constant 32 : i32
    %dma_wait3A_255 = arith.constant 0 : i32
    %dma_wait3A_256 = tpu.memref_slice %arg8[%dma_wait3A_252, %dma_wait3A_254, %dma_wait3A_255] : memref<2x64x128xf32, #tpu.memory_space<vmem>> -> memref<1x8x128xf32, #tpu.memory_space<vmem>>
    %dma_wait3A_257 = tpu.memref_squeeze %dma_wait3A_256 : memref<1x8x128xf32, #tpu.memory_space<vmem>> -> memref<8x128xf32, #tpu.memory_space<vmem>>
    %dma_wait3A_258 = arith.constant 0 : i32
    %dma_wait3A_259 = tpu.memref_slice %arg5[%dma_wait3A_248, %dma_wait3A_249, %dma_wait3A_250, %dma_wait3A_251, %dma_wait3A_258] : memref<200x8x8x8x128xf32, #tpu.memory_space<hbm>> -> memref<1x1x1x1x128xf32, #tpu.memory_space<hbm>>
    %dma_wait3A_260 = tpu.memref_squeeze %dma_wait3A_259 : memref<1x1x1x1x128xf32, #tpu.memory_space<hbm>> -> memref<128xf32, #tpu.memory_space<hbm>>
    %dma_wait3A_261 = tpu.memref_slice %arg11[%dma_wait3A_253] : memref<2x!tpu.dma_semaphore, #tpu.memory_space<semaphore_mem>> -> memref<1x!tpu.dma_semaphore, #tpu.memory_space<semaphore_mem>>
    %dma_wait3A_262 = tpu.memref_squeeze %dma_wait3A_261 : memref<1x!tpu.dma_semaphore, #tpu.memory_space<semaphore_mem>> -> memref<!tpu.dma_semaphore, #tpu.memory_space<semaphore_mem>>
    %dma_wait3A_263 = arith.constant 32 : i32
    %dma_wait3A_264 = arith.constant 0 : i32
    %dma_wait3A_265 = tpu.memref_slice %arg8[%dma_wait3A_252, %dma_wait3A_263, %dma_wait3A_264] : memref<2x64x128xf32, #tpu.memory_space<vmem>> -> memref<1x8x128xf32, #tpu.memory_space<vmem>>
    %dma_wait3A_266 = tpu.memref_squeeze %dma_wait3A_265 : memref<1x8x128xf32, #tpu.memory_space<vmem>> -> memref<8x128xf32, #tpu.memory_space<vmem>>
    %dma_wait3A_267 = arith.constant 0 : i32
    %dma_wait3A_268 = tpu.memref_slice %arg5[%dma_wait3A_248, %dma_wait3A_249, %dma_wait3A_250, %dma_wait3A_251, %dma_wait3A_267] : memref<200x8x8x8x128xf32, #tpu.memory_space<hbm>> -> memref<1x1x1x1x128xf32, #tpu.memory_space<hbm>>
    %dma_wait3A_269 = tpu.memref_squeeze %dma_wait3A_268 : memref<1x1x1x1x128xf32, #tpu.memory_space<hbm>> -> memref<128xf32, #tpu.memory_space<hbm>>
    tpu.wait_dma2 semaphore(%dma_wait3A_262 : memref<!tpu.dma_semaphore, #tpu.memory_space<semaphore_mem>>) src(%dma_wait3A_269 : memref<128xf32, #tpu.memory_space<hbm>>) dst(%dma_wait3A_266 : memref<8x128xf32, #tpu.memory_space<vmem>>)
    %dma_wait3A_270 = arith.constant 0 : i32
    %dma_wait3A_271 = arith.constant 5 : i32
    %dma_wait3A_272 = arith.constant 0 : i32
    %dma_wait3A_273 = arith.constant 0 : i32
    %dma_wait3A_274 = arith.constant 0 : i32
    %dma_wait3A_275 = arith.constant 0 : i32
    %dma_wait3A_276 = arith.constant 40 : i32
    %dma_wait3A_277 = arith.constant 0 : i32
    %dma_wait3A_278 = tpu.memref_slice %arg8[%dma_wait3A_274, %dma_wait3A_276, %dma_wait3A_277] : memref<2x64x128xf32, #tpu.memory_space<vmem>> -> memref<1x8x128xf32, #tpu.memory_space<vmem>>
    %dma_wait3A_279 = tpu.memref_squeeze %dma_wait3A_278 : memref<1x8x128xf32, #tpu.memory_space<vmem>> -> memref<8x128xf32, #tpu.memory_space<vmem>>
    %dma_wait3A_280 = arith.constant 0 : i32
    %dma_wait3A_281 = tpu.memref_slice %arg5[%dma_wait3A_270, %dma_wait3A_271, %dma_wait3A_272, %dma_wait3A_273, %dma_wait3A_280] : memref<200x8x8x8x128xf32, #tpu.memory_space<hbm>> -> memref<1x1x1x1x128xf32, #tpu.memory_space<hbm>>
    %dma_wait3A_282 = tpu.memref_squeeze %dma_wait3A_281 : memref<1x1x1x1x128xf32, #tpu.memory_space<hbm>> -> memref<128xf32, #tpu.memory_space<hbm>>
    %dma_wait3A_283 = tpu.memref_slice %arg11[%dma_wait3A_275] : memref<2x!tpu.dma_semaphore, #tpu.memory_space<semaphore_mem>> -> memref<1x!tpu.dma_semaphore, #tpu.memory_space<semaphore_mem>>
    %dma_wait3A_284 = tpu.memref_squeeze %dma_wait3A_283 : memref<1x!tpu.dma_semaphore, #tpu.memory_space<semaphore_mem>> -> memref<!tpu.dma_semaphore, #tpu.memory_space<semaphore_mem>>
    %dma_wait3A_285 = arith.constant 40 : i32
    %dma_wait3A_286 = arith.constant 0 : i32
    %dma_wait3A_287 = tpu.memref_slice %arg8[%dma_wait3A_274, %dma_wait3A_285, %dma_wait3A_286] : memref<2x64x128xf32, #tpu.memory_space<vmem>> -> memref<1x8x128xf32, #tpu.memory_space<vmem>>
    %dma_wait3A_288 = tpu.memref_squeeze %dma_wait3A_287 : memref<1x8x128xf32, #tpu.memory_space<vmem>> -> memref<8x128xf32, #tpu.memory_space<vmem>>
    %dma_wait3A_289 = arith.constant 0 : i32
    %dma_wait3A_290 = tpu.memref_slice %arg5[%dma_wait3A_270, %dma_wait3A_271, %dma_wait3A_272, %dma_wait3A_273, %dma_wait3A_289] : memref<200x8x8x8x128xf32, #tpu.memory_space<hbm>> -> memref<1x1x1x1x128xf32, #tpu.memory_space<hbm>>
    %dma_wait3A_291 = tpu.memref_squeeze %dma_wait3A_290 : memref<1x1x1x1x128xf32, #tpu.memory_space<hbm>> -> memref<128xf32, #tpu.memory_space<hbm>>
    tpu.wait_dma2 semaphore(%dma_wait3A_284 : memref<!tpu.dma_semaphore, #tpu.memory_space<semaphore_mem>>) src(%dma_wait3A_291 : memref<128xf32, #tpu.memory_space<hbm>>) dst(%dma_wait3A_288 : memref<8x128xf32, #tpu.memory_space<vmem>>)
    %dma_wait3A_292 = arith.constant 0 : i32
    %dma_wait3A_293 = arith.constant 6 : i32
    %dma_wait3A_294 = arith.constant 0 : i32
    %dma_wait3A_295 = arith.constant 0 : i32
    %dma_wait3A_296 = arith.constant 0 : i32
    %dma_wait3A_297 = arith.constant 0 : i32
    %dma_wait3A_298 = arith.constant 48 : i32
    %dma_wait3A_299 = arith.constant 0 : i32
    %dma_wait3A_300 = tpu.memref_slice %arg8[%dma_wait3A_296, %dma_wait3A_298, %dma_wait3A_299] : memref<2x64x128xf32, #tpu.memory_space<vmem>> -> memref<1x8x128xf32, #tpu.memory_space<vmem>>
    %dma_wait3A_301 = tpu.memref_squeeze %dma_wait3A_300 : memref<1x8x128xf32, #tpu.memory_space<vmem>> -> memref<8x128xf32, #tpu.memory_space<vmem>>
    %dma_wait3A_302 = arith.constant 0 : i32
    %dma_wait3A_303 = tpu.memref_slice %arg5[%dma_wait3A_292, %dma_wait3A_293, %dma_wait3A_294, %dma_wait3A_295, %dma_wait3A_302] : memref<200x8x8x8x128xf32, #tpu.memory_space<hbm>> -> memref<1x1x1x1x128xf32, #tpu.memory_space<hbm>>
    %dma_wait3A_304 = tpu.memref_squeeze %dma_wait3A_303 : memref<1x1x1x1x128xf32, #tpu.memory_space<hbm>> -> memref<128xf32, #tpu.memory_space<hbm>>
    %dma_wait3A_305 = tpu.memref_slice %arg11[%dma_wait3A_297] : memref<2x!tpu.dma_semaphore, #tpu.memory_space<semaphore_mem>> -> memref<1x!tpu.dma_semaphore, #tpu.memory_space<semaphore_mem>>
    %dma_wait3A_306 = tpu.memref_squeeze %dma_wait3A_305 : memref<1x!tpu.dma_semaphore, #tpu.memory_space<semaphore_mem>> -> memref<!tpu.dma_semaphore, #tpu.memory_space<semaphore_mem>>
    %dma_wait3A_307 = arith.constant 48 : i32
    %dma_wait3A_308 = arith.constant 0 : i32
    %dma_wait3A_309 = tpu.memref_slice %arg8[%dma_wait3A_296, %dma_wait3A_307, %dma_wait3A_308] : memref<2x64x128xf32, #tpu.memory_space<vmem>> -> memref<1x8x128xf32, #tpu.memory_space<vmem>>
    %dma_wait3A_310 = tpu.memref_squeeze %dma_wait3A_309 : memref<1x8x128xf32, #tpu.memory_space<vmem>> -> memref<8x128xf32, #tpu.memory_space<vmem>>
    %dma_wait3A_311 = arith.constant 0 : i32
    %dma_wait3A_312 = tpu.memref_slice %arg5[%dma_wait3A_292, %dma_wait3A_293, %dma_wait3A_294, %dma_wait3A_295, %dma_wait3A_311] : memref<200x8x8x8x128xf32, #tpu.memory_space<hbm>> -> memref<1x1x1x1x128xf32, #tpu.memory_space<hbm>>
    %dma_wait3A_313 = tpu.memref_squeeze %dma_wait3A_312 : memref<1x1x1x1x128xf32, #tpu.memory_space<hbm>> -> memref<128xf32, #tpu.memory_space<hbm>>
    tpu.wait_dma2 semaphore(%dma_wait3A_306 : memref<!tpu.dma_semaphore, #tpu.memory_space<semaphore_mem>>) src(%dma_wait3A_313 : memref<128xf32, #tpu.memory_space<hbm>>) dst(%dma_wait3A_310 : memref<8x128xf32, #tpu.memory_space<vmem>>)
    %dma_wait3A_314 = arith.constant 0 : i32
    %dma_wait3A_315 = arith.constant 7 : i32
    %dma_wait3A_316 = arith.constant 0 : i32
    %dma_wait3A_317 = arith.constant 0 : i32
    %dma_wait3A_318 = arith.constant 0 : i32
    %dma_wait3A_319 = arith.constant 0 : i32
    %dma_wait3A_320 = arith.constant 56 : i32
    %dma_wait3A_321 = arith.constant 0 : i32
    %dma_wait3A_322 = tpu.memref_slice %arg8[%dma_wait3A_318, %dma_wait3A_320, %dma_wait3A_321] : memref<2x64x128xf32, #tpu.memory_space<vmem>> -> memref<1x8x128xf32, #tpu.memory_space<vmem>>
    %dma_wait3A_323 = tpu.memref_squeeze %dma_wait3A_322 : memref<1x8x128xf32, #tpu.memory_space<vmem>> -> memref<8x128xf32, #tpu.memory_space<vmem>>
    %dma_wait3A_324 = arith.constant 0 : i32
    %dma_wait3A_325 = tpu.memref_slice %arg5[%dma_wait3A_314, %dma_wait3A_315, %dma_wait3A_316, %dma_wait3A_317, %dma_wait3A_324] : memref<200x8x8x8x128xf32, #tpu.memory_space<hbm>> -> memref<1x1x1x1x128xf32, #tpu.memory_space<hbm>>
    %dma_wait3A_326 = tpu.memref_squeeze %dma_wait3A_325 : memref<1x1x1x1x128xf32, #tpu.memory_space<hbm>> -> memref<128xf32, #tpu.memory_space<hbm>>
    %dma_wait3A_327 = tpu.memref_slice %arg11[%dma_wait3A_319] : memref<2x!tpu.dma_semaphore, #tpu.memory_space<semaphore_mem>> -> memref<1x!tpu.dma_semaphore, #tpu.memory_space<semaphore_mem>>
    %dma_wait3A_328 = tpu.memref_squeeze %dma_wait3A_327 : memref<1x!tpu.dma_semaphore, #tpu.memory_space<semaphore_mem>> -> memref<!tpu.dma_semaphore, #tpu.memory_space<semaphore_mem>>
    %dma_wait3A_329 = arith.constant 56 : i32
    %dma_wait3A_330 = arith.constant 0 : i32
    %dma_wait3A_331 = tpu.memref_slice %arg8[%dma_wait3A_318, %dma_wait3A_329, %dma_wait3A_330] : memref<2x64x128xf32, #tpu.memory_space<vmem>> -> memref<1x8x128xf32, #tpu.memory_space<vmem>>
    %dma_wait3A_332 = tpu.memref_squeeze %dma_wait3A_331 : memref<1x8x128xf32, #tpu.memory_space<vmem>> -> memref<8x128xf32, #tpu.memory_space<vmem>>
    %dma_wait3A_333 = arith.constant 0 : i32
    %dma_wait3A_334 = tpu.memref_slice %arg5[%dma_wait3A_314, %dma_wait3A_315, %dma_wait3A_316, %dma_wait3A_317, %dma_wait3A_333] : memref<200x8x8x8x128xf32, #tpu.memory_space<hbm>> -> memref<1x1x1x1x128xf32, #tpu.memory_space<hbm>>
    %dma_wait3A_335 = tpu.memref_squeeze %dma_wait3A_334 : memref<1x1x1x1x128xf32, #tpu.memory_space<hbm>> -> memref<128xf32, #tpu.memory_space<hbm>>
    tpu.wait_dma2 semaphore(%dma_wait3A_328 : memref<!tpu.dma_semaphore, #tpu.memory_space<semaphore_mem>>) src(%dma_wait3A_335 : memref<128xf32, #tpu.memory_space<hbm>>) dst(%dma_wait3A_332 : memref<8x128xf32, #tpu.memory_space<vmem>>)
    %dma_wait3A_336 = arith.constant 0 : i32
    %dma_wait3A_337 = arith.constant 0 : i32
    %dma_wait3A_338 = arith.constant 0 : i32
    %dma_wait3A_339 = arith.constant 0 : i32
    %dma_wait3A_340 = arith.constant 1 : i32
    %dma_wait3A_341 = arith.constant 1 : i32
    %dma_wait3A_342 = arith.constant 0 : i32
    %dma_wait3A_343 = arith.constant 0 : i32
    %dma_wait3A_344 = tpu.memref_slice %arg8[%dma_wait3A_340, %dma_wait3A_342, %dma_wait3A_343] : memref<2x64x128xf32, #tpu.memory_space<vmem>> -> memref<1x8x128xf32, #tpu.memory_space<vmem>>
    %dma_wait3A_345 = tpu.memref_squeeze %dma_wait3A_344 : memref<1x8x128xf32, #tpu.memory_space<vmem>> -> memref<8x128xf32, #tpu.memory_space<vmem>>
    %dma_wait3A_346 = arith.constant 0 : i32
    %dma_wait3A_347 = tpu.memref_slice %arg5[%dma_wait3A_336, %dma_wait3A_337, %dma_wait3A_338, %dma_wait3A_339, %dma_wait3A_346] : memref<200x8x8x8x128xf32, #tpu.memory_space<hbm>> -> memref<1x1x1x1x128xf32, #tpu.memory_space<hbm>>
    %dma_wait3A_348 = tpu.memref_squeeze %dma_wait3A_347 : memref<1x1x1x1x128xf32, #tpu.memory_space<hbm>> -> memref<128xf32, #tpu.memory_space<hbm>>
    %dma_wait3A_349 = tpu.memref_slice %arg11[%dma_wait3A_341] : memref<2x!tpu.dma_semaphore, #tpu.memory_space<semaphore_mem>> -> memref<1x!tpu.dma_semaphore, #tpu.memory_space<semaphore_mem>>
    %dma_wait3A_350 = tpu.memref_squeeze %dma_wait3A_349 : memref<1x!tpu.dma_semaphore, #tpu.memory_space<semaphore_mem>> -> memref<!tpu.dma_semaphore, #tpu.memory_space<semaphore_mem>>
    %dma_wait3A_351 = arith.constant 0 : i32
    %dma_wait3A_352 = arith.constant 0 : i32
    %dma_wait3A_353 = tpu.memref_slice %arg8[%dma_wait3A_340, %dma_wait3A_351, %dma_wait3A_352] : memref<2x64x128xf32, #tpu.memory_space<vmem>> -> memref<1x8x128xf32, #tpu.memory_space<vmem>>
    %dma_wait3A_354 = tpu.memref_squeeze %dma_wait3A_353 : memref<1x8x128xf32, #tpu.memory_space<vmem>> -> memref<8x128xf32, #tpu.memory_space<vmem>>
    %dma_wait3A_355 = arith.constant 0 : i32
    %dma_wait3A_356 = tpu.memref_slice %arg5[%dma_wait3A_336, %dma_wait3A_337, %dma_wait3A_338, %dma_wait3A_339, %dma_wait3A_355] : memref<200x8x8x8x128xf32, #tpu.memory_space<hbm>> -> memref<1x1x1x1x128xf32, #tpu.memory_space<hbm>>
    %dma_wait3A_357 = tpu.memref_squeeze %dma_wait3A_356 : memref<1x1x1x1x128xf32, #tpu.memory_space<hbm>> -> memref<128xf32, #tpu.memory_space<hbm>>
    tpu.wait_dma2 semaphore(%dma_wait3A_350 : memref<!tpu.dma_semaphore, #tpu.memory_space<semaphore_mem>>) src(%dma_wait3A_357 : memref<128xf32, #tpu.memory_space<hbm>>) dst(%dma_wait3A_354 : memref<8x128xf32, #tpu.memory_space<vmem>>)
    %dma_wait3A_358 = arith.constant 0 : i32
    %dma_wait3A_359 = arith.constant 1 : i32
    %dma_wait3A_360 = arith.constant 0 : i32
    %dma_wait3A_361 = arith.constant 0 : i32
    %dma_wait3A_362 = arith.constant 1 : i32
    %dma_wait3A_363 = arith.constant 1 : i32
    %dma_wait3A_364 = arith.constant 8 : i32
    %dma_wait3A_365 = arith.constant 0 : i32
    %dma_wait3A_366 = tpu.memref_slice %arg8[%dma_wait3A_362, %dma_wait3A_364, %dma_wait3A_365] : memref<2x64x128xf32, #tpu.memory_space<vmem>> -> memref<1x8x128xf32, #tpu.memory_space<vmem>>
    %dma_wait3A_367 = tpu.memref_squeeze %dma_wait3A_366 : memref<1x8x128xf32, #tpu.memory_space<vmem>> -> memref<8x128xf32, #tpu.memory_space<vmem>>
    %dma_wait3A_368 = arith.constant 0 : i32
    %dma_wait3A_369 = tpu.memref_slice %arg5[%dma_wait3A_358, %dma_wait3A_359, %dma_wait3A_360, %dma_wait3A_361, %dma_wait3A_368] : memref<200x8x8x8x128xf32, #tpu.memory_space<hbm>> -> memref<1x1x1x1x128xf32, #tpu.memory_space<hbm>>
    %dma_wait3A_370 = tpu.memref_squeeze %dma_wait3A_369 : memref<1x1x1x1x128xf32, #tpu.memory_space<hbm>> -> memref<128xf32, #tpu.memory_space<hbm>>
    %dma_wait3A_371 = tpu.memref_slice %arg11[%dma_wait3A_363] : memref<2x!tpu.dma_semaphore, #tpu.memory_space<semaphore_mem>> -> memref<1x!tpu.dma_semaphore, #tpu.memory_space<semaphore_mem>>
    %dma_wait3A_372 = tpu.memref_squeeze %dma_wait3A_371 : memref<1x!tpu.dma_semaphore, #tpu.memory_space<semaphore_mem>> -> memref<!tpu.dma_semaphore, #tpu.memory_space<semaphore_mem>>
    %dma_wait3A_373 = arith.constant 8 : i32
    %dma_wait3A_374 = arith.constant 0 : i32
    %dma_wait3A_375 = tpu.memref_slice %arg8[%dma_wait3A_362, %dma_wait3A_373, %dma_wait3A_374] : memref<2x64x128xf32, #tpu.memory_space<vmem>> -> memref<1x8x128xf32, #tpu.memory_space<vmem>>
    %dma_wait3A_376 = tpu.memref_squeeze %dma_wait3A_375 : memref<1x8x128xf32, #tpu.memory_space<vmem>> -> memref<8x128xf32, #tpu.memory_space<vmem>>
    %dma_wait3A_377 = arith.constant 0 : i32
    %dma_wait3A_378 = tpu.memref_slice %arg5[%dma_wait3A_358, %dma_wait3A_359, %dma_wait3A_360, %dma_wait3A_361, %dma_wait3A_377] : memref<200x8x8x8x128xf32, #tpu.memory_space<hbm>> -> memref<1x1x1x1x128xf32, #tpu.memory_space<hbm>>
    %dma_wait3A_379 = tpu.memref_squeeze %dma_wait3A_378 : memref<1x1x1x1x128xf32, #tpu.memory_space<hbm>> -> memref<128xf32, #tpu.memory_space<hbm>>
    tpu.wait_dma2 semaphore(%dma_wait3A_372 : memref<!tpu.dma_semaphore, #tpu.memory_space<semaphore_mem>>) src(%dma_wait3A_379 : memref<128xf32, #tpu.memory_space<hbm>>) dst(%dma_wait3A_376 : memref<8x128xf32, #tpu.memory_space<vmem>>)
    %dma_wait3A_380 = arith.constant 0 : i32
    %dma_wait3A_381 = arith.constant 2 : i32
    %dma_wait3A_382 = arith.constant 0 : i32
    %dma_wait3A_383 = arith.constant 0 : i32
    %dma_wait3A_384 = arith.constant 1 : i32
    %dma_wait3A_385 = arith.constant 1 : i32
    %dma_wait3A_386 = arith.constant 16 : i32
    %dma_wait3A_387 = arith.constant 0 : i32
    %dma_wait3A_388 = tpu.memref_slice %arg8[%dma_wait3A_384, %dma_wait3A_386, %dma_wait3A_387] : memref<2x64x128xf32, #tpu.memory_space<vmem>> -> memref<1x8x128xf32, #tpu.memory_space<vmem>>
    %dma_wait3A_389 = tpu.memref_squeeze %dma_wait3A_388 : memref<1x8x128xf32, #tpu.memory_space<vmem>> -> memref<8x128xf32, #tpu.memory_space<vmem>>
    %dma_wait3A_390 = arith.constant 0 : i32
    %dma_wait3A_391 = tpu.memref_slice %arg5[%dma_wait3A_380, %dma_wait3A_381, %dma_wait3A_382, %dma_wait3A_383, %dma_wait3A_390] : memref<200x8x8x8x128xf32, #tpu.memory_space<hbm>> -> memref<1x1x1x1x128xf32, #tpu.memory_space<hbm>>
    %dma_wait3A_392 = tpu.memref_squeeze %dma_wait3A_391 : memref<1x1x1x1x128xf32, #tpu.memory_space<hbm>> -> memref<128xf32, #tpu.memory_space<hbm>>
    %dma_wait3A_393 = tpu.memref_slice %arg11[%dma_wait3A_385] : memref<2x!tpu.dma_semaphore, #tpu.memory_space<semaphore_mem>> -> memref<1x!tpu.dma_semaphore, #tpu.memory_space<semaphore_mem>>
    %dma_wait3A_394 = tpu.memref_squeeze %dma_wait3A_393 : memref<1x!tpu.dma_semaphore, #tpu.memory_space<semaphore_mem>> -> memref<!tpu.dma_semaphore, #tpu.memory_space<semaphore_mem>>
    %dma_wait3A_395 = arith.constant 16 : i32
    %dma_wait3A_396 = arith.constant 0 : i32
    %dma_wait3A_397 = tpu.memref_slice %arg8[%dma_wait3A_384, %dma_wait3A_395, %dma_wait3A_396] : memref<2x64x128xf32, #tpu.memory_space<vmem>> -> memref<1x8x128xf32, #tpu.memory_space<vmem>>
    %dma_wait3A_398 = tpu.memref_squeeze %dma_wait3A_397 : memref<1x8x128xf32, #tpu.memory_space<vmem>> -> memref<8x128xf32, #tpu.memory_space<vmem>>
    %dma_wait3A_399 = arith.constant 0 : i32
    %dma_wait3A_400 = tpu.memref_slice %arg5[%dma_wait3A_380, %dma_wait3A_381, %dma_wait3A_382, %dma_wait3A_383, %dma_wait3A_399] : memref<200x8x8x8x128xf32, #tpu.memory_space<hbm>> -> memref<1x1x1x1x128xf32, #tpu.memory_space<hbm>>
    %dma_wait3A_401 = tpu.memref_squeeze %dma_wait3A_400 : memref<1x1x1x1x128xf32, #tpu.memory_space<hbm>> -> memref<128xf32, #tpu.memory_space<hbm>>
    tpu.wait_dma2 semaphore(%dma_wait3A_394 : memref<!tpu.dma_semaphore, #tpu.memory_space<semaphore_mem>>) src(%dma_wait3A_401 : memref<128xf32, #tpu.memory_space<hbm>>) dst(%dma_wait3A_398 : memref<8x128xf32, #tpu.memory_space<vmem>>)
    %dma_wait3A_402 = arith.constant 0 : i32
    %dma_wait3A_403 = arith.constant 3 : i32
    %dma_wait3A_404 = arith.constant 0 : i32
    %dma_wait3A_405 = arith.constant 0 : i32
    %dma_wait3A_406 = arith.constant 1 : i32
    %dma_wait3A_407 = arith.constant 1 : i32
    %dma_wait3A_408 = arith.constant 24 : i32
    %dma_wait3A_409 = arith.constant 0 : i32
    %dma_wait3A_410 = tpu.memref_slice %arg8[%dma_wait3A_406, %dma_wait3A_408, %dma_wait3A_409] : memref<2x64x128xf32, #tpu.memory_space<vmem>> -> memref<1x8x128xf32, #tpu.memory_space<vmem>>
    %dma_wait3A_411 = tpu.memref_squeeze %dma_wait3A_410 : memref<1x8x128xf32, #tpu.memory_space<vmem>> -> memref<8x128xf32, #tpu.memory_space<vmem>>
    %dma_wait3A_412 = arith.constant 0 : i32
    %dma_wait3A_413 = tpu.memref_slice %arg5[%dma_wait3A_402, %dma_wait3A_403, %dma_wait3A_404, %dma_wait3A_405, %dma_wait3A_412] : memref<200x8x8x8x128xf32, #tpu.memory_space<hbm>> -> memref<1x1x1x1x128xf32, #tpu.memory_space<hbm>>
    %dma_wait3A_414 = tpu.memref_squeeze %dma_wait3A_413 : memref<1x1x1x1x128xf32, #tpu.memory_space<hbm>> -> memref<128xf32, #tpu.memory_space<hbm>>
    %dma_wait3A_415 = tpu.memref_slice %arg11[%dma_wait3A_407] : memref<2x!tpu.dma_semaphore, #tpu.memory_space<semaphore_mem>> -> memref<1x!tpu.dma_semaphore, #tpu.memory_space<semaphore_mem>>
    %dma_wait3A_416 = tpu.memref_squeeze %dma_wait3A_415 : memref<1x!tpu.dma_semaphore, #tpu.memory_space<semaphore_mem>> -> memref<!tpu.dma_semaphore, #tpu.memory_space<semaphore_mem>>
    %dma_wait3A_417 = arith.constant 24 : i32
    %dma_wait3A_418 = arith.constant 0 : i32
    %dma_wait3A_419 = tpu.memref_slice %arg8[%dma_wait3A_406, %dma_wait3A_417, %dma_wait3A_418] : memref<2x64x128xf32, #tpu.memory_space<vmem>> -> memref<1x8x128xf32, #tpu.memory_space<vmem>>
    %dma_wait3A_420 = tpu.memref_squeeze %dma_wait3A_419 : memref<1x8x128xf32, #tpu.memory_space<vmem>> -> memref<8x128xf32, #tpu.memory_space<vmem>>
    %dma_wait3A_421 = arith.constant 0 : i32
    %dma_wait3A_422 = tpu.memref_slice %arg5[%dma_wait3A_402, %dma_wait3A_403, %dma_wait3A_404, %dma_wait3A_405, %dma_wait3A_421] : memref<200x8x8x8x128xf32, #tpu.memory_space<hbm>> -> memref<1x1x1x1x128xf32, #tpu.memory_space<hbm>>
    %dma_wait3A_423 = tpu.memref_squeeze %dma_wait3A_422 : memref<1x1x1x1x128xf32, #tpu.memory_space<hbm>> -> memref<128xf32, #tpu.memory_space<hbm>>
    tpu.wait_dma2 semaphore(%dma_wait3A_416 : memref<!tpu.dma_semaphore, #tpu.memory_space<semaphore_mem>>) src(%dma_wait3A_423 : memref<128xf32, #tpu.memory_space<hbm>>) dst(%dma_wait3A_420 : memref<8x128xf32, #tpu.memory_space<vmem>>)
    %dma_wait3A_424 = arith.constant 0 : i32
    %dma_wait3A_425 = arith.constant 4 : i32
    %dma_wait3A_426 = arith.constant 0 : i32
    %dma_wait3A_427 = arith.constant 0 : i32
    %dma_wait3A_428 = arith.constant 1 : i32
    %dma_wait3A_429 = arith.constant 1 : i32
    %dma_wait3A_430 = arith.constant 32 : i32
    %dma_wait3A_431 = arith.constant 0 : i32
    %dma_wait3A_432 = tpu.memref_slice %arg8[%dma_wait3A_428, %dma_wait3A_430, %dma_wait3A_431] : memref<2x64x128xf32, #tpu.memory_space<vmem>> -> memref<1x8x128xf32, #tpu.memory_space<vmem>>
    %dma_wait3A_433 = tpu.memref_squeeze %dma_wait3A_432 : memref<1x8x128xf32, #tpu.memory_space<vmem>> -> memref<8x128xf32, #tpu.memory_space<vmem>>
    %dma_wait3A_434 = arith.constant 0 : i32
    %dma_wait3A_435 = tpu.memref_slice %arg5[%dma_wait3A_424, %dma_wait3A_425, %dma_wait3A_426, %dma_wait3A_427, %dma_wait3A_434] : memref<200x8x8x8x128xf32, #tpu.memory_space<hbm>> -> memref<1x1x1x1x128xf32, #tpu.memory_space<hbm>>
    %dma_wait3A_436 = tpu.memref_squeeze %dma_wait3A_435 : memref<1x1x1x1x128xf32, #tpu.memory_space<hbm>> -> memref<128xf32, #tpu.memory_space<hbm>>
    %dma_wait3A_437 = tpu.memref_slice %arg11[%dma_wait3A_429] : memref<2x!tpu.dma_semaphore, #tpu.memory_space<semaphore_mem>> -> memref<1x!tpu.dma_semaphore, #tpu.memory_space<semaphore_mem>>
    %dma_wait3A_438 = tpu.memref_squeeze %dma_wait3A_437 : memref<1x!tpu.dma_semaphore, #tpu.memory_space<semaphore_mem>> -> memref<!tpu.dma_semaphore, #tpu.memory_space<semaphore_mem>>
    %dma_wait3A_439 = arith.constant 32 : i32
    %dma_wait3A_440 = arith.constant 0 : i32
    %dma_wait3A_441 = tpu.memref_slice %arg8[%dma_wait3A_428, %dma_wait3A_439, %dma_wait3A_440] : memref<2x64x128xf32, #tpu.memory_space<vmem>> -> memref<1x8x128xf32, #tpu.memory_space<vmem>>
    %dma_wait3A_442 = tpu.memref_squeeze %dma_wait3A_441 : memref<1x8x128xf32, #tpu.memory_space<vmem>> -> memref<8x128xf32, #tpu.memory_space<vmem>>
    %dma_wait3A_443 = arith.constant 0 : i32
    %dma_wait3A_444 = tpu.memref_slice %arg5[%dma_wait3A_424, %dma_wait3A_425, %dma_wait3A_426, %dma_wait3A_427, %dma_wait3A_443] : memref<200x8x8x8x128xf32, #tpu.memory_space<hbm>> -> memref<1x1x1x1x128xf32, #tpu.memory_space<hbm>>
    %dma_wait3A_445 = tpu.memref_squeeze %dma_wait3A_444 : memref<1x1x1x1x128xf32, #tpu.memory_space<hbm>> -> memref<128xf32, #tpu.memory_space<hbm>>
    tpu.wait_dma2 semaphore(%dma_wait3A_438 : memref<!tpu.dma_semaphore, #tpu.memory_space<semaphore_mem>>) src(%dma_wait3A_445 : memref<128xf32, #tpu.memory_space<hbm>>) dst(%dma_wait3A_442 : memref<8x128xf32, #tpu.memory_space<vmem>>)
    %dma_wait3A_446 = arith.constant 0 : i32
    %dma_wait3A_447 = arith.constant 5 : i32
    %dma_wait3A_448 = arith.constant 0 : i32
    %dma_wait3A_449 = arith.constant 0 : i32
    %dma_wait3A_450 = arith.constant 1 : i32
    %dma_wait3A_451 = arith.constant 1 : i32
    %dma_wait3A_452 = arith.constant 40 : i32
    %dma_wait3A_453 = arith.constant 0 : i32
    %dma_wait3A_454 = tpu.memref_slice %arg8[%dma_wait3A_450, %dma_wait3A_452, %dma_wait3A_453] : memref<2x64x128xf32, #tpu.memory_space<vmem>> -> memref<1x8x128xf32, #tpu.memory_space<vmem>>
    %dma_wait3A_455 = tpu.memref_squeeze %dma_wait3A_454 : memref<1x8x128xf32, #tpu.memory_space<vmem>> -> memref<8x128xf32, #tpu.memory_space<vmem>>
    %dma_wait3A_456 = arith.constant 0 : i32
    %dma_wait3A_457 = tpu.memref_slice %arg5[%dma_wait3A_446, %dma_wait3A_447, %dma_wait3A_448, %dma_wait3A_449, %dma_wait3A_456] : memref<200x8x8x8x128xf32, #tpu.memory_space<hbm>> -> memref<1x1x1x1x128xf32, #tpu.memory_space<hbm>>
    %dma_wait3A_458 = tpu.memref_squeeze %dma_wait3A_457 : memref<1x1x1x1x128xf32, #tpu.memory_space<hbm>> -> memref<128xf32, #tpu.memory_space<hbm>>
    %dma_wait3A_459 = tpu.memref_slice %arg11[%dma_wait3A_451] : memref<2x!tpu.dma_semaphore, #tpu.memory_space<semaphore_mem>> -> memref<1x!tpu.dma_semaphore, #tpu.memory_space<semaphore_mem>>
    %dma_wait3A_460 = tpu.memref_squeeze %dma_wait3A_459 : memref<1x!tpu.dma_semaphore, #tpu.memory_space<semaphore_mem>> -> memref<!tpu.dma_semaphore, #tpu.memory_space<semaphore_mem>>
    %dma_wait3A_461 = arith.constant 40 : i32
    %dma_wait3A_462 = arith.constant 0 : i32
    %dma_wait3A_463 = tpu.memref_slice %arg8[%dma_wait3A_450, %dma_wait3A_461, %dma_wait3A_462] : memref<2x64x128xf32, #tpu.memory_space<vmem>> -> memref<1x8x128xf32, #tpu.memory_space<vmem>>
    %dma_wait3A_464 = tpu.memref_squeeze %dma_wait3A_463 : memref<1x8x128xf32, #tpu.memory_space<vmem>> -> memref<8x128xf32, #tpu.memory_space<vmem>>
    %dma_wait3A_465 = arith.constant 0 : i32
    %dma_wait3A_466 = tpu.memref_slice %arg5[%dma_wait3A_446, %dma_wait3A_447, %dma_wait3A_448, %dma_wait3A_449, %dma_wait3A_465] : memref<200x8x8x8x128xf32, #tpu.memory_space<hbm>> -> memref<1x1x1x1x128xf32, #tpu.memory_space<hbm>>
    %dma_wait3A_467 = tpu.memref_squeeze %dma_wait3A_466 : memref<1x1x1x1x128xf32, #tpu.memory_space<hbm>> -> memref<128xf32, #tpu.memory_space<hbm>>
    tpu.wait_dma2 semaphore(%dma_wait3A_460 : memref<!tpu.dma_semaphore, #tpu.memory_space<semaphore_mem>>) src(%dma_wait3A_467 : memref<128xf32, #tpu.memory_space<hbm>>) dst(%dma_wait3A_464 : memref<8x128xf32, #tpu.memory_space<vmem>>)
    %dma_wait3A_468 = arith.constant 0 : i32
    %dma_wait3A_469 = arith.constant 6 : i32
    %dma_wait3A_470 = arith.constant 0 : i32
    %dma_wait3A_471 = arith.constant 0 : i32
    %dma_wait3A_472 = arith.constant 1 : i32
    %dma_wait3A_473 = arith.constant 1 : i32
    %dma_wait3A_474 = arith.constant 48 : i32
    %dma_wait3A_475 = arith.constant 0 : i32
    %dma_wait3A_476 = tpu.memref_slice %arg8[%dma_wait3A_472, %dma_wait3A_474, %dma_wait3A_475] : memref<2x64x128xf32, #tpu.memory_space<vmem>> -> memref<1x8x128xf32, #tpu.memory_space<vmem>>
    %dma_wait3A_477 = tpu.memref_squeeze %dma_wait3A_476 : memref<1x8x128xf32, #tpu.memory_space<vmem>> -> memref<8x128xf32, #tpu.memory_space<vmem>>
    %dma_wait3A_478 = arith.constant 0 : i32
    %dma_wait3A_479 = tpu.memref_slice %arg5[%dma_wait3A_468, %dma_wait3A_469, %dma_wait3A_470, %dma_wait3A_471, %dma_wait3A_478] : memref<200x8x8x8x128xf32, #tpu.memory_space<hbm>> -> memref<1x1x1x1x128xf32, #tpu.memory_space<hbm>>
    %dma_wait3A_480 = tpu.memref_squeeze %dma_wait3A_479 : memref<1x1x1x1x128xf32, #tpu.memory_space<hbm>> -> memref<128xf32, #tpu.memory_space<hbm>>
    %dma_wait3A_481 = tpu.memref_slice %arg11[%dma_wait3A_473] : memref<2x!tpu.dma_semaphore, #tpu.memory_space<semaphore_mem>> -> memref<1x!tpu.dma_semaphore, #tpu.memory_space<semaphore_mem>>
    %dma_wait3A_482 = tpu.memref_squeeze %dma_wait3A_481 : memref<1x!tpu.dma_semaphore, #tpu.memory_space<semaphore_mem>> -> memref<!tpu.dma_semaphore, #tpu.memory_space<semaphore_mem>>
    %dma_wait3A_483 = arith.constant 48 : i32
    %dma_wait3A_484 = arith.constant 0 : i32
    %dma_wait3A_485 = tpu.memref_slice %arg8[%dma_wait3A_472, %dma_wait3A_483, %dma_wait3A_484] : memref<2x64x128xf32, #tpu.memory_space<vmem>> -> memref<1x8x128xf32, #tpu.memory_space<vmem>>
    %dma_wait3A_486 = tpu.memref_squeeze %dma_wait3A_485 : memref<1x8x128xf32, #tpu.memory_space<vmem>> -> memref<8x128xf32, #tpu.memory_space<vmem>>
    %dma_wait3A_487 = arith.constant 0 : i32
    %dma_wait3A_488 = tpu.memref_slice %arg5[%dma_wait3A_468, %dma_wait3A_469, %dma_wait3A_470, %dma_wait3A_471, %dma_wait3A_487] : memref<200x8x8x8x128xf32, #tpu.memory_space<hbm>> -> memref<1x1x1x1x128xf32, #tpu.memory_space<hbm>>
    %dma_wait3A_489 = tpu.memref_squeeze %dma_wait3A_488 : memref<1x1x1x1x128xf32, #tpu.memory_space<hbm>> -> memref<128xf32, #tpu.memory_space<hbm>>
    tpu.wait_dma2 semaphore(%dma_wait3A_482 : memref<!tpu.dma_semaphore, #tpu.memory_space<semaphore_mem>>) src(%dma_wait3A_489 : memref<128xf32, #tpu.memory_space<hbm>>) dst(%dma_wait3A_486 : memref<8x128xf32, #tpu.memory_space<vmem>>)
    %dma_wait3A_490 = arith.constant 0 : i32
    %dma_wait3A_491 = arith.constant 7 : i32
    %dma_wait3A_492 = arith.constant 0 : i32
    %dma_wait3A_493 = arith.constant 0 : i32
    %dma_wait3A_494 = arith.constant 1 : i32
    %dma_wait3A_495 = arith.constant 1 : i32
    %dma_wait3A_496 = arith.constant 56 : i32
    %dma_wait3A_497 = arith.constant 0 : i32
    %dma_wait3A_498 = tpu.memref_slice %arg8[%dma_wait3A_494, %dma_wait3A_496, %dma_wait3A_497] : memref<2x64x128xf32, #tpu.memory_space<vmem>> -> memref<1x8x128xf32, #tpu.memory_space<vmem>>
    %dma_wait3A_499 = tpu.memref_squeeze %dma_wait3A_498 : memref<1x8x128xf32, #tpu.memory_space<vmem>> -> memref<8x128xf32, #tpu.memory_space<vmem>>
    %dma_wait3A_500 = arith.constant 0 : i32
    %dma_wait3A_501 = tpu.memref_slice %arg5[%dma_wait3A_490, %dma_wait3A_491, %dma_wait3A_492, %dma_wait3A_493, %dma_wait3A_500] : memref<200x8x8x8x128xf32, #tpu.memory_space<hbm>> -> memref<1x1x1x1x128xf32, #tpu.memory_space<hbm>>
    %dma_wait3A_502 = tpu.memref_squeeze %dma_wait3A_501 : memref<1x1x1x1x128xf32, #tpu.memory_space<hbm>> -> memref<128xf32, #tpu.memory_space<hbm>>
    %dma_wait3A_503 = tpu.memref_slice %arg11[%dma_wait3A_495] : memref<2x!tpu.dma_semaphore, #tpu.memory_space<semaphore_mem>> -> memref<1x!tpu.dma_semaphore, #tpu.memory_space<semaphore_mem>>
    %dma_wait3A_504 = tpu.memref_squeeze %dma_wait3A_503 : memref<1x!tpu.dma_semaphore, #tpu.memory_space<semaphore_mem>> -> memref<!tpu.dma_semaphore, #tpu.memory_space<semaphore_mem>>
    %dma_wait3A_505 = arith.constant 56 : i32
    %dma_wait3A_506 = arith.constant 0 : i32
    %dma_wait3A_507 = tpu.memref_slice %arg8[%dma_wait3A_494, %dma_wait3A_505, %dma_wait3A_506] : memref<2x64x128xf32, #tpu.memory_space<vmem>> -> memref<1x8x128xf32, #tpu.memory_space<vmem>>
    %dma_wait3A_508 = tpu.memref_squeeze %dma_wait3A_507 : memref<1x8x128xf32, #tpu.memory_space<vmem>> -> memref<8x128xf32, #tpu.memory_space<vmem>>
    %dma_wait3A_509 = arith.constant 0 : i32
    %dma_wait3A_510 = tpu.memref_slice %arg5[%dma_wait3A_490, %dma_wait3A_491, %dma_wait3A_492, %dma_wait3A_493, %dma_wait3A_509] : memref<200x8x8x8x128xf32, #tpu.memory_space<hbm>> -> memref<1x1x1x1x128xf32, #tpu.memory_space<hbm>>
    %dma_wait3A_511 = tpu.memref_squeeze %dma_wait3A_510 : memref<1x1x1x1x128xf32, #tpu.memory_space<hbm>> -> memref<128xf32, #tpu.memory_space<hbm>>
    tpu.wait_dma2 semaphore(%dma_wait3A_504 : memref<!tpu.dma_semaphore, #tpu.memory_space<semaphore_mem>>) src(%dma_wait3A_511 : memref<128xf32, #tpu.memory_space<hbm>>) dst(%dma_wait3A_508 : memref<8x128xf32, #tpu.memory_space<vmem>>)
    return
  }
}

</mosaic_0001>

<sc_bundles>
// kernel: kernel.3.cloned.1.call-start
scs
__scs_entry_jumppad:
0x0: {  	(pc) =	sbr.rel $0x88, $3  }
0x1: {  	(tag) =	ssettag $0x0;
	lr =	simm.s32 $0x1  }
0x2: {  	[smem:$0x3F9F] =	sst lr;
	_ =	strace $0xD0000000  }
0x3: {  	_ = 	snop  }
0x4: {  	_ = 	snop  }
0x5: {  	_ = 	snop  }
0x6: {  	_ = 	snop  }
0x7: {  	_ = 	snop  }
__scs_overlays_trampoline_lowered:
0x8: {  	[smem:$0x3FAE] =	sst s0  }
0x9: {  	[smem:$0x3FAF] =	sst s1  }
0xa: {  	[smem:$0x3FB0] =	sst s2  }
0xb: {  	[smem:$0x3FB1] =	sst s3  }
0xc: {  	[smem:$0x3FB2] =	sst s4  }
0xd: {  	[smem:$0x3FB3] =	sst s5  }
0xe: {  	[smem:$0x3FB4] =	sst s6  }
0xf: {  	[smem:$0x3FB5] =	sst s7  }
0x10: {  	[smem:$0x3FB6] =	sst s8  }
0x11: {  	[smem:$0x3FB7] =	sst s9;
	s0 =	simm.s32 @!p0 $0x0  }
0x12: {  	s1 =	sld [smem:$0x3F9D];
	s0 =	simm.s32 @p0 $0x1  }
0x13: {  	[smem:$0x3FB8] =	sst s0;
	s0 =	simm.s32 @!p1 $0x0  }
0x14: {  	s2 =	sld [smem:$0x3F9C];
	s0 =	simm.s32 @p1 $0x1  }
0x15: {  	[smem:$0x3FB9] =	sst s0;
	s0 =	simm.s32 @!p2 $0x0  }
0x16: {  	s3 =	sld [smem:$0x3FDB];
	s0 =	simm.s32 @p2 $0x1  }
0x17: {  	s4 =	simm.s32 $0x1BF5;
	[smem:$0x3FBB] =	sst s0  }
0x18: {  	s0 =	sld [smem:$0x3F9E];
	_ =	swait.ge [sflag:s4], $0x0  }
0x19: {  	s7 =	sld [smem:$0x3F9F]  }
0x1a: {  	s8 =	sadd.s32 $0xFFFFE003, lr  }
0x1b: {  	s9 =	sadd.s32 $0xFFFFFEF7, lr;
	s5 =	simm.s32 $0xFFFFFFFF;
	p2 =	slt.u32 s8, $0xFFFFF086  }
0x1c: {  	p1 =	slt.u32 s9, $0xF7A;
	s5 =	simm.s32 @!p2 $0x0  }
0x1d: {  	s5 =	simm.s32 @p1 $0x1;
	p0 =	seq.s32 s7, s2  }
0x1e: {  	s7 =	smul.u32 @!p0 $0xF7A, s2;
	p2 =	seq.s32 @!p0 s5, $0x0  }
0x1f: {  	s9 =	smul.u32 $0xF7A, s1;
	s8 =	simm.s32 @!p0 $0x1BF5;
	p2 =	por !p2, p0  }
0x20: {  	[sflag:s8] =	ssyncset.s32 @!p0 $0xFFFFF086;
	s6 =	sadd.s32 @!p0 s3, s7;
	s7 =	simm.s32 @!p0 $0x108  }
0x21: {  	s3 =	sadd.s32 s3, s9;
	s6 =	sadd.s32 @!p0 $0x88, s6;
	s7 =	simm.s32 @p2 $0x1082  }
0x22: {  	[simem:s7], [sflag:s8] =	dma.local @!p0 [hbm:s6], $0xF7A  }
0x23: {  	s9 =	sor.u32 $0xD0000000, s2;
	s6 =	simm.s32 $0x108;
	_ =	swait.ge @!p0 [sflag:s8], $0x0  }
0x24: {  	s3 =	sadd.s32 $0x88, s3;
	s6 =	simm.s32 @!p1 $0x1082;
	[sflag:s4] =	ssyncset.s32 $0xFFFFF086  }
0x25: {  	[simem:s6], [sflag:s4] =	dma.local [hbm:s3], $0xF7A  }
0x26: {  	[smem:$0x3F9F] =	sst s1;
	(tag) =	ssettag s2;
	_ =	strace s9  }
0x27: {  	s1 =	sld [smem:$0x3FAF]  }
0x28: {  	s2 =	sld [smem:$0x3FB0]  }
0x29: {  	s4 =	sld [smem:$0x3FB2]  }
0x2a: {  	p0 =	seq.s32 s5, $0x0;
	s5 =	sld [smem:$0x3FB3]  }
0x2b: {  	s6 =	sld [smem:$0x3FB4]  }
0x2c: {  	s7 =	sld [smem:$0x3FB5]  }
0x2d: {  	s3 =	simm.s32 $0x108;
	s8 =	sld [smem:$0x3FB6]  }
0x2e: {  	s3 =	simm.s32 @!p0 $0x1082;
	s9 =	sld [smem:$0x3FB7]  }
0x2f: {  	lr =	sadd.s32 s0, s3;
	s0 =	sld [smem:$0x3FAE]  }
0x30: {  	s3 =	sld [smem:$0x3FB1]  }
0x31: {  	[smem:$0x3FBA] =	sst s10  }
0x32: {  	s10 =	sld [smem:$0x3FB8];
	_ =	sdelay $0x3  }
0x33: {  	p0 =	seq.s32 s10, $0x1;
	s10 =	sld [smem:$0x3FBA];
	_ =	sdelay $0x3  }
0x34: {  	[smem:$0x3FBA] =	sst s10  }
0x35: {  	s10 =	sld [smem:$0x3FB9];
	_ =	sdelay $0x3  }
0x36: {  	p1 =	seq.s32 s10, $0x1;
	s10 =	sld [smem:$0x3FBA];
	_ =	sdelay $0x3  }
0x37: {  	[smem:$0x3FBA] =	sst s10  }
0x38: {  	s10 =	sld [smem:$0x3FBB]  }
0x39: {  	_ = 	snop;
	(pc) =	sbr.ind lr, $3  }
0x3a: {  	_ = 	snop  }
0x3b: {  	_ = 	snop  }
0x3c: {  	p2 =	seq.s32 s10, $0x1;
	s10 =	sld [smem:$0x3FBA]  }
0x3d: {  	_ =	shalt  }
0x3e: {  	_ =	shalt  }
0x3f: {  	_ =	shalt  }
0x40: {  	_ =	shalt  }
0x41: {  	_ =	shalt  }
0x42: {  	_ =	shalt  }
0x43: {  	_ =	shalt  }
0x44: {  	_ =	shalt  }
0x45: {  	_ =	shalt  }
0x46: {  	_ =	shalt  }
0x47: {  	_ =	shalt  }
0x48: {  	_ =	shalt  }
0x49: {  	_ =	shalt  }
0x4a: {  	_ =	shalt  }
0x4b: {  	_ =	shalt  }
0x4c: {  	_ =	shalt  }
0x4d: {  	_ =	shalt  }
0x4e: {  	_ =	shalt  }
0x4f: {  	_ =	shalt  }
0x50: {  	_ =	shalt  }
0x51: {  	_ =	shalt  }
0x52: {  	_ =	shalt  }
0x53: {  	_ =	shalt  }
0x54: {  	_ =	shalt  }
0x55: {  	_ =	shalt  }
0x56: {  	_ =	shalt  }
0x57: {  	_ =	shalt  }
0x58: {  	_ =	shalt  }
0x59: {  	_ =	shalt  }
0x5a: {  	_ =	shalt  }
0x5b: {  	_ =	shalt  }
0x5c: {  	_ =	shalt  }
0x5d: {  	_ =	shalt  }
0x5e: {  	_ =	shalt  }
0x5f: {  	_ =	shalt  }
0x60: {  	_ =	shalt  }
0x61: {  	_ =	shalt  }
0x62: {  	_ =	shalt  }
0x63: {  	_ =	shalt  }
0x64: {  	_ =	shalt  }
0x65: {  	_ =	shalt  }
0x66: {  	_ =	shalt  }
0x67: {  	_ =	shalt  }
0x68: {  	_ =	shalt  }
0x69: {  	_ =	shalt  }
0x6a: {  	_ =	shalt  }
0x6b: {  	_ =	shalt  }
0x6c: {  	_ =	shalt  }
0x6d: {  	_ =	shalt  }
0x6e: {  	_ =	shalt  }
0x6f: {  	_ =	shalt  }
0x70: {  	_ =	shalt  }
0x71: {  	_ =	shalt  }
0x72: {  	_ =	shalt  }
0x73: {  	_ =	shalt  }
0x74: {  	_ =	shalt  }
0x75: {  	_ =	shalt  }
0x76: {  	_ =	shalt  }
0x77: {  	_ =	shalt  }
0x78: {  	_ =	shalt  }
0x79: {  	_ =	shalt  }
0x7a: {  	_ =	shalt  }
0x7b: {  	_ =	shalt  }
0x7c: {  	_ =	shalt  }
0x7d: {  	_ =	shalt  }
0x7e: {  	_ =	shalt  }
0x7f: {  	_ =	shalt  }
0x80: {  	_ =	shalt  }
0x81: {  	_ =	shalt  }
0x82: {  	_ =	shalt  }
0x83: {  	_ =	shalt  }
0x84: {  	_ =	shalt  }
0x85: {  	_ =	shalt  }
0x86: {  	_ =	shalt  }
0x87: {  	_ =	shalt  }
.Lfunc_end0:
.L_simem_size_0:
called_computation_lowered:
.L_overlay_start_0:
0x88: {  	s2 =	sld [smem:$0x3FD9]  }
0x89: {  	s3 =	sld [smem:$0x3FFE];
	_ =	sdelay $0x1  }
0x8a: {  	s1 =	srdreg.scid  }
0x8b: {  	s0 =	sand.u32 $0x1, s1  }
0x8c: {  	s17 =	sshll.u32 s0, $0xA;
	s2 =	sadd.s32 s3, s2  }
0x8d: {  	s2 =	sadd.s32 s2, s17  }
0x8e: {  	[smem:$0x3FC6] =	sst s2  }
0x8f: {  	_ = 	snop  }
0x90: {  	s2 =	sld [smem:$0x3FD0];
	(tm) =	ssettm $0x1  }
0x91: {  	s18 =	sld [smem:$0x3FFB];
	_ =	sdelay $0x3  }
0x92: {  	_ =	strace s18  }
0x93: {  	s3 =	sld [smem:$0x3FFC];
	_ =	sdelay $0x3  }
0x94: {  	_ =	strace s3  }
0x95: {  	s3 =	sld [smem:$0x3FFD];
	_ =	sdelay $0x3  }
0x96: {  	_ =	strace s3  }
0x97: {  	_ =	strace $0x8FFFFFFF  }
0x98: {  	s19 =	sld [smem:$0x3FDB];
	_ =	sdelay $0x1  }
0x99: {  	s4 =	simm.s32 $_scs_section_size  }
0x9a: {  	s5 =	simm.s32 $_size__tile_overlayer_lowered;
	s6 =	simm.s32 $_tile_overlayer_lowered  }
0x9b: {  	s22 =	simm.s32 $0x1BFF;
	s21 =	sshll.u32 s6, $0x1;
	s3 =	sadd.s32 s4, s19  }
0x9c: {  	s7 =	simm.s32 $0x0;
	s20 =	sshll.u32 s5, $0x1;
	s5 =	sadd.s32 s21, s3  }
0x9d: {  	[timem:s7], [sflag:s22] =	dma.local [hbm:s5], s20  }
0x9e: {  	_ =	swait.ge [sflag:s22], s20  }
0x9f: {  	s4 =	ssub.s32 $0x0, s20;
	[sflag:s22] =	ssyncset.done $0x0  }
0xa0: {  	[sflag:s22] =	ssyncadd.s32 s4;
	_ =	sdelay $0x1  }
0xa1: {  	s23 =	simm.s32 $0x1B8B  }
0xa2: {  	_ =	swait.ge [sflag:s23], $0x1  }
0xa3: {  	[sflag:s23] =	ssyncset.done $0x0  }
0xa4: {  	s25 =	simm.s32 $0x1B8E;
	s24 =	sld [smem:$0x3FFE];
	[sflag:s23] =	ssyncadd.s32 $0xFFFFFFFF  }
0xa5: {  	s26 =	simm.s32 $execute0_lowered;
	[smem:$0x3FD2] =	sst s25  }
0xa6: {  	s5 =	sshll.u32 s26, $0x1;
	_ =	strace $0x80000046;
	[dreg:$0x1] =	wrdreg $0xFFFFFFFF  }
0xa7: {  	s28 =	simm.s32 $_size_execute0_lowered;
	s3 =	sadd.s32 s3, s5;
	[dreg:$0x0] =	wrdreg $0x0  }
0xa8: {  	s5 =	sshll.u32 s28, $0x1;
	[dreg:$0x2] =	wrdreg s3  }
0xa9: {  	[dreg:$0x3] =	wrdreg s5  }
0xaa: {  	[dreg:$0x4] =	wrdreg $0xC0  }
0xab: {  	_ =	task [dreg:s7], $0x5FFFF  }
0xac: {  	[dreg:$0x1] =	wrdreg $0xFFFFFFFF  }
0xad: {  	[dreg:$0x0] =	wrdreg $0x60  }
0xae: {  	[dreg:$0x2] =	wrdreg s24  }
0xaf: {  	[dreg:$0x3] =	wrdreg s2  }
0xb0: {  	[dreg:$0x4] =	wrdreg $0x9  }
0xb1: {  	_ =	task.clear_ibuf [dreg:s7], $0x5FFFF;
	_ =	strace $0x90000046  }
0xb2: {  	s29 =	simm.s32 $0x9;
	_ =	strace $0x80000048  }
0xb3: {  	_ =	swait.ge [sflag:s29], $0x1  }
0xb4: {  	[sflag:s29] =	ssyncadd.s32 $0xFFFFFFFF  }
0xb5: {  	_ =	strace $0x90000048  }
0xb6: {  	_ =	sfence  }
0xb7: {  	s30 =	sld [smem:$0x0];
	_ =	sdelay $0x2  }
0xb8: {  	s31 =	sshll.u32 s1, $0xD;
	s1 =	sshrl.u32 s1, $0x2  }
0xb9: {  	s3 =	sand.u32 $0x4000, s31;
	s1 =	sadd.s32 s1, s30  }
0xba: {  	s0 =	sor.u32 s3, s0;
	s1 =	sshll.u32 s1, $0x11  }
0xbb: {  	s0 =	sor.u32 s1, s0  }
0xbc: {  	s0 =	sadd.s32 $0x8F2B, s0  }
0xbd: {  	[sflag:s0] =	ssyncadd.remote.s32 $0x1  }
0xbe: {  	_ =	sfence.sel $0xFFFF  }
0xbf: {  	[dreg:$0x0] =	wrdreg $0xFFFFFFFF;
	(pc) =	sbr.abs _section_cstart, $3  }
0xc0: {  	[dreg:$0x1] =	wrdreg $0xFFFFFFFF  }
0xc1: {  	_ =	task.clear_ibuf [dreg:s7], $0x2FFFF;
	_ =	strace $0x9FFFFFFF  }
0xc2: {  	(tm) =	ssettm $0x7FFFFFFF  }
0xc3: {  	_ =	shalt  }
tec
execute0_lowered:
.L_overlay_start_1:
0x0: {  	(tag) =	ssettag $0x1  }
0x1: {  	v0 =	vimm.s32 $0x787;
	vm14 =	vcmask $0x300  }
0x2: {  	vm13 =	vcmask $0x704;
	vm12 =	vcmask $0xB08;
	vm11 =	vcmask $0xF0C  }
0x3: {  	vm10 =	vcmask $0x1310;
	vm9 =	vcmask $0x1714;
	vm8 =	vcmask $0x1B18  }
0x4: {  	vm7 =	vcmask $0x1F1C;
	vm6 =	vcmask $0x2320;
	v2 =	vimm.s32 $0xF87  }
0x5: {  	vm5 =	vcmask $0x2724;
	vm3 =	vcmask $0x2B28;
	vm4 =	vcmask $0x2F2C  }
0x6: {  	vm2 =	vcmask $0x3330;
	v3 =	vimm.s32 $0x1787;
	vm1 =	vcmask $0x3734  }
0x7: {  	vm0 =	vcmask $0x3B38;
	v5 =	vimm.s32 $0x1F87;
	v7 =	vimm.s32 $0x780  }
0x8: {  	v9 =	vimm.s32 $0xFEDCBA9;
	v10 =	vimm.s32 $0x87654321;
	v12 =	vimm.s32 $0x1780  }
0x9: {  	v13 =	vimm.s32 $0x781;
	v14 =	vimm.s32 $0x10FEDCBA;
	v15 =	vimm.s32 $0x98765432  }
0xa: {  	v16 =	vimm.s32 $0xF81;
	v17 =	vimm.s32 $0x1F81;
	v18 =	vimm.s32 $0x782  }
0xb: {  	v19 =	vimm.s32 $0x210FEDCB;
	v20 =	vimm.s32 $0xA9876543;
	v26 =	vimm.s32 $0xBA987654  }
0xc: {  	v30 =	vimm.s32 $0x1783;
	v33 =	vimm.s32 $0xCBA98765;
	v45 =	vimm.s32 $0xF84  }
0xd: {  	v48 =	vimm.s32 $0x1784;
	v49 =	vimm.s32 $0x1F84;
	v56 =	vimm.s32 $0x785  }
0xe: {  	v57 =	vimm.s32 $0x543210FE;
	v40 =	vimm.s32 $0xDCBA9876;
	v41 =	vimm.s32 $0xF85  }
0xf: {  	v0 =	vsel vm14, $0x0, v0;
	v2 =	vsel vm14, $0x800, v2;
	v3 =	vsel vm14, $0x1000, v3  }
0x10: {  	v5 =	vsel vm14, $0x1800, v5;
	v7 =	vsel vm14, $0x1, v7;
	v9 =	vunpack.c.l.s4.s8 v9  }
0x11: {  	v10 =	vunpack.c.l.s4.s8 v10;
	v13 =	vsel vm14, $0x2, v13;
	v14 =	vunpack.c.l.s4.s8 v14  }
0x12: {  	v15 =	vunpack.c.l.s4.s8 v15;
	v17 =	vsel vm14, $0x1802, v17;
	v18 =	vsel vm14, $0x3, v18  }
0x13: {  	v19 =	vunpack.c.l.s4.s8 v19;
	v20 =	vunpack.c.l.s4.s8 v20;
	v26 =	vunpack.c.l.s4.s8 v26  }
0x14: {  	v33 =	vunpack.c.l.s4.s8 v33;
	v40 =	vunpack.c.l.s4.s8 v40;
	v41 =	vsel vm14, $0x806, v41  }
0x15: {  	v0 =	vsel vm13, $0x81, v0;
	v2 =	vsel vm13, $0x881, v2;
	v3 =	vsel vm13, $0x1081, v3  }
0x16: {  	v5 =	vsel vm13, $0x1881, v5;
	v7 =	vsel vm13, $0x82, v7;
	v13 =	vsel vm13, $0x83, v13  }
0x17: {  	v17 =	vsel vm13, $0x1883, v17;
	v18 =	vsel vm13, $0x84, v18;
	v41 =	vsel vm13, $0x887, v41  }
0x18: {  	v0 =	vsel vm12, $0x102, v0;
	v2 =	vsel vm12, $0x902, v2;
	v3 =	vsel vm12, $0x1102, v3  }
0x19: {  	v5 =	vsel vm12, $0x1902, v5;
	v7 =	vsel vm12, $0x103, v7;
	v51 =	vunpack.c.0.s8.s32 v9  }
0x1a: {  	v52 =	vunpack.c.0.s8.s32 v10;
	v9 =	vimm.s32 $0xF80;
	v13 =	vsel vm12, $0x104, v13  }
0x1b: {  	v53 =	vunpack.c.0.s8.s32 v14;
	v54 =	vunpack.c.0.s8.s32 v15;
	v17 =	vsel vm12, $0x1904, v17  }
0x1c: {  	v18 =	vsel vm12, $0x105, v18;
	v21 =	vunpack.c.0.s8.s32 v19;
	v41 =	vsel vm12, $0x900, v41  }
0x1d: {  	v0 =	vsel vm11, $0x183, v0;
	v2 =	vsel vm11, $0x983, v2;
	v3 =	vsel vm11, $0x1183, v3  }
0x1e: {  	v5 =	vsel vm11, $0x1983, v5;
	v7 =	vsel vm11, $0x184, v7;
	v9 =	vsel vm14, $0x801, v9  }
0x1f: {  	v13 =	vsel vm11, $0x185, v13;
	v17 =	vsel vm11, $0x1985, v17;
	v18 =	vsel vm11, $0x186, v18  }
0x20: {  	v41 =	vsel vm11, $0x981, v41;
	v0 =	vsel vm10, $0x204, v0;
	v2 =	vsel vm10, $0xA04, v2  }
0x21: {  	v3 =	vsel vm10, $0x1204, v3;
	v5 =	vsel vm10, $0x1A04, v5;
	v7 =	vsel vm10, $0x205, v7  }
0x22: {  	v10 =	vcombine.low v52, v51;
	v9 =	vsel vm13, $0x882, v9;
	v13 =	vsel vm10, $0x206, v13  }
0x23: {  	v14 =	vcombine.low v54, v53;
	v17 =	vsel vm10, $0x1A06, v17;
	v19 =	vsel vm10, $0x207, v18  }
0x24: {  	v41 =	vsel vm10, $0xA02, v41;
	v1 =	vsel vm9, $0x285, v0;
	v0 =	vlaneseq.u32  }
0x25: {  	v2 =	vsel vm9, $0xA85, v2;
	v3 =	vsel vm9, $0x1285, v3;
	v5 =	vsel vm9, $0x1A85, v5  }
0x26: {  	v7 =	vsel vm9, $0x286, v7;
	v9 =	vsel vm12, $0x903, v9;
	v13 =	vsel vm9, $0x287, v13  }
0x27: {  	v17 =	vsel vm9, $0x1A87, v17;
	v19 =	vsel vm9, $0x280, v19;
	v62 =	vsel vm9, $0xA83, v41  }
0x28: {  	v41 =	vimm.s32 $0x786;
	v1 =	vsel vm8, $0x306, v1;
	v2 =	vsel vm8, $0xB06, v2  }
0x29: {  	v3 =	vsel vm8, $0x1306, v3;
	v5 =	vsel vm8, $0x1B06, v5;
	v7 =	vsel vm8, $0x307, v7  }
0x2a: {  	v9 =	vsel vm11, $0x984, v9;
	v13 =	vsel vm8, $0x300, v13;
	v17 =	vsel vm8, $0x1B00, v17  }
0x2b: {  	v18 =	vmovc v21;
	v21 =	vunpack.c.0.s8.s32 v20;
	v20 =	vimm.s32 $0xF82;
	v19 =	vsel vm8, $0x301, v19  }
0x2c: {  	v63 =	vsel vm8, $0xB04, v62;
	v62 =	vimm.s32 $0x1F86;
	v1 =	vsel vm7, $0x387, v1  }
0x2d: {  	v2 =	vsel vm7, $0xB87, v2;
	v3 =	vsel vm7, $0x1387, v3;
	v8 =	vsel vm7, $0x1B87, v5  }
0x2e: {  	v7 =	vsel vm7, $0x380, v7;
	v13 =	vsel vm7, $0x381, v13;
	v17 =	vsel vm7, $0x1B81, v17  }
0x2f: {  	v20 =	vsel vm14, $0x803, v20;
	v22 =	vsel vm7, $0x382, v19;
	v1 =	vsel vm6, $0x400, v1  }
0x30: {  	v4 =	vsel vm6, $0xC00, v2;
	v2 =	vor.u32 $0x10, v0;
	v6 =	vsel vm6, $0x1400, v3  }
0x31: {  	v8 =	vsel vm6, $0x1C00, v8;
	v7 =	vsel vm6, $0x401, v7;
	v15 =	vsel vm6, $0x402, v13  }
0x32: {  	v13 =	vand.u32 $0xF, v14;
	v17 =	vsel vm6, $0x1C02, v17;
	[tilespmem:$0x1FF80] =	vst v21;
	v21 =	vcombine.low v21, v18  }
0x33: {  	v20 =	vsel vm13, $0x884, v20;
	v1 =	vsel vm5, $0x481, v1;
	v4 =	vsel vm5, $0xC81, v4  }
0x34: {  	v6 =	vsel vm5, $0x1481, v6;
	v8 =	vsel vm5, $0x1C81, v8;
	v7 =	vsel vm5, $0x482, v7  }
0x35: {  	v14 =	vsel vm5, $0x483, v15;
	v15 =	vsel vm14, $0x802, v16;
	v16 =	vimm.s32 $0x1781  }
0x36: {  	v17 =	vsel vm5, $0x1C83, v17;
	v1 =	vsel vm3, $0x502, v1;
	v4 =	vsel vm3, $0xD02, v4  }
0x37: {  	v6 =	vsel vm3, $0x1502, v6;
	v8 =	vsel vm3, $0x1D02, v8;
	v11 =	vsel vm3, $0x503, v7  }
0x38: {  	v14 =	vsel vm3, $0x504, v14;
	v15 =	vsel vm13, $0x883, v15;
	v16 =	vsel vm14, $0x1002, v16  }
0x39: {  	v17 =	vsel vm3, $0x1D04, v17;
	v1 =	vsel vm4, $0x583, v1;
	v4 =	vsel vm4, $0xD83, v4  }
0x3a: {  	v6 =	vsel vm4, $0x1583, v6;
	v8 =	vsel vm4, $0x1D83, v8;
	v11 =	vsel vm4, $0x584, v11  }
0x3b: {  	v14 =	vsel vm4, $0x585, v14;
	v15 =	vsel vm12, $0x904, v15;
	v16 =	vsel vm13, $0x1083, v16  }
0x3c: {  	v17 =	vsel vm4, $0x1D85, v17;
	v1 =	vsel vm2, $0x604, v1;
	v4 =	vsel vm2, $0xE04, v4  }
0x3d: {  	v6 =	vsel vm2, $0x1604, v6;
	v8 =	vsel vm2, $0x1E04, v8;
	v14 =	vsel vm2, $0x606, v14  }
0x3e: {  	v15 =	vsel vm11, $0x985, v15;
	v16 =	vsel vm12, $0x1104, v16;
	v17 =	vsel vm2, $0x1E06, v17  }
0x3f: {  	v1 =	vsel vm1, $0x685, v1;
	v4 =	vsel vm1, $0xE85, v4;
	v6 =	vsel vm1, $0x1685, v6  }
0x40: {  	v8 =	vsel vm1, $0x1E85, v8;
	v14 =	vsel vm1, $0x687, v14;
	v15 =	vsel vm10, $0xA06, v15  }
0x41: {  	v16 =	vsel vm11, $0x1185, v16;
	v17 =	vsel vm1, $0x1E87, v17;
	v50 =	vsel vm0, $0x706, v1  }
0x42: {  	v1 =	vsel vm0, $0xF06, v4;
	v4 =	vor.u32 $0x20, v0;
	v55 =	vsel vm0, $0x1706, v6  }
0x43: {  	v6 =	vor.u32 $0x30, v0;
	v14 =	vsel vm0, $0x700, v14;
	v15 =	vsel vm9, $0xA87, v15  }
0x44: {  	v16 =	vsel vm10, $0x1206, v16;
	v19 =	vsel vm0, $0x1F00, v17;
	v17 =	vsel vm6, $0x403, v22  }
0x45: {  	v22 =	vsel vm12, $0x905, v20;
	v20 =	vand.u32 $0xF, v21;
	[tilespmem:$0x1FF60] =	vst v1;
	v1 =	vsel vm0, $0x1F06, v8  }
0x46: {  	v8 =	vand.u32 $0xF, v10;
	v10 =	vsel vm2, $0x605, v11;
	v11 =	vsel vm10, $0xA05, v9  }
0x47: {  	v15 =	vsel vm8, $0xB00, v15;
	v16 =	vsel vm9, $0x1287, v16;
	v17 =	vsel vm5, $0x484, v17  }
0x48: {  	v21 =	vsel vm11, $0x986, v22;
	v22 =	vimm.s32 $0x1782;
	v10 =	vsel vm1, $0x686, v10  }
0x49: {  	v15 =	vsel vm7, $0xB81, v15;
	v16 =	vsel vm8, $0x1300, v16;
	v17 =	vsel vm3, $0x505, v17  }
0x4a: {  	v21 =	vsel vm10, $0xA07, v21;
	v22 =	vsel vm14, $0x1003, v22;
	v9 =	vsel vm0, $0x707, v10  }
0x4b: {  	v10 =	vsel vm9, $0xA86, v11;
	v11 =	vsel vm14, $0x1001, v12;
	v12 =	vimm.s32 $0x1F80  }
0x4c: {  	v15 =	vsel vm6, $0xC02, v15;
	v16 =	vsel vm7, $0x1381, v16;
	v17 =	vsel vm4, $0x586, v17  }
0x4d: {  	v21 =	vsel vm9, $0xA80, v21;
	v22 =	vsel vm13, $0x1084, v22;
	v10 =	vsel vm8, $0xB07, v10  }
0x4e: {  	v11 =	vsel vm13, $0x1082, v11;
	v12 =	vsel vm14, $0x1801, v12;
	v15 =	vsel vm5, $0xC83, v15  }
0x4f: {  	v16 =	vsel vm6, $0x1402, v16;
	v17 =	vsel vm2, $0x607, v17;
	v21 =	vsel vm8, $0xB01, v21  }
0x50: {  	v22 =	vsel vm12, $0x1105, v22;
	v10 =	vsel vm7, $0xB80, v10;
	v11 =	vsel vm12, $0x1103, v11  }
0x51: {  	v12 =	vsel vm13, $0x1882, v12;
	v15 =	vsel vm3, $0xD04, v15;
	v16 =	vsel vm5, $0x1483, v16  }
0x52: {  	v17 =	vsel vm1, $0x680, v17;
	v23 =	vsel vm7, $0xB82, v21;
	v22 =	vsel vm11, $0x1186, v22  }
0x53: {  	v10 =	vsel vm6, $0xC01, v10;
	v11 =	vsel vm11, $0x1184, v11;
	v12 =	vsel vm12, $0x1903, v12  }
0x54: {  	v15 =	vsel vm4, $0xD85, v15;
	v16 =	vsel vm3, $0x1504, v16;
	v21 =	vsel vm0, $0x701, v17  }
0x55: {  	v17 =	vsel vm6, $0xC03, v23;
	v22 =	vsel vm10, $0x1207, v22;
	v23 =	vimm.s32 $0x1F82  }
0x56: {  	v10 =	vsel vm5, $0xC82, v10;
	v11 =	vsel vm10, $0x1205, v11;
	v12 =	vsel vm11, $0x1984, v12  }
0x57: {  	v15 =	vsel vm2, $0xE06, v15;
	v16 =	vsel vm4, $0x1585, v16;
	v17 =	vsel vm5, $0xC84, v17  }
0x58: {  	v22 =	vsel vm9, $0x1280, v22;
	v23 =	vsel vm14, $0x1803, v23;
	v10 =	vsel vm3, $0xD03, v10  }
0x59: {  	v11 =	vsel vm9, $0x1286, v11;
	v12 =	vsel vm10, $0x1A05, v12;
	v15 =	vsel vm1, $0xE87, v15  }
0x5a: {  	v16 =	vsel vm2, $0x1606, v16;
	v17 =	vsel vm3, $0xD05, v17;
	v22 =	vsel vm8, $0x1301, v22  }
0x5b: {  	v23 =	vsel vm13, $0x1884, v23;
	v10 =	vsel vm4, $0xD84, v10;
	v11 =	vsel vm8, $0x1307, v11  }
0x5c: {  	v12 =	vsel vm9, $0x1A86, v12;
	v15 =	vsel vm0, $0xF00, v15;
	v16 =	vsel vm1, $0x1687, v16  }
0x5d: {  	v17 =	vsel vm4, $0xD86, v17;
	v22 =	vsel vm7, $0x1382, v22;
	v23 =	vsel vm12, $0x1905, v23  }
0x5e: {  	v10 =	vsel vm2, $0xE05, v10;
	v11 =	vsel vm7, $0x1380, v11;
	v12 =	vsel vm8, $0x1B07, v12  }
0x5f: {  	v16 =	vsel vm0, $0x1700, v16;
	v17 =	vsel vm2, $0xE07, v17;
	v24 =	vsel vm6, $0x1403, v22  }
0x60: {  	v23 =	vsel vm11, $0x1986, v23;
	v10 =	vsel vm1, $0xE86, v10;
	v11 =	vsel vm6, $0x1401, v11  }
0x61: {  	v12 =	vsel vm7, $0x1B80, v12;
	v17 =	vsel vm1, $0xE80, v17;
	v23 =	vsel vm10, $0x1A07, v23  }
0x62: {  	v10 =	vsel vm0, $0xF07, v10;
	v11 =	vsel vm5, $0x1482, v11;
	v12 =	vsel vm6, $0x1C01, v12  }
0x63: {  	v22 =	vsel vm0, $0xF01, v17;
	v17 =	vsel vm5, $0x1484, v24;
	v23 =	vsel vm9, $0x1A80, v23  }
0x64: {  	v24 =	vimm.s32 $0x783;
	v11 =	vsel vm3, $0x1503, v11;
	v12 =	vsel vm5, $0x1C82, v12  }
0x65: {  	v17 =	vsel vm3, $0x1505, v17;
	v23 =	vsel vm8, $0x1B01, v23;
	v24 =	vsel vm14, $0x4, v24  }
0x66: {  	v11 =	vsel vm4, $0x1584, v11;
	v12 =	vsel vm3, $0x1D03, v12;
	v17 =	vsel vm4, $0x1586, v17  }
0x67: {  	v23 =	vsel vm7, $0x1B82, v23;
	v24 =	vsel vm13, $0x85, v24;
	v11 =	vsel vm2, $0x1605, v11  }
0x68: {  	v12 =	vsel vm4, $0x1D84, v12;
	v17 =	vsel vm2, $0x1607, v17;
	v25 =	vsel vm6, $0x1C03, v23  }
0x69: {  	v24 =	vsel vm12, $0x106, v24;
	v11 =	vsel vm1, $0x1686, v11;
	v17 =	vsel vm1, $0x1680, v17  }
0x6a: {  	v12 =	vsel vm2, $0x1E05, v12;
	v24 =	vsel vm11, $0x187, v24;
	v23 =	vsel vm0, $0x1701, v17  }
0x6b: {  	v17 =	vsel vm5, $0x1C84, v25;
	v25 =	vimm.s32 $0x3210FEDC;
	v24 =	vsel vm10, $0x200, v24  }
0x6c: {  	v17 =	vsel vm3, $0x1D05, v17;
	v25 =	vunpack.c.l.s4.s8 v25;
	v24 =	vsel vm9, $0x281, v24  }
0x6d: {  	v11 =	vsel vm0, $0x1707, v11;
	v17 =	vsel vm4, $0x1D86, v17;
	v27 =	vsel vm8, $0x302, v24  }
0x6e: {  	v17 =	vsel vm2, $0x1E07, v17;
	v24 =	vunpack.c.0.s8.s32 v25;
	v27 =	vsel vm7, $0x383, v27  }
0x6f: {  	v25 =	vunpack.c.0.s8.s32 v26;
	v26 =	vsel vm6, $0x404, v27;
	v27 =	vimm.s32 $0xF83  }
0x70: {  	v17 =	vsel vm1, $0x1E80, v17;
	v26 =	vsel vm5, $0x485, v26;
	v27 =	vsel vm14, $0x804, v27  }
0x71: {  	v28 =	vcombine.low v25, v24;
	v29 =	vsel vm3, $0x506, v26;
	v27 =	vsel vm13, $0x885, v27  }
0x72: {  	v26 =	vsel vm0, $0x1F01, v17;
	v17 =	vsel vm4, $0x587, v29;
	v29 =	vsel vm12, $0x906, v27  }
0x73: {  	v60 =	vand.u32 $0xF, v28;
	v17 =	vsel vm2, $0x600, v17;
	v28 =	vsel vm11, $0x987, v29  }
0x74: {  	v12 =	vsel vm1, $0x1E86, v12;
	v17 =	vsel vm1, $0x681, v17;
	v29 =	vsel vm10, $0xA00, v28  }
0x75: {  	v28 =	vsel vm0, $0x702, v17;
	v17 =	vsel vm9, $0xA81, v29;
	v29 =	vsel vm14, $0x1004, v30  }
0x76: {  	v30 =	vimm.s32 $0x1F83;
	v17 =	vsel vm8, $0xB02, v17;
	v29 =	vsel vm13, $0x1085, v29  }
0x77: {  	v30 =	vsel vm14, $0x1804, v30;
	v17 =	vsel vm7, $0xB83, v17;
	v29 =	vsel vm12, $0x1106, v29  }
0x78: {  	v30 =	vsel vm13, $0x1885, v30;
	v17 =	vsel vm6, $0xC04, v17;
	v29 =	vsel vm11, $0x1187, v29  }
0x79: {  	v30 =	vsel vm12, $0x1906, v30;
	v17 =	vsel vm5, $0xC85, v17;
	v29 =	vsel vm10, $0x1200, v29  }
0x7a: {  	v30 =	vsel vm11, $0x1987, v30;
	v17 =	vsel vm3, $0xD06, v17;
	v29 =	vsel vm9, $0x1281, v29  }
0x7b: {  	v30 =	vsel vm10, $0x1A00, v30;
	v17 =	vsel vm4, $0xD87, v17;
	v29 =	vsel vm8, $0x1302, v29  }
0x7c: {  	v30 =	vsel vm9, $0x1A81, v30;
	v17 =	vsel vm2, $0xE00, v17;
	v29 =	vsel vm7, $0x1383, v29  }
0x7d: {  	v30 =	vsel vm8, $0x1B02, v30;
	v17 =	vsel vm1, $0xE81, v17;
	v31 =	vsel vm6, $0x1404, v29  }
0x7e: {  	v30 =	vsel vm7, $0x1B83, v30;
	v29 =	vsel vm0, $0xF02, v17;
	v17 =	vsel vm5, $0x1485, v31  }
0x7f: {  	v30 =	vsel vm6, $0x1C04, v30;
	v31 =	vimm.s32 $0x784;
	v17 =	vsel vm3, $0x1506, v17  }
0x80: {  	v30 =	vsel vm5, $0x1C85, v30;
	v31 =	vsel vm14, $0x5, v31;
	v17 =	vsel vm4, $0x1587, v17  }
0x81: {  	v30 =	vsel vm3, $0x1D06, v30;
	v31 =	vsel vm13, $0x86, v31;
	v17 =	vsel vm2, $0x1600, v17  }
0x82: {  	v32 =	vsel vm4, $0x1D87, v30;
	v30 =	vsel vm12, $0x107, v31;
	v31 =	vimm.s32 $0x43210FED  }
0x83: {  	v17 =	vsel vm1, $0x1681, v17;
	v30 =	vsel vm11, $0x180, v30;
	v31 =	vunpack.c.l.s4.s8 v31  }
0x84: {  	v34 =	vsel vm10, $0x201, v30;
	v30 =	vsel vm0, $0x1702, v17;
	v17 =	vsel vm2, $0x1E00, v32  }
0x85: {  	v32 =	vunpack.c.0.s8.s32 v33;
	v34 =	vsel vm9, $0x282, v34;
	v31 =	vunpack.c.0.s8.s32 v31  }
0x86: {  	v12 =	vsel vm0, $0x1F07, v12;
	v17 =	vsel vm1, $0x1E81, v17;
	v44 =	vsel vm8, $0x303, v34  }
0x87: {  	v34 =	vsel vm14, $0x805, v45;
	v33 =	vsel vm7, $0x384, v44;
	v35 =	vcombine.low v32, v31  }
0x88: {  	v46 =	vsel vm13, $0x886, v34;
	v44 =	vimm.s32 $0x1785;
	v36 =	vsel vm6, $0x405, v33  }
0x89: {  	v33 =	vsel vm0, $0x1F02, v17;
	v47 =	vsel vm12, $0x907, v46;
	v17 =	vsel vm5, $0x486, v36  }
0x8a: {  	v34 =	vsel vm14, $0x1006, v44;
	v3 =	vand.u32 $0xF, v35;
	v17 =	vsel vm3, $0x507, v17  }
0x8b: {  	v35 =	vsel vm11, $0x980, v47;
	v36 =	vsel vm14, $0x1005, v48;
	v17 =	vsel vm4, $0x580, v17  }
0x8c: {  	v47 =	vimm.s32 $0xEDCBA987;
	v35 =	vsel vm10, $0xA01, v35;
	v17 =	vsel vm2, $0x601, v17  }
0x8d: {  	v36 =	vsel vm13, $0x1086, v36;
	v37 =	vsel vm9, $0xA82, v35;
	v17 =	vsel vm1, $0x682, v17  }
0x8e: {  	v36 =	vsel vm12, $0x1107, v36;
	v35 =	vsel vm0, $0x703, v17;
	v17 =	vsel vm8, $0xB03, v37  }
0x8f: {  	v47 =	vunpack.c.l.s4.s8 v47;
	v36 =	vsel vm11, $0x1180, v36;
	v17 =	vsel vm7, $0xB84, v17  }
0x90: {  	v36 =	vsel vm10, $0x1201, v36;
	v37 =	vsel vm14, $0x1805, v49;
	v17 =	vsel vm6, $0xC05, v17  }
0x91: {  	v36 =	vsel vm9, $0x1282, v36;
	v37 =	vsel vm13, $0x1886, v37;
	v17 =	vsel vm5, $0xC86, v17  }
0x92: {  	v36 =	vsel vm8, $0x1303, v36;
	v37 =	vsel vm12, $0x1907, v37;
	v17 =	vsel vm3, $0xD07, v17  }
0x93: {  	v36 =	vsel vm7, $0x1384, v36;
	v37 =	vsel vm11, $0x1980, v37;
	v17 =	vsel vm4, $0xD80, v17  }
0x94: {  	v36 =	vsel vm6, $0x1405, v36;
	v37 =	vsel vm10, $0x1A01, v37;
	v17 =	vsel vm2, $0xE01, v17  }
0x95: {  	v38 =	vsel vm5, $0x1486, v36;
	v37 =	vsel vm9, $0x1A82, v37;
	v17 =	vsel vm1, $0xE82, v17  }
0x96: {  	v36 =	vsel vm0, $0xF03, v17;
	v17 =	vsel vm3, $0x1507, v38;
	v38 =	vsel vm14, $0x6, v56  }
0x97: {  	v37 =	vsel vm8, $0x1B03, v37;
	v17 =	vsel vm4, $0x1580, v17;
	v38 =	vsel vm13, $0x87, v38  }
0x98: {  	v37 =	vsel vm7, $0x1B84, v37;
	v17 =	vsel vm2, $0x1601, v17;
	v38 =	vsel vm12, $0x100, v38  }
0x99: {  	v37 =	vsel vm6, $0x1C05, v37;
	v17 =	vsel vm1, $0x1682, v17;
	v38 =	vsel vm11, $0x181, v38  }
0x9a: {  	v39 =	vsel vm5, $0x1C86, v37;
	v37 =	vsel vm0, $0x1703, v17;
	v38 =	vsel vm10, $0x202, v38  }
0x9b: {  	v17 =	vsel vm3, $0x1D07, v39;
	v39 =	vunpack.c.l.s4.s8 v57;
	v38 =	vsel vm9, $0x283, v38  }
0x9c: {  	v5 =	vunpack.c.0.s8.s32 v47;
	v49 =	vimm.s32 $0x6543210F;
	v42 =	vsel vm8, $0x304, v38  }
0x9d: {  	v57 =	vimm.s32 $0xF86;
	v17 =	vsel vm4, $0x1D80, v17;
	v42 =	vsel vm7, $0x385, v42  }
0x9e: {  	v17 =	vsel vm2, $0x1E01, v17;
	v58 =	vunpack.c.0.s8.s32 v39;
	v59 =	vsel vm6, $0x406, v42  }
0x9f: {  	v38 =	vimm.s32 $0x1F85;
	v39 =	vmovc v8;
	v8 =	vunpack.c.0.s8.s32 v40;
	v40 =	vsel vm5, $0x487, v59  }
0xa0: {  	v17 =	vsel vm1, $0x1E82, v17;
	v44 =	vsel vm14, $0x1806, v38;
	v43 =	vsel vm3, $0x500, v40  }
0xa1: {  	v44 =	vsel vm13, $0x1887, v44;
	v40 =	vsel vm0, $0x1F03, v17;
	v17 =	vsel vm4, $0x581, v43  }
0xa2: {  	v44 =	vsel vm12, $0x1900, v44;
	v61 =	vcombine.low v8, v58;
	v17 =	vsel vm2, $0x602, v17  }
0xa3: {  	v44 =	vsel vm11, $0x1981, v44;
	v43 =	vsel vm7, $0xB85, v63;
	v17 =	vsel vm1, $0x683, v17  }
0xa4: {  	v44 =	vsel vm10, $0x1A02, v44;
	v42 =	vsel vm0, $0x704, v17;
	v17 =	vsel vm6, $0xC06, v43  }
0xa5: {  	v63 =	vimm.s32 $0xFEDCBA98;
	v43 =	vsel vm13, $0x1087, v34;
	v17 =	vsel vm5, $0xC87, v17  }
0xa6: {  	[tilespmem:$0x1FFA0] =	vst v8;
	v8 =	vand.u32 $0xF, v61;
	v43 =	vsel vm12, $0x1100, v43;
	v17 =	vsel vm3, $0xD00, v17  }
0xa7: {  	v44 =	vsel vm9, $0x1A83, v44;
	v43 =	vsel vm11, $0x1181, v43;
	v17 =	vsel vm4, $0xD81, v17  }
0xa8: {  	v61 =	vimm.s32 $0x1786;
	v43 =	vsel vm10, $0x1202, v43;
	v17 =	vsel vm2, $0xE02, v17  }
0xa9: {  	v44 =	vsel vm8, $0x1B04, v44;
	v45 =	vsel vm9, $0x1283, v43;
	v17 =	vsel vm1, $0xE83, v17  }
0xaa: {  	v43 =	vsel vm0, $0xF04, v17;
	v17 =	vsel vm8, $0x1304, v45;
	v45 =	vsel vm14, $0x7, v41  }
0xab: {  	v44 =	vsel vm7, $0x1B85, v44;
	v17 =	vsel vm7, $0x1385, v17;
	v45 =	vsel vm13, $0x80, v45  }
0xac: {  	v44 =	vsel vm6, $0x1C06, v44;
	v17 =	vsel vm6, $0x1406, v17;
	v45 =	vsel vm12, $0x101, v45  }
0xad: {  	v44 =	vsel vm5, $0x1C87, v44;
	v17 =	vsel vm5, $0x1487, v17;
	v45 =	vsel vm11, $0x182, v45  }
0xae: {  	v44 =	vsel vm3, $0x1D00, v44;
	v17 =	vsel vm3, $0x1500, v17;
	v45 =	vsel vm10, $0x203, v45  }
0xaf: {  	v17 =	vsel vm4, $0x1581, v17;
	v48 =	vsel vm9, $0x284, v45;
	v45 =	vunpack.c.l.s4.s8 v49  }
0xb0: {  	v46 =	vsel vm4, $0x1D81, v44;
	v17 =	vsel vm2, $0x1602, v17;
	v44 =	vsel vm8, $0x305, v48  }
0xb1: {  	[tilespmem:$0x1FF70] =	vst v1;
	v17 =	vsel vm1, $0x1683, v17;
	v48 =	vsel vm7, $0x386, v44;
	v1 =	vunpack.c.0.s8.s32 v45  }
0xb2: {  	v44 =	vsel vm0, $0x1704, v17;
	v17 =	vsel vm2, $0x1E02, v46;
	v48 =	vsel vm6, $0x407, v48  }
0xb3: {  	v56 =	vsel vm5, $0x480, v48;
	v17 =	vsel vm1, $0x1E83, v17;
	v49 =	vcombine.low v5, v1  }
0xb4: {  	[tilespmem:$0x1FFC0] =	vst v5;
	v5 =	vmovc v55;
	v48 =	vsel vm14, $0x807, v57;
	v55 =	vsel vm14, $0x1807, v62;
	v47 =	vsel vm3, $0x501, v56  }
0xb5: {  	[tilespmem:$0x1FF90] =	vst v58;
	v57 =	vimm.s32 $0x76543210;
	v59 =	vsel vm13, $0x880, v48;
	v58 =	vsel vm4, $0x582, v47  }
0xb6: {  	v55 =	vsel vm13, $0x1880, v55;
	v47 =	vsel vm0, $0x1F04, v17;
	v17 =	vsel vm2, $0x603, v58  }
0xb7: {  	[tilespmem:$0x1FFB0] =	vst v1;
	v57 =	vunpack.c.l.s4.s8 v57;
	v1 =	vmovc v50;
	v50 =	vsel vm12, $0x901, v59;
	v17 =	vsel vm1, $0x684, v17  }
0xb8: {  	s0 =	rddreg [dreg:$0x0];
	s9 =	stileid.u32;
	v48 =	vmovc v8;
	v8 =	vand.u32 $0xF, v49;
	v49 =	vsel vm0, $0x705, v17;
	v17 =	vsel vm11, $0x982, v50  }
0xb9: {  	s2 =	rddreg [dreg:$0x1];
	s3 =	simm.s32 $0x0;
	s5 =	srdreg.scid;
	v55 =	vsel vm12, $0x1901, v55;
	v50 =	vsel vm14, $0x1007, v61;
	v17 =	vsel vm10, $0xA03, v17  }
0xba: {  	s20 =	simm.s32 $0x80;
	s21 =	simm.s32 $0xC800;
	s22 =	simm.s32 $0xE800;
	v59 =	vcombine.low v53, v54;
	v50 =	vsel vm13, $0x1080, v50;
	v17 =	vsel vm9, $0xA84, v17  }
0xbb: {  	s23 =	simm.s32 $0x1;
	s24 =	simm.s32 $0x10800;
	s19 =	simm.s32 $0x4;
	v55 =	vsel vm11, $0x1982, v55;
	v50 =	vsel vm12, $0x1101, v50;
	v17 =	vsel vm8, $0xB05, v17  }
0xbc: {  	s18 =	simm.s32 $0x13400;
	s25 =	simm.s32 $0x13800;
	s28 =	simm.s32 $0x14000;
	v57 =	vunpack.c.0.s8.s32 v57;
	v50 =	vsel vm11, $0x1182, v50;
	v17 =	vsel vm7, $0xB86, v17  }
0xbd: {  	s29 =	simm.s32 $0x14400;
	s1 =	sshrl.u32 s9, $0x2;
	[smem:$0x7FF] =	sst s3;
	v55 =	vsel vm10, $0x1A03, v55;
	v50 =	vsel vm10, $0x1203, v50;
	v17 =	vsel vm6, $0xC07, v17  }
0xbe: {  	s5 =	sand.u32 $0x1, s5;
	s9 =	sshll.u32 s9, $0x1;
	s11 =	sadd.s32 $0x800, s2;
	v55 =	vsel vm9, $0x1A84, v55;
	v50 =	vsel vm9, $0x1284, v50;
	v17 =	vsel vm5, $0xC80, v17  }
0xbf: {  	s12 =	sadd.s32 $0xC00, s2;
	s13 =	sadd.s32 $0x1000, s2;
	s14 =	sadd.s32 $0x1400, s2;
	v55 =	vsel vm8, $0x1B05, v55;
	v50 =	vsel vm8, $0x1305, v50;
	v17 =	vsel vm3, $0xD01, v17  }
0xc0: {  	s15 =	sadd.s32 $0x1800, s2;
	s16 =	sadd.s32 $0x1C00, s2;
	s4 =	smul.u32 $0x1900, s1;
	v55 =	vsel vm7, $0x1B86, v55;
	v50 =	vsel vm7, $0x1386, v50;
	v17 =	vsel vm4, $0xD82, v17  }
0xc1: {  	s7 =	smul.u32 $0x190, s1;
	s8 =	ssub.s32 $0x2, s5;
	s9 =	sand.u32 $0x6, s9;
	v55 =	vsel vm6, $0x1C07, v55;
	v50 =	vsel vm6, $0x1407, v50;
	v17 =	vsel vm2, $0xE03, v17  }
0xc2: {  	s10 =	sshrl.u32 s8, $0x1;
	s9 =	sor.u32 s5, s9;
	s5 =	smul.u32 $0x32, s1;
	v55 =	vsel vm5, $0x1C80, v55;
	v56 =	vsel vm5, $0x1480, v50;
	v17 =	vsel vm1, $0xE84, v17  }
0xc3: {  	s6 =	sadd.s32 s4, s0;
	s4 =	sadd.s32 $0x7000, s0;
	s0 =	sadd.s32 s7, s0;
	v50 =	vsel vm0, $0xF05, v17;
	v17 =	vsel vm3, $0x1501, v56;
	v56 =	vunpack.c.l.s4.s8 v63  }
0xc4: {  	s26 =	ssub.s32 s8, s10;
	s8 =	sshll.u32 s9, $0x7;
	s9 =	sshll.u32 s9, $0xA;
	v58 =	vcombine.low v51, v52;
	v55 =	vsel vm3, $0x1D01, v55;
	v17 =	vsel vm4, $0x1582, v17  }
0xc5: {  	s10 =	sadd.s32 $0x400, s2;
	s30 =	sadd.s32 $0xC00, s6;
	s0 =	sadd.s32 $0x400, s0;
	v55 =	vsel vm4, $0x1D82, v55;
	v17 =	vsel vm2, $0x1603, v17;
	v56 =	vunpack.c.0.s8.s32 v56  }
0xc6: {  	s7 =	simm.s32 $0x0;
	_ =	strace $0x80000047;
	[dreg:$0x3] =	wrdreg s30;
	[tilespmem:$0x1FFE0] =	vst v9;
	v7 =	vand.u32 $0xF, v59;
	v55 =	vsel vm2, $0x1E03, v55;
	v17 =	vsel vm1, $0x1684, v17  }
0xc7: {  	s31 =	smax.u32 s26, $0x1;
	s6 =	simm.s32 $0x12800;
	[dreg:$0x4] =	wrdreg s0;
	[tilespmem:$0x1FFF0] =	vst v60;
	v55 =	vsel vm1, $0x1E84, v55;
	v51 =	vsel vm0, $0x1705, v17;
	v17 =	vand.u32 $0xF, v56  }
0xc8: {  	s26 =	simm.s32 $0x13C00;
	[dreg:$0x5] =	wrdreg s31;
	s0 =	simm.s32 $0x2;
	v53 =	vmovc v8;
	[tilespmem:$0x1FFD0] =	vst v7;
	v52 =	vsel vm0, $0x1F05, v55;
	v55 =	vand.u32 $0xF, v58;
	v54 =	vcombine.low v17, v57  }
.LBB2_1:
0xc9: {  	[dreg:$0x6] =	wrdreg s7  }
0xca: {  	s1 =	rddreg [dreg:$0x3];
	s17 =	simm.s32 $0x5  }
0xcb: {  	[tilespmem:s3], [sflag:$0x5] =	stream.linear.gather [hbm4b:s1+s3], $0xC800, $0x38;
	[tilespmem:$0x15480] =	vst v63  }
0xcc: {  	_ =	swait.ge [sflag:s17], $0xC800  }
0xcd: {  	[sflag:s17] =	ssyncset.done $0x0  }
0xce: {  	s30 =	simm.s32 $0x14800;
	s31 =	rddreg [dreg:$0x4];
	[sflag:s17] =	ssyncadd.s32 $0xFFFF3800  }
0xcf: {  	[tilespmem:s30], [sflag:$0x5] =	stream.linear.gather [hbm4b:s31+s3], $0xC80, $0x38;
	[tilespmem:$0x15480] =	vst v63  }
0xd0: {  	_ =	swait.ge [sflag:s17], $0xC80  }
0xd1: {  	[sflag:s17] =	ssyncset.done $0x0  }
0xd2: {  	s30 =	simm.s32 $0x0;
	[sflag:s17] =	ssyncadd.s32 $0xFFFFF380  }
0xd3: {  	[tilespmem:s21], [sflag:$0x1] =	stream.indirect.gather [hbm4b:s4+s20], $0x40, s8, s20, $0xb8;
	[tilespmem:$0x15480] =	vst v63  }
.LBB2_2:
0xd4: {  	s31 =	sshllo.u32 s30, $0x1  }
0xd5: {  	s1 =	sshll.u32 s31, $0xA  }
0xd6: {  	s1 =	sand.u32 $0x3FFFFC00, s1  }
0xd7: {  	s1 =	sor.u32 s1, s8  }
0xd8: {  	[tilespmem:s22], [sflag:$0x2] =	stream.indirect.gather [hbm4b:s4+s20], $0x40, s1, s20, $0xb8;
	[tilespmem:$0x15480] =	vst v63  }
0xd9: {  	_ =	swait.ge [sflag:s23], $0x2000  }
0xda: {  	p0 =	seq.s32 s30, $0x0;
	[sflag:s23] =	ssyncset.done $0x0  }
0xdb: {  	s1 =	simm.s32 @!p0 $0x3;
	[sflag:s23] =	ssyncadd.s32 $0xFFFFE000  }
0xdc: {  	_ =	swait.ge @!p0 [sflag:s1], $0x400  }
0xdd: {  	[sflag:s1] =	ssyncset.done @!p0 $0x0  }
0xde: {  	[sflag:s1] =	ssyncadd.s32 @!p0 $0xFFFFFC00  }
0xdf: {  	_ =	swait.ge @!p0 [sflag:s1], $0x400  }
0xe0: {  	[sflag:s1] =	ssyncset.done @!p0 $0x0  }
0xe1: {  	[sflag:s1] =	ssyncadd.s32 @!p0 $0xFFFFFC00  }
0xe2: {  	_ =	swait.ge @!p0 [sflag:s1], $0x400  }
0xe3: {  	[sflag:s1] =	ssyncset.done @!p0 $0x0  }
0xe4: {  	[sflag:s1] =	ssyncadd.s32 @!p0 $0xFFFFFC00  }
0xe5: {  	_ =	swait.ge @!p0 [sflag:s1], $0x400  }
0xe6: {  	[sflag:s1] =	ssyncset.done @!p0 $0x0  }
0xe7: {  	[sflag:s1] =	ssyncadd.s32 @!p0 $0xFFFFFC00  }
0xe8: {  	_ =	swait.ge @!p0 [sflag:s1], $0x400  }
0xe9: {  	[sflag:s1] =	ssyncset.done @!p0 $0x0  }
0xea: {  	[sflag:s1] =	ssyncadd.s32 @!p0 $0xFFFFFC00  }
0xeb: {  	_ =	swait.ge @!p0 [sflag:s1], $0x400  }
0xec: {  	[sflag:s1] =	ssyncset.done @!p0 $0x0  }
0xed: {  	[sflag:s1] =	ssyncadd.s32 @!p0 $0xFFFFFC00  }
0xee: {  	_ =	swait.ge @!p0 [sflag:s1], $0x400  }
0xef: {  	[sflag:s1] =	ssyncset.done @!p0 $0x0  }
0xf0: {  	[sflag:s1] =	ssyncadd.s32 @!p0 $0xFFFFFC00  }
0xf1: {  	_ =	swait.ge @!p0 [sflag:s1], $0x400  }
0xf2: {  	s7 =	sshll.u32 s30, $0x7;
	v34 =	vmov v3;
	[sflag:s1] =	ssyncset.done @!p0 $0x0;
	v3 =	vld [tilespmem:$0x1FF60]  }
0xf3: {  	s7 =	sand.u32 $0x3FFFFF80, s7;
	v7 =	vld [tilespmem:$0x1FF70];
	[sflag:s1] =	ssyncadd.s32 @!p0 $0xFFFFFC00  }
0xf4: {  	v61 =	vld [tilespmem:s7+$0x14800]  }
0xf5: {  	v62 =	vld [tilespmem:s7+$0x14810]  }
0xf6: {  	v63 =	vld [tilespmem:s7+$0x14820]  }
0xf7: {  	v27 =	vmov v60;
	s1 =	sshll.u32 s30, $0x1;
	v17 =	vld [tilespmem:s7+$0x14830];
	s7 =	simm.s32 $0x0  }
.LBB2_3:
0xf8: {  	v56 =	vor.u32 s7, v0  }
0xf9: {  	v57 =	vshll.u32 v56, $0x6  }
0xfa: {  	v58 =	vor.u32 v0, v57;
	_ =	sdelay $0x4  }
0xfb: {  	v58 =	vld.idx.msk [tilespmem:v58+s21+$0x0], $0xffff  }
0xfc: {  	v56 =	vand.u32 $0x78, v56  }
0xfd: {  	v59 =	vor.u32 v1, v56  }
0xfe: {  	v60 =	vor.u32 v2, v57;
	_ =	sdelay $0x1  }
0xff: {  	v58 =	vadd.f32 v58, v61;
	_ =	sdelay $0x1  }
0x100: {  	[tilespmem:v59+s24+$0x0] =	vst.idx.msk $0xffff, v58  }
0x101: {  	v58 =	vld.idx.msk [tilespmem:v60+s21+$0x0], $0xffff;
	_ =	sdelay $0x1  }
0x102: {  	v45 =	vor.u32 v3, v56  }
0x103: {  	v46 =	vor.u32 v4, v57;
	_ =	sdelay $0x1  }
0x104: {  	v58 =	vadd.f32 v58, v62;
	_ =	sdelay $0x1  }
0x105: {  	[tilespmem:v45+s24+$0x0] =	vst.idx.msk $0xffff, v58  }
0x106: {  	v58 =	vld.idx.msk [tilespmem:v46+s21+$0x0], $0xffff;
	_ =	sdelay $0x1  }
0x107: {  	v38 =	vor.u32 v5, v56  }
0x108: {  	v57 =	vor.u32 v6, v57;
	_ =	sdelay $0x1  }
0x109: {  	v58 =	vadd.f32 v58, v63;
	_ =	sdelay $0x1  }
0x10a: {  	[tilespmem:v38+s24+$0x0] =	vst.idx.msk $0xffff, v58  }
0x10b: {  	v57 =	vld.idx.msk [tilespmem:v57+s21+$0x0], $0xffff  }
0x10c: {  	v41 =	vor.u32 s7, v39  }
0x10d: {  	v56 =	vor.u32 v7, v56;
	v59 =	vshll.u32 v41, $0x6  }
0x10e: {  	v45 =	vor.u32 v0, v59;
	_ =	sdelay $0x1  }
0x10f: {  	v57 =	vadd.f32 v57, v17;
	_ =	sdelay $0x1  }
0x110: {  	[tilespmem:v56+s24+$0x0] =	vst.idx.msk $0xffff, v57  }
0x111: {  	v56 =	vld.idx.msk [tilespmem:v45+s21+$0x0], $0xffff  }
0x112: {  	v57 =	vand.u32 $0x78, v41  }
0x113: {  	v58 =	vor.u32 v9, v57  }
0x114: {  	v46 =	vor.u32 v2, v59;
	_ =	sdelay $0x1  }
0x115: {  	v56 =	vadd.f32 v56, v61;
	_ =	sdelay $0x1  }
0x116: {  	[tilespmem:v58+s24+$0x0] =	vst.idx.msk $0xffff, v56  }
0x117: {  	v56 =	vld.idx.msk [tilespmem:v46+s21+$0x0], $0xffff;
	_ =	sdelay $0x1  }
0x118: {  	v38 =	vor.u32 v10, v57  }
0x119: {  	v41 =	vor.u32 v4, v59;
	_ =	sdelay $0x1  }
0x11a: {  	v56 =	vadd.f32 v56, v62;
	_ =	sdelay $0x1  }
0x11b: {  	[tilespmem:v38+s24+$0x0] =	vst.idx.msk $0xffff, v56  }
0x11c: {  	v56 =	vld.idx.msk [tilespmem:v41+s21+$0x0], $0xffff;
	_ =	sdelay $0x1  }
0x11d: {  	v45 =	vor.u32 v11, v57  }
0x11e: {  	v59 =	vor.u32 v6, v59;
	_ =	sdelay $0x1  }
0x11f: {  	v56 =	vadd.f32 v56, v63;
	_ =	sdelay $0x1  }
0x120: {  	[tilespmem:v45+s24+$0x0] =	vst.idx.msk $0xffff, v56  }
0x121: {  	v56 =	vld.idx.msk [tilespmem:v59+s21+$0x0], $0xffff  }
0x122: {  	v46 =	vor.u32 s7, v13  }
0x123: {  	v57 =	vor.u32 v12, v57;
	v59 =	vshll.u32 v46, $0x6  }
0x124: {  	v38 =	vor.u32 v0, v59;
	_ =	sdelay $0x1  }
0x125: {  	v56 =	vadd.f32 v56, v17;
	_ =	sdelay $0x1  }
0x126: {  	[tilespmem:v57+s24+$0x0] =	vst.idx.msk $0xffff, v56  }
0x127: {  	v56 =	vld.idx.msk [tilespmem:v38+s21+$0x0], $0xffff  }
0x128: {  	v57 =	vand.u32 $0x78, v46  }
0x129: {  	v58 =	vor.u32 v14, v57  }
0x12a: {  	v41 =	vor.u32 v2, v59;
	_ =	sdelay $0x1  }
0x12b: {  	v56 =	vadd.f32 v56, v61;
	_ =	sdelay $0x1  }
0x12c: {  	[tilespmem:v58+s24+$0x0] =	vst.idx.msk $0xffff, v56  }
0x12d: {  	v56 =	vld.idx.msk [tilespmem:v41+s21+$0x0], $0xffff;
	_ =	sdelay $0x1  }
0x12e: {  	v45 =	vor.u32 v15, v57  }
0x12f: {  	v46 =	vor.u32 v4, v59;
	_ =	sdelay $0x1  }
0x130: {  	v56 =	vadd.f32 v56, v62;
	_ =	sdelay $0x1  }
0x131: {  	[tilespmem:v45+s24+$0x0] =	vst.idx.msk $0xffff, v56  }
0x132: {  	v56 =	vld.idx.msk [tilespmem:v46+s21+$0x0], $0xffff;
	_ =	sdelay $0x1  }
0x133: {  	v38 =	vor.u32 v16, v57  }
0x134: {  	v59 =	vor.u32 v6, v59;
	_ =	sdelay $0x1  }
0x135: {  	v56 =	vadd.f32 v56, v63;
	_ =	sdelay $0x1  }
0x136: {  	[tilespmem:v38+s24+$0x0] =	vst.idx.msk $0xffff, v56  }
0x137: {  	v56 =	vld.idx.msk [tilespmem:v59+s21+$0x0], $0xffff  }
0x138: {  	v41 =	vor.u32 s7, v20  }
0x139: {  	v57 =	vor.u32 v19, v57;
	v59 =	vshll.u32 v41, $0x6  }
0x13a: {  	v45 =	vor.u32 v0, v59;
	_ =	sdelay $0x1  }
0x13b: {  	v56 =	vadd.f32 v56, v17;
	_ =	sdelay $0x1  }
0x13c: {  	[tilespmem:v57+s24+$0x0] =	vst.idx.msk $0xffff, v56  }
0x13d: {  	v56 =	vld.idx.msk [tilespmem:v45+s21+$0x0], $0xffff  }
0x13e: {  	v57 =	vand.u32 $0x78, v41  }
0x13f: {  	v58 =	vor.u32 v21, v57  }
0x140: {  	v46 =	vor.u32 v2, v59;
	_ =	sdelay $0x1  }
0x141: {  	v56 =	vadd.f32 v56, v61;
	_ =	sdelay $0x1  }
0x142: {  	[tilespmem:v58+s24+$0x0] =	vst.idx.msk $0xffff, v56  }
0x143: {  	v56 =	vld.idx.msk [tilespmem:v46+s21+$0x0], $0xffff;
	_ =	sdelay $0x1  }
0x144: {  	v38 =	vor.u32 v22, v57  }
0x145: {  	v41 =	vor.u32 v4, v59;
	_ =	sdelay $0x1  }
0x146: {  	v56 =	vadd.f32 v56, v62;
	_ =	sdelay $0x1  }
0x147: {  	[tilespmem:v38+s24+$0x0] =	vst.idx.msk $0xffff, v56  }
0x148: {  	v56 =	vld.idx.msk [tilespmem:v41+s21+$0x0], $0xffff;
	_ =	sdelay $0x1  }
0x149: {  	v45 =	vor.u32 v23, v57  }
0x14a: {  	v59 =	vor.u32 v6, v59;
	_ =	sdelay $0x1  }
0x14b: {  	v56 =	vadd.f32 v56, v63;
	_ =	sdelay $0x1  }
0x14c: {  	[tilespmem:v45+s24+$0x0] =	vst.idx.msk $0xffff, v56  }
0x14d: {  	v56 =	vld.idx.msk [tilespmem:v59+s21+$0x0], $0xffff  }
0x14e: {  	v46 =	vor.u32 s7, v27  }
0x14f: {  	v57 =	vor.u32 v26, v57;
	v59 =	vshll.u32 v46, $0x6  }
0x150: {  	v38 =	vor.u32 v0, v59;
	_ =	sdelay $0x1  }
0x151: {  	v56 =	vadd.f32 v56, v17;
	_ =	sdelay $0x1  }
0x152: {  	[tilespmem:v57+s24+$0x0] =	vst.idx.msk $0xffff, v56  }
0x153: {  	v56 =	vld.idx.msk [tilespmem:v38+s21+$0x0], $0xffff  }
0x154: {  	v57 =	vand.u32 $0x78, v46  }
0x155: {  	v58 =	vor.u32 v28, v57  }
0x156: {  	v41 =	vor.u32 v2, v59;
	_ =	sdelay $0x1  }
0x157: {  	v56 =	vadd.f32 v56, v61;
	_ =	sdelay $0x1  }
0x158: {  	[tilespmem:v58+s24+$0x0] =	vst.idx.msk $0xffff, v56  }
0x159: {  	v56 =	vld.idx.msk [tilespmem:v41+s21+$0x0], $0xffff;
	_ =	sdelay $0x1  }
0x15a: {  	v45 =	vor.u32 v29, v57  }
0x15b: {  	v46 =	vor.u32 v4, v59;
	_ =	sdelay $0x1  }
0x15c: {  	v56 =	vadd.f32 v56, v62;
	_ =	sdelay $0x1  }
0x15d: {  	[tilespmem:v45+s24+$0x0] =	vst.idx.msk $0xffff, v56  }
0x15e: {  	v56 =	vld.idx.msk [tilespmem:v46+s21+$0x0], $0xffff;
	_ =	sdelay $0x1  }
0x15f: {  	v38 =	vor.u32 v30, v57  }
0x160: {  	v59 =	vor.u32 v6, v59;
	_ =	sdelay $0x1  }
0x161: {  	v56 =	vadd.f32 v56, v63;
	_ =	sdelay $0x1  }
0x162: {  	[tilespmem:v38+s24+$0x0] =	vst.idx.msk $0xffff, v56  }
0x163: {  	v56 =	vld.idx.msk [tilespmem:v59+s21+$0x0], $0xffff  }
0x164: {  	v41 =	vor.u32 s7, v34  }
0x165: {  	v57 =	vor.u32 v33, v57;
	v59 =	vshll.u32 v41, $0x6  }
0x166: {  	v45 =	vor.u32 v0, v59;
	_ =	sdelay $0x1  }
0x167: {  	v56 =	vadd.f32 v56, v17;
	_ =	sdelay $0x1  }
0x168: {  	[tilespmem:v57+s24+$0x0] =	vst.idx.msk $0xffff, v56  }
0x169: {  	v56 =	vld.idx.msk [tilespmem:v45+s21+$0x0], $0xffff  }
0x16a: {  	v57 =	vand.u32 $0x78, v41  }
0x16b: {  	v58 =	vor.u32 v35, v57  }
0x16c: {  	v46 =	vor.u32 v2, v59;
	_ =	sdelay $0x1  }
0x16d: {  	v56 =	vadd.f32 v56, v61;
	_ =	sdelay $0x1  }
0x16e: {  	[tilespmem:v58+s24+$0x0] =	vst.idx.msk $0xffff, v56  }
0x16f: {  	v56 =	vld.idx.msk [tilespmem:v46+s21+$0x0], $0xffff;
	_ =	sdelay $0x1  }
0x170: {  	v38 =	vor.u32 v36, v57  }
0x171: {  	v41 =	vor.u32 v4, v59;
	_ =	sdelay $0x1  }
0x172: {  	v56 =	vadd.f32 v56, v62;
	_ =	sdelay $0x1  }
0x173: {  	[tilespmem:v38+s24+$0x0] =	vst.idx.msk $0xffff, v56  }
0x174: {  	v56 =	vld.idx.msk [tilespmem:v41+s21+$0x0], $0xffff;
	_ =	sdelay $0x1  }
0x175: {  	v45 =	vor.u32 v37, v57  }
0x176: {  	v59 =	vor.u32 v6, v59;
	_ =	sdelay $0x1  }
0x177: {  	v56 =	vadd.f32 v56, v63;
	_ =	sdelay $0x1  }
0x178: {  	[tilespmem:v45+s24+$0x0] =	vst.idx.msk $0xffff, v56  }
0x179: {  	v56 =	vld.idx.msk [tilespmem:v59+s21+$0x0], $0xffff  }
0x17a: {  	v46 =	vor.u32 s7, v48  }
0x17b: {  	v57 =	vor.u32 v40, v57;
	v59 =	vshll.u32 v46, $0x6  }
0x17c: {  	v38 =	vor.u32 v0, v59;
	_ =	sdelay $0x1  }
0x17d: {  	v56 =	vadd.f32 v56, v17;
	_ =	sdelay $0x1  }
0x17e: {  	[tilespmem:v57+s24+$0x0] =	vst.idx.msk $0xffff, v56  }
0x17f: {  	v56 =	vld.idx.msk [tilespmem:v38+s21+$0x0], $0xffff  }
0x180: {  	v57 =	vand.u32 $0x78, v46  }
0x181: {  	v58 =	vor.u32 v42, v57  }
0x182: {  	v41 =	vor.u32 v2, v59;
	_ =	sdelay $0x1  }
0x183: {  	v56 =	vadd.f32 v56, v61;
	_ =	sdelay $0x1  }
0x184: {  	[tilespmem:v58+s24+$0x0] =	vst.idx.msk $0xffff, v56  }
0x185: {  	v56 =	vld.idx.msk [tilespmem:v41+s21+$0x0], $0xffff;
	_ =	sdelay $0x1  }
0x186: {  	v45 =	vor.u32 v43, v57  }
0x187: {  	v46 =	vor.u32 v4, v59;
	_ =	sdelay $0x1  }
0x188: {  	v56 =	vadd.f32 v56, v62;
	_ =	sdelay $0x1  }
0x189: {  	[tilespmem:v45+s24+$0x0] =	vst.idx.msk $0xffff, v56  }
0x18a: {  	v56 =	vld.idx.msk [tilespmem:v46+s21+$0x0], $0xffff;
	_ =	sdelay $0x1  }
0x18b: {  	v38 =	vor.u32 v44, v57  }
0x18c: {  	v59 =	vor.u32 v6, v59;
	_ =	sdelay $0x1  }
0x18d: {  	v56 =	vadd.f32 v56, v63;
	_ =	sdelay $0x1  }
0x18e: {  	[tilespmem:v38+s24+$0x0] =	vst.idx.msk $0xffff, v56  }
0x18f: {  	v56 =	vld.idx.msk [tilespmem:v59+s21+$0x0], $0xffff  }
0x190: {  	v41 =	vor.u32 s7, v53  }
0x191: {  	v57 =	vor.u32 v47, v57;
	v59 =	vshll.u32 v41, $0x6  }
0x192: {  	v45 =	vor.u32 v0, v59;
	_ =	sdelay $0x1  }
0x193: {  	v56 =	vadd.f32 v56, v17;
	_ =	sdelay $0x1  }
0x194: {  	[tilespmem:v57+s24+$0x0] =	vst.idx.msk $0xffff, v56  }
0x195: {  	v56 =	vld.idx.msk [tilespmem:v45+s21+$0x0], $0xffff  }
0x196: {  	v57 =	vand.u32 $0x78, v41  }
0x197: {  	v58 =	vor.u32 v49, v57  }
0x198: {  	v46 =	vor.u32 v2, v59;
	_ =	sdelay $0x1  }
0x199: {  	v56 =	vadd.f32 v56, v61;
	_ =	sdelay $0x1  }
0x19a: {  	[tilespmem:v58+s24+$0x0] =	vst.idx.msk $0xffff, v56  }
0x19b: {  	v56 =	vld.idx.msk [tilespmem:v46+s21+$0x0], $0xffff;
	_ =	sdelay $0x1  }
0x19c: {  	v38 =	vor.u32 v50, v57  }
0x19d: {  	v41 =	vor.u32 v4, v59;
	_ =	sdelay $0x1  }
0x19e: {  	v56 =	vadd.f32 v56, v62;
	_ =	sdelay $0x1  }
0x19f: {  	[tilespmem:v38+s24+$0x0] =	vst.idx.msk $0xffff, v56  }
0x1a0: {  	v56 =	vld.idx.msk [tilespmem:v41+s21+$0x0], $0xffff;
	_ =	sdelay $0x1  }
0x1a1: {  	v45 =	vor.u32 v51, v57  }
0x1a2: {  	v59 =	vor.u32 v6, v59;
	_ =	sdelay $0x1  }
0x1a3: {  	v56 =	vadd.f32 v56, v63;
	_ =	sdelay $0x1  }
0x1a4: {  	[tilespmem:v45+s24+$0x0] =	vst.idx.msk $0xffff, v56  }
0x1a5: {  	v56 =	vld.idx.msk [tilespmem:v59+s21+$0x0], $0xffff  }
0x1a6: {  	v46 =	vor.u32 s7, v54  }
0x1a7: {  	v57 =	vor.u32 v52, v57;
	v59 =	vshll.u32 v46, $0x6  }
0x1a8: {  	v38 =	vor.u32 v0, v59;
	_ =	sdelay $0x1  }
0x1a9: {  	v56 =	vadd.f32 v56, v17;
	_ =	sdelay $0x1  }
0x1aa: {  	[tilespmem:v57+s24+$0x0] =	vst.idx.msk $0xffff, v56  }
0x1ab: {  	v56 =	vld.idx.msk [tilespmem:v38+s21+$0x0], $0xffff  }
0x1ac: {  	v57 =	vand.u32 $0x78, v46  }
0x1ad: {  	v58 =	vor.u32 v1, v57  }
0x1ae: {  	v41 =	vor.u32 v2, v59;
	_ =	sdelay $0x1  }
0x1af: {  	v56 =	vadd.f32 v56, v61;
	_ =	sdelay $0x1  }
0x1b0: {  	[tilespmem:v58+s24+$0x0] =	vst.idx.msk $0xffff, v56  }
0x1b1: {  	v56 =	vld.idx.msk [tilespmem:v41+s21+$0x0], $0xffff;
	_ =	sdelay $0x1  }
0x1b2: {  	v45 =	vor.u32 v3, v57  }
0x1b3: {  	v46 =	vor.u32 v4, v59;
	_ =	sdelay $0x1  }
0x1b4: {  	v56 =	vadd.f32 v56, v62;
	_ =	sdelay $0x1  }
0x1b5: {  	[tilespmem:v45+s24+$0x0] =	vst.idx.msk $0xffff, v56  }
0x1b6: {  	v56 =	vld.idx.msk [tilespmem:v46+s21+$0x0], $0xffff;
	_ =	sdelay $0x1  }
0x1b7: {  	v38 =	vor.u32 v5, v57  }
0x1b8: {  	v59 =	vor.u32 v6, v59;
	_ =	sdelay $0x1  }
0x1b9: {  	v56 =	vadd.f32 v56, v63;
	_ =	sdelay $0x1  }
0x1ba: {  	[tilespmem:v38+s24+$0x0] =	vst.idx.msk $0xffff, v56  }
0x1bb: {  	v56 =	vld.idx.msk [tilespmem:v59+s21+$0x0], $0xffff  }
0x1bc: {  	v41 =	vor.u32 s7, v55  }
0x1bd: {  	v57 =	vor.u32 v7, v57;
	v59 =	vshll.u32 v41, $0x6  }
0x1be: {  	v45 =	vor.u32 v0, v59;
	_ =	sdelay $0x1  }
0x1bf: {  	v56 =	vadd.f32 v56, v17;
	_ =	sdelay $0x1  }
0x1c0: {  	[tilespmem:v57+s24+$0x0] =	vst.idx.msk $0xffff, v56  }
0x1c1: {  	v56 =	vld.idx.msk [tilespmem:v45+s21+$0x0], $0xffff  }
0x1c2: {  	v57 =	vand.u32 $0x78, v41  }
0x1c3: {  	v58 =	vor.u32 v9, v57  }
0x1c4: {  	v46 =	vor.u32 v2, v59;
	_ =	sdelay $0x1  }
0x1c5: {  	v56 =	vadd.f32 v56, v61;
	_ =	sdelay $0x1  }
0x1c6: {  	[tilespmem:v58+s24+$0x0] =	vst.idx.msk $0xffff, v56  }
0x1c7: {  	v56 =	vld.idx.msk [tilespmem:v46+s21+$0x0], $0xffff;
	_ =	sdelay $0x1  }
0x1c8: {  	v38 =	vor.u32 v10, v57  }
0x1c9: {  	v41 =	vor.u32 v4, v59;
	_ =	sdelay $0x1  }
0x1ca: {  	v56 =	vadd.f32 v56, v62;
	_ =	sdelay $0x1  }
0x1cb: {  	[tilespmem:v38+s24+$0x0] =	vst.idx.msk $0xffff, v56  }
0x1cc: {  	v56 =	vld.idx.msk [tilespmem:v41+s21+$0x0], $0xffff;
	_ =	sdelay $0x1  }
0x1cd: {  	v45 =	vor.u32 v11, v57  }
0x1ce: {  	v59 =	vor.u32 v6, v59  }
0x1cf: {  	v8 =	vld [tilespmem:$0x1FFD0]  }
0x1d0: {  	v56 =	vadd.f32 v56, v63;
	_ =	sdelay $0x1  }
0x1d1: {  	[tilespmem:v45+s24+$0x0] =	vst.idx.msk $0xffff, v56  }
0x1d2: {  	v56 =	vld.idx.msk [tilespmem:v59+s21+$0x0], $0xffff  }
0x1d3: {  	v46 =	vor.u32 s7, v8  }
0x1d4: {  	v57 =	vor.u32 v12, v57;
	v59 =	vshll.u32 v46, $0x6  }
0x1d5: {  	v38 =	vor.u32 v0, v59;
	_ =	sdelay $0x1  }
0x1d6: {  	v56 =	vadd.f32 v56, v17;
	_ =	sdelay $0x1  }
0x1d7: {  	[tilespmem:v57+s24+$0x0] =	vst.idx.msk $0xffff, v56  }
0x1d8: {  	v56 =	vld.idx.msk [tilespmem:v38+s21+$0x0], $0xffff  }
0x1d9: {  	v57 =	vand.u32 $0x78, v46  }
0x1da: {  	v58 =	vor.u32 v14, v57  }
0x1db: {  	v41 =	vor.u32 v2, v59;
	_ =	sdelay $0x1  }
0x1dc: {  	v56 =	vadd.f32 v56, v61;
	_ =	sdelay $0x1  }
0x1dd: {  	[tilespmem:v58+s24+$0x0] =	vst.idx.msk $0xffff, v56  }
0x1de: {  	v56 =	vld.idx.msk [tilespmem:v41+s21+$0x0], $0xffff;
	_ =	sdelay $0x1  }
0x1df: {  	v45 =	vor.u32 v15, v57  }
0x1e0: {  	v46 =	vor.u32 v4, v59;
	_ =	sdelay $0x1  }
0x1e1: {  	v56 =	vadd.f32 v56, v62;
	_ =	sdelay $0x1  }
0x1e2: {  	[tilespmem:v45+s24+$0x0] =	vst.idx.msk $0xffff, v56  }
0x1e3: {  	v56 =	vld.idx.msk [tilespmem:v46+s21+$0x0], $0xffff  }
0x1e4: {  	v8 =	vld [tilespmem:$0x1FF80]  }
0x1e5: {  	v38 =	vor.u32 v16, v57  }
0x1e6: {  	v59 =	vor.u32 v6, v59;
	_ =	sdelay $0x1  }
0x1e7: {  	v56 =	vadd.f32 v56, v63  }
0x1e8: {  	v41 =	vcombine.low v18, v8  }
0x1e9: {  	[tilespmem:v38+s24+$0x0] =	vst.idx.msk $0xffff, v56  }
0x1ea: {  	v56 =	vand.u32 $0xF, v41;
	v58 =	vld.idx.msk [tilespmem:v59+s21+$0x0], $0xffff  }
0x1eb: {  	v45 =	vor.u32 s7, v56  }
0x1ec: {  	v57 =	vor.u32 v19, v57;
	v60 =	vshll.u32 v45, $0x6  }
0x1ed: {  	v38 =	vmov v18;
	v18 =	vor.u32 v0, v60;
	_ =	sdelay $0x1  }
0x1ee: {  	v58 =	vadd.f32 v58, v17;
	_ =	sdelay $0x1  }
0x1ef: {  	[tilespmem:v57+s24+$0x0] =	vst.idx.msk $0xffff, v58  }
0x1f0: {  	v18 =	vld.idx.msk [tilespmem:v18+s21+$0x0], $0xffff  }
0x1f1: {  	v58 =	vand.u32 $0x78, v45  }
0x1f2: {  	v46 =	vor.u32 v21, v58  }
0x1f3: {  	v41 =	vor.u32 v2, v60;
	_ =	sdelay $0x1  }
0x1f4: {  	v18 =	vadd.f32 v18, v61;
	_ =	sdelay $0x1  }
0x1f5: {  	[tilespmem:v46+s24+$0x0] =	vst.idx.msk $0xffff, v18  }
0x1f6: {  	v18 =	vld.idx.msk [tilespmem:v41+s21+$0x0], $0xffff;
	_ =	sdelay $0x1  }
0x1f7: {  	v45 =	vor.u32 v22, v58  }
0x1f8: {  	v46 =	vor.u32 v4, v60;
	_ =	sdelay $0x1  }
0x1f9: {  	v18 =	vadd.f32 v18, v62;
	_ =	sdelay $0x1  }
0x1fa: {  	[tilespmem:v45+s24+$0x0] =	vst.idx.msk $0xffff, v18  }
0x1fb: {  	v18 =	vld.idx.msk [tilespmem:v46+s21+$0x0], $0xffff;
	_ =	sdelay $0x1  }
0x1fc: {  	v41 =	vor.u32 v23, v58  }
0x1fd: {  	v45 =	vor.u32 v6, v60;
	_ =	sdelay $0x1  }
0x1fe: {  	v18 =	vadd.f32 v18, v63  }
0x1ff: {  	v46 =	vcombine.low v24, v25  }
0x200: {  	[tilespmem:v41+s24+$0x0] =	vst.idx.msk $0xffff, v18  }
0x201: {  	v57 =	vand.u32 $0xF, v46;
	v18 =	vld.idx.msk [tilespmem:v45+s21+$0x0], $0xffff  }
0x202: {  	v41 =	vor.u32 s7, v57  }
0x203: {  	v58 =	vor.u32 v26, v58;
	v60 =	vshll.u32 v41, $0x6  }
0x204: {  	v45 =	vmov v24;
	v24 =	vor.u32 v0, v60;
	_ =	sdelay $0x1  }
0x205: {  	v18 =	vadd.f32 v18, v17;
	_ =	sdelay $0x1  }
0x206: {  	[tilespmem:v58+s24+$0x0] =	vst.idx.msk $0xffff, v18  }
0x207: {  	v18 =	vld.idx.msk [tilespmem:v24+s21+$0x0], $0xffff  }
0x208: {  	v24 =	vand.u32 $0x78, v41  }
0x209: {  	v41 =	vor.u32 v28, v24  }
0x20a: {  	v46 =	vor.u32 v2, v60;
	_ =	sdelay $0x1  }
0x20b: {  	v18 =	vadd.f32 v18, v61;
	_ =	sdelay $0x1  }
0x20c: {  	[tilespmem:v41+s24+$0x0] =	vst.idx.msk $0xffff, v18  }
0x20d: {  	v18 =	vld.idx.msk [tilespmem:v46+s21+$0x0], $0xffff;
	_ =	sdelay $0x1  }
0x20e: {  	v41 =	vor.u32 v29, v24  }
0x20f: {  	v46 =	vor.u32 v4, v60;
	_ =	sdelay $0x1  }
0x210: {  	v18 =	vadd.f32 v18, v62;
	_ =	sdelay $0x1  }
0x211: {  	[tilespmem:v41+s24+$0x0] =	vst.idx.msk $0xffff, v18  }
0x212: {  	v18 =	vld.idx.msk [tilespmem:v46+s21+$0x0], $0xffff;
	_ =	sdelay $0x1  }
0x213: {  	v58 =	vor.u32 v30, v24  }
0x214: {  	v41 =	vor.u32 v6, v60;
	_ =	sdelay $0x1  }
0x215: {  	v18 =	vadd.f32 v18, v63  }
0x216: {  	v46 =	vcombine.low v31, v32  }
0x217: {  	[tilespmem:v58+s24+$0x0] =	vst.idx.msk $0xffff, v18  }
0x218: {  	v58 =	vand.u32 $0xF, v46;
	v18 =	vld.idx.msk [tilespmem:v41+s21+$0x0], $0xffff  }
0x219: {  	v41 =	vor.u32 s7, v58  }
0x21a: {  	v24 =	vor.u32 v33, v24;
	v60 =	vshll.u32 v41, $0x6  }
0x21b: {  	v46 =	vmov v25;
	v25 =	vor.u32 v0, v60;
	_ =	sdelay $0x1  }
0x21c: {  	v18 =	vadd.f32 v18, v17;
	_ =	sdelay $0x1  }
0x21d: {  	[tilespmem:v24+s24+$0x0] =	vst.idx.msk $0xffff, v18  }
0x21e: {  	v18 =	vld.idx.msk [tilespmem:v25+s21+$0x0], $0xffff  }
0x21f: {  	v24 =	vand.u32 $0x78, v41  }
0x220: {  	v25 =	vor.u32 v35, v24  }
0x221: {  	v41 =	vor.u32 v2, v60;
	_ =	sdelay $0x1  }
0x222: {  	v18 =	vadd.f32 v18, v61;
	_ =	sdelay $0x1  }
0x223: {  	[tilespmem:v25+s24+$0x0] =	vst.idx.msk $0xffff, v18  }
0x224: {  	v18 =	vld.idx.msk [tilespmem:v41+s21+$0x0], $0xffff;
	_ =	sdelay $0x1  }
0x225: {  	v25 =	vor.u32 v36, v24  }
0x226: {  	v41 =	vor.u32 v4, v60;
	_ =	sdelay $0x1  }
0x227: {  	v18 =	vadd.f32 v18, v62;
	_ =	sdelay $0x1  }
0x228: {  	v8 =	vld [tilespmem:$0x1FF90];
	[tilespmem:v25+s24+$0x0] =	vst.idx.msk $0xffff, v18  }
0x229: {  	v18 =	vld.idx.msk [tilespmem:v41+s21+$0x0], $0xffff  }
0x22a: {  	v41 =	vld [tilespmem:$0x1FFA0]  }
0x22b: {  	v25 =	vor.u32 v37, v24  }
0x22c: {  	v59 =	vor.u32 v6, v60;
	_ =	sdelay $0x1  }
0x22d: {  	v18 =	vadd.f32 v18, v63  }
0x22e: {  	v41 =	vcombine.low v8, v41  }
0x22f: {  	[tilespmem:v25+s24+$0x0] =	vst.idx.msk $0xffff, v18  }
0x230: {  	v18 =	vld.idx.msk [tilespmem:v59+s21+$0x0], $0xffff;
	v59 =	vand.u32 $0xF, v41  }
0x231: {  	v25 =	vor.u32 s7, v59  }
0x232: {  	v24 =	vor.u32 v40, v24;
	v41 =	vshll.u32 v25, $0x6  }
0x233: {  	v8 =	vmov v31;
	v31 =	vor.u32 v0, v41;
	_ =	sdelay $0x1  }
0x234: {  	v18 =	vadd.f32 v18, v17;
	_ =	sdelay $0x1  }
0x235: {  	[tilespmem:v24+s24+$0x0] =	vst.idx.msk $0xffff, v18  }
0x236: {  	v18 =	vld.idx.msk [tilespmem:v31+s21+$0x0], $0xffff  }
0x237: {  	v24 =	vand.u32 $0x78, v25  }
0x238: {  	v25 =	vor.u32 v42, v24  }
0x239: {  	v31 =	vor.u32 v2, v41;
	_ =	sdelay $0x1  }
0x23a: {  	v18 =	vadd.f32 v18, v61;
	_ =	sdelay $0x1  }
0x23b: {  	[tilespmem:v25+s24+$0x0] =	vst.idx.msk $0xffff, v18  }
0x23c: {  	v18 =	vld.idx.msk [tilespmem:v31+s21+$0x0], $0xffff;
	_ =	sdelay $0x1  }
0x23d: {  	v25 =	vor.u32 v43, v24  }
0x23e: {  	v31 =	vor.u32 v4, v41;
	_ =	sdelay $0x1  }
0x23f: {  	v18 =	vadd.f32 v18, v62;
	_ =	sdelay $0x1  }
0x240: {  	v60 =	vld [tilespmem:$0x1FFC0];
	[tilespmem:v25+s24+$0x0] =	vst.idx.msk $0xffff, v18  }
0x241: {  	v18 =	vld.idx.msk [tilespmem:v31+s21+$0x0], $0xffff  }
0x242: {  	v31 =	vor.u32 v6, v41;
	v41 =	vld [tilespmem:$0x1FFB0]  }
0x243: {  	v25 =	vor.u32 v44, v24;
	_ =	sdelay $0x2  }
0x244: {  	v18 =	vadd.f32 v18, v63  }
0x245: {  	v60 =	vcombine.low v41, v60  }
0x246: {  	[tilespmem:v25+s24+$0x0] =	vst.idx.msk $0xffff, v18  }
0x247: {  	v60 =	vand.u32 $0xF, v60;
	v18 =	vld.idx.msk [tilespmem:v31+s21+$0x0], $0xffff  }
0x248: {  	v25 =	vor.u32 s7, v60  }
0x249: {  	v24 =	vor.u32 v47, v24;
	v31 =	vshll.u32 v25, $0x6  }
0x24a: {  	v41 =	vmov v32;
	v32 =	vor.u32 v0, v31;
	_ =	sdelay $0x1  }
0x24b: {  	v18 =	vadd.f32 v18, v17;
	_ =	sdelay $0x1  }
0x24c: {  	[tilespmem:v24+s24+$0x0] =	vst.idx.msk $0xffff, v18  }
0x24d: {  	v18 =	vld.idx.msk [tilespmem:v32+s21+$0x0], $0xffff  }
0x24e: {  	v24 =	vand.u32 $0x78, v25  }
0x24f: {  	v25 =	vor.u32 v49, v24  }
0x250: {  	v32 =	vor.u32 v2, v31;
	_ =	sdelay $0x1  }
0x251: {  	v18 =	vadd.f32 v18, v61;
	_ =	sdelay $0x1  }
0x252: {  	[tilespmem:v25+s24+$0x0] =	vst.idx.msk $0xffff, v18  }
0x253: {  	v18 =	vld.idx.msk [tilespmem:v32+s21+$0x0], $0xffff;
	_ =	sdelay $0x1  }
0x254: {  	v25 =	vor.u32 v50, v24  }
0x255: {  	v32 =	vor.u32 v4, v31;
	_ =	sdelay $0x1  }
0x256: {  	v18 =	vadd.f32 v18, v62;
	_ =	sdelay $0x1  }
0x257: {  	[tilespmem:v25+s24+$0x0] =	vst.idx.msk $0xffff, v18  }
0x258: {  	v18 =	vld.idx.msk [tilespmem:v32+s21+$0x0], $0xffff;
	_ =	sdelay $0x1  }
0x259: {  	v25 =	vor.u32 v51, v24  }
0x25a: {  	v31 =	vor.u32 v6, v31;
	_ =	sdelay $0x1  }
0x25b: {  	v18 =	vadd.f32 v18, v63;
	_ =	sdelay $0x1  }
0x25c: {  	[tilespmem:v25+s24+$0x0] =	vst.idx.msk $0xffff, v18  }
0x25d: {  	v18 =	vld.idx.msk [tilespmem:v31+s21+$0x0], $0xffff;
	_ =	sdelay $0x3  }
0x25e: {  	p1 =	sne.s32 s7, $0x70;
	v24 =	vor.u32 v52, v24  }
.Ltmp0:
0x25f: {  	v18 =	vadd.f32 v18, v17;
	(pc) =	sbr.rel @p1 .LBB2_3-.Ltmp0, $2  }
0x260: {  	_ =	sdelay $0x2  }
0x261: {  	s7 =	sadd.s32 $0x10, s7;
	v32 =	vmovc v41;
	v25 =	vmovc v46;
	v31 =	vmov v8;
	[tilespmem:v24+s24+$0x0] =	vst.idx.msk $0xffff, v18;
	v24 =	vmov v45;
	v18 =	vmov v38  }
0x262: {  	s1 =	sadd.s32 s5, s1  }
0x263: {  	s1 =	sshll.u32 s1, $0x10  }
0x264: {  	s1 =	sor.u32 s9, s1  }
0x265: {  	s1 =	sshrl.u32 s1, $0x3  }
0x266: {  	s7 =	sadd.s32 s2, s1  }
0x267: {  	[hbm4b:s7+s3] =	stream.linear.scatter [tilespmem:s24], [sflag:$0x3], $0x400, $0x38;
	[tilespmem:$0x15480] =	vst v63  }
0x268: {  	s17 =	simm.s32 $0x10C00;
	s7 =	sadd.s32 s1, s10  }
0x269: {  	[hbm4b:s7+s3] =	stream.linear.scatter [tilespmem:s17], [sflag:$0x3], $0x400, $0x38;
	[tilespmem:$0x15480] =	vst v63  }
0x26a: {  	s7 =	sadd.s32 s1, s11;
	s17 =	simm.s32 $0x11000  }
0x26b: {  	[hbm4b:s7+s3] =	stream.linear.scatter [tilespmem:s17], [sflag:$0x3], $0x400, $0x38;
	[tilespmem:$0x15480] =	vst v63  }
0x26c: {  	s7 =	sadd.s32 s1, s12;
	s17 =	simm.s32 $0x11400  }
0x26d: {  	[hbm4b:s7+s3] =	stream.linear.scatter [tilespmem:s17], [sflag:$0x3], $0x400, $0x38;
	[tilespmem:$0x15480] =	vst v63  }
0x26e: {  	s7 =	sadd.s32 s1, s13;
	s17 =	simm.s32 $0x11800  }
0x26f: {  	[hbm4b:s7+s3] =	stream.linear.scatter [tilespmem:s17], [sflag:$0x3], $0x400, $0x38;
	[tilespmem:$0x15480] =	vst v63  }
0x270: {  	p1 =	sne.s32 s30, $0x18;
	s7 =	sadd.s32 s1, s14;
	s17 =	simm.s32 $0x11C00  }
0x271: {  	[hbm4b:s7+s3] =	stream.linear.scatter [tilespmem:s17], [sflag:$0x3], $0x400, $0x38;
	[tilespmem:$0x15480] =	vst v63  }
.Ltmp1:
0x272: {  	_ = 	snop;
	(pc) =	sbr.rel @p1 .LBB2_6-.Ltmp1, $4  }
0x273: {  	s7 =	sadd.s32 s1, s15;
	s17 =	simm.s32 $0x12000  }
0x274: {  	[hbm4b:s7+s3] =	stream.linear.scatter [tilespmem:s17], [sflag:$0x3], $0x400, $0x38;
	[tilespmem:$0x15480] =	vst v63  }
0x275: {  	s1 =	sadd.s32 s1, s16;
	s17 =	simm.s32 $0x12400  }
0x276: {  	v32 =	vmov v48;
	v48 =	vmov v39;
	[hbm4b:s1+s3] =	stream.linear.scatter [tilespmem:s17], [sflag:$0x3], $0x400, $0x38;
	[tilespmem:$0x15480] =	vst v63  }
.Ltmp2:
0x277: {  	(pc) =	sbr.rel .LBB2_7-.Ltmp2, $4  }
0x278: {  	_ = 	snop  }
0x279: {  	_ =	swait.ge [sflag:s0], $0x2000  }
0x27a: {  	[sflag:s0] =	ssyncset.done $0x0  }
0x27b: {  	v39 =	vmov v13;
	[sflag:s0] =	ssyncadd.s32 $0xFFFFE000  }
.LBB2_6:
0x27c: {  	s1 =	sshll.u32 s30, $0xB  }
0x27d: {  	s1 =	sand.u32 $0x3FFFF800, s1  }
0x27e: {  	s1 =	sor.u32 s8, s1  }
.Ltmp3:
0x27f: {  	s1 =	sadd.s32 $0x800, s1;
	(pc) =	sbr.rel @p0 .LBB2_8-.Ltmp3, $4  }
0x280: {  	[tilespmem:s21], [sflag:$0x1] =	stream.indirect.gather [hbm4b:s4+s20], $0x40, s1, s20, $0xb8;
	[tilespmem:$0x15480] =	vst v63  }
0x281: {  	_ =	swait.ge [sflag:s0], $0x2000  }
0x282: {  	[sflag:s0] =	ssyncset.done $0x0  }
0x283: {  	v39 =	vmov v13;
	[sflag:s0] =	ssyncadd.s32 $0xFFFFE000  }
.LBB2_7:
0x284: {  	_ =	swait.ge [sflag:s19], $0x400  }
0x285: {  	[sflag:s19] =	ssyncset.done $0x0  }
0x286: {  	[sflag:s19] =	ssyncadd.s32 $0xFFFFFC00  }
0x287: {  	_ =	swait.ge [sflag:s19], $0x400  }
0x288: {  	[sflag:s19] =	ssyncset.done $0x0  }
0x289: {  	[sflag:s19] =	ssyncadd.s32 $0xFFFFFC00  }
0x28a: {  	_ =	swait.ge [sflag:s19], $0x400  }
0x28b: {  	[sflag:s19] =	ssyncset.done $0x0  }
0x28c: {  	[sflag:s19] =	ssyncadd.s32 $0xFFFFFC00  }
0x28d: {  	_ =	swait.ge [sflag:s19], $0x400  }
0x28e: {  	[sflag:s19] =	ssyncset.done $0x0  }
0x28f: {  	[sflag:s19] =	ssyncadd.s32 $0xFFFFFC00  }
0x290: {  	_ =	swait.ge [sflag:s19], $0x400  }
0x291: {  	[sflag:s19] =	ssyncset.done $0x0  }
0x292: {  	[sflag:s19] =	ssyncadd.s32 $0xFFFFFC00  }
0x293: {  	_ =	swait.ge [sflag:s19], $0x400  }
0x294: {  	[sflag:s19] =	ssyncset.done $0x0  }
0x295: {  	[sflag:s19] =	ssyncadd.s32 $0xFFFFFC00  }
0x296: {  	_ =	swait.ge [sflag:s19], $0x400  }
0x297: {  	[sflag:s19] =	ssyncset.done $0x0  }
0x298: {  	[sflag:s19] =	ssyncadd.s32 $0xFFFFFC00  }
0x299: {  	_ =	swait.ge [sflag:s19], $0x400  }
0x29a: {  	[sflag:s19] =	ssyncset.done $0x0  }
0x29b: {  	[sflag:s19] =	ssyncadd.s32 $0xFFFFFC00  }
.LBB2_8:
0x29c: {  	v13 =	vld [tilespmem:$0x1FFD0]  }
0x29d: {  	v9 =	vld [tilespmem:$0x1FF70]  }
0x29e: {  	s1 =	sshll.u32 s31, $0x6;
	v7 =	vld [tilespmem:$0x1FFE0]  }
0x29f: {  	v3 =	vld [tilespmem:$0x1FF60];
	s1 =	sand.u32 $0x3FFFFFC0, s1  }
0x2a0: {  	v17 =	vld [tilespmem:s1+$0x14800]  }
0x2a1: {  	v61 =	vld [tilespmem:s1+$0x14810]  }
0x2a2: {  	v62 =	vld [tilespmem:s1+$0x14820]  }
0x2a3: {  	v27 =	vmov v34;
	v34 =	vmov v32;
	v63 =	vld [tilespmem:s1+$0x14830];
	s1 =	simm.s32 $0x0  }
.LBB2_9:
0x2a4: {  	v18 =	vor.u32 s1, v0  }
0x2a5: {  	v24 =	vshll.u32 v18, $0x6  }
0x2a6: {  	v25 =	vor.u32 v0, v24;
	_ =	sdelay $0x4  }
0x2a7: {  	v25 =	vld.idx.msk [tilespmem:v25+s22+$0x0], $0xffff  }
0x2a8: {  	v18 =	vand.u32 $0x78, v18  }
0x2a9: {  	v31 =	vor.u32 v1, v18  }
0x2aa: {  	v32 =	vor.u32 v2, v24;
	_ =	sdelay $0x1  }
0x2ab: {  	v25 =	vadd.f32 v25, v17;
	_ =	sdelay $0x1  }
0x2ac: {  	[tilespmem:v31+s6+$0x0] =	vst.idx.msk $0xffff, v25  }
0x2ad: {  	v25 =	vld.idx.msk [tilespmem:v32+s22+$0x0], $0xffff;
	_ =	sdelay $0x1  }
0x2ae: {  	v31 =	vor.u32 v3, v18  }
0x2af: {  	v32 =	vor.u32 v4, v24;
	_ =	sdelay $0x1  }
0x2b0: {  	v25 =	vadd.f32 v25, v61;
	_ =	sdelay $0x1  }
0x2b1: {  	[tilespmem:v31+s6+$0x0] =	vst.idx.msk $0xffff, v25  }
0x2b2: {  	v25 =	vld.idx.msk [tilespmem:v32+s22+$0x0], $0xffff;
	_ =	sdelay $0x1  }
0x2b3: {  	v31 =	vor.u32 v5, v18  }
0x2b4: {  	v24 =	vor.u32 v6, v24;
	_ =	sdelay $0x1  }
0x2b5: {  	v25 =	vadd.f32 v25, v62;
	_ =	sdelay $0x1  }
0x2b6: {  	[tilespmem:v31+s6+$0x0] =	vst.idx.msk $0xffff, v25  }
0x2b7: {  	v24 =	vld.idx.msk [tilespmem:v24+s22+$0x0], $0xffff  }
0x2b8: {  	v25 =	vor.u32 s1, v48  }
0x2b9: {  	v18 =	vor.u32 v9, v18;
	v31 =	vshll.u32 v25, $0x6  }
0x2ba: {  	v32 =	vor.u32 v0, v31;
	_ =	sdelay $0x1  }
0x2bb: {  	v24 =	vadd.f32 v24, v63;
	_ =	sdelay $0x1  }
0x2bc: {  	[tilespmem:v18+s6+$0x0] =	vst.idx.msk $0xffff, v24  }
0x2bd: {  	v18 =	vld.idx.msk [tilespmem:v32+s22+$0x0], $0xffff  }
0x2be: {  	v24 =	vand.u32 $0x78, v25  }
0x2bf: {  	v25 =	vor.u32 v7, v24  }
0x2c0: {  	v32 =	vor.u32 v2, v31;
	_ =	sdelay $0x1  }
0x2c1: {  	v18 =	vadd.f32 v18, v17;
	_ =	sdelay $0x1  }
0x2c2: {  	[tilespmem:v25+s6+$0x0] =	vst.idx.msk $0xffff, v18  }
0x2c3: {  	v18 =	vld.idx.msk [tilespmem:v32+s22+$0x0], $0xffff;
	_ =	sdelay $0x1  }
0x2c4: {  	v25 =	vor.u32 v10, v24  }
0x2c5: {  	v32 =	vor.u32 v4, v31;
	_ =	sdelay $0x1  }
0x2c6: {  	v18 =	vadd.f32 v18, v61;
	_ =	sdelay $0x1  }
0x2c7: {  	[tilespmem:v25+s6+$0x0] =	vst.idx.msk $0xffff, v18  }
0x2c8: {  	v18 =	vld.idx.msk [tilespmem:v32+s22+$0x0], $0xffff;
	_ =	sdelay $0x1  }
0x2c9: {  	v25 =	vor.u32 v11, v24  }
0x2ca: {  	v31 =	vor.u32 v6, v31;
	_ =	sdelay $0x1  }
0x2cb: {  	v18 =	vadd.f32 v18, v62;
	_ =	sdelay $0x1  }
0x2cc: {  	[tilespmem:v25+s6+$0x0] =	vst.idx.msk $0xffff, v18  }
0x2cd: {  	v18 =	vld.idx.msk [tilespmem:v31+s22+$0x0], $0xffff  }
0x2ce: {  	v25 =	vor.u32 s1, v39  }
0x2cf: {  	v24 =	vor.u32 v12, v24;
	v31 =	vshll.u32 v25, $0x6  }
0x2d0: {  	v32 =	vor.u32 v0, v31;
	_ =	sdelay $0x1  }
0x2d1: {  	v18 =	vadd.f32 v18, v63;
	_ =	sdelay $0x1  }
0x2d2: {  	[tilespmem:v24+s6+$0x0] =	vst.idx.msk $0xffff, v18  }
0x2d3: {  	v18 =	vld.idx.msk [tilespmem:v32+s22+$0x0], $0xffff  }
0x2d4: {  	v24 =	vand.u32 $0x78, v25  }
0x2d5: {  	v25 =	vor.u32 v14, v24  }
0x2d6: {  	v32 =	vor.u32 v2, v31;
	_ =	sdelay $0x1  }
0x2d7: {  	v18 =	vadd.f32 v18, v17;
	_ =	sdelay $0x1  }
0x2d8: {  	[tilespmem:v25+s6+$0x0] =	vst.idx.msk $0xffff, v18  }
0x2d9: {  	v18 =	vld.idx.msk [tilespmem:v32+s22+$0x0], $0xffff;
	_ =	sdelay $0x1  }
0x2da: {  	v25 =	vor.u32 v15, v24  }
0x2db: {  	v32 =	vor.u32 v4, v31;
	_ =	sdelay $0x1  }
0x2dc: {  	v18 =	vadd.f32 v18, v61;
	_ =	sdelay $0x1  }
0x2dd: {  	[tilespmem:v25+s6+$0x0] =	vst.idx.msk $0xffff, v18  }
0x2de: {  	v18 =	vld.idx.msk [tilespmem:v32+s22+$0x0], $0xffff;
	_ =	sdelay $0x1  }
0x2df: {  	v25 =	vor.u32 v16, v24  }
0x2e0: {  	v31 =	vor.u32 v6, v31;
	_ =	sdelay $0x1  }
0x2e1: {  	v18 =	vadd.f32 v18, v62;
	_ =	sdelay $0x1  }
0x2e2: {  	[tilespmem:v25+s6+$0x0] =	vst.idx.msk $0xffff, v18  }
0x2e3: {  	v18 =	vld.idx.msk [tilespmem:v31+s22+$0x0], $0xffff  }
0x2e4: {  	v25 =	vor.u32 s1, v20  }
0x2e5: {  	v24 =	vor.u32 v19, v24;
	v31 =	vshll.u32 v25, $0x6  }
0x2e6: {  	v32 =	vor.u32 v0, v31;
	_ =	sdelay $0x1  }
0x2e7: {  	v18 =	vadd.f32 v18, v63;
	_ =	sdelay $0x1  }
0x2e8: {  	[tilespmem:v24+s6+$0x0] =	vst.idx.msk $0xffff, v18  }
0x2e9: {  	v18 =	vld.idx.msk [tilespmem:v32+s22+$0x0], $0xffff  }
0x2ea: {  	v24 =	vand.u32 $0x78, v25  }
0x2eb: {  	v25 =	vor.u32 v21, v24  }
0x2ec: {  	v32 =	vor.u32 v2, v31;
	_ =	sdelay $0x1  }
0x2ed: {  	v18 =	vadd.f32 v18, v17;
	_ =	sdelay $0x1  }
0x2ee: {  	[tilespmem:v25+s6+$0x0] =	vst.idx.msk $0xffff, v18  }
0x2ef: {  	v18 =	vld.idx.msk [tilespmem:v32+s22+$0x0], $0xffff;
	_ =	sdelay $0x1  }
0x2f0: {  	v25 =	vor.u32 v22, v24  }
0x2f1: {  	v32 =	vor.u32 v4, v31;
	_ =	sdelay $0x1  }
0x2f2: {  	v18 =	vadd.f32 v18, v61;
	_ =	sdelay $0x1  }
0x2f3: {  	[tilespmem:v25+s6+$0x0] =	vst.idx.msk $0xffff, v18  }
0x2f4: {  	v18 =	vld.idx.msk [tilespmem:v32+s22+$0x0], $0xffff;
	_ =	sdelay $0x1  }
0x2f5: {  	v25 =	vor.u32 v23, v24;
	_ =	sdelay $0x2  }
0x2f6: {  	v18 =	vadd.f32 v18, v62  }
0x2f7: {  	v31 =	vor.u32 v6, v31  }
0x2f8: {  	[tilespmem:v25+s6+$0x0] =	vst.idx.msk $0xffff, v18;
	v25 =	vld [tilespmem:$0x1FFF0];
	_ =	sdelay $0x3  }
0x2f9: {  	v18 =	vld.idx.msk [tilespmem:v31+s22+$0x0], $0xffff  }
0x2fa: {  	v25 =	vor.u32 s1, v25  }
0x2fb: {  	v24 =	vor.u32 v26, v24;
	v31 =	vshll.u32 v25, $0x6  }
0x2fc: {  	v32 =	vor.u32 v0, v31;
	_ =	sdelay $0x1  }
0x2fd: {  	v18 =	vadd.f32 v18, v63;
	_ =	sdelay $0x1  }
0x2fe: {  	[tilespmem:v24+s6+$0x0] =	vst.idx.msk $0xffff, v18  }
0x2ff: {  	v18 =	vld.idx.msk [tilespmem:v32+s22+$0x0], $0xffff  }
0x300: {  	v24 =	vand.u32 $0x78, v25  }
0x301: {  	v25 =	vor.u32 v28, v24  }
0x302: {  	v32 =	vor.u32 v2, v31;
	_ =	sdelay $0x1  }
0x303: {  	v18 =	vadd.f32 v18, v17;
	_ =	sdelay $0x1  }
0x304: {  	[tilespmem:v25+s6+$0x0] =	vst.idx.msk $0xffff, v18  }
0x305: {  	v18 =	vld.idx.msk [tilespmem:v32+s22+$0x0], $0xffff;
	_ =	sdelay $0x1  }
0x306: {  	v25 =	vor.u32 v29, v24  }
0x307: {  	v32 =	vor.u32 v4, v31;
	_ =	sdelay $0x1  }
0x308: {  	v18 =	vadd.f32 v18, v61;
	_ =	sdelay $0x1  }
0x309: {  	[tilespmem:v25+s6+$0x0] =	vst.idx.msk $0xffff, v18  }
0x30a: {  	v18 =	vld.idx.msk [tilespmem:v32+s22+$0x0], $0xffff;
	_ =	sdelay $0x1  }
0x30b: {  	v25 =	vor.u32 v30, v24  }
0x30c: {  	v31 =	vor.u32 v6, v31;
	_ =	sdelay $0x1  }
0x30d: {  	v18 =	vadd.f32 v18, v62;
	_ =	sdelay $0x1  }
0x30e: {  	[tilespmem:v25+s6+$0x0] =	vst.idx.msk $0xffff, v18  }
0x30f: {  	v18 =	vld.idx.msk [tilespmem:v31+s22+$0x0], $0xffff  }
0x310: {  	v25 =	vor.u32 s1, v27  }
0x311: {  	v24 =	vor.u32 v33, v24;
	v31 =	vshll.u32 v25, $0x6  }
0x312: {  	v32 =	vor.u32 v0, v31;
	_ =	sdelay $0x1  }
0x313: {  	v18 =	vadd.f32 v18, v63;
	_ =	sdelay $0x1  }
0x314: {  	[tilespmem:v24+s6+$0x0] =	vst.idx.msk $0xffff, v18  }
0x315: {  	v18 =	vld.idx.msk [tilespmem:v32+s22+$0x0], $0xffff  }
0x316: {  	v24 =	vand.u32 $0x78, v25  }
0x317: {  	v25 =	vor.u32 v35, v24  }
0x318: {  	v32 =	vor.u32 v2, v31;
	_ =	sdelay $0x1  }
0x319: {  	v18 =	vadd.f32 v18, v17;
	_ =	sdelay $0x1  }
0x31a: {  	[tilespmem:v25+s6+$0x0] =	vst.idx.msk $0xffff, v18  }
0x31b: {  	v18 =	vld.idx.msk [tilespmem:v32+s22+$0x0], $0xffff;
	_ =	sdelay $0x1  }
0x31c: {  	v25 =	vor.u32 v36, v24  }
0x31d: {  	v32 =	vor.u32 v4, v31;
	_ =	sdelay $0x1  }
0x31e: {  	v18 =	vadd.f32 v18, v61;
	_ =	sdelay $0x1  }
0x31f: {  	[tilespmem:v25+s6+$0x0] =	vst.idx.msk $0xffff, v18  }
0x320: {  	v18 =	vld.idx.msk [tilespmem:v32+s22+$0x0], $0xffff;
	_ =	sdelay $0x1  }
0x321: {  	v25 =	vor.u32 v37, v24  }
0x322: {  	v31 =	vor.u32 v6, v31;
	_ =	sdelay $0x1  }
0x323: {  	v18 =	vadd.f32 v18, v62;
	_ =	sdelay $0x1  }
0x324: {  	[tilespmem:v25+s6+$0x0] =	vst.idx.msk $0xffff, v18  }
0x325: {  	v18 =	vld.idx.msk [tilespmem:v31+s22+$0x0], $0xffff  }
0x326: {  	v25 =	vor.u32 s1, v34  }
0x327: {  	v24 =	vor.u32 v40, v24;
	v31 =	vshll.u32 v25, $0x6  }
0x328: {  	v32 =	vor.u32 v0, v31;
	_ =	sdelay $0x1  }
0x329: {  	v18 =	vadd.f32 v18, v63;
	_ =	sdelay $0x1  }
0x32a: {  	[tilespmem:v24+s6+$0x0] =	vst.idx.msk $0xffff, v18  }
0x32b: {  	v18 =	vld.idx.msk [tilespmem:v32+s22+$0x0], $0xffff  }
0x32c: {  	v24 =	vand.u32 $0x78, v25  }
0x32d: {  	v25 =	vor.u32 v42, v24  }
0x32e: {  	v32 =	vor.u32 v2, v31;
	_ =	sdelay $0x1  }
0x32f: {  	v18 =	vadd.f32 v18, v17;
	_ =	sdelay $0x1  }
0x330: {  	[tilespmem:v25+s6+$0x0] =	vst.idx.msk $0xffff, v18  }
0x331: {  	v18 =	vld.idx.msk [tilespmem:v32+s22+$0x0], $0xffff;
	_ =	sdelay $0x1  }
0x332: {  	v25 =	vor.u32 v43, v24  }
0x333: {  	v32 =	vor.u32 v4, v31;
	_ =	sdelay $0x1  }
0x334: {  	v18 =	vadd.f32 v18, v61;
	_ =	sdelay $0x1  }
0x335: {  	[tilespmem:v25+s6+$0x0] =	vst.idx.msk $0xffff, v18  }
0x336: {  	v18 =	vld.idx.msk [tilespmem:v32+s22+$0x0], $0xffff;
	_ =	sdelay $0x1  }
0x337: {  	v25 =	vor.u32 v44, v24  }
0x338: {  	v31 =	vor.u32 v6, v31;
	_ =	sdelay $0x1  }
0x339: {  	v18 =	vadd.f32 v18, v62;
	_ =	sdelay $0x1  }
0x33a: {  	[tilespmem:v25+s6+$0x0] =	vst.idx.msk $0xffff, v18  }
0x33b: {  	v18 =	vld.idx.msk [tilespmem:v31+s22+$0x0], $0xffff  }
0x33c: {  	v25 =	vor.u32 s1, v53  }
0x33d: {  	v24 =	vor.u32 v47, v24;
	v31 =	vshll.u32 v25, $0x6  }
0x33e: {  	v32 =	vor.u32 v0, v31;
	_ =	sdelay $0x1  }
0x33f: {  	v18 =	vadd.f32 v18, v63;
	_ =	sdelay $0x1  }
0x340: {  	[tilespmem:v24+s6+$0x0] =	vst.idx.msk $0xffff, v18  }
0x341: {  	v18 =	vld.idx.msk [tilespmem:v32+s22+$0x0], $0xffff  }
0x342: {  	v24 =	vand.u32 $0x78, v25  }
0x343: {  	v25 =	vor.u32 v49, v24  }
0x344: {  	v32 =	vor.u32 v2, v31;
	_ =	sdelay $0x1  }
0x345: {  	v18 =	vadd.f32 v18, v17;
	_ =	sdelay $0x1  }
0x346: {  	[tilespmem:v25+s6+$0x0] =	vst.idx.msk $0xffff, v18  }
0x347: {  	v18 =	vld.idx.msk [tilespmem:v32+s22+$0x0], $0xffff;
	_ =	sdelay $0x1  }
0x348: {  	v25 =	vor.u32 v50, v24  }
0x349: {  	v32 =	vor.u32 v4, v31;
	_ =	sdelay $0x1  }
0x34a: {  	v18 =	vadd.f32 v18, v61;
	_ =	sdelay $0x1  }
0x34b: {  	[tilespmem:v25+s6+$0x0] =	vst.idx.msk $0xffff, v18  }
0x34c: {  	v18 =	vld.idx.msk [tilespmem:v32+s22+$0x0], $0xffff;
	_ =	sdelay $0x1  }
0x34d: {  	v25 =	vor.u32 v51, v24  }
0x34e: {  	v31 =	vor.u32 v6, v31;
	_ =	sdelay $0x1  }
0x34f: {  	v18 =	vadd.f32 v18, v62;
	_ =	sdelay $0x1  }
0x350: {  	[tilespmem:v25+s6+$0x0] =	vst.idx.msk $0xffff, v18  }
0x351: {  	v18 =	vld.idx.msk [tilespmem:v31+s22+$0x0], $0xffff  }
0x352: {  	v25 =	vor.u32 s1, v54  }
0x353: {  	v24 =	vor.u32 v52, v24;
	v31 =	vshll.u32 v25, $0x6  }
0x354: {  	v32 =	vor.u32 v0, v31;
	_ =	sdelay $0x1  }
0x355: {  	v18 =	vadd.f32 v18, v63;
	_ =	sdelay $0x1  }
0x356: {  	[tilespmem:v24+s6+$0x0] =	vst.idx.msk $0xffff, v18  }
0x357: {  	v18 =	vld.idx.msk [tilespmem:v32+s22+$0x0], $0xffff  }
0x358: {  	v24 =	vand.u32 $0x78, v25  }
0x359: {  	v25 =	vor.u32 v1, v24  }
0x35a: {  	v32 =	vor.u32 v2, v31;
	_ =	sdelay $0x1  }
0x35b: {  	v18 =	vadd.f32 v18, v17;
	_ =	sdelay $0x1  }
0x35c: {  	[tilespmem:v25+s6+$0x0] =	vst.idx.msk $0xffff, v18  }
0x35d: {  	v18 =	vld.idx.msk [tilespmem:v32+s22+$0x0], $0xffff;
	_ =	sdelay $0x1  }
0x35e: {  	v25 =	vor.u32 v3, v24  }
0x35f: {  	v32 =	vor.u32 v4, v31;
	_ =	sdelay $0x1  }
0x360: {  	v18 =	vadd.f32 v18, v61;
	_ =	sdelay $0x1  }
0x361: {  	[tilespmem:v25+s6+$0x0] =	vst.idx.msk $0xffff, v18  }
0x362: {  	v18 =	vld.idx.msk [tilespmem:v32+s22+$0x0], $0xffff;
	_ =	sdelay $0x1  }
0x363: {  	v25 =	vor.u32 v5, v24  }
0x364: {  	v31 =	vor.u32 v6, v31;
	_ =	sdelay $0x1  }
0x365: {  	v18 =	vadd.f32 v18, v62;
	_ =	sdelay $0x1  }
0x366: {  	[tilespmem:v25+s6+$0x0] =	vst.idx.msk $0xffff, v18  }
0x367: {  	v18 =	vld.idx.msk [tilespmem:v31+s22+$0x0], $0xffff  }
0x368: {  	v25 =	vor.u32 s1, v55  }
0x369: {  	v24 =	vor.u32 v9, v24;
	v31 =	vshll.u32 v25, $0x6  }
0x36a: {  	v32 =	vor.u32 v0, v31;
	_ =	sdelay $0x1  }
0x36b: {  	v18 =	vadd.f32 v18, v63;
	_ =	sdelay $0x1  }
0x36c: {  	[tilespmem:v24+s6+$0x0] =	vst.idx.msk $0xffff, v18  }
0x36d: {  	v18 =	vld.idx.msk [tilespmem:v32+s22+$0x0], $0xffff  }
0x36e: {  	v24 =	vand.u32 $0x78, v25  }
0x36f: {  	v25 =	vor.u32 v7, v24  }
0x370: {  	v32 =	vor.u32 v2, v31;
	_ =	sdelay $0x1  }
0x371: {  	v18 =	vadd.f32 v18, v17;
	_ =	sdelay $0x1  }
0x372: {  	[tilespmem:v25+s6+$0x0] =	vst.idx.msk $0xffff, v18  }
0x373: {  	v18 =	vld.idx.msk [tilespmem:v32+s22+$0x0], $0xffff;
	_ =	sdelay $0x1  }
0x374: {  	v25 =	vor.u32 v10, v24  }
0x375: {  	v32 =	vor.u32 v4, v31;
	_ =	sdelay $0x1  }
0x376: {  	v18 =	vadd.f32 v18, v61;
	_ =	sdelay $0x1  }
0x377: {  	[tilespmem:v25+s6+$0x0] =	vst.idx.msk $0xffff, v18  }
0x378: {  	v18 =	vld.idx.msk [tilespmem:v32+s22+$0x0], $0xffff;
	_ =	sdelay $0x1  }
0x379: {  	v25 =	vor.u32 v11, v24  }
0x37a: {  	v31 =	vor.u32 v6, v31;
	_ =	sdelay $0x1  }
0x37b: {  	v18 =	vadd.f32 v18, v62;
	_ =	sdelay $0x1  }
0x37c: {  	[tilespmem:v25+s6+$0x0] =	vst.idx.msk $0xffff, v18  }
0x37d: {  	v18 =	vld.idx.msk [tilespmem:v31+s22+$0x0], $0xffff  }
0x37e: {  	v25 =	vor.u32 s1, v13  }
0x37f: {  	v24 =	vor.u32 v12, v24;
	v31 =	vshll.u32 v25, $0x6  }
0x380: {  	v32 =	vor.u32 v0, v31;
	_ =	sdelay $0x1  }
0x381: {  	v18 =	vadd.f32 v18, v63;
	_ =	sdelay $0x1  }
0x382: {  	[tilespmem:v24+s6+$0x0] =	vst.idx.msk $0xffff, v18  }
0x383: {  	v18 =	vld.idx.msk [tilespmem:v32+s22+$0x0], $0xffff  }
0x384: {  	v24 =	vand.u32 $0x78, v25  }
0x385: {  	v25 =	vor.u32 v14, v24  }
0x386: {  	v32 =	vor.u32 v2, v31;
	_ =	sdelay $0x1  }
0x387: {  	v18 =	vadd.f32 v18, v17;
	_ =	sdelay $0x1  }
0x388: {  	[tilespmem:v25+s6+$0x0] =	vst.idx.msk $0xffff, v18  }
0x389: {  	v18 =	vld.idx.msk [tilespmem:v32+s22+$0x0], $0xffff;
	_ =	sdelay $0x1  }
0x38a: {  	v25 =	vor.u32 v15, v24  }
0x38b: {  	v32 =	vor.u32 v4, v31;
	_ =	sdelay $0x1  }
0x38c: {  	v18 =	vadd.f32 v18, v61;
	_ =	sdelay $0x1  }
0x38d: {  	[tilespmem:v25+s6+$0x0] =	vst.idx.msk $0xffff, v18  }
0x38e: {  	v18 =	vld.idx.msk [tilespmem:v32+s22+$0x0], $0xffff;
	_ =	sdelay $0x1  }
0x38f: {  	v25 =	vor.u32 v16, v24  }
0x390: {  	v31 =	vor.u32 v6, v31;
	_ =	sdelay $0x1  }
0x391: {  	v18 =	vadd.f32 v18, v62;
	_ =	sdelay $0x1  }
0x392: {  	[tilespmem:v25+s6+$0x0] =	vst.idx.msk $0xffff, v18  }
0x393: {  	v18 =	vld.idx.msk [tilespmem:v31+s22+$0x0], $0xffff  }
0x394: {  	v25 =	vor.u32 s1, v56  }
0x395: {  	v24 =	vor.u32 v19, v24;
	v31 =	vshll.u32 v25, $0x6  }
0x396: {  	v32 =	vor.u32 v0, v31;
	_ =	sdelay $0x1  }
0x397: {  	v18 =	vadd.f32 v18, v63;
	_ =	sdelay $0x1  }
0x398: {  	[tilespmem:v24+s6+$0x0] =	vst.idx.msk $0xffff, v18  }
0x399: {  	v18 =	vld.idx.msk [tilespmem:v32+s22+$0x0], $0xffff  }
0x39a: {  	v24 =	vand.u32 $0x78, v25  }
0x39b: {  	v25 =	vor.u32 v21, v24  }
0x39c: {  	v32 =	vor.u32 v2, v31;
	_ =	sdelay $0x1  }
0x39d: {  	v18 =	vadd.f32 v18, v17;
	_ =	sdelay $0x1  }
0x39e: {  	[tilespmem:v25+s6+$0x0] =	vst.idx.msk $0xffff, v18  }
0x39f: {  	v18 =	vld.idx.msk [tilespmem:v32+s22+$0x0], $0xffff;
	_ =	sdelay $0x1  }
0x3a0: {  	v25 =	vor.u32 v22, v24  }
0x3a1: {  	v32 =	vor.u32 v4, v31;
	_ =	sdelay $0x1  }
0x3a2: {  	v18 =	vadd.f32 v18, v61;
	_ =	sdelay $0x1  }
0x3a3: {  	[tilespmem:v25+s6+$0x0] =	vst.idx.msk $0xffff, v18  }
0x3a4: {  	v18 =	vld.idx.msk [tilespmem:v32+s22+$0x0], $0xffff;
	_ =	sdelay $0x1  }
0x3a5: {  	v25 =	vor.u32 v23, v24  }
0x3a6: {  	v31 =	vor.u32 v6, v31;
	_ =	sdelay $0x1  }
0x3a7: {  	v18 =	vadd.f32 v18, v62;
	_ =	sdelay $0x1  }
0x3a8: {  	[tilespmem:v25+s6+$0x0] =	vst.idx.msk $0xffff, v18  }
0x3a9: {  	v18 =	vld.idx.msk [tilespmem:v31+s22+$0x0], $0xffff  }
0x3aa: {  	v25 =	vor.u32 s1, v57  }
0x3ab: {  	v24 =	vor.u32 v26, v24;
	v31 =	vshll.u32 v25, $0x6  }
0x3ac: {  	v32 =	vor.u32 v0, v31;
	_ =	sdelay $0x1  }
0x3ad: {  	v18 =	vadd.f32 v18, v63;
	_ =	sdelay $0x1  }
0x3ae: {  	[tilespmem:v24+s6+$0x0] =	vst.idx.msk $0xffff, v18  }
0x3af: {  	v18 =	vld.idx.msk [tilespmem:v32+s22+$0x0], $0xffff  }
0x3b0: {  	v24 =	vand.u32 $0x78, v25  }
0x3b1: {  	v25 =	vor.u32 v28, v24  }
0x3b2: {  	v32 =	vor.u32 v2, v31;
	_ =	sdelay $0x1  }
0x3b3: {  	v18 =	vadd.f32 v18, v17;
	_ =	sdelay $0x1  }
0x3b4: {  	[tilespmem:v25+s6+$0x0] =	vst.idx.msk $0xffff, v18  }
0x3b5: {  	v18 =	vld.idx.msk [tilespmem:v32+s22+$0x0], $0xffff;
	_ =	sdelay $0x1  }
0x3b6: {  	v25 =	vor.u32 v29, v24  }
0x3b7: {  	v32 =	vor.u32 v4, v31;
	_ =	sdelay $0x1  }
0x3b8: {  	v18 =	vadd.f32 v18, v61;
	_ =	sdelay $0x1  }
0x3b9: {  	[tilespmem:v25+s6+$0x0] =	vst.idx.msk $0xffff, v18  }
0x3ba: {  	v18 =	vld.idx.msk [tilespmem:v32+s22+$0x0], $0xffff;
	_ =	sdelay $0x1  }
0x3bb: {  	v25 =	vor.u32 v30, v24  }
0x3bc: {  	v31 =	vor.u32 v6, v31;
	_ =	sdelay $0x1  }
0x3bd: {  	v18 =	vadd.f32 v18, v62;
	_ =	sdelay $0x1  }
0x3be: {  	[tilespmem:v25+s6+$0x0] =	vst.idx.msk $0xffff, v18  }
0x3bf: {  	v18 =	vld.idx.msk [tilespmem:v31+s22+$0x0], $0xffff  }
0x3c0: {  	v25 =	vor.u32 s1, v58  }
0x3c1: {  	v24 =	vor.u32 v33, v24;
	v31 =	vshll.u32 v25, $0x6  }
0x3c2: {  	v32 =	vor.u32 v0, v31;
	_ =	sdelay $0x1  }
0x3c3: {  	v18 =	vadd.f32 v18, v63;
	_ =	sdelay $0x1  }
0x3c4: {  	[tilespmem:v24+s6+$0x0] =	vst.idx.msk $0xffff, v18  }
0x3c5: {  	v18 =	vld.idx.msk [tilespmem:v32+s22+$0x0], $0xffff  }
0x3c6: {  	v24 =	vand.u32 $0x78, v25  }
0x3c7: {  	v25 =	vor.u32 v35, v24  }
0x3c8: {  	v32 =	vor.u32 v2, v31;
	_ =	sdelay $0x1  }
0x3c9: {  	v18 =	vadd.f32 v18, v17;
	_ =	sdelay $0x1  }
0x3ca: {  	[tilespmem:v25+s6+$0x0] =	vst.idx.msk $0xffff, v18  }
0x3cb: {  	v18 =	vld.idx.msk [tilespmem:v32+s22+$0x0], $0xffff;
	_ =	sdelay $0x1  }
0x3cc: {  	v25 =	vor.u32 v36, v24  }
0x3cd: {  	v32 =	vor.u32 v4, v31;
	_ =	sdelay $0x1  }
0x3ce: {  	v18 =	vadd.f32 v18, v61;
	_ =	sdelay $0x1  }
0x3cf: {  	[tilespmem:v25+s6+$0x0] =	vst.idx.msk $0xffff, v18  }
0x3d0: {  	v18 =	vld.idx.msk [tilespmem:v32+s22+$0x0], $0xffff;
	_ =	sdelay $0x1  }
0x3d1: {  	v25 =	vor.u32 v37, v24  }
0x3d2: {  	v31 =	vor.u32 v6, v31;
	_ =	sdelay $0x1  }
0x3d3: {  	v18 =	vadd.f32 v18, v62;
	_ =	sdelay $0x1  }
0x3d4: {  	[tilespmem:v25+s6+$0x0] =	vst.idx.msk $0xffff, v18  }
0x3d5: {  	v18 =	vld.idx.msk [tilespmem:v31+s22+$0x0], $0xffff  }
0x3d6: {  	v25 =	vor.u32 s1, v59  }
0x3d7: {  	v24 =	vor.u32 v40, v24;
	v31 =	vshll.u32 v25, $0x6  }
0x3d8: {  	v32 =	vor.u32 v0, v31;
	_ =	sdelay $0x1  }
0x3d9: {  	v18 =	vadd.f32 v18, v63;
	_ =	sdelay $0x1  }
0x3da: {  	[tilespmem:v24+s6+$0x0] =	vst.idx.msk $0xffff, v18  }
0x3db: {  	v18 =	vld.idx.msk [tilespmem:v32+s22+$0x0], $0xffff  }
0x3dc: {  	v24 =	vand.u32 $0x78, v25  }
0x3dd: {  	v25 =	vor.u32 v42, v24  }
0x3de: {  	v32 =	vor.u32 v2, v31;
	_ =	sdelay $0x1  }
0x3df: {  	v18 =	vadd.f32 v18, v17;
	_ =	sdelay $0x1  }
0x3e0: {  	[tilespmem:v25+s6+$0x0] =	vst.idx.msk $0xffff, v18  }
0x3e1: {  	v18 =	vld.idx.msk [tilespmem:v32+s22+$0x0], $0xffff;
	_ =	sdelay $0x1  }
0x3e2: {  	v25 =	vor.u32 v43, v24  }
0x3e3: {  	v32 =	vor.u32 v4, v31;
	_ =	sdelay $0x1  }
0x3e4: {  	v18 =	vadd.f32 v18, v61;
	_ =	sdelay $0x1  }
0x3e5: {  	[tilespmem:v25+s6+$0x0] =	vst.idx.msk $0xffff, v18  }
0x3e6: {  	v18 =	vld.idx.msk [tilespmem:v32+s22+$0x0], $0xffff;
	_ =	sdelay $0x1  }
0x3e7: {  	v25 =	vor.u32 v44, v24  }
0x3e8: {  	v31 =	vor.u32 v6, v31;
	_ =	sdelay $0x1  }
0x3e9: {  	v18 =	vadd.f32 v18, v62;
	_ =	sdelay $0x1  }
0x3ea: {  	[tilespmem:v25+s6+$0x0] =	vst.idx.msk $0xffff, v18  }
0x3eb: {  	v18 =	vld.idx.msk [tilespmem:v31+s22+$0x0], $0xffff  }
0x3ec: {  	v25 =	vor.u32 s1, v60  }
0x3ed: {  	v24 =	vor.u32 v47, v24;
	v31 =	vshll.u32 v25, $0x6  }
0x3ee: {  	v32 =	vor.u32 v0, v31;
	_ =	sdelay $0x1  }
0x3ef: {  	v18 =	vadd.f32 v18, v63;
	_ =	sdelay $0x1  }
0x3f0: {  	[tilespmem:v24+s6+$0x0] =	vst.idx.msk $0xffff, v18  }
0x3f1: {  	v18 =	vld.idx.msk [tilespmem:v32+s22+$0x0], $0xffff  }
0x3f2: {  	v24 =	vand.u32 $0x78, v25  }
0x3f3: {  	v25 =	vor.u32 v49, v24  }
0x3f4: {  	v32 =	vor.u32 v2, v31;
	_ =	sdelay $0x1  }
0x3f5: {  	v18 =	vadd.f32 v18, v17;
	_ =	sdelay $0x1  }
0x3f6: {  	[tilespmem:v25+s6+$0x0] =	vst.idx.msk $0xffff, v18  }
0x3f7: {  	v18 =	vld.idx.msk [tilespmem:v32+s22+$0x0], $0xffff;
	_ =	sdelay $0x1  }
0x3f8: {  	v25 =	vor.u32 v50, v24  }
0x3f9: {  	v32 =	vor.u32 v4, v31;
	_ =	sdelay $0x1  }
0x3fa: {  	v18 =	vadd.f32 v18, v61;
	_ =	sdelay $0x1  }
0x3fb: {  	[tilespmem:v25+s6+$0x0] =	vst.idx.msk $0xffff, v18  }
0x3fc: {  	v18 =	vld.idx.msk [tilespmem:v32+s22+$0x0], $0xffff;
	_ =	sdelay $0x1  }
0x3fd: {  	v25 =	vor.u32 v51, v24  }
0x3fe: {  	v31 =	vor.u32 v6, v31;
	_ =	sdelay $0x1  }
0x3ff: {  	v18 =	vadd.f32 v18, v62;
	_ =	sdelay $0x1  }
0x400: {  	[tilespmem:v25+s6+$0x0] =	vst.idx.msk $0xffff, v18  }
0x401: {  	v18 =	vld.idx.msk [tilespmem:v31+s22+$0x0], $0xffff;
	_ =	sdelay $0x1  }
0x402: {  	p0 =	sne.s32 s1, $0x70;
	v24 =	vor.u32 v52, v24  }
.Ltmp4:
0x403: {  	_ = 	snop;
	(pc) =	sbr.rel @p0 .LBB2_9-.Ltmp4, $3  }
0x404: {  	_ = 	snop  }
0x405: {  	v18 =	vadd.f32 v18, v63;
	_ =	sdelay $0x1  }
0x406: {  	s1 =	sadd.s32 $0x10, s1;
	[tilespmem:v24+s6+$0x0] =	vst.idx.msk $0xffff, v18  }
0x407: {  	s1 =	sadd.s32 s5, s31  }
0x408: {  	s1 =	sshll.u32 s1, $0x10  }
0x409: {  	s1 =	sor.u32 s9, s1  }
0x40a: {  	s1 =	sshrl.u32 s1, $0x3  }
0x40b: {  	s7 =	sadd.s32 s2, s1  }
0x40c: {  	[hbm4b:s7+s3] =	stream.linear.scatter [tilespmem:s6], [sflag:$0x4], $0x400, $0x38;
	[tilespmem:$0x15480] =	vst v63  }
0x40d: {  	s17 =	simm.s32 $0x12C00;
	s31 =	sadd.s32 s1, s10  }
0x40e: {  	[hbm4b:s31+s3] =	stream.linear.scatter [tilespmem:s17], [sflag:$0x4], $0x400, $0x38;
	[tilespmem:$0x15480] =	vst v63  }
0x40f: {  	s17 =	sadd.s32 s1, s11;
	s31 =	simm.s32 $0x13000  }
0x410: {  	[hbm4b:s17+s3] =	stream.linear.scatter [tilespmem:s31], [sflag:$0x4], $0x400, $0x38;
	[tilespmem:$0x15480] =	vst v63  }
0x411: {  	s17 =	sadd.s32 s1, s12  }
0x412: {  	[hbm4b:s17+s3] =	stream.linear.scatter [tilespmem:s18], [sflag:$0x4], $0x400, $0x38;
	[tilespmem:$0x15480] =	vst v63  }
0x413: {  	s30 =	sadd.s32 $0x1, s30;
	s31 =	sadd.s32 s1, s13  }
0x414: {  	[hbm4b:s31+s3] =	stream.linear.scatter [tilespmem:s25], [sflag:$0x4], $0x400, $0x38;
	[tilespmem:$0x15480] =	vst v63  }
0x415: {  	p0 =	sne.s32 s30, $0x19;
	s17 =	sadd.s32 s1, s14  }
0x416: {  	[hbm4b:s17+s3] =	stream.linear.scatter [tilespmem:s26], [sflag:$0x4], $0x400, $0x38;
	[tilespmem:$0x15480] =	vst v63  }
.Ltmp5:
0x417: {  	_ = 	snop;
	(pc) =	sbr.rel @p0 .LBB2_2-.Ltmp5, $4  }
0x418: {  	s31 =	sadd.s32 s1, s15  }
0x419: {  	[hbm4b:s31+s3] =	stream.linear.scatter [tilespmem:s28], [sflag:$0x4], $0x400, $0x38;
	[tilespmem:$0x15480] =	vst v63  }
0x41a: {  	v18 =	vmovc v38;
	v24 =	vmovc v45;
	v25 =	vmov v46;
	v31 =	vmov v8;
	v32 =	vmov v41;
	s1 =	sadd.s32 s1, s16  }
0x41b: {  	v9 =	vmovc v7;
	v13 =	vmovc v39;
	v60 =	vld [tilespmem:$0x1FFF0];
	v3 =	vmov v27;
	v39 =	vmov v48;
	v48 =	vmov v34;
	[hbm4b:s1+s3] =	stream.linear.scatter [tilespmem:s29], [sflag:$0x4], $0x400, $0x38  }
0x41c: {  	s1 =	simm.s32 $0x3  }
0x41d: {  	_ =	swait.ge [sflag:s1], $0x400  }
0x41e: {  	[sflag:s1] =	ssyncset.done $0x0  }
0x41f: {  	[sflag:s1] =	ssyncadd.s32 $0xFFFFFC00  }
0x420: {  	_ =	swait.ge [sflag:s1], $0x400  }
0x421: {  	[sflag:s1] =	ssyncset.done $0x0  }
0x422: {  	[sflag:s1] =	ssyncadd.s32 $0xFFFFFC00  }
0x423: {  	_ =	swait.ge [sflag:s1], $0x400  }
0x424: {  	[sflag:s1] =	ssyncset.done $0x0  }
0x425: {  	[sflag:s1] =	ssyncadd.s32 $0xFFFFFC00  }
0x426: {  	_ =	swait.ge [sflag:s1], $0x400  }
0x427: {  	[sflag:s1] =	ssyncset.done $0x0  }
0x428: {  	[sflag:s1] =	ssyncadd.s32 $0xFFFFFC00  }
0x429: {  	_ =	swait.ge [sflag:s1], $0x400  }
0x42a: {  	[sflag:s1] =	ssyncset.done $0x0  }
0x42b: {  	[sflag:s1] =	ssyncadd.s32 $0xFFFFFC00  }
0x42c: {  	_ =	swait.ge [sflag:s1], $0x400  }
0x42d: {  	[sflag:s1] =	ssyncset.done $0x0  }
0x42e: {  	[sflag:s1] =	ssyncadd.s32 $0xFFFFFC00  }
0x42f: {  	_ =	swait.ge [sflag:s1], $0x400  }
0x430: {  	[sflag:s1] =	ssyncset.done $0x0  }
0x431: {  	[sflag:s1] =	ssyncadd.s32 $0xFFFFFC00  }
0x432: {  	_ =	swait.ge [sflag:s1], $0x400  }
0x433: {  	[sflag:s1] =	ssyncset.done $0x0  }
0x434: {  	[sflag:s1] =	ssyncadd.s32 $0xFFFFFC00  }
0x435: {  	_ =	swait.ge [sflag:s19], $0x400  }
0x436: {  	[sflag:s19] =	ssyncset.done $0x0  }
0x437: {  	[sflag:s19] =	ssyncadd.s32 $0xFFFFFC00  }
0x438: {  	_ =	swait.ge [sflag:s19], $0x400  }
0x439: {  	[sflag:s19] =	ssyncset.done $0x0  }
0x43a: {  	[sflag:s19] =	ssyncadd.s32 $0xFFFFFC00  }
0x43b: {  	_ =	swait.ge [sflag:s19], $0x400  }
0x43c: {  	[sflag:s19] =	ssyncset.done $0x0  }
0x43d: {  	[sflag:s19] =	ssyncadd.s32 $0xFFFFFC00  }
0x43e: {  	_ =	swait.ge [sflag:s19], $0x400  }
0x43f: {  	[sflag:s19] =	ssyncset.done $0x0  }
0x440: {  	[sflag:s19] =	ssyncadd.s32 $0xFFFFFC00  }
0x441: {  	_ =	swait.ge [sflag:s19], $0x400  }
0x442: {  	[sflag:s19] =	ssyncset.done $0x0  }
0x443: {  	[sflag:s19] =	ssyncadd.s32 $0xFFFFFC00  }
0x444: {  	_ =	swait.ge [sflag:s19], $0x400  }
0x445: {  	[sflag:s19] =	ssyncset.done $0x0  }
0x446: {  	[sflag:s19] =	ssyncadd.s32 $0xFFFFFC00  }
0x447: {  	_ =	swait.ge [sflag:s19], $0x400  }
0x448: {  	[sflag:s19] =	ssyncset.done $0x0  }
0x449: {  	[sflag:s19] =	ssyncadd.s32 $0xFFFFFC00  }
0x44a: {  	_ =	swait.ge [sflag:s19], $0x400  }
0x44b: {  	s7 =	rddreg [dreg:$0x6]  }
0x44c: {  	s31 =	rddreg [dreg:$0x5];
	s7 =	sadd.s32 $0x1, s7  }
0x44d: {  	p0 =	sne.s32 s7, s31  }
.Ltmp6:
0x44e: {  	_ = 	snop;
	(pc) =	sbr.rel @p0 .LBB2_1-.Ltmp6, $3  }
0x44f: {  	_ =	sdelay $0x1  }
0x450: {  	[sflag:s19] =	ssyncset.done $0x0  }
0x451: {  	[sflag:s19] =	ssyncadd.s32 $0xFFFFFC00  }
0x452: {  	_ =	sfence.sel $0x180000  }
0x453: {  	[bflag:$0x0] =	sbarrier.arrive $0xFFFF  }
0x454: {  	_ =	strace $0x90000047  }
0x455: {  	s0 =	stileid.u32;
	[bflag:$0x2] =	sbarrier.arrive $0xFFFF  }
0x456: {  	p0 =	sne.s32 s0, $0x0;
	s0 =	rddreg [dreg:$0x2]  }
0x457: {  	s0 =	sadd.s32 @!p0 $0x100000, s0  }
0x458: {  	[sflag:s0] =	ssyncadd.tile.s32 @!p0 $0x1;
	_ =	shalt  }
.Lfunc_end2:
_tile_overlayer_lowered:
.L_overlay_start_2:
0x459: {  	(tag) =	ssettag $0x2  }
0x45a: {  	s0 =	rddreg [dreg:$0x0];
	s2 =	stileid.u32  }
0x45b: {  	s1 =	rddreg [dreg:$0x1];
	p0 =	sne.s32 s2, $0x0  }
0x45c: {  	s3 =	rddreg [dreg:$0x2];
	[bflag:$0x3] =	sbarrier.arrive $0xFFFF;
	s2 =	simm.s32 @!p0 $0x1C05  }
0x45d: {  	[timem:s3], [sflag:s2] =	dma.local @!p0 [hbm:s0], s1  }
0x45e: {  	s0 =	simm.s32 @!p0 $0x5  }
0x45f: {  	_ =	swait.ge @!p0 [sflag:s0], s1  }
0x460: {  	s1 =	ssub.s32 @!p0 $0x0, s1;
	[sflag:s0] =	ssyncset.done @!p0 $0x0  }
0x461: {  	[sflag:s0] =	ssyncadd.s32 @!p0 s1  }
0x462: {  	[bflag:$0x3] =	sbarrier.arrive $0xFFFF  }
0x463: {  	_ =	shalt  }

</sc_bundles>
